<compile_context>
chip_gen: v7x
topology: tpu7x:2x2x1
jax: 0.10.2.dev20260603
libtpu: 0.0.44.dev20260713+nightly
codegen_flags: <defaults>
</compile_context>

<pallas_src>
import functools

import jax
import jax.numpy as jnp
from jax import lax
from jax.experimental import pallas as pl
from jax.experimental.pallas import tpu as pltpu
from jax.experimental.pallas import tpu_sc as plsc

N = 10000
NP = 10240
E = 320000
NC, NS = 2, 16
NW = NC * NS
EW = E // NW
CH = 80
IB = 25
NB = EW // (IB * CH)
ZR = 32
HW = 16

_MESH = plsc.VectorSubcoreMesh(core_axis_name="c", subcore_axis_name="s")


def _zero_vmem(ref, nrows, d):
    zv = jnp.zeros((16,), jnp.float32)

    def row(r, _):
        def col(j, _):
            ref[r, pl.ds(j * 16, 16)] = zv
            return 0

        return lax.fori_loop(0, d // 16, col, 0)

    lax.fori_loop(0, nrows, row, 0)


NCH = EW // CH


def _make_sc_aggregate(d):
    rps = NP // NS
    seg1 = 64
    seg2 = NCH - seg1

    @functools.partial(
        pl.kernel,
        out_type=jax.ShapeDtypeStruct((NC, NP, d), jnp.float32),
        mesh=_MESH,
        scratch_types=[
            pltpu.VMEM((seg1, CH), jnp.int32),
            pltpu.VMEM((seg1, CH), jnp.int32),
            pltpu.VMEM((CH, d), jnp.float32),
            pltpu.VMEM((CH, d), jnp.float32),
            pltpu.VMEM_SHARED((NP, d), jnp.float32),
            pltpu.SemaphoreType.DMA,
            pltpu.SemaphoreType.DMA,
        ],
    )
    def agg(h_hbm, src_hbm, dst_hbm, out_hbm,
            src_v, dst_v, buf0, buf1, acc_sh, sem0, sem1):
        c = lax.axis_index("c")
        s = lax.axis_index("s")
        w = c * NS + s

        _zero_vmem(buf0, ZR, d)
        for i in range(rps // ZR):
            pltpu.sync_copy(buf0.at[pl.ds(0, ZR)], acc_sh.at[pl.ds(s * rps + i * ZR, ZR)])
        plsc.subcore_barrier()

        def segment(base, count):
            pltpu.sync_copy(src_hbm.at[w, pl.ds(base, count)],
                            src_v.at[pl.ds(0, count)])
            pltpu.sync_copy(dst_hbm.at[w, pl.ds(base, count)],
                            dst_v.at[pl.ds(0, count)])
            pltpu.async_copy(h_hbm.at[src_v.at[0]], buf0, sem0)

            def pair(p, _):
                m0 = p * 2
                m1 = m0 + 1
                pltpu.make_async_copy(h_hbm.at[src_v.at[m0]], buf0, sem0).wait()
                pltpu.async_copy(h_hbm.at[src_v.at[m1]], buf1, sem1)
                pltpu.sync_copy(buf0, acc_sh.at[dst_v.at[m0]], add=True)
                pltpu.make_async_copy(h_hbm.at[src_v.at[m1]], buf1, sem1).wait()
                pltpu.async_copy(h_hbm.at[src_v.at[m1 + 1]], buf0, sem0)
                pltpu.sync_copy(buf1, acc_sh.at[dst_v.at[m1]], add=True)
                return 0

            if count % 2:
                lax.fori_loop(0, (count - 1) // 2, pair, 0)
                pltpu.make_async_copy(h_hbm.at[src_v.at[count - 1]], buf0, sem0).wait()
                pltpu.sync_copy(buf0, acc_sh.at[dst_v.at[count - 1]], add=True)
            else:
                lax.fori_loop(0, (count - 2) // 2, pair, 0)
                pltpu.make_async_copy(h_hbm.at[src_v.at[count - 2]], buf0, sem0).wait()
                pltpu.async_copy(h_hbm.at[src_v.at[count - 1]], buf1, sem1)
                pltpu.sync_copy(buf0, acc_sh.at[dst_v.at[count - 2]], add=True)
                pltpu.make_async_copy(h_hbm.at[src_v.at[count - 1]], buf1, sem1).wait()
                pltpu.sync_copy(buf1, acc_sh.at[dst_v.at[count - 1]], add=True)

        segment(0, seg1)
        segment(seg1, seg2)
        plsc.subcore_barrier()

        pltpu.sync_copy(
            acc_sh.at[pl.ds(s * rps, rps)],
            out_hbm.at[c, pl.ds(s * rps, rps)],
        )

    return agg


_sc_aggregate_128 = _make_sc_aggregate(128)


_RPS = NP // NS


@functools.partial(
    pl.kernel,
    out_type=jax.ShapeDtypeStruct((NC, NP, 128), jnp.float32),
    mesh=_MESH,
    scratch_types=[
        pltpu.VMEM((IB, CH), jnp.int32),
        pltpu.VMEM((CH, 128), jnp.float32),
        pltpu.VMEM((ZR, 128), jnp.float32),
        pltpu.VMEM_SHARED((NP, 128), jnp.float32),
    ],
)
def _sc_histogram(ones_hbm, idx_hbm, out_hbm, idx_v, ones_v, z_v, acc_sh):
    c = lax.axis_index("c")
    s = lax.axis_index("s")
    w = c * NS + s

    _zero_vmem(z_v, ZR, 128)
    for i in range(_RPS // ZR):
        pltpu.sync_copy(z_v, acc_sh.at[pl.ds(s * _RPS + i * ZR, ZR)])
    plsc.subcore_barrier()

    for k in range(3):
        pltpu.sync_copy(ones_hbm.at[k], ones_v)

        def block(b, _, _k=k):
            pltpu.sync_copy(idx_hbm.at[w, _k, b], idx_v)

            def chunk(j, _):
                pltpu.sync_copy(ones_v, acc_sh.at[idx_v.at[j]], add=True)
                return 0

            lax.fori_loop(0, IB, chunk, 0)
            return 0

        lax.fori_loop(0, NB, block, 0)
    plsc.subcore_barrier()

    pltpu.sync_copy(
        acc_sh.at[pl.ds(s * _RPS, _RPS)],
        out_hbm.at[c, pl.ds(s * _RPS, _RPS)],
    )


def _norm_col(degp_ref, k):
    deg = degp_ref[0, :, k:k + 1] + degp_ref[1, :, k:k + 1]
    return lax.rsqrt(jnp.maximum(deg, 1.0))


def _scale_body(x_ref, degp_ref, o_ref):
    o_ref[...] = x_ref[...] * _norm_col(degp_ref, 0)


def _mm_body(aggp_ref, deg_ref, w1_ref, b1_ref, w2_ref, o_ref):
    a = (aggp_ref[0] + aggp_ref[1]) * _norm_col(deg_ref, 1)
    m = jnp.dot(a, w1_ref[...], preferred_element_type=jnp.float32) + b1_ref[...]
    m = m * _norm_col(deg_ref, 2)
    t = jnp.dot(m, w2_ref[...], preferred_element_type=jnp.float32)
    col = lax.broadcasted_iota(jnp.int32, t.shape, 1)
    o_ref[...] = t + (col == 64).astype(jnp.float32)


def _final_body(aggp_ref, b2_ref, o_ref):
    deg2 = aggp_ref[0, :, 64:65] + aggp_ref[1, :, 64:65]
    norm = lax.rsqrt(jnp.maximum(deg2, 1.0))
    a = (aggp_ref[0, :, 0:64] + aggp_ref[1, :, 0:64]) * norm
    o_ref[...] = jax.nn.sigmoid(a + b2_ref[...])


_BR = 2000
_tc_scale = pl.pallas_call(
    _scale_body,
    grid=(N // _BR,),
    in_specs=[
        pl.BlockSpec((_BR, 128), lambda i: (i, 0)),
        pl.BlockSpec((NC, _BR, HW), lambda i: (0, i, 0)),
    ],
    out_specs=pl.BlockSpec((_BR, 128), lambda i: (i, 0)),
    out_shape=jax.ShapeDtypeStruct((N, 128), jnp.float32),
)

_BM = 1000
_tc_matmul = pl.pallas_call(
    _mm_body,
    grid=(N // _BM,),
    in_specs=[
        pl.BlockSpec((NC, _BM, 128), lambda i: (0, i, 0)),
        pl.BlockSpec((NC, _BM, HW), lambda i: (0, i, 0)),
        pl.BlockSpec((128, 1000), lambda i: (0, 0)),
        pl.BlockSpec((1, 1000), lambda i: (0, 0)),
        pl.BlockSpec((1000, 128), lambda i: (0, 0)),
    ],
    out_specs=pl.BlockSpec((_BM, 128), lambda i: (i, 0)),
    out_shape=jax.ShapeDtypeStruct((N, 128), jnp.float32),
)

_tc_final = pl.pallas_call(
    _final_body,
    grid=(N // _BR,),
    in_specs=[
        pl.BlockSpec((NC, _BR, 128), lambda i: (0, i, 0)),
        pl.BlockSpec((1, 64), lambda i: (0, 0)),
    ],
    out_specs=pl.BlockSpec((_BR, 64), lambda i: (i, 0)),
    out_shape=jax.ShapeDtypeStruct((N, 64), jnp.float32),
)


def kernel(x, edge_index1, edge_index2, W1, b1, W2, b2):
    src1 = edge_index1[0].astype(jnp.int32).reshape(NW, NB, IB, CH)
    dst1 = edge_index1[1].astype(jnp.int32).reshape(NW, NB, IB, CH)
    src2 = edge_index2[0].astype(jnp.int32).reshape(NW, NB, IB, CH)
    dst2 = edge_index2[1].astype(jnp.int32).reshape(NW, NB, IB, CH)
    asrc1 = src1.reshape(NW, NCH, CH)
    adst1 = dst1.reshape(NW, NCH, CH)
    asrc2 = src2.reshape(NW, NCH, CH)
    adst2 = dst2.reshape(NW, NCH, CH)

    idxs = jnp.stack([src1, dst1, src2], axis=1)
    onehots = jnp.broadcast_to(
        jnp.eye(128, dtype=jnp.float32)[:3][:, None, :], (3, CH, 128)
    )
    hist = _sc_histogram(onehots, idxs)[:, :, :HW]

    h1 = _tc_scale(x, hist)
    agg1 = _sc_aggregate_128(h1, asrc1, adst1)
    W2p = jnp.pad(W2, ((0, 0), (0, 64)))
    t = _tc_matmul(agg1, hist, W1, b1.reshape(1, 1000), W2p)
    agg2 = _sc_aggregate_128(t, asrc2, adst2)
    return _tc_final(agg2, b2.reshape(1, 64))

# --- scband reference (transcript-rebuilt; emitter-appended) ---
"""Pipeline reference for scband-net-13134009991724 (READ-ONLY COPY).

The authoritative reference and input builder live on the scoring server;
editing this copy changes nothing except your own understanding.
"""

import jax, jax.numpy as jnp
import numpy as np

N = 10000

def _graph_conv(x, src, dst, W, b):
    # DGL GraphConv, norm='both': D_out^{-1/2} -> sum-aggregate src->dst -> D_in^{-1/2} -> linear.
    # (DGL reorders the linear for efficiency based on in/out feat sizes; mathematically identical.)
    out_deg = jnp.zeros((N,), dtype=x.dtype).at[src].add(1.0)
    in_deg = jnp.zeros((N,), dtype=x.dtype).at[dst].add(1.0)
    out_norm = jnp.power(jnp.maximum(out_deg, 1.0), -0.5)
    in_norm = jnp.power(jnp.maximum(in_deg, 1.0), -0.5)
    h = x * out_norm[:, None]
    msgs = jnp.take(h, src, axis=0)
    agg = jnp.zeros((N, x.shape[1]), dtype=x.dtype).at[dst].add(msgs)
    agg = agg * in_norm[:, None]
    return agg @ W + b

def setup_inputs(seed: int = 0) -> dict:
    key = jax.random.key(seed)
    k1, k2, k3, k4, k5, k6, k7 = jax.random.split(key, 7)
    E = 320000
    d_in, d_hid, d_out = 128, 1000, 64
    x = jax.random.normal(k1, (N, d_in), dtype=jnp.float32)
    edge_index1 = jax.random.randint(k2, (2, E), 0, N, dtype=jnp.int64)
    edge_index2 = jax.random.randint(k3, (2, E), 0, N, dtype=jnp.int64)
    W1 = jax.random.normal(k4, (d_in, d_hid), dtype=jnp.float32) / np.sqrt(d_in)
    b1 = jnp.zeros((d_hid,), dtype=jnp.float32)
    W2 = jax.random.normal(k5, (d_hid, d_out), dtype=jnp.float32) / np.sqrt(d_hid)
    b2 = jnp.zeros((d_out,), dtype=jnp.float32)
    return {"x": x, "edge_index1": edge_index1, "edge_index2": edge_index2,
            "W1": W1, "b1": b1, "W2": W2, "b2": b2}

def reference(x, edge_index1, edge_index2, W1, b1, W2, b2):
    h = _graph_conv(x, edge_index1[0], edge_index1[1], W1, b1)
    h = _graph_conv(h, edge_index2[0], edge_index2[1], W2, b2)
    return jax.nn.sigmoid(h)

if __name__ == "__main__":
    import jax
    _d = setup_inputs()
    print(jax.jit(kernel)(*tuple(_d.values())))

</pallas_src>

<mosaic_0001>
#map = affine_map<(d0, d1) -> (0, 0, 0)>
#map1 = affine_map<(d0, d1) -> (0, 0, 0, 0, 0)>
module attributes {stable_mosaic.version = 14 : i64} {
  func.func @_sc_histogram(%arg0: i32, %arg1: i32, %arg2: memref<3x80x128xf32, #tpu.memory_space<hbm>>, %arg3: memref<32x3x5x25x80xi32, #tpu.memory_space<hbm>>, %arg4: memref<2x10240x128xf32, #tpu.memory_space<hbm>>, %arg5: memref<25x80xi32, #tpu.memory_space<vmem>>, %arg6: memref<80x128xf32, #tpu.memory_space<vmem>>, %arg7: memref<32x128xf32, #tpu.memory_space<vmem>>, %arg8: memref<10240x128xf32, #tpu.memory_space<vmem_shared>>) attributes {dimension_semantics = [#tpu.dimension_semantics<core_parallel>, #tpu.dimension_semantics<subcore_parallel>], iteration_bounds = array<i64: 2, 16>, scalar_prefetch = 0 : i64, scratch_operands = 4 : i64, tpu.core_type = #tpu.core_type<sc_vector_subcore>, window_params = [{transform_indices = #map}, {transform_indices = #map1}, {transform_indices = #map}]} {
    %mul3A = arith.constant 16 : i32
    %mul3A_0 = arith.muli %arg0, %mul3A : i32
    %add3A = arith.addi %mul3A_0, %arg1 : i32
    %broadcast_in_dim3A = arith.constant 0.000000e+00 : f32
    %broadcast_in_dim3A_1 = vector.broadcast %broadcast_in_dim3A : f32 to vector<16xf32>
    %scan3A = arith.constant 0 : i32
    %scan3A_2 = arith.constant 0 : i32
    %scan3A_3 = arith.constant 32 : i32
    %scan3A_4 = arith.addi %scan3A_2, %scan3A_3 : i32
    %scan3A_5 = arith.constant 1 : i32
    %scan3A_6 = scf.for %scan3A_116 = %scan3A_2 to %scan3A_4 step %scan3A_5 iter_args(%scan3A_117 = %scan3A) -> (i32)  : i32 {
      %scan3A_118 = arith.constant 0 : i32
      %scan3A_119 = arith.constant 0 : i32
      %scan3A_120 = arith.constant 8 : i32
      %scan3A_121 = arith.addi %scan3A_119, %scan3A_120 : i32
      %scan3A_122 = arith.constant 1 : i32
      %scan3A_123 = scf.for %scan3A_125 = %scan3A_119 to %scan3A_121 step %scan3A_122 iter_args(%scan3A_126 = %scan3A_118) -> (i32)  : i32 {
        %mul3A_127 = arith.constant 16 : i32
        %mul3A_128 = arith.muli %scan3A_125, %mul3A_127 : i32
        %swap3A = arith.index_cast %scan3A_116 : i32 to index
        %swap3A_129 = arith.index_cast %mul3A_128 : i32 to index
        %swap3A_130 = tpu.vector_load %arg7[%swap3A, %swap3A_129] {strides = array<i32>} : memref<32x128xf32, #tpu.memory_space<vmem>>, vector<1x16xf32>,
        %swap3A_131 = vector.shape_cast %swap3A_130 : vector<1x16xf32> to vector<16xf32>
        %swap3A_132 = vector.shape_cast %broadcast_in_dim3A_1 : vector<16xf32> to vector<1x16xf32>
        tpu.vector_store %arg7[%swap3A, %swap3A_129], %swap3A_132 {strides = array<i32>} : memref<32x128xf32, #tpu.memory_space<vmem>>, vector<1x16xf32>,
        %scan3A_133 = arith.constant 0 : i32
        scf.yield %scan3A_133 : i32
      }
      %scan3A_124 = arith.constant 8 : i32
      scf.yield %scan3A_123 : i32
    }
    %scan3A_7 = arith.constant 32 : i32
    %mul3A_8 = arith.constant 640 : i32
    %mul3A_9 = arith.muli %arg1, %mul3A_8 : i32
    %add3A_10 = arith.constant 0 : i32
    %add3A_11 = arith.addi %mul3A_9, %add3A_10 : i32
    "tpu.region"() ({
      %run_scoped3A_116 = tpu.sem_alloc : memref<!tpu.dma_semaphore, #tpu.memory_space<semaphore_mem>>
      %dma_start3A = arith.constant 0 : i32
      %dma_start3A_117 = tpu.memref_slice %arg8[%add3A_11, %dma_start3A] : memref<10240x128xf32, #tpu.memory_space<vmem_shared>> -> memref<32x128xf32, #tpu.memory_space<vmem_shared>>
      %dma_start3A_118 = arith.constant 0 : i32
      %dma_start3A_119 = tpu.memref_slice %arg8[%add3A_11, %dma_start3A_118] : memref<10240x128xf32, #tpu.memory_space<vmem_shared>> -> memref<32x128xf32, #tpu.memory_space<vmem_shared>>
      tpu.enqueue_dma source(%arg7 : memref<32x128xf32, #tpu.memory_space<vmem>>) target(%dma_start3A_119 : memref<32x128xf32, #tpu.memory_space<vmem_shared>>) target_semaphore(%run_scoped3A_116 : memref<!tpu.dma_semaphore, #tpu.memory_space<semaphore_mem>>)
      %dma_wait3A = arith.constant 0 : i32
      %dma_wait3A_120 = tpu.memref_slice %arg8[%add3A_11, %dma_wait3A] : memref<10240x128xf32, #tpu.memory_space<vmem_shared>> -> memref<32x128xf32, #tpu.memory_space<vmem_shared>>
      %dma_wait3A_121 = arith.constant 0 : i32
      %dma_wait3A_122 = tpu.memref_slice %arg8[%add3A_11, %dma_wait3A_121] : memref<10240x128xf32, #tpu.memory_space<vmem_shared>> -> memref<32x128xf32, #tpu.memory_space<vmem_shared>>
      tpu.wait_dma2 semaphore(%run_scoped3A_116 : memref<!tpu.dma_semaphore, #tpu.memory_space<semaphore_mem>>) src(%arg7 : memref<32x128xf32, #tpu.memory_space<vmem>>) dst(%dma_wait3A_122 : memref<32x128xf32, #tpu.memory_space<vmem_shared>>)
      tpu.yield
    }) : () -> ()
    %mul3A_12 = arith.constant 640 : i32
    %mul3A_13 = arith.muli %arg1, %mul3A_12 : i32
    %add3A_14 = arith.constant 32 : i32
    %add3A_15 = arith.addi %mul3A_13, %add3A_14 : i32
    "tpu.region"() ({
      %run_scoped3A_116 = tpu.sem_alloc : memref<!tpu.dma_semaphore, #tpu.memory_space<semaphore_mem>>
      %dma_start3A = arith.constant 0 : i32
      %dma_start3A_117 = tpu.memref_slice %arg8[%add3A_15, %dma_start3A] : memref<10240x128xf32, #tpu.memory_space<vmem_shared>> -> memref<32x128xf32, #tpu.memory_space<vmem_shared>>
      %dma_start3A_118 = arith.constant 0 : i32
      %dma_start3A_119 = tpu.memref_slice %arg8[%add3A_15, %dma_start3A_118] : memref<10240x128xf32, #tpu.memory_space<vmem_shared>> -> memref<32x128xf32, #tpu.memory_space<vmem_shared>>
      tpu.enqueue_dma source(%arg7 : memref<32x128xf32, #tpu.memory_space<vmem>>) target(%dma_start3A_119 : memref<32x128xf32, #tpu.memory_space<vmem_shared>>) target_semaphore(%run_scoped3A_116 : memref<!tpu.dma_semaphore, #tpu.memory_space<semaphore_mem>>)
      %dma_wait3A = arith.constant 0 : i32
      %dma_wait3A_120 = tpu.memref_slice %arg8[%add3A_15, %dma_wait3A] : memref<10240x128xf32, #tpu.memory_space<vmem_shared>> -> memref<32x128xf32, #tpu.memory_space<vmem_shared>>
      %dma_wait3A_121 = arith.constant 0 : i32
      %dma_wait3A_122 = tpu.memref_slice %arg8[%add3A_15, %dma_wait3A_121] : memref<10240x128xf32, #tpu.memory_space<vmem_shared>> -> memref<32x128xf32, #tpu.memory_space<vmem_shared>>
      tpu.wait_dma2 semaphore(%run_scoped3A_116 : memref<!tpu.dma_semaphore, #tpu.memory_space<semaphore_mem>>) src(%arg7 : memref<32x128xf32, #tpu.memory_space<vmem>>) dst(%dma_wait3A_122 : memref<32x128xf32, #tpu.memory_space<vmem_shared>>)
      tpu.yield
    }) : () -> ()
    %mul3A_16 = arith.constant 640 : i32
    %mul3A_17 = arith.muli %arg1, %mul3A_16 : i32
    %add3A_18 = arith.constant 64 : i32
    %add3A_19 = arith.addi %mul3A_17, %add3A_18 : i32
    "tpu.region"() ({
      %run_scoped3A_116 = tpu.sem_alloc : memref<!tpu.dma_semaphore, #tpu.memory_space<semaphore_mem>>
      %dma_start3A = arith.constant 0 : i32
      %dma_start3A_117 = tpu.memref_slice %arg8[%add3A_19, %dma_start3A] : memref<10240x128xf32, #tpu.memory_space<vmem_shared>> -> memref<32x128xf32, #tpu.memory_space<vmem_shared>>
      %dma_start3A_118 = arith.constant 0 : i32
      %dma_start3A_119 = tpu.memref_slice %arg8[%add3A_19, %dma_start3A_118] : memref<10240x128xf32, #tpu.memory_space<vmem_shared>> -> memref<32x128xf32, #tpu.memory_space<vmem_shared>>
      tpu.enqueue_dma source(%arg7 : memref<32x128xf32, #tpu.memory_space<vmem>>) target(%dma_start3A_119 : memref<32x128xf32, #tpu.memory_space<vmem_shared>>) target_semaphore(%run_scoped3A_116 : memref<!tpu.dma_semaphore, #tpu.memory_space<semaphore_mem>>)
      %dma_wait3A = arith.constant 0 : i32
      %dma_wait3A_120 = tpu.memref_slice %arg8[%add3A_19, %dma_wait3A] : memref<10240x128xf32, #tpu.memory_space<vmem_shared>> -> memref<32x128xf32, #tpu.memory_space<vmem_shared>>
      %dma_wait3A_121 = arith.constant 0 : i32
      %dma_wait3A_122 = tpu.memref_slice %arg8[%add3A_19, %dma_wait3A_121] : memref<10240x128xf32, #tpu.memory_space<vmem_shared>> -> memref<32x128xf32, #tpu.memory_space<vmem_shared>>
      tpu.wait_dma2 semaphore(%run_scoped3A_116 : memref<!tpu.dma_semaphore, #tpu.memory_space<semaphore_mem>>) src(%arg7 : memref<32x128xf32, #tpu.memory_space<vmem>>) dst(%dma_wait3A_122 : memref<32x128xf32, #tpu.memory_space<vmem_shared>>)
      tpu.yield
    }) : () -> ()
    %mul3A_20 = arith.constant 640 : i32
    %mul3A_21 = arith.muli %arg1, %mul3A_20 : i32
    %add3A_22 = arith.constant 96 : i32
    %add3A_23 = arith.addi %mul3A_21, %add3A_22 : i32
    "tpu.region"() ({
      %run_scoped3A_116 = tpu.sem_alloc : memref<!tpu.dma_semaphore, #tpu.memory_space<semaphore_mem>>
      %dma_start3A = arith.constant 0 : i32
      %dma_start3A_117 = tpu.memref_slice %arg8[%add3A_23, %dma_start3A] : memref<10240x128xf32, #tpu.memory_space<vmem_shared>> -> memref<32x128xf32, #tpu.memory_space<vmem_shared>>
      %dma_start3A_118 = arith.constant 0 : i32
      %dma_start3A_119 = tpu.memref_slice %arg8[%add3A_23, %dma_start3A_118] : memref<10240x128xf32, #tpu.memory_space<vmem_shared>> -> memref<32x128xf32, #tpu.memory_space<vmem_shared>>
      tpu.enqueue_dma source(%arg7 : memref<32x128xf32, #tpu.memory_space<vmem>>) target(%dma_start3A_119 : memref<32x128xf32, #tpu.memory_space<vmem_shared>>) target_semaphore(%run_scoped3A_116 : memref<!tpu.dma_semaphore, #tpu.memory_space<semaphore_mem>>)
      %dma_wait3A = arith.constant 0 : i32
      %dma_wait3A_120 = tpu.memref_slice %arg8[%add3A_23, %dma_wait3A] : memref<10240x128xf32, #tpu.memory_space<vmem_shared>> -> memref<32x128xf32, #tpu.memory_space<vmem_shared>>
      %dma_wait3A_121 = arith.constant 0 : i32
      %dma_wait3A_122 = tpu.memref_slice %arg8[%add3A_23, %dma_wait3A_121] : memref<10240x128xf32, #tpu.memory_space<vmem_shared>> -> memref<32x128xf32, #tpu.memory_space<vmem_shared>>
      tpu.wait_dma2 semaphore(%run_scoped3A_116 : memref<!tpu.dma_semaphore, #tpu.memory_space<semaphore_mem>>) src(%arg7 : memref<32x128xf32, #tpu.memory_space<vmem>>) dst(%dma_wait3A_122 : memref<32x128xf32, #tpu.memory_space<vmem_shared>>)
      tpu.yield
    }) : () -> ()
    %mul3A_24 = arith.constant 640 : i32
    %mul3A_25 = arith.muli %arg1, %mul3A_24 : i32
    %add3A_26 = arith.constant 128 : i32
    %add3A_27 = arith.addi %mul3A_25, %add3A_26 : i32
    "tpu.region"() ({
      %run_scoped3A_116 = tpu.sem_alloc : memref<!tpu.dma_semaphore, #tpu.memory_space<semaphore_mem>>
      %dma_start3A = arith.constant 0 : i32
      %dma_start3A_117 = tpu.memref_slice %arg8[%add3A_27, %dma_start3A] : memref<10240x128xf32, #tpu.memory_space<vmem_shared>> -> memref<32x128xf32, #tpu.memory_space<vmem_shared>>
      %dma_start3A_118 = arith.constant 0 : i32
      %dma_start3A_119 = tpu.memref_slice %arg8[%add3A_27, %dma_start3A_118] : memref<10240x128xf32, #tpu.memory_space<vmem_shared>> -> memref<32x128xf32, #tpu.memory_space<vmem_shared>>
      tpu.enqueue_dma source(%arg7 : memref<32x128xf32, #tpu.memory_space<vmem>>) target(%dma_start3A_119 : memref<32x128xf32, #tpu.memory_space<vmem_shared>>) target_semaphore(%run_scoped3A_116 : memref<!tpu.dma_semaphore, #tpu.memory_space<semaphore_mem>>)
      %dma_wait3A = arith.constant 0 : i32
      %dma_wait3A_120 = tpu.memref_slice %arg8[%add3A_27, %dma_wait3A] : memref<10240x128xf32, #tpu.memory_space<vmem_shared>> -> memref<32x128xf32, #tpu.memory_space<vmem_shared>>
      %dma_wait3A_121 = arith.constant 0 : i32
      %dma_wait3A_122 = tpu.memref_slice %arg8[%add3A_27, %dma_wait3A_121] : memref<10240x128xf32, #tpu.memory_space<vmem_shared>> -> memref<32x128xf32, #tpu.memory_space<vmem_shared>>
      tpu.wait_dma2 semaphore(%run_scoped3A_116 : memref<!tpu.dma_semaphore, #tpu.memory_space<semaphore_mem>>) src(%arg7 : memref<32x128xf32, #tpu.memory_space<vmem>>) dst(%dma_wait3A_122 : memref<32x128xf32, #tpu.memory_space<vmem_shared>>)
      tpu.yield
    }) : () -> ()
    %mul3A_28 = arith.constant 640 : i32
    %mul3A_29 = arith.muli %arg1, %mul3A_28 : i32
    %add3A_30 = arith.constant 160 : i32
    %add3A_31 = arith.addi %mul3A_29, %add3A_30 : i32
    "tpu.region"() ({
      %run_scoped3A_116 = tpu.sem_alloc : memref<!tpu.dma_semaphore, #tpu.memory_space<semaphore_mem>>
      %dma_start3A = arith.constant 0 : i32
      %dma_start3A_117 = tpu.memref_slice %arg8[%add3A_31, %dma_start3A] : memref<10240x128xf32, #tpu.memory_space<vmem_shared>> -> memref<32x128xf32, #tpu.memory_space<vmem_shared>>
      %dma_start3A_118 = arith.constant 0 : i32
      %dma_start3A_119 = tpu.memref_slice %arg8[%add3A_31, %dma_start3A_118] : memref<10240x128xf32, #tpu.memory_space<vmem_shared>> -> memref<32x128xf32, #tpu.memory_space<vmem_shared>>
      tpu.enqueue_dma source(%arg7 : memref<32x128xf32, #tpu.memory_space<vmem>>) target(%dma_start3A_119 : memref<32x128xf32, #tpu.memory_space<vmem_shared>>) target_semaphore(%run_scoped3A_116 : memref<!tpu.dma_semaphore, #tpu.memory_space<semaphore_mem>>)
      %dma_wait3A = arith.constant 0 : i32
      %dma_wait3A_120 = tpu.memref_slice %arg8[%add3A_31, %dma_wait3A] : memref<10240x128xf32, #tpu.memory_space<vmem_shared>> -> memref<32x128xf32, #tpu.memory_space<vmem_shared>>
      %dma_wait3A_121 = arith.constant 0 : i32
      %dma_wait3A_122 = tpu.memref_slice %arg8[%add3A_31, %dma_wait3A_121] : memref<10240x128xf32, #tpu.memory_space<vmem_shared>> -> memref<32x128xf32, #tpu.memory_space<vmem_shared>>
      tpu.wait_dma2 semaphore(%run_scoped3A_116 : memref<!tpu.dma_semaphore, #tpu.memory_space<semaphore_mem>>) src(%arg7 : memref<32x128xf32, #tpu.memory_space<vmem>>) dst(%dma_wait3A_122 : memref<32x128xf32, #tpu.memory_space<vmem_shared>>)
      tpu.yield
    }) : () -> ()
    %mul3A_32 = arith.constant 640 : i32
    %mul3A_33 = arith.muli %arg1, %mul3A_32 : i32
    %add3A_34 = arith.constant 192 : i32
    %add3A_35 = arith.addi %mul3A_33, %add3A_34 : i32
    "tpu.region"() ({
      %run_scoped3A_116 = tpu.sem_alloc : memref<!tpu.dma_semaphore, #tpu.memory_space<semaphore_mem>>
      %dma_start3A = arith.constant 0 : i32
      %dma_start3A_117 = tpu.memref_slice %arg8[%add3A_35, %dma_start3A] : memref<10240x128xf32, #tpu.memory_space<vmem_shared>> -> memref<32x128xf32, #tpu.memory_space<vmem_shared>>
      %dma_start3A_118 = arith.constant 0 : i32
      %dma_start3A_119 = tpu.memref_slice %arg8[%add3A_35, %dma_start3A_118] : memref<10240x128xf32, #tpu.memory_space<vmem_shared>> -> memref<32x128xf32, #tpu.memory_space<vmem_shared>>
      tpu.enqueue_dma source(%arg7 : memref<32x128xf32, #tpu.memory_space<vmem>>) target(%dma_start3A_119 : memref<32x128xf32, #tpu.memory_space<vmem_shared>>) target_semaphore(%run_scoped3A_116 : memref<!tpu.dma_semaphore, #tpu.memory_space<semaphore_mem>>)
      %dma_wait3A = arith.constant 0 : i32
      %dma_wait3A_120 = tpu.memref_slice %arg8[%add3A_35, %dma_wait3A] : memref<10240x128xf32, #tpu.memory_space<vmem_shared>> -> memref<32x128xf32, #tpu.memory_space<vmem_shared>>
      %dma_wait3A_121 = arith.constant 0 : i32
      %dma_wait3A_122 = tpu.memref_slice %arg8[%add3A_35, %dma_wait3A_121] : memref<10240x128xf32, #tpu.memory_space<vmem_shared>> -> memref<32x128xf32, #tpu.memory_space<vmem_shared>>
      tpu.wait_dma2 semaphore(%run_scoped3A_116 : memref<!tpu.dma_semaphore, #tpu.memory_space<semaphore_mem>>) src(%arg7 : memref<32x128xf32, #tpu.memory_space<vmem>>) dst(%dma_wait3A_122 : memref<32x128xf32, #tpu.memory_space<vmem_shared>>)
      tpu.yield
    }) : () -> ()
    %mul3A_36 = arith.constant 640 : i32
    %mul3A_37 = arith.muli %arg1, %mul3A_36 : i32
    %add3A_38 = arith.constant 224 : i32
    %add3A_39 = arith.addi %mul3A_37, %add3A_38 : i32
    "tpu.region"() ({
      %run_scoped3A_116 = tpu.sem_alloc : memref<!tpu.dma_semaphore, #tpu.memory_space<semaphore_mem>>
      %dma_start3A = arith.constant 0 : i32
      %dma_start3A_117 = tpu.memref_slice %arg8[%add3A_39, %dma_start3A] : memref<10240x128xf32, #tpu.memory_space<vmem_shared>> -> memref<32x128xf32, #tpu.memory_space<vmem_shared>>
      %dma_start3A_118 = arith.constant 0 : i32
      %dma_start3A_119 = tpu.memref_slice %arg8[%add3A_39, %dma_start3A_118] : memref<10240x128xf32, #tpu.memory_space<vmem_shared>> -> memref<32x128xf32, #tpu.memory_space<vmem_shared>>
      tpu.enqueue_dma source(%arg7 : memref<32x128xf32, #tpu.memory_space<vmem>>) target(%dma_start3A_119 : memref<32x128xf32, #tpu.memory_space<vmem_shared>>) target_semaphore(%run_scoped3A_116 : memref<!tpu.dma_semaphore, #tpu.memory_space<semaphore_mem>>)
      %dma_wait3A = arith.constant 0 : i32
      %dma_wait3A_120 = tpu.memref_slice %arg8[%add3A_39, %dma_wait3A] : memref<10240x128xf32, #tpu.memory_space<vmem_shared>> -> memref<32x128xf32, #tpu.memory_space<vmem_shared>>
      %dma_wait3A_121 = arith.constant 0 : i32
      %dma_wait3A_122 = tpu.memref_slice %arg8[%add3A_39, %dma_wait3A_121] : memref<10240x128xf32, #tpu.memory_space<vmem_shared>> -> memref<32x128xf32, #tpu.memory_space<vmem_shared>>
      tpu.wait_dma2 semaphore(%run_scoped3A_116 : memref<!tpu.dma_semaphore, #tpu.memory_space<semaphore_mem>>) src(%arg7 : memref<32x128xf32, #tpu.memory_space<vmem>>) dst(%dma_wait3A_122 : memref<32x128xf32, #tpu.memory_space<vmem_shared>>)
      tpu.yield
    }) : () -> ()
    %mul3A_40 = arith.constant 640 : i32
    %mul3A_41 = arith.muli %arg1, %mul3A_40 : i32
    %add3A_42 = arith.constant 256 : i32
    %add3A_43 = arith.addi %mul3A_41, %add3A_42 : i32
    "tpu.region"() ({
      %run_scoped3A_116 = tpu.sem_alloc : memref<!tpu.dma_semaphore, #tpu.memory_space<semaphore_mem>>
      %dma_start3A = arith.constant 0 : i32
      %dma_start3A_117 = tpu.memref_slice %arg8[%add3A_43, %dma_start3A] : memref<10240x128xf32, #tpu.memory_space<vmem_shared>> -> memref<32x128xf32, #tpu.memory_space<vmem_shared>>
      %dma_start3A_118 = arith.constant 0 : i32
      %dma_start3A_119 = tpu.memref_slice %arg8[%add3A_43, %dma_start3A_118] : memref<10240x128xf32, #tpu.memory_space<vmem_shared>> -> memref<32x128xf32, #tpu.memory_space<vmem_shared>>
      tpu.enqueue_dma source(%arg7 : memref<32x128xf32, #tpu.memory_space<vmem>>) target(%dma_start3A_119 : memref<32x128xf32, #tpu.memory_space<vmem_shared>>) target_semaphore(%run_scoped3A_116 : memref<!tpu.dma_semaphore, #tpu.memory_space<semaphore_mem>>)
      %dma_wait3A = arith.constant 0 : i32
      %dma_wait3A_120 = tpu.memref_slice %arg8[%add3A_43, %dma_wait3A] : memref<10240x128xf32, #tpu.memory_space<vmem_shared>> -> memref<32x128xf32, #tpu.memory_space<vmem_shared>>
      %dma_wait3A_121 = arith.constant 0 : i32
      %dma_wait3A_122 = tpu.memref_slice %arg8[%add3A_43, %dma_wait3A_121] : memref<10240x128xf32, #tpu.memory_space<vmem_shared>> -> memref<32x128xf32, #tpu.memory_space<vmem_shared>>
      tpu.wait_dma2 semaphore(%run_scoped3A_116 : memref<!tpu.dma_semaphore, #tpu.memory_space<semaphore_mem>>) src(%arg7 : memref<32x128xf32, #tpu.memory_space<vmem>>) dst(%dma_wait3A_122 : memref<32x128xf32, #tpu.memory_space<vmem_shared>>)
      tpu.yield
    }) : () -> ()
    %mul3A_44 = arith.constant 640 : i32
    %mul3A_45 = arith.muli %arg1, %mul3A_44 : i32
    %add3A_46 = arith.constant 288 : i32
    %add3A_47 = arith.addi %mul3A_45, %add3A_46 : i32
    "tpu.region"() ({
      %run_scoped3A_116 = tpu.sem_alloc : memref<!tpu.dma_semaphore, #tpu.memory_space<semaphore_mem>>
      %dma_start3A = arith.constant 0 : i32
      %dma_start3A_117 = tpu.memref_slice %arg8[%add3A_47, %dma_start3A] : memref<10240x128xf32, #tpu.memory_space<vmem_shared>> -> memref<32x128xf32, #tpu.memory_space<vmem_shared>>
      %dma_start3A_118 = arith.constant 0 : i32
      %dma_start3A_119 = tpu.memref_slice %arg8[%add3A_47, %dma_start3A_118] : memref<10240x128xf32, #tpu.memory_space<vmem_shared>> -> memref<32x128xf32, #tpu.memory_space<vmem_shared>>
      tpu.enqueue_dma source(%arg7 : memref<32x128xf32, #tpu.memory_space<vmem>>) target(%dma_start3A_119 : memref<32x128xf32, #tpu.memory_space<vmem_shared>>) target_semaphore(%run_scoped3A_116 : memref<!tpu.dma_semaphore, #tpu.memory_space<semaphore_mem>>)
      %dma_wait3A = arith.constant 0 : i32
      %dma_wait3A_120 = tpu.memref_slice %arg8[%add3A_47, %dma_wait3A] : memref<10240x128xf32, #tpu.memory_space<vmem_shared>> -> memref<32x128xf32, #tpu.memory_space<vmem_shared>>
      %dma_wait3A_121 = arith.constant 0 : i32
      %dma_wait3A_122 = tpu.memref_slice %arg8[%add3A_47, %dma_wait3A_121] : memref<10240x128xf32, #tpu.memory_space<vmem_shared>> -> memref<32x128xf32, #tpu.memory_space<vmem_shared>>
      tpu.wait_dma2 semaphore(%run_scoped3A_116 : memref<!tpu.dma_semaphore, #tpu.memory_space<semaphore_mem>>) src(%arg7 : memref<32x128xf32, #tpu.memory_space<vmem>>) dst(%dma_wait3A_122 : memref<32x128xf32, #tpu.memory_space<vmem_shared>>)
      tpu.yield
    }) : () -> ()
    %mul3A_48 = arith.constant 640 : i32
    %mul3A_49 = arith.muli %arg1, %mul3A_48 : i32
    %add3A_50 = arith.constant 320 : i32
    %add3A_51 = arith.addi %mul3A_49, %add3A_50 : i32
    "tpu.region"() ({
      %run_scoped3A_116 = tpu.sem_alloc : memref<!tpu.dma_semaphore, #tpu.memory_space<semaphore_mem>>
      %dma_start3A = arith.constant 0 : i32
      %dma_start3A_117 = tpu.memref_slice %arg8[%add3A_51, %dma_start3A] : memref<10240x128xf32, #tpu.memory_space<vmem_shared>> -> memref<32x128xf32, #tpu.memory_space<vmem_shared>>
      %dma_start3A_118 = arith.constant 0 : i32
      %dma_start3A_119 = tpu.memref_slice %arg8[%add3A_51, %dma_start3A_118] : memref<10240x128xf32, #tpu.memory_space<vmem_shared>> -> memref<32x128xf32, #tpu.memory_space<vmem_shared>>
      tpu.enqueue_dma source(%arg7 : memref<32x128xf32, #tpu.memory_space<vmem>>) target(%dma_start3A_119 : memref<32x128xf32, #tpu.memory_space<vmem_shared>>) target_semaphore(%run_scoped3A_116 : memref<!tpu.dma_semaphore, #tpu.memory_space<semaphore_mem>>)
      %dma_wait3A = arith.constant 0 : i32
      %dma_wait3A_120 = tpu.memref_slice %arg8[%add3A_51, %dma_wait3A] : memref<10240x128xf32, #tpu.memory_space<vmem_shared>> -> memref<32x128xf32, #tpu.memory_space<vmem_shared>>
      %dma_wait3A_121 = arith.constant 0 : i32
      %dma_wait3A_122 = tpu.memref_slice %arg8[%add3A_51, %dma_wait3A_121] : memref<10240x128xf32, #tpu.memory_space<vmem_shared>> -> memref<32x128xf32, #tpu.memory_space<vmem_shared>>
      tpu.wait_dma2 semaphore(%run_scoped3A_116 : memref<!tpu.dma_semaphore, #tpu.memory_space<semaphore_mem>>) src(%arg7 : memref<32x128xf32, #tpu.memory_space<vmem>>) dst(%dma_wait3A_122 : memref<32x128xf32, #tpu.memory_space<vmem_shared>>)
      tpu.yield
    }) : () -> ()
    %mul3A_52 = arith.constant 640 : i32
    %mul3A_53 = arith.muli %arg1, %mul3A_52 : i32
    %add3A_54 = arith.constant 352 : i32
    %add3A_55 = arith.addi %mul3A_53, %add3A_54 : i32
    "tpu.region"() ({
      %run_scoped3A_116 = tpu.sem_alloc : memref<!tpu.dma_semaphore, #tpu.memory_space<semaphore_mem>>
      %dma_start3A = arith.constant 0 : i32
      %dma_start3A_117 = tpu.memref_slice %arg8[%add3A_55, %dma_start3A] : memref<10240x128xf32, #tpu.memory_space<vmem_shared>> -> memref<32x128xf32, #tpu.memory_space<vmem_shared>>
      %dma_start3A_118 = arith.constant 0 : i32
      %dma_start3A_119 = tpu.memref_slice %arg8[%add3A_55, %dma_start3A_118] : memref<10240x128xf32, #tpu.memory_space<vmem_shared>> -> memref<32x128xf32, #tpu.memory_space<vmem_shared>>
      tpu.enqueue_dma source(%arg7 : memref<32x128xf32, #tpu.memory_space<vmem>>) target(%dma_start3A_119 : memref<32x128xf32, #tpu.memory_space<vmem_shared>>) target_semaphore(%run_scoped3A_116 : memref<!tpu.dma_semaphore, #tpu.memory_space<semaphore_mem>>)
      %dma_wait3A = arith.constant 0 : i32
      %dma_wait3A_120 = tpu.memref_slice %arg8[%add3A_55, %dma_wait3A] : memref<10240x128xf32, #tpu.memory_space<vmem_shared>> -> memref<32x128xf32, #tpu.memory_space<vmem_shared>>
      %dma_wait3A_121 = arith.constant 0 : i32
      %dma_wait3A_122 = tpu.memref_slice %arg8[%add3A_55, %dma_wait3A_121] : memref<10240x128xf32, #tpu.memory_space<vmem_shared>> -> memref<32x128xf32, #tpu.memory_space<vmem_shared>>
      tpu.wait_dma2 semaphore(%run_scoped3A_116 : memref<!tpu.dma_semaphore, #tpu.memory_space<semaphore_mem>>) src(%arg7 : memref<32x128xf32, #tpu.memory_space<vmem>>) dst(%dma_wait3A_122 : memref<32x128xf32, #tpu.memory_space<vmem_shared>>)
      tpu.yield
    }) : () -> ()
    %mul3A_56 = arith.constant 640 : i32
    %mul3A_57 = arith.muli %arg1, %mul3A_56 : i32
    %add3A_58 = arith.constant 384 : i32
    %add3A_59 = arith.addi %mul3A_57, %add3A_58 : i32
    "tpu.region"() ({
      %run_scoped3A_116 = tpu.sem_alloc : memref<!tpu.dma_semaphore, #tpu.memory_space<semaphore_mem>>
      %dma_start3A = arith.constant 0 : i32
      %dma_start3A_117 = tpu.memref_slice %arg8[%add3A_59, %dma_start3A] : memref<10240x128xf32, #tpu.memory_space<vmem_shared>> -> memref<32x128xf32, #tpu.memory_space<vmem_shared>>
      %dma_start3A_118 = arith.constant 0 : i32
      %dma_start3A_119 = tpu.memref_slice %arg8[%add3A_59, %dma_start3A_118] : memref<10240x128xf32, #tpu.memory_space<vmem_shared>> -> memref<32x128xf32, #tpu.memory_space<vmem_shared>>
      tpu.enqueue_dma source(%arg7 : memref<32x128xf32, #tpu.memory_space<vmem>>) target(%dma_start3A_119 : memref<32x128xf32, #tpu.memory_space<vmem_shared>>) target_semaphore(%run_scoped3A_116 : memref<!tpu.dma_semaphore, #tpu.memory_space<semaphore_mem>>)
      %dma_wait3A = arith.constant 0 : i32
      %dma_wait3A_120 = tpu.memref_slice %arg8[%add3A_59, %dma_wait3A] : memref<10240x128xf32, #tpu.memory_space<vmem_shared>> -> memref<32x128xf32, #tpu.memory_space<vmem_shared>>
      %dma_wait3A_121 = arith.constant 0 : i32
      %dma_wait3A_122 = tpu.memref_slice %arg8[%add3A_59, %dma_wait3A_121] : memref<10240x128xf32, #tpu.memory_space<vmem_shared>> -> memref<32x128xf32, #tpu.memory_space<vmem_shared>>
      tpu.wait_dma2 semaphore(%run_scoped3A_116 : memref<!tpu.dma_semaphore, #tpu.memory_space<semaphore_mem>>) src(%arg7 : memref<32x128xf32, #tpu.memory_space<vmem>>) dst(%dma_wait3A_122 : memref<32x128xf32, #tpu.memory_space<vmem_shared>>)
      tpu.yield
    }) : () -> ()
    %mul3A_60 = arith.constant 640 : i32
    %mul3A_61 = arith.muli %arg1, %mul3A_60 : i32
    %add3A_62 = arith.constant 416 : i32
    %add3A_63 = arith.addi %mul3A_61, %add3A_62 : i32
    "tpu.region"() ({
      %run_scoped3A_116 = tpu.sem_alloc : memref<!tpu.dma_semaphore, #tpu.memory_space<semaphore_mem>>
      %dma_start3A = arith.constant 0 : i32
      %dma_start3A_117 = tpu.memref_slice %arg8[%add3A_63, %dma_start3A] : memref<10240x128xf32, #tpu.memory_space<vmem_shared>> -> memref<32x128xf32, #tpu.memory_space<vmem_shared>>
      %dma_start3A_118 = arith.constant 0 : i32
      %dma_start3A_119 = tpu.memref_slice %arg8[%add3A_63, %dma_start3A_118] : memref<10240x128xf32, #tpu.memory_space<vmem_shared>> -> memref<32x128xf32, #tpu.memory_space<vmem_shared>>
      tpu.enqueue_dma source(%arg7 : memref<32x128xf32, #tpu.memory_space<vmem>>) target(%dma_start3A_119 : memref<32x128xf32, #tpu.memory_space<vmem_shared>>) target_semaphore(%run_scoped3A_116 : memref<!tpu.dma_semaphore, #tpu.memory_space<semaphore_mem>>)
      %dma_wait3A = arith.constant 0 : i32
      %dma_wait3A_120 = tpu.memref_slice %arg8[%add3A_63, %dma_wait3A] : memref<10240x128xf32, #tpu.memory_space<vmem_shared>> -> memref<32x128xf32, #tpu.memory_space<vmem_shared>>
      %dma_wait3A_121 = arith.constant 0 : i32
      %dma_wait3A_122 = tpu.memref_slice %arg8[%add3A_63, %dma_wait3A_121] : memref<10240x128xf32, #tpu.memory_space<vmem_shared>> -> memref<32x128xf32, #tpu.memory_space<vmem_shared>>
      tpu.wait_dma2 semaphore(%run_scoped3A_116 : memref<!tpu.dma_semaphore, #tpu.memory_space<semaphore_mem>>) src(%arg7 : memref<32x128xf32, #tpu.memory_space<vmem>>) dst(%dma_wait3A_122 : memref<32x128xf32, #tpu.memory_space<vmem_shared>>)
      tpu.yield
    }) : () -> ()
    %mul3A_64 = arith.constant 640 : i32
    %mul3A_65 = arith.muli %arg1, %mul3A_64 : i32
    %add3A_66 = arith.constant 448 : i32
    %add3A_67 = arith.addi %mul3A_65, %add3A_66 : i32
    "tpu.region"() ({
      %run_scoped3A_116 = tpu.sem_alloc : memref<!tpu.dma_semaphore, #tpu.memory_space<semaphore_mem>>
      %dma_start3A = arith.constant 0 : i32
      %dma_start3A_117 = tpu.memref_slice %arg8[%add3A_67, %dma_start3A] : memref<10240x128xf32, #tpu.memory_space<vmem_shared>> -> memref<32x128xf32, #tpu.memory_space<vmem_shared>>
      %dma_start3A_118 = arith.constant 0 : i32
      %dma_start3A_119 = tpu.memref_slice %arg8[%add3A_67, %dma_start3A_118] : memref<10240x128xf32, #tpu.memory_space<vmem_shared>> -> memref<32x128xf32, #tpu.memory_space<vmem_shared>>
      tpu.enqueue_dma source(%arg7 : memref<32x128xf32, #tpu.memory_space<vmem>>) target(%dma_start3A_119 : memref<32x128xf32, #tpu.memory_space<vmem_shared>>) target_semaphore(%run_scoped3A_116 : memref<!tpu.dma_semaphore, #tpu.memory_space<semaphore_mem>>)
      %dma_wait3A = arith.constant 0 : i32
      %dma_wait3A_120 = tpu.memref_slice %arg8[%add3A_67, %dma_wait3A] : memref<10240x128xf32, #tpu.memory_space<vmem_shared>> -> memref<32x128xf32, #tpu.memory_space<vmem_shared>>
      %dma_wait3A_121 = arith.constant 0 : i32
      %dma_wait3A_122 = tpu.memref_slice %arg8[%add3A_67, %dma_wait3A_121] : memref<10240x128xf32, #tpu.memory_space<vmem_shared>> -> memref<32x128xf32, #tpu.memory_space<vmem_shared>>
      tpu.wait_dma2 semaphore(%run_scoped3A_116 : memref<!tpu.dma_semaphore, #tpu.memory_space<semaphore_mem>>) src(%arg7 : memref<32x128xf32, #tpu.memory_space<vmem>>) dst(%dma_wait3A_122 : memref<32x128xf32, #tpu.memory_space<vmem_shared>>)
      tpu.yield
    }) : () -> ()
    %mul3A_68 = arith.constant 640 : i32
    %mul3A_69 = arith.muli %arg1, %mul3A_68 : i32
    %add3A_70 = arith.constant 480 : i32
    %add3A_71 = arith.addi %mul3A_69, %add3A_70 : i32
    "tpu.region"() ({
      %run_scoped3A_116 = tpu.sem_alloc : memref<!tpu.dma_semaphore, #tpu.memory_space<semaphore_mem>>
      %dma_start3A = arith.constant 0 : i32
      %dma_start3A_117 = tpu.memref_slice %arg8[%add3A_71, %dma_start3A] : memref<10240x128xf32, #tpu.memory_space<vmem_shared>> -> memref<32x128xf32, #tpu.memory_space<vmem_shared>>
      %dma_start3A_118 = arith.constant 0 : i32
      %dma_start3A_119 = tpu.memref_slice %arg8[%add3A_71, %dma_start3A_118] : memref<10240x128xf32, #tpu.memory_space<vmem_shared>> -> memref<32x128xf32, #tpu.memory_space<vmem_shared>>
      tpu.enqueue_dma source(%arg7 : memref<32x128xf32, #tpu.memory_space<vmem>>) target(%dma_start3A_119 : memref<32x128xf32, #tpu.memory_space<vmem_shared>>) target_semaphore(%run_scoped3A_116 : memref<!tpu.dma_semaphore, #tpu.memory_space<semaphore_mem>>)
      %dma_wait3A = arith.constant 0 : i32
      %dma_wait3A_120 = tpu.memref_slice %arg8[%add3A_71, %dma_wait3A] : memref<10240x128xf32, #tpu.memory_space<vmem_shared>> -> memref<32x128xf32, #tpu.memory_space<vmem_shared>>
      %dma_wait3A_121 = arith.constant 0 : i32
      %dma_wait3A_122 = tpu.memref_slice %arg8[%add3A_71, %dma_wait3A_121] : memref<10240x128xf32, #tpu.memory_space<vmem_shared>> -> memref<32x128xf32, #tpu.memory_space<vmem_shared>>
      tpu.wait_dma2 semaphore(%run_scoped3A_116 : memref<!tpu.dma_semaphore, #tpu.memory_space<semaphore_mem>>) src(%arg7 : memref<32x128xf32, #tpu.memory_space<vmem>>) dst(%dma_wait3A_122 : memref<32x128xf32, #tpu.memory_space<vmem_shared>>)
      tpu.yield
    }) : () -> ()
    %mul3A_72 = arith.constant 640 : i32
    %mul3A_73 = arith.muli %arg1, %mul3A_72 : i32
    %add3A_74 = arith.constant 512 : i32
    %add3A_75 = arith.addi %mul3A_73, %add3A_74 : i32
    "tpu.region"() ({
      %run_scoped3A_116 = tpu.sem_alloc : memref<!tpu.dma_semaphore, #tpu.memory_space<semaphore_mem>>
      %dma_start3A = arith.constant 0 : i32
      %dma_start3A_117 = tpu.memref_slice %arg8[%add3A_75, %dma_start3A] : memref<10240x128xf32, #tpu.memory_space<vmem_shared>> -> memref<32x128xf32, #tpu.memory_space<vmem_shared>>
      %dma_start3A_118 = arith.constant 0 : i32
      %dma_start3A_119 = tpu.memref_slice %arg8[%add3A_75, %dma_start3A_118] : memref<10240x128xf32, #tpu.memory_space<vmem_shared>> -> memref<32x128xf32, #tpu.memory_space<vmem_shared>>
      tpu.enqueue_dma source(%arg7 : memref<32x128xf32, #tpu.memory_space<vmem>>) target(%dma_start3A_119 : memref<32x128xf32, #tpu.memory_space<vmem_shared>>) target_semaphore(%run_scoped3A_116 : memref<!tpu.dma_semaphore, #tpu.memory_space<semaphore_mem>>)
      %dma_wait3A = arith.constant 0 : i32
      %dma_wait3A_120 = tpu.memref_slice %arg8[%add3A_75, %dma_wait3A] : memref<10240x128xf32, #tpu.memory_space<vmem_shared>> -> memref<32x128xf32, #tpu.memory_space<vmem_shared>>
      %dma_wait3A_121 = arith.constant 0 : i32
      %dma_wait3A_122 = tpu.memref_slice %arg8[%add3A_75, %dma_wait3A_121] : memref<10240x128xf32, #tpu.memory_space<vmem_shared>> -> memref<32x128xf32, #tpu.memory_space<vmem_shared>>
      tpu.wait_dma2 semaphore(%run_scoped3A_116 : memref<!tpu.dma_semaphore, #tpu.memory_space<semaphore_mem>>) src(%arg7 : memref<32x128xf32, #tpu.memory_space<vmem>>) dst(%dma_wait3A_122 : memref<32x128xf32, #tpu.memory_space<vmem_shared>>)
      tpu.yield
    }) : () -> ()
    %mul3A_76 = arith.constant 640 : i32
    %mul3A_77 = arith.muli %arg1, %mul3A_76 : i32
    %add3A_78 = arith.constant 544 : i32
    %add3A_79 = arith.addi %mul3A_77, %add3A_78 : i32
    "tpu.region"() ({
      %run_scoped3A_116 = tpu.sem_alloc : memref<!tpu.dma_semaphore, #tpu.memory_space<semaphore_mem>>
      %dma_start3A = arith.constant 0 : i32
      %dma_start3A_117 = tpu.memref_slice %arg8[%add3A_79, %dma_start3A] : memref<10240x128xf32, #tpu.memory_space<vmem_shared>> -> memref<32x128xf32, #tpu.memory_space<vmem_shared>>
      %dma_start3A_118 = arith.constant 0 : i32
      %dma_start3A_119 = tpu.memref_slice %arg8[%add3A_79, %dma_start3A_118] : memref<10240x128xf32, #tpu.memory_space<vmem_shared>> -> memref<32x128xf32, #tpu.memory_space<vmem_shared>>
      tpu.enqueue_dma source(%arg7 : memref<32x128xf32, #tpu.memory_space<vmem>>) target(%dma_start3A_119 : memref<32x128xf32, #tpu.memory_space<vmem_shared>>) target_semaphore(%run_scoped3A_116 : memref<!tpu.dma_semaphore, #tpu.memory_space<semaphore_mem>>)
      %dma_wait3A = arith.constant 0 : i32
      %dma_wait3A_120 = tpu.memref_slice %arg8[%add3A_79, %dma_wait3A] : memref<10240x128xf32, #tpu.memory_space<vmem_shared>> -> memref<32x128xf32, #tpu.memory_space<vmem_shared>>
      %dma_wait3A_121 = arith.constant 0 : i32
      %dma_wait3A_122 = tpu.memref_slice %arg8[%add3A_79, %dma_wait3A_121] : memref<10240x128xf32, #tpu.memory_space<vmem_shared>> -> memref<32x128xf32, #tpu.memory_space<vmem_shared>>
      tpu.wait_dma2 semaphore(%run_scoped3A_116 : memref<!tpu.dma_semaphore, #tpu.memory_space<semaphore_mem>>) src(%arg7 : memref<32x128xf32, #tpu.memory_space<vmem>>) dst(%dma_wait3A_122 : memref<32x128xf32, #tpu.memory_space<vmem_shared>>)
      tpu.yield
    }) : () -> ()
    %mul3A_80 = arith.constant 640 : i32
    %mul3A_81 = arith.muli %arg1, %mul3A_80 : i32
    %add3A_82 = arith.constant 576 : i32
    %add3A_83 = arith.addi %mul3A_81, %add3A_82 : i32
    "tpu.region"() ({
      %run_scoped3A_116 = tpu.sem_alloc : memref<!tpu.dma_semaphore, #tpu.memory_space<semaphore_mem>>
      %dma_start3A = arith.constant 0 : i32
      %dma_start3A_117 = tpu.memref_slice %arg8[%add3A_83, %dma_start3A] : memref<10240x128xf32, #tpu.memory_space<vmem_shared>> -> memref<32x128xf32, #tpu.memory_space<vmem_shared>>
      %dma_start3A_118 = arith.constant 0 : i32
      %dma_start3A_119 = tpu.memref_slice %arg8[%add3A_83, %dma_start3A_118] : memref<10240x128xf32, #tpu.memory_space<vmem_shared>> -> memref<32x128xf32, #tpu.memory_space<vmem_shared>>
      tpu.enqueue_dma source(%arg7 : memref<32x128xf32, #tpu.memory_space<vmem>>) target(%dma_start3A_119 : memref<32x128xf32, #tpu.memory_space<vmem_shared>>) target_semaphore(%run_scoped3A_116 : memref<!tpu.dma_semaphore, #tpu.memory_space<semaphore_mem>>)
      %dma_wait3A = arith.constant 0 : i32
      %dma_wait3A_120 = tpu.memref_slice %arg8[%add3A_83, %dma_wait3A] : memref<10240x128xf32, #tpu.memory_space<vmem_shared>> -> memref<32x128xf32, #tpu.memory_space<vmem_shared>>
      %dma_wait3A_121 = arith.constant 0 : i32
      %dma_wait3A_122 = tpu.memref_slice %arg8[%add3A_83, %dma_wait3A_121] : memref<10240x128xf32, #tpu.memory_space<vmem_shared>> -> memref<32x128xf32, #tpu.memory_space<vmem_shared>>
      tpu.wait_dma2 semaphore(%run_scoped3A_116 : memref<!tpu.dma_semaphore, #tpu.memory_space<semaphore_mem>>) src(%arg7 : memref<32x128xf32, #tpu.memory_space<vmem>>) dst(%dma_wait3A_122 : memref<32x128xf32, #tpu.memory_space<vmem_shared>>)
      tpu.yield
    }) : () -> ()
    %mul3A_84 = arith.constant 640 : i32
    %mul3A_85 = arith.muli %arg1, %mul3A_84 : i32
    %add3A_86 = arith.constant 608 : i32
    %add3A_87 = arith.addi %mul3A_85, %add3A_86 : i32
    "tpu.region"() ({
      %run_scoped3A_116 = tpu.sem_alloc : memref<!tpu.dma_semaphore, #tpu.memory_space<semaphore_mem>>
      %dma_start3A = arith.constant 0 : i32
      %dma_start3A_117 = tpu.memref_slice %arg8[%add3A_87, %dma_start3A] : memref<10240x128xf32, #tpu.memory_space<vmem_shared>> -> memref<32x128xf32, #tpu.memory_space<vmem_shared>>
      %dma_start3A_118 = arith.constant 0 : i32
      %dma_start3A_119 = tpu.memref_slice %arg8[%add3A_87, %dma_start3A_118] : memref<10240x128xf32, #tpu.memory_space<vmem_shared>> -> memref<32x128xf32, #tpu.memory_space<vmem_shared>>
      tpu.enqueue_dma source(%arg7 : memref<32x128xf32, #tpu.memory_space<vmem>>) target(%dma_start3A_119 : memref<32x128xf32, #tpu.memory_space<vmem_shared>>) target_semaphore(%run_scoped3A_116 : memref<!tpu.dma_semaphore, #tpu.memory_space<semaphore_mem>>)
      %dma_wait3A = arith.constant 0 : i32
      %dma_wait3A_120 = tpu.memref_slice %arg8[%add3A_87, %dma_wait3A] : memref<10240x128xf32, #tpu.memory_space<vmem_shared>> -> memref<32x128xf32, #tpu.memory_space<vmem_shared>>
      %dma_wait3A_121 = arith.constant 0 : i32
      %dma_wait3A_122 = tpu.memref_slice %arg8[%add3A_87, %dma_wait3A_121] : memref<10240x128xf32, #tpu.memory_space<vmem_shared>> -> memref<32x128xf32, #tpu.memory_space<vmem_shared>>
      tpu.wait_dma2 semaphore(%run_scoped3A_116 : memref<!tpu.dma_semaphore, #tpu.memory_space<semaphore_mem>>) src(%arg7 : memref<32x128xf32, #tpu.memory_space<vmem>>) dst(%dma_wait3A_122 : memref<32x128xf32, #tpu.memory_space<vmem_shared>>)
      tpu.yield
    }) : () -> ()
    %barrier3A = arith.constant 0 : index
    tpu.barrier barrier_id(%barrier3A)
    %run_scoped3A = arith.constant 0 : i32
    "tpu.region"() ({
      %run_scoped3A_116 = tpu.sem_alloc : memref<!tpu.dma_semaphore, #tpu.memory_space<semaphore_mem>>
      %dma_start3A = arith.constant 0 : i32
      %dma_start3A_117 = arith.constant 0 : i32
      %dma_start3A_118 = tpu.memref_slice %arg2[%run_scoped3A, %dma_start3A, %dma_start3A_117] : memref<3x80x128xf32, #tpu.memory_space<hbm>> -> memref<1x80x128xf32, #tpu.memory_space<hbm>>
      %dma_start3A_119 = tpu.memref_squeeze %dma_start3A_118 : memref<1x80x128xf32, #tpu.memory_space<hbm>> -> memref<80x128xf32, #tpu.memory_space<hbm>>
      %dma_start3A_120 = arith.constant 0 : i32
      %dma_start3A_121 = arith.constant 0 : i32
      %dma_start3A_122 = tpu.memref_slice %arg2[%run_scoped3A, %dma_start3A_120, %dma_start3A_121] : memref<3x80x128xf32, #tpu.memory_space<hbm>> -> memref<1x80x128xf32, #tpu.memory_space<hbm>>
      %dma_start3A_123 = tpu.memref_squeeze %dma_start3A_122 : memref<1x80x128xf32, #tpu.memory_space<hbm>> -> memref<80x128xf32, #tpu.memory_space<hbm>>
      tpu.enqueue_dma source(%dma_start3A_123 : memref<80x128xf32, #tpu.memory_space<hbm>>) target(%arg6 : memref<80x128xf32, #tpu.memory_space<vmem>>) target_semaphore(%run_scoped3A_116 : memref<!tpu.dma_semaphore, #tpu.memory_space<semaphore_mem>>)
      %dma_wait3A = arith.constant 0 : i32
      %dma_wait3A_124 = arith.constant 0 : i32
      %dma_wait3A_125 = tpu.memref_slice %arg2[%run_scoped3A, %dma_wait3A, %dma_wait3A_124] : memref<3x80x128xf32, #tpu.memory_space<hbm>> -> memref<1x80x128xf32, #tpu.memory_space<hbm>>
      %dma_wait3A_126 = tpu.memref_squeeze %dma_wait3A_125 : memref<1x80x128xf32, #tpu.memory_space<hbm>> -> memref<80x128xf32, #tpu.memory_space<hbm>>
      %dma_wait3A_127 = arith.constant 0 : i32
      %dma_wait3A_128 = arith.constant 0 : i32
      %dma_wait3A_129 = tpu.memref_slice %arg2[%run_scoped3A, %dma_wait3A_127, %dma_wait3A_128] : memref<3x80x128xf32, #tpu.memory_space<hbm>> -> memref<1x80x128xf32, #tpu.memory_space<hbm>>
      %dma_wait3A_130 = tpu.memref_squeeze %dma_wait3A_129 : memref<1x80x128xf32, #tpu.memory_space<hbm>> -> memref<80x128xf32, #tpu.memory_space<hbm>>
      tpu.wait_dma2 semaphore(%run_scoped3A_116 : memref<!tpu.dma_semaphore, #tpu.memory_space<semaphore_mem>>) src(%dma_wait3A_130 : memref<80x128xf32, #tpu.memory_space<hbm>>) dst(%arg6 : memref<80x128xf32, #tpu.memory_space<vmem>>)
      tpu.yield
    }) : () -> ()
    %scan3A_88 = arith.constant 0 : i32
    %scan3A_89 = arith.constant 0 : i32
    %scan3A_90 = arith.constant 5 : i32
    %scan3A_91 = arith.addi %scan3A_89, %scan3A_90 : i32
    %scan3A_92 = arith.constant 1 : i32
    %scan3A_93 = scf.for %scan3A_116 = %scan3A_89 to %scan3A_91 step %scan3A_92 iter_args(%scan3A_117 = %scan3A_88) -> (i32)  : i32 {
      %run_scoped3A_118 = arith.constant 0 : i32
      "tpu.region"() ({
        %run_scoped3A_127 = tpu.sem_alloc : memref<!tpu.dma_semaphore, #tpu.memory_space<semaphore_mem>>
        %dma_start3A = arith.constant 0 : i32
        %dma_start3A_128 = arith.constant 0 : i32
        %dma_start3A_129 = tpu.memref_slice %arg3[%add3A, %run_scoped3A_118, %scan3A_116, %dma_start3A, %dma_start3A_128] : memref<32x3x5x25x80xi32, #tpu.memory_space<hbm>> -> memref<1x1x1x25x80xi32, #tpu.memory_space<hbm>>
        %dma_start3A_130 = tpu.memref_squeeze %dma_start3A_129 : memref<1x1x1x25x80xi32, #tpu.memory_space<hbm>> -> memref<25x80xi32, #tpu.memory_space<hbm>>
        %dma_start3A_131 = arith.constant 0 : i32
        %dma_start3A_132 = arith.constant 0 : i32
        %dma_start3A_133 = tpu.memref_slice %arg3[%add3A, %run_scoped3A_118, %scan3A_116, %dma_start3A_131, %dma_start3A_132] : memref<32x3x5x25x80xi32, #tpu.memory_space<hbm>> -> memref<1x1x1x25x80xi32, #tpu.memory_space<hbm>>
        %dma_start3A_134 = tpu.memref_squeeze %dma_start3A_133 : memref<1x1x1x25x80xi32, #tpu.memory_space<hbm>> -> memref<25x80xi32, #tpu.memory_space<hbm>>
        tpu.enqueue_dma source(%dma_start3A_134 : memref<25x80xi32, #tpu.memory_space<hbm>>) target(%arg5 : memref<25x80xi32, #tpu.memory_space<vmem>>) target_semaphore(%run_scoped3A_127 : memref<!tpu.dma_semaphore, #tpu.memory_space<semaphore_mem>>)
        %dma_wait3A = arith.constant 0 : i32
        %dma_wait3A_135 = arith.constant 0 : i32
        %dma_wait3A_136 = tpu.memref_slice %arg3[%add3A, %run_scoped3A_118, %scan3A_116, %dma_wait3A, %dma_wait3A_135] : memref<32x3x5x25x80xi32, #tpu.memory_space<hbm>> -> memref<1x1x1x25x80xi32, #tpu.memory_space<hbm>>
        %dma_wait3A_137 = tpu.memref_squeeze %dma_wait3A_136 : memref<1x1x1x25x80xi32, #tpu.memory_space<hbm>> -> memref<25x80xi32, #tpu.memory_space<hbm>>
        %dma_wait3A_138 = arith.constant 0 : i32
        %dma_wait3A_139 = arith.constant 0 : i32
        %dma_wait3A_140 = tpu.memref_slice %arg3[%add3A, %run_scoped3A_118, %scan3A_116, %dma_wait3A_138, %dma_wait3A_139] : memref<32x3x5x25x80xi32, #tpu.memory_space<hbm>> -> memref<1x1x1x25x80xi32, #tpu.memory_space<hbm>>
        %dma_wait3A_141 = tpu.memref_squeeze %dma_wait3A_140 : memref<1x1x1x25x80xi32, #tpu.memory_space<hbm>> -> memref<25x80xi32, #tpu.memory_space<hbm>>
        tpu.wait_dma2 semaphore(%run_scoped3A_127 : memref<!tpu.dma_semaphore, #tpu.memory_space<semaphore_mem>>) src(%dma_wait3A_141 : memref<25x80xi32, #tpu.memory_space<hbm>>) dst(%arg5 : memref<25x80xi32, #tpu.memory_space<vmem>>)
        tpu.yield
      }) : () -> ()
      %scan3A_119 = arith.constant 0 : i32
      %scan3A_120 = arith.constant 0 : i32
      %scan3A_121 = arith.constant 25 : i32
      %scan3A_122 = arith.addi %scan3A_120, %scan3A_121 : i32
      %scan3A_123 = arith.constant 1 : i32
      %scan3A_124 = scf.for %scan3A_127 = %scan3A_120 to %scan3A_122 step %scan3A_123 iter_args(%scan3A_128 = %scan3A_119) -> (i32)  : i32 {
        "tpu.region"() ({
          %run_scoped3A_130 = tpu.sem_alloc : memref<!tpu.dma_semaphore, #tpu.memory_space<semaphore_mem>>
          %dma_start3A = arith.constant 0 : i32
          %dma_start3A_131 = tpu.memref_slice %arg5[%scan3A_127, %dma_start3A] : memref<25x80xi32, #tpu.memory_space<vmem>> -> memref<1x80xi32, #tpu.memory_space<vmem>>
          %dma_start3A_132 = tpu.memref_squeeze %dma_start3A_131 : memref<1x80xi32, #tpu.memory_space<vmem>> -> memref<80xi32, #tpu.memory_space<vmem>>
          %dma_start3A_133 = arith.constant 0 : i32
          %dma_start3A_134 = arith.constant 0 : i32
          %dma_start3A_135 = tpu.memref_slice %arg8[%dma_start3A_133, %dma_start3A_134] : memref<10240x128xf32, #tpu.memory_space<vmem_shared>> -> memref<10240x128xf32, #tpu.memory_space<vmem_shared>>
          tpu.enqueue_indirect_dma source(%arg6 : memref<80x128xf32, #tpu.memory_space<vmem>>) target(%dma_start3A_135 : memref<10240x128xf32, #tpu.memory_space<vmem_shared>>) offsets(%dma_start3A_132 : memref<80xi32, #tpu.memory_space<vmem>>) semaphore(%run_scoped3A_130 : memref<!tpu.dma_semaphore, #tpu.memory_space<semaphore_mem>>) {add = true}
          %dma_wait3A = arith.constant 0 : i32
          %dma_wait3A_136 = tpu.memref_slice %arg5[%scan3A_127, %dma_wait3A] : memref<25x80xi32, #tpu.memory_space<vmem>> -> memref<1x80xi32, #tpu.memory_space<vmem>>
          %dma_wait3A_137 = tpu.memref_squeeze %dma_wait3A_136 : memref<1x80xi32, #tpu.memory_space<vmem>> -> memref<80xi32, #tpu.memory_space<vmem>>
          %dma_wait3A_138 = arith.constant 0 : i32
          %dma_wait3A_139 = arith.constant 0 : i32
          %dma_wait3A_140 = tpu.memref_slice %arg8[%dma_wait3A_138, %dma_wait3A_139] : memref<10240x128xf32, #tpu.memory_space<vmem_shared>> -> memref<10240x128xf32, #tpu.memory_space<vmem_shared>>
          tpu.wait_indirect_dma semaphore(%run_scoped3A_130 : memref<!tpu.dma_semaphore, #tpu.memory_space<semaphore_mem>>) src(%arg6 : memref<80x128xf32, #tpu.memory_space<vmem>>) dst(%dma_wait3A_140 : memref<10240x128xf32, #tpu.memory_space<vmem_shared>>)
          tpu.yield
        }) : () -> ()
        %scan3A_129 = arith.constant 0 : i32
        scf.yield %scan3A_129 : i32
      }
      %scan3A_125 = arith.constant 25 : i32
      %scan3A_126 = arith.constant 0 : i32
      scf.yield %scan3A_126 : i32
    }
    %scan3A_94 = arith.constant 5 : i32
    %run_scoped3A_95 = arith.constant 1 : i32
    "tpu.region"() ({
      %run_scoped3A_116 = tpu.sem_alloc : memref<!tpu.dma_semaphore, #tpu.memory_space<semaphore_mem>>
      %dma_start3A = arith.constant 0 : i32
      %dma_start3A_117 = arith.constant 0 : i32
      %dma_start3A_118 = tpu.memref_slice %arg2[%run_scoped3A_95, %dma_start3A, %dma_start3A_117] : memref<3x80x128xf32, #tpu.memory_space<hbm>> -> memref<1x80x128xf32, #tpu.memory_space<hbm>>
      %dma_start3A_119 = tpu.memref_squeeze %dma_start3A_118 : memref<1x80x128xf32, #tpu.memory_space<hbm>> -> memref<80x128xf32, #tpu.memory_space<hbm>>
      %dma_start3A_120 = arith.constant 0 : i32
      %dma_start3A_121 = arith.constant 0 : i32
      %dma_start3A_122 = tpu.memref_slice %arg2[%run_scoped3A_95, %dma_start3A_120, %dma_start3A_121] : memref<3x80x128xf32, #tpu.memory_space<hbm>> -> memref<1x80x128xf32, #tpu.memory_space<hbm>>
      %dma_start3A_123 = tpu.memref_squeeze %dma_start3A_122 : memref<1x80x128xf32, #tpu.memory_space<hbm>> -> memref<80x128xf32, #tpu.memory_space<hbm>>
      tpu.enqueue_dma source(%dma_start3A_123 : memref<80x128xf32, #tpu.memory_space<hbm>>) target(%arg6 : memref<80x128xf32, #tpu.memory_space<vmem>>) target_semaphore(%run_scoped3A_116 : memref<!tpu.dma_semaphore, #tpu.memory_space<semaphore_mem>>)
      %dma_wait3A = arith.constant 0 : i32
      %dma_wait3A_124 = arith.constant 0 : i32
      %dma_wait3A_125 = tpu.memref_slice %arg2[%run_scoped3A_95, %dma_wait3A, %dma_wait3A_124] : memref<3x80x128xf32, #tpu.memory_space<hbm>> -> memref<1x80x128xf32, #tpu.memory_space<hbm>>
      %dma_wait3A_126 = tpu.memref_squeeze %dma_wait3A_125 : memref<1x80x128xf32, #tpu.memory_space<hbm>> -> memref<80x128xf32, #tpu.memory_space<hbm>>
      %dma_wait3A_127 = arith.constant 0 : i32
      %dma_wait3A_128 = arith.constant 0 : i32
      %dma_wait3A_129 = tpu.memref_slice %arg2[%run_scoped3A_95, %dma_wait3A_127, %dma_wait3A_128] : memref<3x80x128xf32, #tpu.memory_space<hbm>> -> memref<1x80x128xf32, #tpu.memory_space<hbm>>
      %dma_wait3A_130 = tpu.memref_squeeze %dma_wait3A_129 : memref<1x80x128xf32, #tpu.memory_space<hbm>> -> memref<80x128xf32, #tpu.memory_space<hbm>>
      tpu.wait_dma2 semaphore(%run_scoped3A_116 : memref<!tpu.dma_semaphore, #tpu.memory_space<semaphore_mem>>) src(%dma_wait3A_130 : memref<80x128xf32, #tpu.memory_space<hbm>>) dst(%arg6 : memref<80x128xf32, #tpu.memory_space<vmem>>)
      tpu.yield
    }) : () -> ()
    %scan3A_96 = arith.constant 0 : i32
    %scan3A_97 = arith.constant 0 : i32
    %scan3A_98 = arith.constant 5 : i32
    %scan3A_99 = arith.addi %scan3A_97, %scan3A_98 : i32
    %scan3A_100 = arith.constant 1 : i32
    %scan3A_101 = scf.for %scan3A_116 = %scan3A_97 to %scan3A_99 step %scan3A_100 iter_args(%scan3A_117 = %scan3A_96) -> (i32)  : i32 {
      %run_scoped3A_118 = arith.constant 1 : i32
      "tpu.region"() ({
        %run_scoped3A_127 = tpu.sem_alloc : memref<!tpu.dma_semaphore, #tpu.memory_space<semaphore_mem>>
        %dma_start3A = arith.constant 0 : i32
        %dma_start3A_128 = arith.constant 0 : i32
        %dma_start3A_129 = tpu.memref_slice %arg3[%add3A, %run_scoped3A_118, %scan3A_116, %dma_start3A, %dma_start3A_128] : memref<32x3x5x25x80xi32, #tpu.memory_space<hbm>> -> memref<1x1x1x25x80xi32, #tpu.memory_space<hbm>>
        %dma_start3A_130 = tpu.memref_squeeze %dma_start3A_129 : memref<1x1x1x25x80xi32, #tpu.memory_space<hbm>> -> memref<25x80xi32, #tpu.memory_space<hbm>>
        %dma_start3A_131 = arith.constant 0 : i32
        %dma_start3A_132 = arith.constant 0 : i32
        %dma_start3A_133 = tpu.memref_slice %arg3[%add3A, %run_scoped3A_118, %scan3A_116, %dma_start3A_131, %dma_start3A_132] : memref<32x3x5x25x80xi32, #tpu.memory_space<hbm>> -> memref<1x1x1x25x80xi32, #tpu.memory_space<hbm>>
        %dma_start3A_134 = tpu.memref_squeeze %dma_start3A_133 : memref<1x1x1x25x80xi32, #tpu.memory_space<hbm>> -> memref<25x80xi32, #tpu.memory_space<hbm>>
        tpu.enqueue_dma source(%dma_start3A_134 : memref<25x80xi32, #tpu.memory_space<hbm>>) target(%arg5 : memref<25x80xi32, #tpu.memory_space<vmem>>) target_semaphore(%run_scoped3A_127 : memref<!tpu.dma_semaphore, #tpu.memory_space<semaphore_mem>>)
        %dma_wait3A = arith.constant 0 : i32
        %dma_wait3A_135 = arith.constant 0 : i32
        %dma_wait3A_136 = tpu.memref_slice %arg3[%add3A, %run_scoped3A_118, %scan3A_116, %dma_wait3A, %dma_wait3A_135] : memref<32x3x5x25x80xi32, #tpu.memory_space<hbm>> -> memref<1x1x1x25x80xi32, #tpu.memory_space<hbm>>
        %dma_wait3A_137 = tpu.memref_squeeze %dma_wait3A_136 : memref<1x1x1x25x80xi32, #tpu.memory_space<hbm>> -> memref<25x80xi32, #tpu.memory_space<hbm>>
        %dma_wait3A_138 = arith.constant 0 : i32
        %dma_wait3A_139 = arith.constant 0 : i32
        %dma_wait3A_140 = tpu.memref_slice %arg3[%add3A, %run_scoped3A_118, %scan3A_116, %dma_wait3A_138, %dma_wait3A_139] : memref<32x3x5x25x80xi32, #tpu.memory_space<hbm>> -> memref<1x1x1x25x80xi32, #tpu.memory_space<hbm>>
        %dma_wait3A_141 = tpu.memref_squeeze %dma_wait3A_140 : memref<1x1x1x25x80xi32, #tpu.memory_space<hbm>> -> memref<25x80xi32, #tpu.memory_space<hbm>>
        tpu.wait_dma2 semaphore(%run_scoped3A_127 : memref<!tpu.dma_semaphore, #tpu.memory_space<semaphore_mem>>) src(%dma_wait3A_141 : memref<25x80xi32, #tpu.memory_space<hbm>>) dst(%arg5 : memref<25x80xi32, #tpu.memory_space<vmem>>)
        tpu.yield
      }) : () -> ()
      %scan3A_119 = arith.constant 0 : i32
      %scan3A_120 = arith.constant 0 : i32
      %scan3A_121 = arith.constant 25 : i32
      %scan3A_122 = arith.addi %scan3A_120, %scan3A_121 : i32
      %scan3A_123 = arith.constant 1 : i32
      %scan3A_124 = scf.for %scan3A_127 = %scan3A_120 to %scan3A_122 step %scan3A_123 iter_args(%scan3A_128 = %scan3A_119) -> (i32)  : i32 {
        "tpu.region"() ({
          %run_scoped3A_130 = tpu.sem_alloc : memref<!tpu.dma_semaphore, #tpu.memory_space<semaphore_mem>>
          %dma_start3A = arith.constant 0 : i32
          %dma_start3A_131 = tpu.memref_slice %arg5[%scan3A_127, %dma_start3A] : memref<25x80xi32, #tpu.memory_space<vmem>> -> memref<1x80xi32, #tpu.memory_space<vmem>>
          %dma_start3A_132 = tpu.memref_squeeze %dma_start3A_131 : memref<1x80xi32, #tpu.memory_space<vmem>> -> memref<80xi32, #tpu.memory_space<vmem>>
          %dma_start3A_133 = arith.constant 0 : i32
          %dma_start3A_134 = arith.constant 0 : i32
          %dma_start3A_135 = tpu.memref_slice %arg8[%dma_start3A_133, %dma_start3A_134] : memref<10240x128xf32, #tpu.memory_space<vmem_shared>> -> memref<10240x128xf32, #tpu.memory_space<vmem_shared>>
          tpu.enqueue_indirect_dma source(%arg6 : memref<80x128xf32, #tpu.memory_space<vmem>>) target(%dma_start3A_135 : memref<10240x128xf32, #tpu.memory_space<vmem_shared>>) offsets(%dma_start3A_132 : memref<80xi32, #tpu.memory_space<vmem>>) semaphore(%run_scoped3A_130 : memref<!tpu.dma_semaphore, #tpu.memory_space<semaphore_mem>>) {add = true}
          %dma_wait3A = arith.constant 0 : i32
          %dma_wait3A_136 = tpu.memref_slice %arg5[%scan3A_127, %dma_wait3A] : memref<25x80xi32, #tpu.memory_space<vmem>> -> memref<1x80xi32, #tpu.memory_space<vmem>>
          %dma_wait3A_137 = tpu.memref_squeeze %dma_wait3A_136 : memref<1x80xi32, #tpu.memory_space<vmem>> -> memref<80xi32, #tpu.memory_space<vmem>>
          %dma_wait3A_138 = arith.constant 0 : i32
          %dma_wait3A_139 = arith.constant 0 : i32
          %dma_wait3A_140 = tpu.memref_slice %arg8[%dma_wait3A_138, %dma_wait3A_139] : memref<10240x128xf32, #tpu.memory_space<vmem_shared>> -> memref<10240x128xf32, #tpu.memory_space<vmem_shared>>
          tpu.wait_indirect_dma semaphore(%run_scoped3A_130 : memref<!tpu.dma_semaphore, #tpu.memory_space<semaphore_mem>>) src(%arg6 : memref<80x128xf32, #tpu.memory_space<vmem>>) dst(%dma_wait3A_140 : memref<10240x128xf32, #tpu.memory_space<vmem_shared>>)
          tpu.yield
        }) : () -> ()
        %scan3A_129 = arith.constant 0 : i32
        scf.yield %scan3A_129 : i32
      }
      %scan3A_125 = arith.constant 25 : i32
      %scan3A_126 = arith.constant 0 : i32
      scf.yield %scan3A_126 : i32
    }
    %scan3A_102 = arith.constant 5 : i32
    %run_scoped3A_103 = arith.constant 2 : i32
    "tpu.region"() ({
      %run_scoped3A_116 = tpu.sem_alloc : memref<!tpu.dma_semaphore, #tpu.memory_space<semaphore_mem>>
      %dma_start3A = arith.constant 0 : i32
      %dma_start3A_117 = arith.constant 0 : i32
      %dma_start3A_118 = tpu.memref_slice %arg2[%run_scoped3A_103, %dma_start3A, %dma_start3A_117] : memref<3x80x128xf32, #tpu.memory_space<hbm>> -> memref<1x80x128xf32, #tpu.memory_space<hbm>>
      %dma_start3A_119 = tpu.memref_squeeze %dma_start3A_118 : memref<1x80x128xf32, #tpu.memory_space<hbm>> -> memref<80x128xf32, #tpu.memory_space<hbm>>
      %dma_start3A_120 = arith.constant 0 : i32
      %dma_start3A_121 = arith.constant 0 : i32
      %dma_start3A_122 = tpu.memref_slice %arg2[%run_scoped3A_103, %dma_start3A_120, %dma_start3A_121] : memref<3x80x128xf32, #tpu.memory_space<hbm>> -> memref<1x80x128xf32, #tpu.memory_space<hbm>>
      %dma_start3A_123 = tpu.memref_squeeze %dma_start3A_122 : memref<1x80x128xf32, #tpu.memory_space<hbm>> -> memref<80x128xf32, #tpu.memory_space<hbm>>
      tpu.enqueue_dma source(%dma_start3A_123 : memref<80x128xf32, #tpu.memory_space<hbm>>) target(%arg6 : memref<80x128xf32, #tpu.memory_space<vmem>>) target_semaphore(%run_scoped3A_116 : memref<!tpu.dma_semaphore, #tpu.memory_space<semaphore_mem>>)
      %dma_wait3A = arith.constant 0 : i32
      %dma_wait3A_124 = arith.constant 0 : i32
      %dma_wait3A_125 = tpu.memref_slice %arg2[%run_scoped3A_103, %dma_wait3A, %dma_wait3A_124] : memref<3x80x128xf32, #tpu.memory_space<hbm>> -> memref<1x80x128xf32, #tpu.memory_space<hbm>>
      %dma_wait3A_126 = tpu.memref_squeeze %dma_wait3A_125 : memref<1x80x128xf32, #tpu.memory_space<hbm>> -> memref<80x128xf32, #tpu.memory_space<hbm>>
      %dma_wait3A_127 = arith.constant 0 : i32
      %dma_wait3A_128 = arith.constant 0 : i32
      %dma_wait3A_129 = tpu.memref_slice %arg2[%run_scoped3A_103, %dma_wait3A_127, %dma_wait3A_128] : memref<3x80x128xf32, #tpu.memory_space<hbm>> -> memref<1x80x128xf32, #tpu.memory_space<hbm>>
      %dma_wait3A_130 = tpu.memref_squeeze %dma_wait3A_129 : memref<1x80x128xf32, #tpu.memory_space<hbm>> -> memref<80x128xf32, #tpu.memory_space<hbm>>
      tpu.wait_dma2 semaphore(%run_scoped3A_116 : memref<!tpu.dma_semaphore, #tpu.memory_space<semaphore_mem>>) src(%dma_wait3A_130 : memref<80x128xf32, #tpu.memory_space<hbm>>) dst(%arg6 : memref<80x128xf32, #tpu.memory_space<vmem>>)
      tpu.yield
    }) : () -> ()
    %scan3A_104 = arith.constant 0 : i32
    %scan3A_105 = arith.constant 0 : i32
    %scan3A_106 = arith.constant 5 : i32
    %scan3A_107 = arith.addi %scan3A_105, %scan3A_106 : i32
    %scan3A_108 = arith.constant 1 : i32
    %scan3A_109 = scf.for %scan3A_116 = %scan3A_105 to %scan3A_107 step %scan3A_108 iter_args(%scan3A_117 = %scan3A_104) -> (i32)  : i32 {
      %run_scoped3A_118 = arith.constant 2 : i32
      "tpu.region"() ({
        %run_scoped3A_127 = tpu.sem_alloc : memref<!tpu.dma_semaphore, #tpu.memory_space<semaphore_mem>>
        %dma_start3A = arith.constant 0 : i32
        %dma_start3A_128 = arith.constant 0 : i32
        %dma_start3A_129 = tpu.memref_slice %arg3[%add3A, %run_scoped3A_118, %scan3A_116, %dma_start3A, %dma_start3A_128] : memref<32x3x5x25x80xi32, #tpu.memory_space<hbm>> -> memref<1x1x1x25x80xi32, #tpu.memory_space<hbm>>
        %dma_start3A_130 = tpu.memref_squeeze %dma_start3A_129 : memref<1x1x1x25x80xi32, #tpu.memory_space<hbm>> -> memref<25x80xi32, #tpu.memory_space<hbm>>
        %dma_start3A_131 = arith.constant 0 : i32
        %dma_start3A_132 = arith.constant 0 : i32
        %dma_start3A_133 = tpu.memref_slice %arg3[%add3A, %run_scoped3A_118, %scan3A_116, %dma_start3A_131, %dma_start3A_132] : memref<32x3x5x25x80xi32, #tpu.memory_space<hbm>> -> memref<1x1x1x25x80xi32, #tpu.memory_space<hbm>>
        %dma_start3A_134 = tpu.memref_squeeze %dma_start3A_133 : memref<1x1x1x25x80xi32, #tpu.memory_space<hbm>> -> memref<25x80xi32, #tpu.memory_space<hbm>>
        tpu.enqueue_dma source(%dma_start3A_134 : memref<25x80xi32, #tpu.memory_space<hbm>>) target(%arg5 : memref<25x80xi32, #tpu.memory_space<vmem>>) target_semaphore(%run_scoped3A_127 : memref<!tpu.dma_semaphore, #tpu.memory_space<semaphore_mem>>)
        %dma_wait3A = arith.constant 0 : i32
        %dma_wait3A_135 = arith.constant 0 : i32
        %dma_wait3A_136 = tpu.memref_slice %arg3[%add3A, %run_scoped3A_118, %scan3A_116, %dma_wait3A, %dma_wait3A_135] : memref<32x3x5x25x80xi32, #tpu.memory_space<hbm>> -> memref<1x1x1x25x80xi32, #tpu.memory_space<hbm>>
        %dma_wait3A_137 = tpu.memref_squeeze %dma_wait3A_136 : memref<1x1x1x25x80xi32, #tpu.memory_space<hbm>> -> memref<25x80xi32, #tpu.memory_space<hbm>>
        %dma_wait3A_138 = arith.constant 0 : i32
        %dma_wait3A_139 = arith.constant 0 : i32
        %dma_wait3A_140 = tpu.memref_slice %arg3[%add3A, %run_scoped3A_118, %scan3A_116, %dma_wait3A_138, %dma_wait3A_139] : memref<32x3x5x25x80xi32, #tpu.memory_space<hbm>> -> memref<1x1x1x25x80xi32, #tpu.memory_space<hbm>>
        %dma_wait3A_141 = tpu.memref_squeeze %dma_wait3A_140 : memref<1x1x1x25x80xi32, #tpu.memory_space<hbm>> -> memref<25x80xi32, #tpu.memory_space<hbm>>
        tpu.wait_dma2 semaphore(%run_scoped3A_127 : memref<!tpu.dma_semaphore, #tpu.memory_space<semaphore_mem>>) src(%dma_wait3A_141 : memref<25x80xi32, #tpu.memory_space<hbm>>) dst(%arg5 : memref<25x80xi32, #tpu.memory_space<vmem>>)
        tpu.yield
      }) : () -> ()
      %scan3A_119 = arith.constant 0 : i32
      %scan3A_120 = arith.constant 0 : i32
      %scan3A_121 = arith.constant 25 : i32
      %scan3A_122 = arith.addi %scan3A_120, %scan3A_121 : i32
      %scan3A_123 = arith.constant 1 : i32
      %scan3A_124 = scf.for %scan3A_127 = %scan3A_120 to %scan3A_122 step %scan3A_123 iter_args(%scan3A_128 = %scan3A_119) -> (i32)  : i32 {
        "tpu.region"() ({
          %run_scoped3A_130 = tpu.sem_alloc : memref<!tpu.dma_semaphore, #tpu.memory_space<semaphore_mem>>
          %dma_start3A = arith.constant 0 : i32
          %dma_start3A_131 = tpu.memref_slice %arg5[%scan3A_127, %dma_start3A] : memref<25x80xi32, #tpu.memory_space<vmem>> -> memref<1x80xi32, #tpu.memory_space<vmem>>
          %dma_start3A_132 = tpu.memref_squeeze %dma_start3A_131 : memref<1x80xi32, #tpu.memory_space<vmem>> -> memref<80xi32, #tpu.memory_space<vmem>>
          %dma_start3A_133 = arith.constant 0 : i32
          %dma_start3A_134 = arith.constant 0 : i32
          %dma_start3A_135 = tpu.memref_slice %arg8[%dma_start3A_133, %dma_start3A_134] : memref<10240x128xf32, #tpu.memory_space<vmem_shared>> -> memref<10240x128xf32, #tpu.memory_space<vmem_shared>>
          tpu.enqueue_indirect_dma source(%arg6 : memref<80x128xf32, #tpu.memory_space<vmem>>) target(%dma_start3A_135 : memref<10240x128xf32, #tpu.memory_space<vmem_shared>>) offsets(%dma_start3A_132 : memref<80xi32, #tpu.memory_space<vmem>>) semaphore(%run_scoped3A_130 : memref<!tpu.dma_semaphore, #tpu.memory_space<semaphore_mem>>) {add = true}
          %dma_wait3A = arith.constant 0 : i32
          %dma_wait3A_136 = tpu.memref_slice %arg5[%scan3A_127, %dma_wait3A] : memref<25x80xi32, #tpu.memory_space<vmem>> -> memref<1x80xi32, #tpu.memory_space<vmem>>
          %dma_wait3A_137 = tpu.memref_squeeze %dma_wait3A_136 : memref<1x80xi32, #tpu.memory_space<vmem>> -> memref<80xi32, #tpu.memory_space<vmem>>
          %dma_wait3A_138 = arith.constant 0 : i32
          %dma_wait3A_139 = arith.constant 0 : i32
          %dma_wait3A_140 = tpu.memref_slice %arg8[%dma_wait3A_138, %dma_wait3A_139] : memref<10240x128xf32, #tpu.memory_space<vmem_shared>> -> memref<10240x128xf32, #tpu.memory_space<vmem_shared>>
          tpu.wait_indirect_dma semaphore(%run_scoped3A_130 : memref<!tpu.dma_semaphore, #tpu.memory_space<semaphore_mem>>) src(%arg6 : memref<80x128xf32, #tpu.memory_space<vmem>>) dst(%dma_wait3A_140 : memref<10240x128xf32, #tpu.memory_space<vmem_shared>>)
          tpu.yield
        }) : () -> ()
        %scan3A_129 = arith.constant 0 : i32
        scf.yield %scan3A_129 : i32
      }
      %scan3A_125 = arith.constant 25 : i32
      %scan3A_126 = arith.constant 0 : i32
      scf.yield %scan3A_126 : i32
    }
    %scan3A_110 = arith.constant 5 : i32
    %barrier3A_111 = arith.constant 0 : index
    tpu.barrier barrier_id(%barrier3A_111)
    %mul3A_112 = arith.constant 640 : i32
    %mul3A_113 = arith.muli %arg1, %mul3A_112 : i32
    %mul3A_114 = arith.constant 640 : i32
    %mul3A_115 = arith.muli %arg1, %mul3A_114 : i32
    "tpu.region"() ({
      %run_scoped3A_116 = tpu.sem_alloc : memref<!tpu.dma_semaphore, #tpu.memory_space<semaphore_mem>>
      %dma_start3A = arith.constant 0 : i32
      %dma_start3A_117 = tpu.memref_slice %arg4[%arg0, %mul3A_115, %dma_start3A] : memref<2x10240x128xf32, #tpu.memory_space<hbm>> -> memref<1x640x128xf32, #tpu.memory_space<hbm>>
      %dma_start3A_118 = tpu.memref_squeeze %dma_start3A_117 : memref<1x640x128xf32, #tpu.memory_space<hbm>> -> memref<640x128xf32, #tpu.memory_space<hbm>>
      %dma_start3A_119 = arith.constant 0 : i32
      %dma_start3A_120 = tpu.memref_slice %arg8[%mul3A_113, %dma_start3A_119] : memref<10240x128xf32, #tpu.memory_space<vmem_shared>> -> memref<640x128xf32, #tpu.memory_space<vmem_shared>>
      tpu.enqueue_dma source(%dma_start3A_120 : memref<640x128xf32, #tpu.memory_space<vmem_shared>>) target(%dma_start3A_118 : memref<640x128xf32, #tpu.memory_space<hbm>>) target_semaphore(%run_scoped3A_116 : memref<!tpu.dma_semaphore, #tpu.memory_space<semaphore_mem>>)
      %dma_wait3A = arith.constant 0 : i32
      %dma_wait3A_121 = tpu.memref_slice %arg4[%arg0, %mul3A_115, %dma_wait3A] : memref<2x10240x128xf32, #tpu.memory_space<hbm>> -> memref<1x640x128xf32, #tpu.memory_space<hbm>>
      %dma_wait3A_122 = tpu.memref_squeeze %dma_wait3A_121 : memref<1x640x128xf32, #tpu.memory_space<hbm>> -> memref<640x128xf32, #tpu.memory_space<hbm>>
      %dma_wait3A_123 = arith.constant 0 : i32
      %dma_wait3A_124 = tpu.memref_slice %arg8[%mul3A_113, %dma_wait3A_123] : memref<10240x128xf32, #tpu.memory_space<vmem_shared>> -> memref<640x128xf32, #tpu.memory_space<vmem_shared>>
      tpu.wait_dma2 semaphore(%run_scoped3A_116 : memref<!tpu.dma_semaphore, #tpu.memory_space<semaphore_mem>>) src(%dma_wait3A_124 : memref<640x128xf32, #tpu.memory_space<vmem_shared>>) dst(%dma_wait3A_122 : memref<640x128xf32, #tpu.memory_space<hbm>>)
      tpu.yield
    }) : () -> ()
    return
  }
}

#map = affine_map<(d0, d1) -> (0, 0)>
#map1 = affine_map<(d0, d1) -> (0, 0, 0)>
module attributes {stable_mosaic.version = 14 : i64} {
  func.func @agg(%arg0: i32, %arg1: i32, %arg2: memref<10000x128xf32, #tpu.memory_space<hbm>>, %arg3: memref<32x125x80xi32, #tpu.memory_space<hbm>>, %arg4: memref<32x125x80xi32, #tpu.memory_space<hbm>>, %arg5: memref<2x10240x128xf32, #tpu.memory_space<hbm>>, %arg6: memref<64x80xi32, #tpu.memory_space<vmem>>, %arg7: memref<64x80xi32, #tpu.memory_space<vmem>>, %arg8: memref<80x128xf32, #tpu.memory_space<vmem>>, %arg9: memref<80x128xf32, #tpu.memory_space<vmem>>, %arg10: memref<10240x128xf32, #tpu.memory_space<vmem_shared>>, %arg11: memref<!tpu.dma_semaphore, #tpu.memory_space<semaphore_mem>>, %arg12: memref<!tpu.dma_semaphore, #tpu.memory_space<semaphore_mem>>) attributes {dimension_semantics = [#tpu.dimension_semantics<core_parallel>, #tpu.dimension_semantics<subcore_parallel>], iteration_bounds = array<i64: 2, 16>, scalar_prefetch = 0 : i64, scratch_operands = 7 : i64, tpu.core_type = #tpu.core_type<sc_vector_subcore>, window_params = [{transform_indices = #map}, {transform_indices = #map1}, {transform_indices = #map1}, {transform_indices = #map1}]} {
    %mul3A = arith.constant 16 : i32
    %mul3A_0 = arith.muli %arg0, %mul3A : i32
    %add3A = arith.addi %mul3A_0, %arg1 : i32
    %broadcast_in_dim3A = arith.constant 0.000000e+00 : f32
    %broadcast_in_dim3A_1 = vector.broadcast %broadcast_in_dim3A : f32 to vector<16xf32>
    %scan3A = arith.constant 0 : i32
    %scan3A_2 = arith.constant 0 : i32
    %scan3A_3 = arith.constant 32 : i32
    %scan3A_4 = arith.addi %scan3A_2, %scan3A_3 : i32
    %scan3A_5 = arith.constant 1 : i32
    %scan3A_6 = scf.for %scan3A_149 = %scan3A_2 to %scan3A_4 step %scan3A_5 iter_args(%scan3A_150 = %scan3A) -> (i32)  : i32 {
      %scan3A_151 = arith.constant 0 : i32
      %scan3A_152 = arith.constant 0 : i32
      %scan3A_153 = arith.constant 8 : i32
      %scan3A_154 = arith.addi %scan3A_152, %scan3A_153 : i32
      %scan3A_155 = arith.constant 1 : i32
      %scan3A_156 = scf.for %scan3A_158 = %scan3A_152 to %scan3A_154 step %scan3A_155 iter_args(%scan3A_159 = %scan3A_151) -> (i32)  : i32 {
        %mul3A_160 = arith.constant 16 : i32
        %mul3A_161 = arith.muli %scan3A_158, %mul3A_160 : i32
        %swap3A = arith.index_cast %scan3A_149 : i32 to index
        %swap3A_162 = arith.index_cast %mul3A_161 : i32 to index
        %swap3A_163 = tpu.vector_load %arg8[%swap3A, %swap3A_162] {strides = array<i32>} : memref<80x128xf32, #tpu.memory_space<vmem>>, vector<1x16xf32>,
        %swap3A_164 = vector.shape_cast %swap3A_163 : vector<1x16xf32> to vector<16xf32>
        %swap3A_165 = vector.shape_cast %broadcast_in_dim3A_1 : vector<16xf32> to vector<1x16xf32>
        tpu.vector_store %arg8[%swap3A, %swap3A_162], %swap3A_165 {strides = array<i32>} : memref<80x128xf32, #tpu.memory_space<vmem>>, vector<1x16xf32>,
        %scan3A_166 = arith.constant 0 : i32
        scf.yield %scan3A_166 : i32
      }
      %scan3A_157 = arith.constant 8 : i32
      scf.yield %scan3A_156 : i32
    }
    %scan3A_7 = arith.constant 32 : i32
    %mul3A_8 = arith.constant 640 : i32
    %mul3A_9 = arith.muli %arg1, %mul3A_8 : i32
    %add3A_10 = arith.constant 0 : i32
    %add3A_11 = arith.addi %mul3A_9, %add3A_10 : i32
    "tpu.region"() ({
      %run_scoped3A_149 = tpu.sem_alloc : memref<!tpu.dma_semaphore, #tpu.memory_space<semaphore_mem>>
      %dma_start3A_150 = arith.constant 0 : i32
      %dma_start3A_151 = arith.constant 0 : i32
      %dma_start3A_152 = tpu.memref_slice %arg8[%dma_start3A_150, %dma_start3A_151] : memref<80x128xf32, #tpu.memory_space<vmem>> -> memref<32x128xf32, #tpu.memory_space<vmem>>
      %dma_start3A_153 = arith.constant 0 : i32
      %dma_start3A_154 = tpu.memref_slice %arg10[%add3A_11, %dma_start3A_153] : memref<10240x128xf32, #tpu.memory_space<vmem_shared>> -> memref<32x128xf32, #tpu.memory_space<vmem_shared>>
      %dma_start3A_155 = arith.constant 0 : i32
      %dma_start3A_156 = tpu.memref_slice %arg10[%add3A_11, %dma_start3A_155] : memref<10240x128xf32, #tpu.memory_space<vmem_shared>> -> memref<32x128xf32, #tpu.memory_space<vmem_shared>>
      %dma_start3A_157 = arith.constant 0 : i32
      %dma_start3A_158 = arith.constant 0 : i32
      %dma_start3A_159 = tpu.memref_slice %arg8[%dma_start3A_157, %dma_start3A_158] : memref<80x128xf32, #tpu.memory_space<vmem>> -> memref<32x128xf32, #tpu.memory_space<vmem>>
      tpu.enqueue_dma source(%dma_start3A_159 : memref<32x128xf32, #tpu.memory_space<vmem>>) target(%dma_start3A_156 : memref<32x128xf32, #tpu.memory_space<vmem_shared>>) target_semaphore(%run_scoped3A_149 : memref<!tpu.dma_semaphore, #tpu.memory_space<semaphore_mem>>)
      %dma_wait3A_160 = arith.constant 0 : i32
      %dma_wait3A_161 = arith.constant 0 : i32
      %dma_wait3A_162 = tpu.memref_slice %arg8[%dma_wait3A_160, %dma_wait3A_161] : memref<80x128xf32, #tpu.memory_space<vmem>> -> memref<32x128xf32, #tpu.memory_space<vmem>>
      %dma_wait3A_163 = arith.constant 0 : i32
      %dma_wait3A_164 = tpu.memref_slice %arg10[%add3A_11, %dma_wait3A_163] : memref<10240x128xf32, #tpu.memory_space<vmem_shared>> -> memref<32x128xf32, #tpu.memory_space<vmem_shared>>
      %dma_wait3A_165 = arith.constant 0 : i32
      %dma_wait3A_166 = tpu.memref_slice %arg10[%add3A_11, %dma_wait3A_165] : memref<10240x128xf32, #tpu.memory_space<vmem_shared>> -> memref<32x128xf32, #tpu.memory_space<vmem_shared>>
      %dma_wait3A_167 = arith.constant 0 : i32
      %dma_wait3A_168 = arith.constant 0 : i32
      %dma_wait3A_169 = tpu.memref_slice %arg8[%dma_wait3A_167, %dma_wait3A_168] : memref<80x128xf32, #tpu.memory_space<vmem>> -> memref<32x128xf32, #tpu.memory_space<vmem>>
      tpu.wait_dma2 semaphore(%run_scoped3A_149 : memref<!tpu.dma_semaphore, #tpu.memory_space<semaphore_mem>>) src(%dma_wait3A_169 : memref<32x128xf32, #tpu.memory_space<vmem>>) dst(%dma_wait3A_166 : memref<32x128xf32, #tpu.memory_space<vmem_shared>>)
      tpu.yield
    }) : () -> ()
    %mul3A_12 = arith.constant 640 : i32
    %mul3A_13 = arith.muli %arg1, %mul3A_12 : i32
    %add3A_14 = arith.constant 32 : i32
    %add3A_15 = arith.addi %mul3A_13, %add3A_14 : i32
    "tpu.region"() ({
      %run_scoped3A_149 = tpu.sem_alloc : memref<!tpu.dma_semaphore, #tpu.memory_space<semaphore_mem>>
      %dma_start3A_150 = arith.constant 0 : i32
      %dma_start3A_151 = arith.constant 0 : i32
      %dma_start3A_152 = tpu.memref_slice %arg8[%dma_start3A_150, %dma_start3A_151] : memref<80x128xf32, #tpu.memory_space<vmem>> -> memref<32x128xf32, #tpu.memory_space<vmem>>
      %dma_start3A_153 = arith.constant 0 : i32
      %dma_start3A_154 = tpu.memref_slice %arg10[%add3A_15, %dma_start3A_153] : memref<10240x128xf32, #tpu.memory_space<vmem_shared>> -> memref<32x128xf32, #tpu.memory_space<vmem_shared>>
      %dma_start3A_155 = arith.constant 0 : i32
      %dma_start3A_156 = tpu.memref_slice %arg10[%add3A_15, %dma_start3A_155] : memref<10240x128xf32, #tpu.memory_space<vmem_shared>> -> memref<32x128xf32, #tpu.memory_space<vmem_shared>>
      %dma_start3A_157 = arith.constant 0 : i32
      %dma_start3A_158 = arith.constant 0 : i32
      %dma_start3A_159 = tpu.memref_slice %arg8[%dma_start3A_157, %dma_start3A_158] : memref<80x128xf32, #tpu.memory_space<vmem>> -> memref<32x128xf32, #tpu.memory_space<vmem>>
      tpu.enqueue_dma source(%dma_start3A_159 : memref<32x128xf32, #tpu.memory_space<vmem>>) target(%dma_start3A_156 : memref<32x128xf32, #tpu.memory_space<vmem_shared>>) target_semaphore(%run_scoped3A_149 : memref<!tpu.dma_semaphore, #tpu.memory_space<semaphore_mem>>)
      %dma_wait3A_160 = arith.constant 0 : i32
      %dma_wait3A_161 = arith.constant 0 : i32
      %dma_wait3A_162 = tpu.memref_slice %arg8[%dma_wait3A_160, %dma_wait3A_161] : memref<80x128xf32, #tpu.memory_space<vmem>> -> memref<32x128xf32, #tpu.memory_space<vmem>>
      %dma_wait3A_163 = arith.constant 0 : i32
      %dma_wait3A_164 = tpu.memref_slice %arg10[%add3A_15, %dma_wait3A_163] : memref<10240x128xf32, #tpu.memory_space<vmem_shared>> -> memref<32x128xf32, #tpu.memory_space<vmem_shared>>
      %dma_wait3A_165 = arith.constant 0 : i32
      %dma_wait3A_166 = tpu.memref_slice %arg10[%add3A_15, %dma_wait3A_165] : memref<10240x128xf32, #tpu.memory_space<vmem_shared>> -> memref<32x128xf32, #tpu.memory_space<vmem_shared>>
      %dma_wait3A_167 = arith.constant 0 : i32
      %dma_wait3A_168 = arith.constant 0 : i32
      %dma_wait3A_169 = tpu.memref_slice %arg8[%dma_wait3A_167, %dma_wait3A_168] : memref<80x128xf32, #tpu.memory_space<vmem>> -> memref<32x128xf32, #tpu.memory_space<vmem>>
      tpu.wait_dma2 semaphore(%run_scoped3A_149 : memref<!tpu.dma_semaphore, #tpu.memory_space<semaphore_mem>>) src(%dma_wait3A_169 : memref<32x128xf32, #tpu.memory_space<vmem>>) dst(%dma_wait3A_166 : memref<32x128xf32, #tpu.memory_space<vmem_shared>>)
      tpu.yield
    }) : () -> ()
    %mul3A_16 = arith.constant 640 : i32
    %mul3A_17 = arith.muli %arg1, %mul3A_16 : i32
    %add3A_18 = arith.constant 64 : i32
    %add3A_19 = arith.addi %mul3A_17, %add3A_18 : i32
    "tpu.region"() ({
      %run_scoped3A_149 = tpu.sem_alloc : memref<!tpu.dma_semaphore, #tpu.memory_space<semaphore_mem>>
      %dma_start3A_150 = arith.constant 0 : i32
      %dma_start3A_151 = arith.constant 0 : i32
      %dma_start3A_152 = tpu.memref_slice %arg8[%dma_start3A_150, %dma_start3A_151] : memref<80x128xf32, #tpu.memory_space<vmem>> -> memref<32x128xf32, #tpu.memory_space<vmem>>
      %dma_start3A_153 = arith.constant 0 : i32
      %dma_start3A_154 = tpu.memref_slice %arg10[%add3A_19, %dma_start3A_153] : memref<10240x128xf32, #tpu.memory_space<vmem_shared>> -> memref<32x128xf32, #tpu.memory_space<vmem_shared>>
      %dma_start3A_155 = arith.constant 0 : i32
      %dma_start3A_156 = tpu.memref_slice %arg10[%add3A_19, %dma_start3A_155] : memref<10240x128xf32, #tpu.memory_space<vmem_shared>> -> memref<32x128xf32, #tpu.memory_space<vmem_shared>>
      %dma_start3A_157 = arith.constant 0 : i32
      %dma_start3A_158 = arith.constant 0 : i32
      %dma_start3A_159 = tpu.memref_slice %arg8[%dma_start3A_157, %dma_start3A_158] : memref<80x128xf32, #tpu.memory_space<vmem>> -> memref<32x128xf32, #tpu.memory_space<vmem>>
      tpu.enqueue_dma source(%dma_start3A_159 : memref<32x128xf32, #tpu.memory_space<vmem>>) target(%dma_start3A_156 : memref<32x128xf32, #tpu.memory_space<vmem_shared>>) target_semaphore(%run_scoped3A_149 : memref<!tpu.dma_semaphore, #tpu.memory_space<semaphore_mem>>)
      %dma_wait3A_160 = arith.constant 0 : i32
      %dma_wait3A_161 = arith.constant 0 : i32
      %dma_wait3A_162 = tpu.memref_slice %arg8[%dma_wait3A_160, %dma_wait3A_161] : memref<80x128xf32, #tpu.memory_space<vmem>> -> memref<32x128xf32, #tpu.memory_space<vmem>>
      %dma_wait3A_163 = arith.constant 0 : i32
      %dma_wait3A_164 = tpu.memref_slice %arg10[%add3A_19, %dma_wait3A_163] : memref<10240x128xf32, #tpu.memory_space<vmem_shared>> -> memref<32x128xf32, #tpu.memory_space<vmem_shared>>
      %dma_wait3A_165 = arith.constant 0 : i32
      %dma_wait3A_166 = tpu.memref_slice %arg10[%add3A_19, %dma_wait3A_165] : memref<10240x128xf32, #tpu.memory_space<vmem_shared>> -> memref<32x128xf32, #tpu.memory_space<vmem_shared>>
      %dma_wait3A_167 = arith.constant 0 : i32
      %dma_wait3A_168 = arith.constant 0 : i32
      %dma_wait3A_169 = tpu.memref_slice %arg8[%dma_wait3A_167, %dma_wait3A_168] : memref<80x128xf32, #tpu.memory_space<vmem>> -> memref<32x128xf32, #tpu.memory_space<vmem>>
      tpu.wait_dma2 semaphore(%run_scoped3A_149 : memref<!tpu.dma_semaphore, #tpu.memory_space<semaphore_mem>>) src(%dma_wait3A_169 : memref<32x128xf32, #tpu.memory_space<vmem>>) dst(%dma_wait3A_166 : memref<32x128xf32, #tpu.memory_space<vmem_shared>>)
      tpu.yield
    }) : () -> ()
    %mul3A_20 = arith.constant 640 : i32
    %mul3A_21 = arith.muli %arg1, %mul3A_20 : i32
    %add3A_22 = arith.constant 96 : i32
    %add3A_23 = arith.addi %mul3A_21, %add3A_22 : i32
    "tpu.region"() ({
      %run_scoped3A_149 = tpu.sem_alloc : memref<!tpu.dma_semaphore, #tpu.memory_space<semaphore_mem>>
      %dma_start3A_150 = arith.constant 0 : i32
      %dma_start3A_151 = arith.constant 0 : i32
      %dma_start3A_152 = tpu.memref_slice %arg8[%dma_start3A_150, %dma_start3A_151] : memref<80x128xf32, #tpu.memory_space<vmem>> -> memref<32x128xf32, #tpu.memory_space<vmem>>
      %dma_start3A_153 = arith.constant 0 : i32
      %dma_start3A_154 = tpu.memref_slice %arg10[%add3A_23, %dma_start3A_153] : memref<10240x128xf32, #tpu.memory_space<vmem_shared>> -> memref<32x128xf32, #tpu.memory_space<vmem_shared>>
      %dma_start3A_155 = arith.constant 0 : i32
      %dma_start3A_156 = tpu.memref_slice %arg10[%add3A_23, %dma_start3A_155] : memref<10240x128xf32, #tpu.memory_space<vmem_shared>> -> memref<32x128xf32, #tpu.memory_space<vmem_shared>>
      %dma_start3A_157 = arith.constant 0 : i32
      %dma_start3A_158 = arith.constant 0 : i32
      %dma_start3A_159 = tpu.memref_slice %arg8[%dma_start3A_157, %dma_start3A_158] : memref<80x128xf32, #tpu.memory_space<vmem>> -> memref<32x128xf32, #tpu.memory_space<vmem>>
      tpu.enqueue_dma source(%dma_start3A_159 : memref<32x128xf32, #tpu.memory_space<vmem>>) target(%dma_start3A_156 : memref<32x128xf32, #tpu.memory_space<vmem_shared>>) target_semaphore(%run_scoped3A_149 : memref<!tpu.dma_semaphore, #tpu.memory_space<semaphore_mem>>)
      %dma_wait3A_160 = arith.constant 0 : i32
      %dma_wait3A_161 = arith.constant 0 : i32
      %dma_wait3A_162 = tpu.memref_slice %arg8[%dma_wait3A_160, %dma_wait3A_161] : memref<80x128xf32, #tpu.memory_space<vmem>> -> memref<32x128xf32, #tpu.memory_space<vmem>>
      %dma_wait3A_163 = arith.constant 0 : i32
      %dma_wait3A_164 = tpu.memref_slice %arg10[%add3A_23, %dma_wait3A_163] : memref<10240x128xf32, #tpu.memory_space<vmem_shared>> -> memref<32x128xf32, #tpu.memory_space<vmem_shared>>
      %dma_wait3A_165 = arith.constant 0 : i32
      %dma_wait3A_166 = tpu.memref_slice %arg10[%add3A_23, %dma_wait3A_165] : memref<10240x128xf32, #tpu.memory_space<vmem_shared>> -> memref<32x128xf32, #tpu.memory_space<vmem_shared>>
      %dma_wait3A_167 = arith.constant 0 : i32
      %dma_wait3A_168 = arith.constant 0 : i32
      %dma_wait3A_169 = tpu.memref_slice %arg8[%dma_wait3A_167, %dma_wait3A_168] : memref<80x128xf32, #tpu.memory_space<vmem>> -> memref<32x128xf32, #tpu.memory_space<vmem>>
      tpu.wait_dma2 semaphore(%run_scoped3A_149 : memref<!tpu.dma_semaphore, #tpu.memory_space<semaphore_mem>>) src(%dma_wait3A_169 : memref<32x128xf32, #tpu.memory_space<vmem>>) dst(%dma_wait3A_166 : memref<32x128xf32, #tpu.memory_space<vmem_shared>>)
      tpu.yield
    }) : () -> ()
    %mul3A_24 = arith.constant 640 : i32
    %mul3A_25 = arith.muli %arg1, %mul3A_24 : i32
    %add3A_26 = arith.constant 128 : i32
    %add3A_27 = arith.addi %mul3A_25, %add3A_26 : i32
    "tpu.region"() ({
      %run_scoped3A_149 = tpu.sem_alloc : memref<!tpu.dma_semaphore, #tpu.memory_space<semaphore_mem>>
      %dma_start3A_150 = arith.constant 0 : i32
      %dma_start3A_151 = arith.constant 0 : i32
      %dma_start3A_152 = tpu.memref_slice %arg8[%dma_start3A_150, %dma_start3A_151] : memref<80x128xf32, #tpu.memory_space<vmem>> -> memref<32x128xf32, #tpu.memory_space<vmem>>
      %dma_start3A_153 = arith.constant 0 : i32
      %dma_start3A_154 = tpu.memref_slice %arg10[%add3A_27, %dma_start3A_153] : memref<10240x128xf32, #tpu.memory_space<vmem_shared>> -> memref<32x128xf32, #tpu.memory_space<vmem_shared>>
      %dma_start3A_155 = arith.constant 0 : i32
      %dma_start3A_156 = tpu.memref_slice %arg10[%add3A_27, %dma_start3A_155] : memref<10240x128xf32, #tpu.memory_space<vmem_shared>> -> memref<32x128xf32, #tpu.memory_space<vmem_shared>>
      %dma_start3A_157 = arith.constant 0 : i32
      %dma_start3A_158 = arith.constant 0 : i32
      %dma_start3A_159 = tpu.memref_slice %arg8[%dma_start3A_157, %dma_start3A_158] : memref<80x128xf32, #tpu.memory_space<vmem>> -> memref<32x128xf32, #tpu.memory_space<vmem>>
      tpu.enqueue_dma source(%dma_start3A_159 : memref<32x128xf32, #tpu.memory_space<vmem>>) target(%dma_start3A_156 : memref<32x128xf32, #tpu.memory_space<vmem_shared>>) target_semaphore(%run_scoped3A_149 : memref<!tpu.dma_semaphore, #tpu.memory_space<semaphore_mem>>)
      %dma_wait3A_160 = arith.constant 0 : i32
      %dma_wait3A_161 = arith.constant 0 : i32
      %dma_wait3A_162 = tpu.memref_slice %arg8[%dma_wait3A_160, %dma_wait3A_161] : memref<80x128xf32, #tpu.memory_space<vmem>> -> memref<32x128xf32, #tpu.memory_space<vmem>>
      %dma_wait3A_163 = arith.constant 0 : i32
      %dma_wait3A_164 = tpu.memref_slice %arg10[%add3A_27, %dma_wait3A_163] : memref<10240x128xf32, #tpu.memory_space<vmem_shared>> -> memref<32x128xf32, #tpu.memory_space<vmem_shared>>
      %dma_wait3A_165 = arith.constant 0 : i32
      %dma_wait3A_166 = tpu.memref_slice %arg10[%add3A_27, %dma_wait3A_165] : memref<10240x128xf32, #tpu.memory_space<vmem_shared>> -> memref<32x128xf32, #tpu.memory_space<vmem_shared>>
      %dma_wait3A_167 = arith.constant 0 : i32
      %dma_wait3A_168 = arith.constant 0 : i32
      %dma_wait3A_169 = tpu.memref_slice %arg8[%dma_wait3A_167, %dma_wait3A_168] : memref<80x128xf32, #tpu.memory_space<vmem>> -> memref<32x128xf32, #tpu.memory_space<vmem>>
      tpu.wait_dma2 semaphore(%run_scoped3A_149 : memref<!tpu.dma_semaphore, #tpu.memory_space<semaphore_mem>>) src(%dma_wait3A_169 : memref<32x128xf32, #tpu.memory_space<vmem>>) dst(%dma_wait3A_166 : memref<32x128xf32, #tpu.memory_space<vmem_shared>>)
      tpu.yield
    }) : () -> ()
    %mul3A_28 = arith.constant 640 : i32
    %mul3A_29 = arith.muli %arg1, %mul3A_28 : i32
    %add3A_30 = arith.constant 160 : i32
    %add3A_31 = arith.addi %mul3A_29, %add3A_30 : i32
    "tpu.region"() ({
      %run_scoped3A_149 = tpu.sem_alloc : memref<!tpu.dma_semaphore, #tpu.memory_space<semaphore_mem>>
      %dma_start3A_150 = arith.constant 0 : i32
      %dma_start3A_151 = arith.constant 0 : i32
      %dma_start3A_152 = tpu.memref_slice %arg8[%dma_start3A_150, %dma_start3A_151] : memref<80x128xf32, #tpu.memory_space<vmem>> -> memref<32x128xf32, #tpu.memory_space<vmem>>
      %dma_start3A_153 = arith.constant 0 : i32
      %dma_start3A_154 = tpu.memref_slice %arg10[%add3A_31, %dma_start3A_153] : memref<10240x128xf32, #tpu.memory_space<vmem_shared>> -> memref<32x128xf32, #tpu.memory_space<vmem_shared>>
      %dma_start3A_155 = arith.constant 0 : i32
      %dma_start3A_156 = tpu.memref_slice %arg10[%add3A_31, %dma_start3A_155] : memref<10240x128xf32, #tpu.memory_space<vmem_shared>> -> memref<32x128xf32, #tpu.memory_space<vmem_shared>>
      %dma_start3A_157 = arith.constant 0 : i32
      %dma_start3A_158 = arith.constant 0 : i32
      %dma_start3A_159 = tpu.memref_slice %arg8[%dma_start3A_157, %dma_start3A_158] : memref<80x128xf32, #tpu.memory_space<vmem>> -> memref<32x128xf32, #tpu.memory_space<vmem>>
      tpu.enqueue_dma source(%dma_start3A_159 : memref<32x128xf32, #tpu.memory_space<vmem>>) target(%dma_start3A_156 : memref<32x128xf32, #tpu.memory_space<vmem_shared>>) target_semaphore(%run_scoped3A_149 : memref<!tpu.dma_semaphore, #tpu.memory_space<semaphore_mem>>)
      %dma_wait3A_160 = arith.constant 0 : i32
      %dma_wait3A_161 = arith.constant 0 : i32
      %dma_wait3A_162 = tpu.memref_slice %arg8[%dma_wait3A_160, %dma_wait3A_161] : memref<80x128xf32, #tpu.memory_space<vmem>> -> memref<32x128xf32, #tpu.memory_space<vmem>>
      %dma_wait3A_163 = arith.constant 0 : i32
      %dma_wait3A_164 = tpu.memref_slice %arg10[%add3A_31, %dma_wait3A_163] : memref<10240x128xf32, #tpu.memory_space<vmem_shared>> -> memref<32x128xf32, #tpu.memory_space<vmem_shared>>
      %dma_wait3A_165 = arith.constant 0 : i32
      %dma_wait3A_166 = tpu.memref_slice %arg10[%add3A_31, %dma_wait3A_165] : memref<10240x128xf32, #tpu.memory_space<vmem_shared>> -> memref<32x128xf32, #tpu.memory_space<vmem_shared>>
      %dma_wait3A_167 = arith.constant 0 : i32
      %dma_wait3A_168 = arith.constant 0 : i32
      %dma_wait3A_169 = tpu.memref_slice %arg8[%dma_wait3A_167, %dma_wait3A_168] : memref<80x128xf32, #tpu.memory_space<vmem>> -> memref<32x128xf32, #tpu.memory_space<vmem>>
      tpu.wait_dma2 semaphore(%run_scoped3A_149 : memref<!tpu.dma_semaphore, #tpu.memory_space<semaphore_mem>>) src(%dma_wait3A_169 : memref<32x128xf32, #tpu.memory_space<vmem>>) dst(%dma_wait3A_166 : memref<32x128xf32, #tpu.memory_space<vmem_shared>>)
      tpu.yield
    }) : () -> ()
    %mul3A_32 = arith.constant 640 : i32
    %mul3A_33 = arith.muli %arg1, %mul3A_32 : i32
    %add3A_34 = arith.constant 192 : i32
    %add3A_35 = arith.addi %mul3A_33, %add3A_34 : i32
    "tpu.region"() ({
      %run_scoped3A_149 = tpu.sem_alloc : memref<!tpu.dma_semaphore, #tpu.memory_space<semaphore_mem>>
      %dma_start3A_150 = arith.constant 0 : i32
      %dma_start3A_151 = arith.constant 0 : i32
      %dma_start3A_152 = tpu.memref_slice %arg8[%dma_start3A_150, %dma_start3A_151] : memref<80x128xf32, #tpu.memory_space<vmem>> -> memref<32x128xf32, #tpu.memory_space<vmem>>
      %dma_start3A_153 = arith.constant 0 : i32
      %dma_start3A_154 = tpu.memref_slice %arg10[%add3A_35, %dma_start3A_153] : memref<10240x128xf32, #tpu.memory_space<vmem_shared>> -> memref<32x128xf32, #tpu.memory_space<vmem_shared>>
      %dma_start3A_155 = arith.constant 0 : i32
      %dma_start3A_156 = tpu.memref_slice %arg10[%add3A_35, %dma_start3A_155] : memref<10240x128xf32, #tpu.memory_space<vmem_shared>> -> memref<32x128xf32, #tpu.memory_space<vmem_shared>>
      %dma_start3A_157 = arith.constant 0 : i32
      %dma_start3A_158 = arith.constant 0 : i32
      %dma_start3A_159 = tpu.memref_slice %arg8[%dma_start3A_157, %dma_start3A_158] : memref<80x128xf32, #tpu.memory_space<vmem>> -> memref<32x128xf32, #tpu.memory_space<vmem>>
      tpu.enqueue_dma source(%dma_start3A_159 : memref<32x128xf32, #tpu.memory_space<vmem>>) target(%dma_start3A_156 : memref<32x128xf32, #tpu.memory_space<vmem_shared>>) target_semaphore(%run_scoped3A_149 : memref<!tpu.dma_semaphore, #tpu.memory_space<semaphore_mem>>)
      %dma_wait3A_160 = arith.constant 0 : i32
      %dma_wait3A_161 = arith.constant 0 : i32
      %dma_wait3A_162 = tpu.memref_slice %arg8[%dma_wait3A_160, %dma_wait3A_161] : memref<80x128xf32, #tpu.memory_space<vmem>> -> memref<32x128xf32, #tpu.memory_space<vmem>>
      %dma_wait3A_163 = arith.constant 0 : i32
      %dma_wait3A_164 = tpu.memref_slice %arg10[%add3A_35, %dma_wait3A_163] : memref<10240x128xf32, #tpu.memory_space<vmem_shared>> -> memref<32x128xf32, #tpu.memory_space<vmem_shared>>
      %dma_wait3A_165 = arith.constant 0 : i32
      %dma_wait3A_166 = tpu.memref_slice %arg10[%add3A_35, %dma_wait3A_165] : memref<10240x128xf32, #tpu.memory_space<vmem_shared>> -> memref<32x128xf32, #tpu.memory_space<vmem_shared>>
      %dma_wait3A_167 = arith.constant 0 : i32
      %dma_wait3A_168 = arith.constant 0 : i32
      %dma_wait3A_169 = tpu.memref_slice %arg8[%dma_wait3A_167, %dma_wait3A_168] : memref<80x128xf32, #tpu.memory_space<vmem>> -> memref<32x128xf32, #tpu.memory_space<vmem>>
      tpu.wait_dma2 semaphore(%run_scoped3A_149 : memref<!tpu.dma_semaphore, #tpu.memory_space<semaphore_mem>>) src(%dma_wait3A_169 : memref<32x128xf32, #tpu.memory_space<vmem>>) dst(%dma_wait3A_166 : memref<32x128xf32, #tpu.memory_space<vmem_shared>>)
      tpu.yield
    }) : () -> ()
    %mul3A_36 = arith.constant 640 : i32
    %mul3A_37 = arith.muli %arg1, %mul3A_36 : i32
    %add3A_38 = arith.constant 224 : i32
    %add3A_39 = arith.addi %mul3A_37, %add3A_38 : i32
    "tpu.region"() ({
      %run_scoped3A_149 = tpu.sem_alloc : memref<!tpu.dma_semaphore, #tpu.memory_space<semaphore_mem>>
      %dma_start3A_150 = arith.constant 0 : i32
      %dma_start3A_151 = arith.constant 0 : i32
      %dma_start3A_152 = tpu.memref_slice %arg8[%dma_start3A_150, %dma_start3A_151] : memref<80x128xf32, #tpu.memory_space<vmem>> -> memref<32x128xf32, #tpu.memory_space<vmem>>
      %dma_start3A_153 = arith.constant 0 : i32
      %dma_start3A_154 = tpu.memref_slice %arg10[%add3A_39, %dma_start3A_153] : memref<10240x128xf32, #tpu.memory_space<vmem_shared>> -> memref<32x128xf32, #tpu.memory_space<vmem_shared>>
      %dma_start3A_155 = arith.constant 0 : i32
      %dma_start3A_156 = tpu.memref_slice %arg10[%add3A_39, %dma_start3A_155] : memref<10240x128xf32, #tpu.memory_space<vmem_shared>> -> memref<32x128xf32, #tpu.memory_space<vmem_shared>>
      %dma_start3A_157 = arith.constant 0 : i32
      %dma_start3A_158 = arith.constant 0 : i32
      %dma_start3A_159 = tpu.memref_slice %arg8[%dma_start3A_157, %dma_start3A_158] : memref<80x128xf32, #tpu.memory_space<vmem>> -> memref<32x128xf32, #tpu.memory_space<vmem>>
      tpu.enqueue_dma source(%dma_start3A_159 : memref<32x128xf32, #tpu.memory_space<vmem>>) target(%dma_start3A_156 : memref<32x128xf32, #tpu.memory_space<vmem_shared>>) target_semaphore(%run_scoped3A_149 : memref<!tpu.dma_semaphore, #tpu.memory_space<semaphore_mem>>)
      %dma_wait3A_160 = arith.constant 0 : i32
      %dma_wait3A_161 = arith.constant 0 : i32
      %dma_wait3A_162 = tpu.memref_slice %arg8[%dma_wait3A_160, %dma_wait3A_161] : memref<80x128xf32, #tpu.memory_space<vmem>> -> memref<32x128xf32, #tpu.memory_space<vmem>>
      %dma_wait3A_163 = arith.constant 0 : i32
      %dma_wait3A_164 = tpu.memref_slice %arg10[%add3A_39, %dma_wait3A_163] : memref<10240x128xf32, #tpu.memory_space<vmem_shared>> -> memref<32x128xf32, #tpu.memory_space<vmem_shared>>
      %dma_wait3A_165 = arith.constant 0 : i32
      %dma_wait3A_166 = tpu.memref_slice %arg10[%add3A_39, %dma_wait3A_165] : memref<10240x128xf32, #tpu.memory_space<vmem_shared>> -> memref<32x128xf32, #tpu.memory_space<vmem_shared>>
      %dma_wait3A_167 = arith.constant 0 : i32
      %dma_wait3A_168 = arith.constant 0 : i32
      %dma_wait3A_169 = tpu.memref_slice %arg8[%dma_wait3A_167, %dma_wait3A_168] : memref<80x128xf32, #tpu.memory_space<vmem>> -> memref<32x128xf32, #tpu.memory_space<vmem>>
      tpu.wait_dma2 semaphore(%run_scoped3A_149 : memref<!tpu.dma_semaphore, #tpu.memory_space<semaphore_mem>>) src(%dma_wait3A_169 : memref<32x128xf32, #tpu.memory_space<vmem>>) dst(%dma_wait3A_166 : memref<32x128xf32, #tpu.memory_space<vmem_shared>>)
      tpu.yield
    }) : () -> ()
    %mul3A_40 = arith.constant 640 : i32
    %mul3A_41 = arith.muli %arg1, %mul3A_40 : i32
    %add3A_42 = arith.constant 256 : i32
    %add3A_43 = arith.addi %mul3A_41, %add3A_42 : i32
    "tpu.region"() ({
      %run_scoped3A_149 = tpu.sem_alloc : memref<!tpu.dma_semaphore, #tpu.memory_space<semaphore_mem>>
      %dma_start3A_150 = arith.constant 0 : i32
      %dma_start3A_151 = arith.constant 0 : i32
      %dma_start3A_152 = tpu.memref_slice %arg8[%dma_start3A_150, %dma_start3A_151] : memref<80x128xf32, #tpu.memory_space<vmem>> -> memref<32x128xf32, #tpu.memory_space<vmem>>
      %dma_start3A_153 = arith.constant 0 : i32
      %dma_start3A_154 = tpu.memref_slice %arg10[%add3A_43, %dma_start3A_153] : memref<10240x128xf32, #tpu.memory_space<vmem_shared>> -> memref<32x128xf32, #tpu.memory_space<vmem_shared>>
      %dma_start3A_155 = arith.constant 0 : i32
      %dma_start3A_156 = tpu.memref_slice %arg10[%add3A_43, %dma_start3A_155] : memref<10240x128xf32, #tpu.memory_space<vmem_shared>> -> memref<32x128xf32, #tpu.memory_space<vmem_shared>>
      %dma_start3A_157 = arith.constant 0 : i32
      %dma_start3A_158 = arith.constant 0 : i32
      %dma_start3A_159 = tpu.memref_slice %arg8[%dma_start3A_157, %dma_start3A_158] : memref<80x128xf32, #tpu.memory_space<vmem>> -> memref<32x128xf32, #tpu.memory_space<vmem>>
      tpu.enqueue_dma source(%dma_start3A_159 : memref<32x128xf32, #tpu.memory_space<vmem>>) target(%dma_start3A_156 : memref<32x128xf32, #tpu.memory_space<vmem_shared>>) target_semaphore(%run_scoped3A_149 : memref<!tpu.dma_semaphore, #tpu.memory_space<semaphore_mem>>)
      %dma_wait3A_160 = arith.constant 0 : i32
      %dma_wait3A_161 = arith.constant 0 : i32
      %dma_wait3A_162 = tpu.memref_slice %arg8[%dma_wait3A_160, %dma_wait3A_161] : memref<80x128xf32, #tpu.memory_space<vmem>> -> memref<32x128xf32, #tpu.memory_space<vmem>>
      %dma_wait3A_163 = arith.constant 0 : i32
      %dma_wait3A_164 = tpu.memref_slice %arg10[%add3A_43, %dma_wait3A_163] : memref<10240x128xf32, #tpu.memory_space<vmem_shared>> -> memref<32x128xf32, #tpu.memory_space<vmem_shared>>
      %dma_wait3A_165 = arith.constant 0 : i32
      %dma_wait3A_166 = tpu.memref_slice %arg10[%add3A_43, %dma_wait3A_165] : memref<10240x128xf32, #tpu.memory_space<vmem_shared>> -> memref<32x128xf32, #tpu.memory_space<vmem_shared>>
      %dma_wait3A_167 = arith.constant 0 : i32
      %dma_wait3A_168 = arith.constant 0 : i32
      %dma_wait3A_169 = tpu.memref_slice %arg8[%dma_wait3A_167, %dma_wait3A_168] : memref<80x128xf32, #tpu.memory_space<vmem>> -> memref<32x128xf32, #tpu.memory_space<vmem>>
      tpu.wait_dma2 semaphore(%run_scoped3A_149 : memref<!tpu.dma_semaphore, #tpu.memory_space<semaphore_mem>>) src(%dma_wait3A_169 : memref<32x128xf32, #tpu.memory_space<vmem>>) dst(%dma_wait3A_166 : memref<32x128xf32, #tpu.memory_space<vmem_shared>>)
      tpu.yield
    }) : () -> ()
    %mul3A_44 = arith.constant 640 : i32
    %mul3A_45 = arith.muli %arg1, %mul3A_44 : i32
    %add3A_46 = arith.constant 288 : i32
    %add3A_47 = arith.addi %mul3A_45, %add3A_46 : i32
    "tpu.region"() ({
      %run_scoped3A_149 = tpu.sem_alloc : memref<!tpu.dma_semaphore, #tpu.memory_space<semaphore_mem>>
      %dma_start3A_150 = arith.constant 0 : i32
      %dma_start3A_151 = arith.constant 0 : i32
      %dma_start3A_152 = tpu.memref_slice %arg8[%dma_start3A_150, %dma_start3A_151] : memref<80x128xf32, #tpu.memory_space<vmem>> -> memref<32x128xf32, #tpu.memory_space<vmem>>
      %dma_start3A_153 = arith.constant 0 : i32
      %dma_start3A_154 = tpu.memref_slice %arg10[%add3A_47, %dma_start3A_153] : memref<10240x128xf32, #tpu.memory_space<vmem_shared>> -> memref<32x128xf32, #tpu.memory_space<vmem_shared>>
      %dma_start3A_155 = arith.constant 0 : i32
      %dma_start3A_156 = tpu.memref_slice %arg10[%add3A_47, %dma_start3A_155] : memref<10240x128xf32, #tpu.memory_space<vmem_shared>> -> memref<32x128xf32, #tpu.memory_space<vmem_shared>>
      %dma_start3A_157 = arith.constant 0 : i32
      %dma_start3A_158 = arith.constant 0 : i32
      %dma_start3A_159 = tpu.memref_slice %arg8[%dma_start3A_157, %dma_start3A_158] : memref<80x128xf32, #tpu.memory_space<vmem>> -> memref<32x128xf32, #tpu.memory_space<vmem>>
      tpu.enqueue_dma source(%dma_start3A_159 : memref<32x128xf32, #tpu.memory_space<vmem>>) target(%dma_start3A_156 : memref<32x128xf32, #tpu.memory_space<vmem_shared>>) target_semaphore(%run_scoped3A_149 : memref<!tpu.dma_semaphore, #tpu.memory_space<semaphore_mem>>)
      %dma_wait3A_160 = arith.constant 0 : i32
      %dma_wait3A_161 = arith.constant 0 : i32
      %dma_wait3A_162 = tpu.memref_slice %arg8[%dma_wait3A_160, %dma_wait3A_161] : memref<80x128xf32, #tpu.memory_space<vmem>> -> memref<32x128xf32, #tpu.memory_space<vmem>>
      %dma_wait3A_163 = arith.constant 0 : i32
      %dma_wait3A_164 = tpu.memref_slice %arg10[%add3A_47, %dma_wait3A_163] : memref<10240x128xf32, #tpu.memory_space<vmem_shared>> -> memref<32x128xf32, #tpu.memory_space<vmem_shared>>
      %dma_wait3A_165 = arith.constant 0 : i32
      %dma_wait3A_166 = tpu.memref_slice %arg10[%add3A_47, %dma_wait3A_165] : memref<10240x128xf32, #tpu.memory_space<vmem_shared>> -> memref<32x128xf32, #tpu.memory_space<vmem_shared>>
      %dma_wait3A_167 = arith.constant 0 : i32
      %dma_wait3A_168 = arith.constant 0 : i32
      %dma_wait3A_169 = tpu.memref_slice %arg8[%dma_wait3A_167, %dma_wait3A_168] : memref<80x128xf32, #tpu.memory_space<vmem>> -> memref<32x128xf32, #tpu.memory_space<vmem>>
      tpu.wait_dma2 semaphore(%run_scoped3A_149 : memref<!tpu.dma_semaphore, #tpu.memory_space<semaphore_mem>>) src(%dma_wait3A_169 : memref<32x128xf32, #tpu.memory_space<vmem>>) dst(%dma_wait3A_166 : memref<32x128xf32, #tpu.memory_space<vmem_shared>>)
      tpu.yield
    }) : () -> ()
    %mul3A_48 = arith.constant 640 : i32
    %mul3A_49 = arith.muli %arg1, %mul3A_48 : i32
    %add3A_50 = arith.constant 320 : i32
    %add3A_51 = arith.addi %mul3A_49, %add3A_50 : i32
    "tpu.region"() ({
      %run_scoped3A_149 = tpu.sem_alloc : memref<!tpu.dma_semaphore, #tpu.memory_space<semaphore_mem>>
      %dma_start3A_150 = arith.constant 0 : i32
      %dma_start3A_151 = arith.constant 0 : i32
      %dma_start3A_152 = tpu.memref_slice %arg8[%dma_start3A_150, %dma_start3A_151] : memref<80x128xf32, #tpu.memory_space<vmem>> -> memref<32x128xf32, #tpu.memory_space<vmem>>
      %dma_start3A_153 = arith.constant 0 : i32
      %dma_start3A_154 = tpu.memref_slice %arg10[%add3A_51, %dma_start3A_153] : memref<10240x128xf32, #tpu.memory_space<vmem_shared>> -> memref<32x128xf32, #tpu.memory_space<vmem_shared>>
      %dma_start3A_155 = arith.constant 0 : i32
      %dma_start3A_156 = tpu.memref_slice %arg10[%add3A_51, %dma_start3A_155] : memref<10240x128xf32, #tpu.memory_space<vmem_shared>> -> memref<32x128xf32, #tpu.memory_space<vmem_shared>>
      %dma_start3A_157 = arith.constant 0 : i32
      %dma_start3A_158 = arith.constant 0 : i32
      %dma_start3A_159 = tpu.memref_slice %arg8[%dma_start3A_157, %dma_start3A_158] : memref<80x128xf32, #tpu.memory_space<vmem>> -> memref<32x128xf32, #tpu.memory_space<vmem>>
      tpu.enqueue_dma source(%dma_start3A_159 : memref<32x128xf32, #tpu.memory_space<vmem>>) target(%dma_start3A_156 : memref<32x128xf32, #tpu.memory_space<vmem_shared>>) target_semaphore(%run_scoped3A_149 : memref<!tpu.dma_semaphore, #tpu.memory_space<semaphore_mem>>)
      %dma_wait3A_160 = arith.constant 0 : i32
      %dma_wait3A_161 = arith.constant 0 : i32
      %dma_wait3A_162 = tpu.memref_slice %arg8[%dma_wait3A_160, %dma_wait3A_161] : memref<80x128xf32, #tpu.memory_space<vmem>> -> memref<32x128xf32, #tpu.memory_space<vmem>>
      %dma_wait3A_163 = arith.constant 0 : i32
      %dma_wait3A_164 = tpu.memref_slice %arg10[%add3A_51, %dma_wait3A_163] : memref<10240x128xf32, #tpu.memory_space<vmem_shared>> -> memref<32x128xf32, #tpu.memory_space<vmem_shared>>
      %dma_wait3A_165 = arith.constant 0 : i32
      %dma_wait3A_166 = tpu.memref_slice %arg10[%add3A_51, %dma_wait3A_165] : memref<10240x128xf32, #tpu.memory_space<vmem_shared>> -> memref<32x128xf32, #tpu.memory_space<vmem_shared>>
      %dma_wait3A_167 = arith.constant 0 : i32
      %dma_wait3A_168 = arith.constant 0 : i32
      %dma_wait3A_169 = tpu.memref_slice %arg8[%dma_wait3A_167, %dma_wait3A_168] : memref<80x128xf32, #tpu.memory_space<vmem>> -> memref<32x128xf32, #tpu.memory_space<vmem>>
      tpu.wait_dma2 semaphore(%run_scoped3A_149 : memref<!tpu.dma_semaphore, #tpu.memory_space<semaphore_mem>>) src(%dma_wait3A_169 : memref<32x128xf32, #tpu.memory_space<vmem>>) dst(%dma_wait3A_166 : memref<32x128xf32, #tpu.memory_space<vmem_shared>>)
      tpu.yield
    }) : () -> ()
    %mul3A_52 = arith.constant 640 : i32
    %mul3A_53 = arith.muli %arg1, %mul3A_52 : i32
    %add3A_54 = arith.constant 352 : i32
    %add3A_55 = arith.addi %mul3A_53, %add3A_54 : i32
    "tpu.region"() ({
      %run_scoped3A_149 = tpu.sem_alloc : memref<!tpu.dma_semaphore, #tpu.memory_space<semaphore_mem>>
      %dma_start3A_150 = arith.constant 0 : i32
      %dma_start3A_151 = arith.constant 0 : i32
      %dma_start3A_152 = tpu.memref_slice %arg8[%dma_start3A_150, %dma_start3A_151] : memref<80x128xf32, #tpu.memory_space<vmem>> -> memref<32x128xf32, #tpu.memory_space<vmem>>
      %dma_start3A_153 = arith.constant 0 : i32
      %dma_start3A_154 = tpu.memref_slice %arg10[%add3A_55, %dma_start3A_153] : memref<10240x128xf32, #tpu.memory_space<vmem_shared>> -> memref<32x128xf32, #tpu.memory_space<vmem_shared>>
      %dma_start3A_155 = arith.constant 0 : i32
      %dma_start3A_156 = tpu.memref_slice %arg10[%add3A_55, %dma_start3A_155] : memref<10240x128xf32, #tpu.memory_space<vmem_shared>> -> memref<32x128xf32, #tpu.memory_space<vmem_shared>>
      %dma_start3A_157 = arith.constant 0 : i32
      %dma_start3A_158 = arith.constant 0 : i32
      %dma_start3A_159 = tpu.memref_slice %arg8[%dma_start3A_157, %dma_start3A_158] : memref<80x128xf32, #tpu.memory_space<vmem>> -> memref<32x128xf32, #tpu.memory_space<vmem>>
      tpu.enqueue_dma source(%dma_start3A_159 : memref<32x128xf32, #tpu.memory_space<vmem>>) target(%dma_start3A_156 : memref<32x128xf32, #tpu.memory_space<vmem_shared>>) target_semaphore(%run_scoped3A_149 : memref<!tpu.dma_semaphore, #tpu.memory_space<semaphore_mem>>)
      %dma_wait3A_160 = arith.constant 0 : i32
      %dma_wait3A_161 = arith.constant 0 : i32
      %dma_wait3A_162 = tpu.memref_slice %arg8[%dma_wait3A_160, %dma_wait3A_161] : memref<80x128xf32, #tpu.memory_space<vmem>> -> memref<32x128xf32, #tpu.memory_space<vmem>>
      %dma_wait3A_163 = arith.constant 0 : i32
      %dma_wait3A_164 = tpu.memref_slice %arg10[%add3A_55, %dma_wait3A_163] : memref<10240x128xf32, #tpu.memory_space<vmem_shared>> -> memref<32x128xf32, #tpu.memory_space<vmem_shared>>
      %dma_wait3A_165 = arith.constant 0 : i32
      %dma_wait3A_166 = tpu.memref_slice %arg10[%add3A_55, %dma_wait3A_165] : memref<10240x128xf32, #tpu.memory_space<vmem_shared>> -> memref<32x128xf32, #tpu.memory_space<vmem_shared>>
      %dma_wait3A_167 = arith.constant 0 : i32
      %dma_wait3A_168 = arith.constant 0 : i32
      %dma_wait3A_169 = tpu.memref_slice %arg8[%dma_wait3A_167, %dma_wait3A_168] : memref<80x128xf32, #tpu.memory_space<vmem>> -> memref<32x128xf32, #tpu.memory_space<vmem>>
      tpu.wait_dma2 semaphore(%run_scoped3A_149 : memref<!tpu.dma_semaphore, #tpu.memory_space<semaphore_mem>>) src(%dma_wait3A_169 : memref<32x128xf32, #tpu.memory_space<vmem>>) dst(%dma_wait3A_166 : memref<32x128xf32, #tpu.memory_space<vmem_shared>>)
      tpu.yield
    }) : () -> ()
    %mul3A_56 = arith.constant 640 : i32
    %mul3A_57 = arith.muli %arg1, %mul3A_56 : i32
    %add3A_58 = arith.constant 384 : i32
    %add3A_59 = arith.addi %mul3A_57, %add3A_58 : i32
    "tpu.region"() ({
      %run_scoped3A_149 = tpu.sem_alloc : memref<!tpu.dma_semaphore, #tpu.memory_space<semaphore_mem>>
      %dma_start3A_150 = arith.constant 0 : i32
      %dma_start3A_151 = arith.constant 0 : i32
      %dma_start3A_152 = tpu.memref_slice %arg8[%dma_start3A_150, %dma_start3A_151] : memref<80x128xf32, #tpu.memory_space<vmem>> -> memref<32x128xf32, #tpu.memory_space<vmem>>
      %dma_start3A_153 = arith.constant 0 : i32
      %dma_start3A_154 = tpu.memref_slice %arg10[%add3A_59, %dma_start3A_153] : memref<10240x128xf32, #tpu.memory_space<vmem_shared>> -> memref<32x128xf32, #tpu.memory_space<vmem_shared>>
      %dma_start3A_155 = arith.constant 0 : i32
      %dma_start3A_156 = tpu.memref_slice %arg10[%add3A_59, %dma_start3A_155] : memref<10240x128xf32, #tpu.memory_space<vmem_shared>> -> memref<32x128xf32, #tpu.memory_space<vmem_shared>>
      %dma_start3A_157 = arith.constant 0 : i32
      %dma_start3A_158 = arith.constant 0 : i32
      %dma_start3A_159 = tpu.memref_slice %arg8[%dma_start3A_157, %dma_start3A_158] : memref<80x128xf32, #tpu.memory_space<vmem>> -> memref<32x128xf32, #tpu.memory_space<vmem>>
      tpu.enqueue_dma source(%dma_start3A_159 : memref<32x128xf32, #tpu.memory_space<vmem>>) target(%dma_start3A_156 : memref<32x128xf32, #tpu.memory_space<vmem_shared>>) target_semaphore(%run_scoped3A_149 : memref<!tpu.dma_semaphore, #tpu.memory_space<semaphore_mem>>)
      %dma_wait3A_160 = arith.constant 0 : i32
      %dma_wait3A_161 = arith.constant 0 : i32
      %dma_wait3A_162 = tpu.memref_slice %arg8[%dma_wait3A_160, %dma_wait3A_161] : memref<80x128xf32, #tpu.memory_space<vmem>> -> memref<32x128xf32, #tpu.memory_space<vmem>>
      %dma_wait3A_163 = arith.constant 0 : i32
      %dma_wait3A_164 = tpu.memref_slice %arg10[%add3A_59, %dma_wait3A_163] : memref<10240x128xf32, #tpu.memory_space<vmem_shared>> -> memref<32x128xf32, #tpu.memory_space<vmem_shared>>
      %dma_wait3A_165 = arith.constant 0 : i32
      %dma_wait3A_166 = tpu.memref_slice %arg10[%add3A_59, %dma_wait3A_165] : memref<10240x128xf32, #tpu.memory_space<vmem_shared>> -> memref<32x128xf32, #tpu.memory_space<vmem_shared>>
      %dma_wait3A_167 = arith.constant 0 : i32
      %dma_wait3A_168 = arith.constant 0 : i32
      %dma_wait3A_169 = tpu.memref_slice %arg8[%dma_wait3A_167, %dma_wait3A_168] : memref<80x128xf32, #tpu.memory_space<vmem>> -> memref<32x128xf32, #tpu.memory_space<vmem>>
      tpu.wait_dma2 semaphore(%run_scoped3A_149 : memref<!tpu.dma_semaphore, #tpu.memory_space<semaphore_mem>>) src(%dma_wait3A_169 : memref<32x128xf32, #tpu.memory_space<vmem>>) dst(%dma_wait3A_166 : memref<32x128xf32, #tpu.memory_space<vmem_shared>>)
      tpu.yield
    }) : () -> ()
    %mul3A_60 = arith.constant 640 : i32
    %mul3A_61 = arith.muli %arg1, %mul3A_60 : i32
    %add3A_62 = arith.constant 416 : i32
    %add3A_63 = arith.addi %mul3A_61, %add3A_62 : i32
    "tpu.region"() ({
      %run_scoped3A_149 = tpu.sem_alloc : memref<!tpu.dma_semaphore, #tpu.memory_space<semaphore_mem>>
      %dma_start3A_150 = arith.constant 0 : i32
      %dma_start3A_151 = arith.constant 0 : i32
      %dma_start3A_152 = tpu.memref_slice %arg8[%dma_start3A_150, %dma_start3A_151] : memref<80x128xf32, #tpu.memory_space<vmem>> -> memref<32x128xf32, #tpu.memory_space<vmem>>
      %dma_start3A_153 = arith.constant 0 : i32
      %dma_start3A_154 = tpu.memref_slice %arg10[%add3A_63, %dma_start3A_153] : memref<10240x128xf32, #tpu.memory_space<vmem_shared>> -> memref<32x128xf32, #tpu.memory_space<vmem_shared>>
      %dma_start3A_155 = arith.constant 0 : i32
      %dma_start3A_156 = tpu.memref_slice %arg10[%add3A_63, %dma_start3A_155] : memref<10240x128xf32, #tpu.memory_space<vmem_shared>> -> memref<32x128xf32, #tpu.memory_space<vmem_shared>>
      %dma_start3A_157 = arith.constant 0 : i32
      %dma_start3A_158 = arith.constant 0 : i32
      %dma_start3A_159 = tpu.memref_slice %arg8[%dma_start3A_157, %dma_start3A_158] : memref<80x128xf32, #tpu.memory_space<vmem>> -> memref<32x128xf32, #tpu.memory_space<vmem>>
      tpu.enqueue_dma source(%dma_start3A_159 : memref<32x128xf32, #tpu.memory_space<vmem>>) target(%dma_start3A_156 : memref<32x128xf32, #tpu.memory_space<vmem_shared>>) target_semaphore(%run_scoped3A_149 : memref<!tpu.dma_semaphore, #tpu.memory_space<semaphore_mem>>)
      %dma_wait3A_160 = arith.constant 0 : i32
      %dma_wait3A_161 = arith.constant 0 : i32
      %dma_wait3A_162 = tpu.memref_slice %arg8[%dma_wait3A_160, %dma_wait3A_161] : memref<80x128xf32, #tpu.memory_space<vmem>> -> memref<32x128xf32, #tpu.memory_space<vmem>>
      %dma_wait3A_163 = arith.constant 0 : i32
      %dma_wait3A_164 = tpu.memref_slice %arg10[%add3A_63, %dma_wait3A_163] : memref<10240x128xf32, #tpu.memory_space<vmem_shared>> -> memref<32x128xf32, #tpu.memory_space<vmem_shared>>
      %dma_wait3A_165 = arith.constant 0 : i32
      %dma_wait3A_166 = tpu.memref_slice %arg10[%add3A_63, %dma_wait3A_165] : memref<10240x128xf32, #tpu.memory_space<vmem_shared>> -> memref<32x128xf32, #tpu.memory_space<vmem_shared>>
      %dma_wait3A_167 = arith.constant 0 : i32
      %dma_wait3A_168 = arith.constant 0 : i32
      %dma_wait3A_169 = tpu.memref_slice %arg8[%dma_wait3A_167, %dma_wait3A_168] : memref<80x128xf32, #tpu.memory_space<vmem>> -> memref<32x128xf32, #tpu.memory_space<vmem>>
      tpu.wait_dma2 semaphore(%run_scoped3A_149 : memref<!tpu.dma_semaphore, #tpu.memory_space<semaphore_mem>>) src(%dma_wait3A_169 : memref<32x128xf32, #tpu.memory_space<vmem>>) dst(%dma_wait3A_166 : memref<32x128xf32, #tpu.memory_space<vmem_shared>>)
      tpu.yield
    }) : () -> ()
    %mul3A_64 = arith.constant 640 : i32
    %mul3A_65 = arith.muli %arg1, %mul3A_64 : i32
    %add3A_66 = arith.constant 448 : i32
    %add3A_67 = arith.addi %mul3A_65, %add3A_66 : i32
    "tpu.region"() ({
      %run_scoped3A_149 = tpu.sem_alloc : memref<!tpu.dma_semaphore, #tpu.memory_space<semaphore_mem>>
      %dma_start3A_150 = arith.constant 0 : i32
      %dma_start3A_151 = arith.constant 0 : i32
      %dma_start3A_152 = tpu.memref_slice %arg8[%dma_start3A_150, %dma_start3A_151] : memref<80x128xf32, #tpu.memory_space<vmem>> -> memref<32x128xf32, #tpu.memory_space<vmem>>
      %dma_start3A_153 = arith.constant 0 : i32
      %dma_start3A_154 = tpu.memref_slice %arg10[%add3A_67, %dma_start3A_153] : memref<10240x128xf32, #tpu.memory_space<vmem_shared>> -> memref<32x128xf32, #tpu.memory_space<vmem_shared>>
      %dma_start3A_155 = arith.constant 0 : i32
      %dma_start3A_156 = tpu.memref_slice %arg10[%add3A_67, %dma_start3A_155] : memref<10240x128xf32, #tpu.memory_space<vmem_shared>> -> memref<32x128xf32, #tpu.memory_space<vmem_shared>>
      %dma_start3A_157 = arith.constant 0 : i32
      %dma_start3A_158 = arith.constant 0 : i32
      %dma_start3A_159 = tpu.memref_slice %arg8[%dma_start3A_157, %dma_start3A_158] : memref<80x128xf32, #tpu.memory_space<vmem>> -> memref<32x128xf32, #tpu.memory_space<vmem>>
      tpu.enqueue_dma source(%dma_start3A_159 : memref<32x128xf32, #tpu.memory_space<vmem>>) target(%dma_start3A_156 : memref<32x128xf32, #tpu.memory_space<vmem_shared>>) target_semaphore(%run_scoped3A_149 : memref<!tpu.dma_semaphore, #tpu.memory_space<semaphore_mem>>)
      %dma_wait3A_160 = arith.constant 0 : i32
      %dma_wait3A_161 = arith.constant 0 : i32
      %dma_wait3A_162 = tpu.memref_slice %arg8[%dma_wait3A_160, %dma_wait3A_161] : memref<80x128xf32, #tpu.memory_space<vmem>> -> memref<32x128xf32, #tpu.memory_space<vmem>>
      %dma_wait3A_163 = arith.constant 0 : i32
      %dma_wait3A_164 = tpu.memref_slice %arg10[%add3A_67, %dma_wait3A_163] : memref<10240x128xf32, #tpu.memory_space<vmem_shared>> -> memref<32x128xf32, #tpu.memory_space<vmem_shared>>
      %dma_wait3A_165 = arith.constant 0 : i32
      %dma_wait3A_166 = tpu.memref_slice %arg10[%add3A_67, %dma_wait3A_165] : memref<10240x128xf32, #tpu.memory_space<vmem_shared>> -> memref<32x128xf32, #tpu.memory_space<vmem_shared>>
      %dma_wait3A_167 = arith.constant 0 : i32
      %dma_wait3A_168 = arith.constant 0 : i32
      %dma_wait3A_169 = tpu.memref_slice %arg8[%dma_wait3A_167, %dma_wait3A_168] : memref<80x128xf32, #tpu.memory_space<vmem>> -> memref<32x128xf32, #tpu.memory_space<vmem>>
      tpu.wait_dma2 semaphore(%run_scoped3A_149 : memref<!tpu.dma_semaphore, #tpu.memory_space<semaphore_mem>>) src(%dma_wait3A_169 : memref<32x128xf32, #tpu.memory_space<vmem>>) dst(%dma_wait3A_166 : memref<32x128xf32, #tpu.memory_space<vmem_shared>>)
      tpu.yield
    }) : () -> ()
    %mul3A_68 = arith.constant 640 : i32
    %mul3A_69 = arith.muli %arg1, %mul3A_68 : i32
    %add3A_70 = arith.constant 480 : i32
    %add3A_71 = arith.addi %mul3A_69, %add3A_70 : i32
    "tpu.region"() ({
      %run_scoped3A_149 = tpu.sem_alloc : memref<!tpu.dma_semaphore, #tpu.memory_space<semaphore_mem>>
      %dma_start3A_150 = arith.constant 0 : i32
      %dma_start3A_151 = arith.constant 0 : i32
      %dma_start3A_152 = tpu.memref_slice %arg8[%dma_start3A_150, %dma_start3A_151] : memref<80x128xf32, #tpu.memory_space<vmem>> -> memref<32x128xf32, #tpu.memory_space<vmem>>
      %dma_start3A_153 = arith.constant 0 : i32
      %dma_start3A_154 = tpu.memref_slice %arg10[%add3A_71, %dma_start3A_153] : memref<10240x128xf32, #tpu.memory_space<vmem_shared>> -> memref<32x128xf32, #tpu.memory_space<vmem_shared>>
      %dma_start3A_155 = arith.constant 0 : i32
      %dma_start3A_156 = tpu.memref_slice %arg10[%add3A_71, %dma_start3A_155] : memref<10240x128xf32, #tpu.memory_space<vmem_shared>> -> memref<32x128xf32, #tpu.memory_space<vmem_shared>>
      %dma_start3A_157 = arith.constant 0 : i32
      %dma_start3A_158 = arith.constant 0 : i32
      %dma_start3A_159 = tpu.memref_slice %arg8[%dma_start3A_157, %dma_start3A_158] : memref<80x128xf32, #tpu.memory_space<vmem>> -> memref<32x128xf32, #tpu.memory_space<vmem>>
      tpu.enqueue_dma source(%dma_start3A_159 : memref<32x128xf32, #tpu.memory_space<vmem>>) target(%dma_start3A_156 : memref<32x128xf32, #tpu.memory_space<vmem_shared>>) target_semaphore(%run_scoped3A_149 : memref<!tpu.dma_semaphore, #tpu.memory_space<semaphore_mem>>)
      %dma_wait3A_160 = arith.constant 0 : i32
      %dma_wait3A_161 = arith.constant 0 : i32
      %dma_wait3A_162 = tpu.memref_slice %arg8[%dma_wait3A_160, %dma_wait3A_161] : memref<80x128xf32, #tpu.memory_space<vmem>> -> memref<32x128xf32, #tpu.memory_space<vmem>>
      %dma_wait3A_163 = arith.constant 0 : i32
      %dma_wait3A_164 = tpu.memref_slice %arg10[%add3A_71, %dma_wait3A_163] : memref<10240x128xf32, #tpu.memory_space<vmem_shared>> -> memref<32x128xf32, #tpu.memory_space<vmem_shared>>
      %dma_wait3A_165 = arith.constant 0 : i32
      %dma_wait3A_166 = tpu.memref_slice %arg10[%add3A_71, %dma_wait3A_165] : memref<10240x128xf32, #tpu.memory_space<vmem_shared>> -> memref<32x128xf32, #tpu.memory_space<vmem_shared>>
      %dma_wait3A_167 = arith.constant 0 : i32
      %dma_wait3A_168 = arith.constant 0 : i32
      %dma_wait3A_169 = tpu.memref_slice %arg8[%dma_wait3A_167, %dma_wait3A_168] : memref<80x128xf32, #tpu.memory_space<vmem>> -> memref<32x128xf32, #tpu.memory_space<vmem>>
      tpu.wait_dma2 semaphore(%run_scoped3A_149 : memref<!tpu.dma_semaphore, #tpu.memory_space<semaphore_mem>>) src(%dma_wait3A_169 : memref<32x128xf32, #tpu.memory_space<vmem>>) dst(%dma_wait3A_166 : memref<32x128xf32, #tpu.memory_space<vmem_shared>>)
      tpu.yield
    }) : () -> ()
    %mul3A_72 = arith.constant 640 : i32
    %mul3A_73 = arith.muli %arg1, %mul3A_72 : i32
    %add3A_74 = arith.constant 512 : i32
    %add3A_75 = arith.addi %mul3A_73, %add3A_74 : i32
    "tpu.region"() ({
      %run_scoped3A_149 = tpu.sem_alloc : memref<!tpu.dma_semaphore, #tpu.memory_space<semaphore_mem>>
      %dma_start3A_150 = arith.constant 0 : i32
      %dma_start3A_151 = arith.constant 0 : i32
      %dma_start3A_152 = tpu.memref_slice %arg8[%dma_start3A_150, %dma_start3A_151] : memref<80x128xf32, #tpu.memory_space<vmem>> -> memref<32x128xf32, #tpu.memory_space<vmem>>
      %dma_start3A_153 = arith.constant 0 : i32
      %dma_start3A_154 = tpu.memref_slice %arg10[%add3A_75, %dma_start3A_153] : memref<10240x128xf32, #tpu.memory_space<vmem_shared>> -> memref<32x128xf32, #tpu.memory_space<vmem_shared>>
      %dma_start3A_155 = arith.constant 0 : i32
      %dma_start3A_156 = tpu.memref_slice %arg10[%add3A_75, %dma_start3A_155] : memref<10240x128xf32, #tpu.memory_space<vmem_shared>> -> memref<32x128xf32, #tpu.memory_space<vmem_shared>>
      %dma_start3A_157 = arith.constant 0 : i32
      %dma_start3A_158 = arith.constant 0 : i32
      %dma_start3A_159 = tpu.memref_slice %arg8[%dma_start3A_157, %dma_start3A_158] : memref<80x128xf32, #tpu.memory_space<vmem>> -> memref<32x128xf32, #tpu.memory_space<vmem>>
      tpu.enqueue_dma source(%dma_start3A_159 : memref<32x128xf32, #tpu.memory_space<vmem>>) target(%dma_start3A_156 : memref<32x128xf32, #tpu.memory_space<vmem_shared>>) target_semaphore(%run_scoped3A_149 : memref<!tpu.dma_semaphore, #tpu.memory_space<semaphore_mem>>)
      %dma_wait3A_160 = arith.constant 0 : i32
      %dma_wait3A_161 = arith.constant 0 : i32
      %dma_wait3A_162 = tpu.memref_slice %arg8[%dma_wait3A_160, %dma_wait3A_161] : memref<80x128xf32, #tpu.memory_space<vmem>> -> memref<32x128xf32, #tpu.memory_space<vmem>>
      %dma_wait3A_163 = arith.constant 0 : i32
      %dma_wait3A_164 = tpu.memref_slice %arg10[%add3A_75, %dma_wait3A_163] : memref<10240x128xf32, #tpu.memory_space<vmem_shared>> -> memref<32x128xf32, #tpu.memory_space<vmem_shared>>
      %dma_wait3A_165 = arith.constant 0 : i32
      %dma_wait3A_166 = tpu.memref_slice %arg10[%add3A_75, %dma_wait3A_165] : memref<10240x128xf32, #tpu.memory_space<vmem_shared>> -> memref<32x128xf32, #tpu.memory_space<vmem_shared>>
      %dma_wait3A_167 = arith.constant 0 : i32
      %dma_wait3A_168 = arith.constant 0 : i32
      %dma_wait3A_169 = tpu.memref_slice %arg8[%dma_wait3A_167, %dma_wait3A_168] : memref<80x128xf32, #tpu.memory_space<vmem>> -> memref<32x128xf32, #tpu.memory_space<vmem>>
      tpu.wait_dma2 semaphore(%run_scoped3A_149 : memref<!tpu.dma_semaphore, #tpu.memory_space<semaphore_mem>>) src(%dma_wait3A_169 : memref<32x128xf32, #tpu.memory_space<vmem>>) dst(%dma_wait3A_166 : memref<32x128xf32, #tpu.memory_space<vmem_shared>>)
      tpu.yield
    }) : () -> ()
    %mul3A_76 = arith.constant 640 : i32
    %mul3A_77 = arith.muli %arg1, %mul3A_76 : i32
    %add3A_78 = arith.constant 544 : i32
    %add3A_79 = arith.addi %mul3A_77, %add3A_78 : i32
    "tpu.region"() ({
      %run_scoped3A_149 = tpu.sem_alloc : memref<!tpu.dma_semaphore, #tpu.memory_space<semaphore_mem>>
      %dma_start3A_150 = arith.constant 0 : i32
      %dma_start3A_151 = arith.constant 0 : i32
      %dma_start3A_152 = tpu.memref_slice %arg8[%dma_start3A_150, %dma_start3A_151] : memref<80x128xf32, #tpu.memory_space<vmem>> -> memref<32x128xf32, #tpu.memory_space<vmem>>
      %dma_start3A_153 = arith.constant 0 : i32
      %dma_start3A_154 = tpu.memref_slice %arg10[%add3A_79, %dma_start3A_153] : memref<10240x128xf32, #tpu.memory_space<vmem_shared>> -> memref<32x128xf32, #tpu.memory_space<vmem_shared>>
      %dma_start3A_155 = arith.constant 0 : i32
      %dma_start3A_156 = tpu.memref_slice %arg10[%add3A_79, %dma_start3A_155] : memref<10240x128xf32, #tpu.memory_space<vmem_shared>> -> memref<32x128xf32, #tpu.memory_space<vmem_shared>>
      %dma_start3A_157 = arith.constant 0 : i32
      %dma_start3A_158 = arith.constant 0 : i32
      %dma_start3A_159 = tpu.memref_slice %arg8[%dma_start3A_157, %dma_start3A_158] : memref<80x128xf32, #tpu.memory_space<vmem>> -> memref<32x128xf32, #tpu.memory_space<vmem>>
      tpu.enqueue_dma source(%dma_start3A_159 : memref<32x128xf32, #tpu.memory_space<vmem>>) target(%dma_start3A_156 : memref<32x128xf32, #tpu.memory_space<vmem_shared>>) target_semaphore(%run_scoped3A_149 : memref<!tpu.dma_semaphore, #tpu.memory_space<semaphore_mem>>)
      %dma_wait3A_160 = arith.constant 0 : i32
      %dma_wait3A_161 = arith.constant 0 : i32
      %dma_wait3A_162 = tpu.memref_slice %arg8[%dma_wait3A_160, %dma_wait3A_161] : memref<80x128xf32, #tpu.memory_space<vmem>> -> memref<32x128xf32, #tpu.memory_space<vmem>>
      %dma_wait3A_163 = arith.constant 0 : i32
      %dma_wait3A_164 = tpu.memref_slice %arg10[%add3A_79, %dma_wait3A_163] : memref<10240x128xf32, #tpu.memory_space<vmem_shared>> -> memref<32x128xf32, #tpu.memory_space<vmem_shared>>
      %dma_wait3A_165 = arith.constant 0 : i32
      %dma_wait3A_166 = tpu.memref_slice %arg10[%add3A_79, %dma_wait3A_165] : memref<10240x128xf32, #tpu.memory_space<vmem_shared>> -> memref<32x128xf32, #tpu.memory_space<vmem_shared>>
      %dma_wait3A_167 = arith.constant 0 : i32
      %dma_wait3A_168 = arith.constant 0 : i32
      %dma_wait3A_169 = tpu.memref_slice %arg8[%dma_wait3A_167, %dma_wait3A_168] : memref<80x128xf32, #tpu.memory_space<vmem>> -> memref<32x128xf32, #tpu.memory_space<vmem>>
      tpu.wait_dma2 semaphore(%run_scoped3A_149 : memref<!tpu.dma_semaphore, #tpu.memory_space<semaphore_mem>>) src(%dma_wait3A_169 : memref<32x128xf32, #tpu.memory_space<vmem>>) dst(%dma_wait3A_166 : memref<32x128xf32, #tpu.memory_space<vmem_shared>>)
      tpu.yield
    }) : () -> ()
    %mul3A_80 = arith.constant 640 : i32
    %mul3A_81 = arith.muli %arg1, %mul3A_80 : i32
    %add3A_82 = arith.constant 576 : i32
    %add3A_83 = arith.addi %mul3A_81, %add3A_82 : i32
    "tpu.region"() ({
      %run_scoped3A_149 = tpu.sem_alloc : memref<!tpu.dma_semaphore, #tpu.memory_space<semaphore_mem>>
      %dma_start3A_150 = arith.constant 0 : i32
      %dma_start3A_151 = arith.constant 0 : i32
      %dma_start3A_152 = tpu.memref_slice %arg8[%dma_start3A_150, %dma_start3A_151] : memref<80x128xf32, #tpu.memory_space<vmem>> -> memref<32x128xf32, #tpu.memory_space<vmem>>
      %dma_start3A_153 = arith.constant 0 : i32
      %dma_start3A_154 = tpu.memref_slice %arg10[%add3A_83, %dma_start3A_153] : memref<10240x128xf32, #tpu.memory_space<vmem_shared>> -> memref<32x128xf32, #tpu.memory_space<vmem_shared>>
      %dma_start3A_155 = arith.constant 0 : i32
      %dma_start3A_156 = tpu.memref_slice %arg10[%add3A_83, %dma_start3A_155] : memref<10240x128xf32, #tpu.memory_space<vmem_shared>> -> memref<32x128xf32, #tpu.memory_space<vmem_shared>>
      %dma_start3A_157 = arith.constant 0 : i32
      %dma_start3A_158 = arith.constant 0 : i32
      %dma_start3A_159 = tpu.memref_slice %arg8[%dma_start3A_157, %dma_start3A_158] : memref<80x128xf32, #tpu.memory_space<vmem>> -> memref<32x128xf32, #tpu.memory_space<vmem>>
      tpu.enqueue_dma source(%dma_start3A_159 : memref<32x128xf32, #tpu.memory_space<vmem>>) target(%dma_start3A_156 : memref<32x128xf32, #tpu.memory_space<vmem_shared>>) target_semaphore(%run_scoped3A_149 : memref<!tpu.dma_semaphore, #tpu.memory_space<semaphore_mem>>)
      %dma_wait3A_160 = arith.constant 0 : i32
      %dma_wait3A_161 = arith.constant 0 : i32
      %dma_wait3A_162 = tpu.memref_slice %arg8[%dma_wait3A_160, %dma_wait3A_161] : memref<80x128xf32, #tpu.memory_space<vmem>> -> memref<32x128xf32, #tpu.memory_space<vmem>>
      %dma_wait3A_163 = arith.constant 0 : i32
      %dma_wait3A_164 = tpu.memref_slice %arg10[%add3A_83, %dma_wait3A_163] : memref<10240x128xf32, #tpu.memory_space<vmem_shared>> -> memref<32x128xf32, #tpu.memory_space<vmem_shared>>
      %dma_wait3A_165 = arith.constant 0 : i32
      %dma_wait3A_166 = tpu.memref_slice %arg10[%add3A_83, %dma_wait3A_165] : memref<10240x128xf32, #tpu.memory_space<vmem_shared>> -> memref<32x128xf32, #tpu.memory_space<vmem_shared>>
      %dma_wait3A_167 = arith.constant 0 : i32
      %dma_wait3A_168 = arith.constant 0 : i32
      %dma_wait3A_169 = tpu.memref_slice %arg8[%dma_wait3A_167, %dma_wait3A_168] : memref<80x128xf32, #tpu.memory_space<vmem>> -> memref<32x128xf32, #tpu.memory_space<vmem>>
      tpu.wait_dma2 semaphore(%run_scoped3A_149 : memref<!tpu.dma_semaphore, #tpu.memory_space<semaphore_mem>>) src(%dma_wait3A_169 : memref<32x128xf32, #tpu.memory_space<vmem>>) dst(%dma_wait3A_166 : memref<32x128xf32, #tpu.memory_space<vmem_shared>>)
      tpu.yield
    }) : () -> ()
    %mul3A_84 = arith.constant 640 : i32
    %mul3A_85 = arith.muli %arg1, %mul3A_84 : i32
    %add3A_86 = arith.constant 608 : i32
    %add3A_87 = arith.addi %mul3A_85, %add3A_86 : i32
    "tpu.region"() ({
      %run_scoped3A_149 = tpu.sem_alloc : memref<!tpu.dma_semaphore, #tpu.memory_space<semaphore_mem>>
      %dma_start3A_150 = arith.constant 0 : i32
      %dma_start3A_151 = arith.constant 0 : i32
      %dma_start3A_152 = tpu.memref_slice %arg8[%dma_start3A_150, %dma_start3A_151] : memref<80x128xf32, #tpu.memory_space<vmem>> -> memref<32x128xf32, #tpu.memory_space<vmem>>
      %dma_start3A_153 = arith.constant 0 : i32
      %dma_start3A_154 = tpu.memref_slice %arg10[%add3A_87, %dma_start3A_153] : memref<10240x128xf32, #tpu.memory_space<vmem_shared>> -> memref<32x128xf32, #tpu.memory_space<vmem_shared>>
      %dma_start3A_155 = arith.constant 0 : i32
      %dma_start3A_156 = tpu.memref_slice %arg10[%add3A_87, %dma_start3A_155] : memref<10240x128xf32, #tpu.memory_space<vmem_shared>> -> memref<32x128xf32, #tpu.memory_space<vmem_shared>>
      %dma_start3A_157 = arith.constant 0 : i32
      %dma_start3A_158 = arith.constant 0 : i32
      %dma_start3A_159 = tpu.memref_slice %arg8[%dma_start3A_157, %dma_start3A_158] : memref<80x128xf32, #tpu.memory_space<vmem>> -> memref<32x128xf32, #tpu.memory_space<vmem>>
      tpu.enqueue_dma source(%dma_start3A_159 : memref<32x128xf32, #tpu.memory_space<vmem>>) target(%dma_start3A_156 : memref<32x128xf32, #tpu.memory_space<vmem_shared>>) target_semaphore(%run_scoped3A_149 : memref<!tpu.dma_semaphore, #tpu.memory_space<semaphore_mem>>)
      %dma_wait3A_160 = arith.constant 0 : i32
      %dma_wait3A_161 = arith.constant 0 : i32
      %dma_wait3A_162 = tpu.memref_slice %arg8[%dma_wait3A_160, %dma_wait3A_161] : memref<80x128xf32, #tpu.memory_space<vmem>> -> memref<32x128xf32, #tpu.memory_space<vmem>>
      %dma_wait3A_163 = arith.constant 0 : i32
      %dma_wait3A_164 = tpu.memref_slice %arg10[%add3A_87, %dma_wait3A_163] : memref<10240x128xf32, #tpu.memory_space<vmem_shared>> -> memref<32x128xf32, #tpu.memory_space<vmem_shared>>
      %dma_wait3A_165 = arith.constant 0 : i32
      %dma_wait3A_166 = tpu.memref_slice %arg10[%add3A_87, %dma_wait3A_165] : memref<10240x128xf32, #tpu.memory_space<vmem_shared>> -> memref<32x128xf32, #tpu.memory_space<vmem_shared>>
      %dma_wait3A_167 = arith.constant 0 : i32
      %dma_wait3A_168 = arith.constant 0 : i32
      %dma_wait3A_169 = tpu.memref_slice %arg8[%dma_wait3A_167, %dma_wait3A_168] : memref<80x128xf32, #tpu.memory_space<vmem>> -> memref<32x128xf32, #tpu.memory_space<vmem>>
      tpu.wait_dma2 semaphore(%run_scoped3A_149 : memref<!tpu.dma_semaphore, #tpu.memory_space<semaphore_mem>>) src(%dma_wait3A_169 : memref<32x128xf32, #tpu.memory_space<vmem>>) dst(%dma_wait3A_166 : memref<32x128xf32, #tpu.memory_space<vmem_shared>>)
      tpu.yield
    }) : () -> ()
    %barrier3A = arith.constant 0 : index
    tpu.barrier barrier_id(%barrier3A)
    "tpu.region"() ({
      %run_scoped3A_149 = tpu.sem_alloc : memref<!tpu.dma_semaphore, #tpu.memory_space<semaphore_mem>>
      %dma_start3A_150 = arith.constant 0 : i32
      %dma_start3A_151 = arith.constant 0 : i32
      %dma_start3A_152 = tpu.memref_slice %arg6[%dma_start3A_150, %dma_start3A_151] : memref<64x80xi32, #tpu.memory_space<vmem>> -> memref<64x80xi32, #tpu.memory_space<vmem>>
      %dma_start3A_153 = arith.constant 0 : i32
      %dma_start3A_154 = arith.constant 0 : i32
      %dma_start3A_155 = tpu.memref_slice %arg3[%add3A, %dma_start3A_153, %dma_start3A_154] : memref<32x125x80xi32, #tpu.memory_space<hbm>> -> memref<1x64x80xi32, #tpu.memory_space<hbm>>
      %dma_start3A_156 = tpu.memref_squeeze %dma_start3A_155 : memref<1x64x80xi32, #tpu.memory_space<hbm>> -> memref<64x80xi32, #tpu.memory_space<hbm>>
      %dma_start3A_157 = arith.constant 0 : i32
      %dma_start3A_158 = arith.constant 0 : i32
      %dma_start3A_159 = tpu.memref_slice %arg6[%dma_start3A_157, %dma_start3A_158] : memref<64x80xi32, #tpu.memory_space<vmem>> -> memref<64x80xi32, #tpu.memory_space<vmem>>
      %dma_start3A_160 = arith.constant 0 : i32
      %dma_start3A_161 = arith.constant 0 : i32
      %dma_start3A_162 = tpu.memref_slice %arg3[%add3A, %dma_start3A_160, %dma_start3A_161] : memref<32x125x80xi32, #tpu.memory_space<hbm>> -> memref<1x64x80xi32, #tpu.memory_space<hbm>>
      %dma_start3A_163 = tpu.memref_squeeze %dma_start3A_162 : memref<1x64x80xi32, #tpu.memory_space<hbm>> -> memref<64x80xi32, #tpu.memory_space<hbm>>
      tpu.enqueue_dma source(%dma_start3A_163 : memref<64x80xi32, #tpu.memory_space<hbm>>) target(%dma_start3A_159 : memref<64x80xi32, #tpu.memory_space<vmem>>) target_semaphore(%run_scoped3A_149 : memref<!tpu.dma_semaphore, #tpu.memory_space<semaphore_mem>>)
      %dma_wait3A_164 = arith.constant 0 : i32
      %dma_wait3A_165 = arith.constant 0 : i32
      %dma_wait3A_166 = tpu.memref_slice %arg6[%dma_wait3A_164, %dma_wait3A_165] : memref<64x80xi32, #tpu.memory_space<vmem>> -> memref<64x80xi32, #tpu.memory_space<vmem>>
      %dma_wait3A_167 = arith.constant 0 : i32
      %dma_wait3A_168 = arith.constant 0 : i32
      %dma_wait3A_169 = tpu.memref_slice %arg3[%add3A, %dma_wait3A_167, %dma_wait3A_168] : memref<32x125x80xi32, #tpu.memory_space<hbm>> -> memref<1x64x80xi32, #tpu.memory_space<hbm>>
      %dma_wait3A_170 = tpu.memref_squeeze %dma_wait3A_169 : memref<1x64x80xi32, #tpu.memory_space<hbm>> -> memref<64x80xi32, #tpu.memory_space<hbm>>
      %dma_wait3A_171 = arith.constant 0 : i32
      %dma_wait3A_172 = arith.constant 0 : i32
      %dma_wait3A_173 = tpu.memref_slice %arg6[%dma_wait3A_171, %dma_wait3A_172] : memref<64x80xi32, #tpu.memory_space<vmem>> -> memref<64x80xi32, #tpu.memory_space<vmem>>
      %dma_wait3A_174 = arith.constant 0 : i32
      %dma_wait3A_175 = arith.constant 0 : i32
      %dma_wait3A_176 = tpu.memref_slice %arg3[%add3A, %dma_wait3A_174, %dma_wait3A_175] : memref<32x125x80xi32, #tpu.memory_space<hbm>> -> memref<1x64x80xi32, #tpu.memory_space<hbm>>
      %dma_wait3A_177 = tpu.memref_squeeze %dma_wait3A_176 : memref<1x64x80xi32, #tpu.memory_space<hbm>> -> memref<64x80xi32, #tpu.memory_space<hbm>>
      tpu.wait_dma2 semaphore(%run_scoped3A_149 : memref<!tpu.dma_semaphore, #tpu.memory_space<semaphore_mem>>) src(%dma_wait3A_177 : memref<64x80xi32, #tpu.memory_space<hbm>>) dst(%dma_wait3A_173 : memref<64x80xi32, #tpu.memory_space<vmem>>)
      tpu.yield
    }) : () -> ()
    "tpu.region"() ({
      %run_scoped3A_149 = tpu.sem_alloc : memref<!tpu.dma_semaphore, #tpu.memory_space<semaphore_mem>>
      %dma_start3A_150 = arith.constant 0 : i32
      %dma_start3A_151 = arith.constant 0 : i32
      %dma_start3A_152 = tpu.memref_slice %arg7[%dma_start3A_150, %dma_start3A_151] : memref<64x80xi32, #tpu.memory_space<vmem>> -> memref<64x80xi32, #tpu.memory_space<vmem>>
      %dma_start3A_153 = arith.constant 0 : i32
      %dma_start3A_154 = arith.constant 0 : i32
      %dma_start3A_155 = tpu.memref_slice %arg4[%add3A, %dma_start3A_153, %dma_start3A_154] : memref<32x125x80xi32, #tpu.memory_space<hbm>> -> memref<1x64x80xi32, #tpu.memory_space<hbm>>
      %dma_start3A_156 = tpu.memref_squeeze %dma_start3A_155 : memref<1x64x80xi32, #tpu.memory_space<hbm>> -> memref<64x80xi32, #tpu.memory_space<hbm>>
      %dma_start3A_157 = arith.constant 0 : i32
      %dma_start3A_158 = arith.constant 0 : i32
      %dma_start3A_159 = tpu.memref_slice %arg7[%dma_start3A_157, %dma_start3A_158] : memref<64x80xi32, #tpu.memory_space<vmem>> -> memref<64x80xi32, #tpu.memory_space<vmem>>
      %dma_start3A_160 = arith.constant 0 : i32
      %dma_start3A_161 = arith.constant 0 : i32
      %dma_start3A_162 = tpu.memref_slice %arg4[%add3A, %dma_start3A_160, %dma_start3A_161] : memref<32x125x80xi32, #tpu.memory_space<hbm>> -> memref<1x64x80xi32, #tpu.memory_space<hbm>>
      %dma_start3A_163 = tpu.memref_squeeze %dma_start3A_162 : memref<1x64x80xi32, #tpu.memory_space<hbm>> -> memref<64x80xi32, #tpu.memory_space<hbm>>
      tpu.enqueue_dma source(%dma_start3A_163 : memref<64x80xi32, #tpu.memory_space<hbm>>) target(%dma_start3A_159 : memref<64x80xi32, #tpu.memory_space<vmem>>) target_semaphore(%run_scoped3A_149 : memref<!tpu.dma_semaphore, #tpu.memory_space<semaphore_mem>>)
      %dma_wait3A_164 = arith.constant 0 : i32
      %dma_wait3A_165 = arith.constant 0 : i32
      %dma_wait3A_166 = tpu.memref_slice %arg7[%dma_wait3A_164, %dma_wait3A_165] : memref<64x80xi32, #tpu.memory_space<vmem>> -> memref<64x80xi32, #tpu.memory_space<vmem>>
      %dma_wait3A_167 = arith.constant 0 : i32
      %dma_wait3A_168 = arith.constant 0 : i32
      %dma_wait3A_169 = tpu.memref_slice %arg4[%add3A, %dma_wait3A_167, %dma_wait3A_168] : memref<32x125x80xi32, #tpu.memory_space<hbm>> -> memref<1x64x80xi32, #tpu.memory_space<hbm>>
      %dma_wait3A_170 = tpu.memref_squeeze %dma_wait3A_169 : memref<1x64x80xi32, #tpu.memory_space<hbm>> -> memref<64x80xi32, #tpu.memory_space<hbm>>
      %dma_wait3A_171 = arith.constant 0 : i32
      %dma_wait3A_172 = arith.constant 0 : i32
      %dma_wait3A_173 = tpu.memref_slice %arg7[%dma_wait3A_171, %dma_wait3A_172] : memref<64x80xi32, #tpu.memory_space<vmem>> -> memref<64x80xi32, #tpu.memory_space<vmem>>
      %dma_wait3A_174 = arith.constant 0 : i32
      %dma_wait3A_175 = arith.constant 0 : i32
      %dma_wait3A_176 = tpu.memref_slice %arg4[%add3A, %dma_wait3A_174, %dma_wait3A_175] : memref<32x125x80xi32, #tpu.memory_space<hbm>> -> memref<1x64x80xi32, #tpu.memory_space<hbm>>
      %dma_wait3A_177 = tpu.memref_squeeze %dma_wait3A_176 : memref<1x64x80xi32, #tpu.memory_space<hbm>> -> memref<64x80xi32, #tpu.memory_space<hbm>>
      tpu.wait_dma2 semaphore(%run_scoped3A_149 : memref<!tpu.dma_semaphore, #tpu.memory_space<semaphore_mem>>) src(%dma_wait3A_177 : memref<64x80xi32, #tpu.memory_space<hbm>>) dst(%dma_wait3A_173 : memref<64x80xi32, #tpu.memory_space<vmem>>)
      tpu.yield
    }) : () -> ()
    %dma_start3A = arith.constant 0 : i32
    %dma_start3A_88 = arith.constant 0 : i32
    %dma_start3A_89 = tpu.memref_slice %arg6[%dma_start3A, %dma_start3A_88] : memref<64x80xi32, #tpu.memory_space<vmem>> -> memref<1x80xi32, #tpu.memory_space<vmem>>
    %dma_start3A_90 = tpu.memref_squeeze %dma_start3A_89 : memref<1x80xi32, #tpu.memory_space<vmem>> -> memref<80xi32, #tpu.memory_space<vmem>>
    %dma_start3A_91 = arith.constant 0 : i32
    %dma_start3A_92 = arith.constant 0 : i32
    %dma_start3A_93 = tpu.memref_slice %arg2[%dma_start3A_91, %dma_start3A_92] : memref<10000x128xf32, #tpu.memory_space<hbm>> -> memref<10000x128xf32, #tpu.memory_space<hbm>>
    tpu.enqueue_indirect_dma source(%dma_start3A_93 : memref<10000x128xf32, #tpu.memory_space<hbm>>) target(%arg8 : memref<80x128xf32, #tpu.memory_space<vmem>>) offsets(%dma_start3A_90 : memref<80xi32, #tpu.memory_space<vmem>>) semaphore(%arg11 : memref<!tpu.dma_semaphore, #tpu.memory_space<semaphore_mem>>)
    %scan3A_94 = arith.constant 0 : i32
    %scan3A_95 = arith.constant 0 : i32
    %scan3A_96 = arith.constant 31 : i32
    %scan3A_97 = arith.addi %scan3A_95, %scan3A_96 : i32
    %scan3A_98 = arith.constant 1 : i32
    %scan3A_99 = scf.for %scan3A_149 = %scan3A_95 to %scan3A_97 step %scan3A_98 iter_args(%scan3A_150 = %scan3A_94) -> (i32)  : i32 {
      %mul3A_151 = arith.constant 2 : i32
      %mul3A_152 = arith.muli %scan3A_149, %mul3A_151 : i32
      %add3A_153 = arith.constant 1 : i32
      %add3A_154 = arith.addi %mul3A_152, %add3A_153 : i32
      %dma_wait3A_155 = arith.constant 0 : i32
      %dma_wait3A_156 = tpu.memref_slice %arg6[%mul3A_152, %dma_wait3A_155] : memref<64x80xi32, #tpu.memory_space<vmem>> -> memref<1x80xi32, #tpu.memory_space<vmem>>
      %dma_wait3A_157 = tpu.memref_squeeze %dma_wait3A_156 : memref<1x80xi32, #tpu.memory_space<vmem>> -> memref<80xi32, #tpu.memory_space<vmem>>
      %dma_wait3A_158 = arith.constant 0 : i32
      %dma_wait3A_159 = arith.constant 0 : i32
      %dma_wait3A_160 = tpu.memref_slice %arg2[%dma_wait3A_158, %dma_wait3A_159] : memref<10000x128xf32, #tpu.memory_space<hbm>> -> memref<10000x128xf32, #tpu.memory_space<hbm>>
      tpu.wait_indirect_dma semaphore(%arg11 : memref<!tpu.dma_semaphore, #tpu.memory_space<semaphore_mem>>) src(%dma_wait3A_160 : memref<10000x128xf32, #tpu.memory_space<hbm>>) dst(%arg8 : memref<80x128xf32, #tpu.memory_space<vmem>>)
      %dma_start3A_161 = arith.constant 0 : i32
      %dma_start3A_162 = tpu.memref_slice %arg6[%add3A_154, %dma_start3A_161] : memref<64x80xi32, #tpu.memory_space<vmem>> -> memref<1x80xi32, #tpu.memory_space<vmem>>
      %dma_start3A_163 = tpu.memref_squeeze %dma_start3A_162 : memref<1x80xi32, #tpu.memory_space<vmem>> -> memref<80xi32, #tpu.memory_space<vmem>>
      %dma_start3A_164 = arith.constant 0 : i32
      %dma_start3A_165 = arith.constant 0 : i32
      %dma_start3A_166 = tpu.memref_slice %arg2[%dma_start3A_164, %dma_start3A_165] : memref<10000x128xf32, #tpu.memory_space<hbm>> -> memref<10000x128xf32, #tpu.memory_space<hbm>>
      tpu.enqueue_indirect_dma source(%dma_start3A_166 : memref<10000x128xf32, #tpu.memory_space<hbm>>) target(%arg9 : memref<80x128xf32, #tpu.memory_space<vmem>>) offsets(%dma_start3A_163 : memref<80xi32, #tpu.memory_space<vmem>>) semaphore(%arg12 : memref<!tpu.dma_semaphore, #tpu.memory_space<semaphore_mem>>)
      "tpu.region"() ({
        %run_scoped3A_182 = tpu.sem_alloc : memref<!tpu.dma_semaphore, #tpu.memory_space<semaphore_mem>>
        %dma_start3A_183 = arith.constant 0 : i32
        %dma_start3A_184 = tpu.memref_slice %arg7[%mul3A_152, %dma_start3A_183] : memref<64x80xi32, #tpu.memory_space<vmem>> -> memref<1x80xi32, #tpu.memory_space<vmem>>
        %dma_start3A_185 = tpu.memref_squeeze %dma_start3A_184 : memref<1x80xi32, #tpu.memory_space<vmem>> -> memref<80xi32, #tpu.memory_space<vmem>>
        %dma_start3A_186 = arith.constant 0 : i32
        %dma_start3A_187 = arith.constant 0 : i32
        %dma_start3A_188 = tpu.memref_slice %arg10[%dma_start3A_186, %dma_start3A_187] : memref<10240x128xf32, #tpu.memory_space<vmem_shared>> -> memref<10240x128xf32, #tpu.memory_space<vmem_shared>>
        tpu.enqueue_indirect_dma source(%arg8 : memref<80x128xf32, #tpu.memory_space<vmem>>) target(%dma_start3A_188 : memref<10240x128xf32, #tpu.memory_space<vmem_shared>>) offsets(%dma_start3A_185 : memref<80xi32, #tpu.memory_space<vmem>>) semaphore(%run_scoped3A_182 : memref<!tpu.dma_semaphore, #tpu.memory_space<semaphore_mem>>) {add = true}
        %dma_wait3A_189 = arith.constant 0 : i32
        %dma_wait3A_190 = tpu.memref_slice %arg7[%mul3A_152, %dma_wait3A_189] : memref<64x80xi32, #tpu.memory_space<vmem>> -> memref<1x80xi32, #tpu.memory_space<vmem>>
        %dma_wait3A_191 = tpu.memref_squeeze %dma_wait3A_190 : memref<1x80xi32, #tpu.memory_space<vmem>> -> memref<80xi32, #tpu.memory_space<vmem>>
        %dma_wait3A_192 = arith.constant 0 : i32
        %dma_wait3A_193 = arith.constant 0 : i32
        %dma_wait3A_194 = tpu.memref_slice %arg10[%dma_wait3A_192, %dma_wait3A_193] : memref<10240x128xf32, #tpu.memory_space<vmem_shared>> -> memref<10240x128xf32, #tpu.memory_space<vmem_shared>>
        tpu.wait_indirect_dma semaphore(%run_scoped3A_182 : memref<!tpu.dma_semaphore, #tpu.memory_space<semaphore_mem>>) src(%arg8 : memref<80x128xf32, #tpu.memory_space<vmem>>) dst(%dma_wait3A_194 : memref<10240x128xf32, #tpu.memory_space<vmem_shared>>)
        tpu.yield
      }) : () -> ()
      %dma_wait3A_167 = arith.constant 0 : i32
      %dma_wait3A_168 = tpu.memref_slice %arg6[%add3A_154, %dma_wait3A_167] : memref<64x80xi32, #tpu.memory_space<vmem>> -> memref<1x80xi32, #tpu.memory_space<vmem>>
      %dma_wait3A_169 = tpu.memref_squeeze %dma_wait3A_168 : memref<1x80xi32, #tpu.memory_space<vmem>> -> memref<80xi32, #tpu.memory_space<vmem>>
      %dma_wait3A_170 = arith.constant 0 : i32
      %dma_wait3A_171 = arith.constant 0 : i32
      %dma_wait3A_172 = tpu.memref_slice %arg2[%dma_wait3A_170, %dma_wait3A_171] : memref<10000x128xf32, #tpu.memory_space<hbm>> -> memref<10000x128xf32, #tpu.memory_space<hbm>>
      tpu.wait_indirect_dma semaphore(%arg12 : memref<!tpu.dma_semaphore, #tpu.memory_space<semaphore_mem>>) src(%dma_wait3A_172 : memref<10000x128xf32, #tpu.memory_space<hbm>>) dst(%arg9 : memref<80x128xf32, #tpu.memory_space<vmem>>)
      %add3A_173 = arith.constant 1 : i32
      %add3A_174 = arith.addi %add3A_154, %add3A_173 : i32
      %dma_start3A_175 = arith.constant 0 : i32
      %dma_start3A_176 = tpu.memref_slice %arg6[%add3A_174, %dma_start3A_175] : memref<64x80xi32, #tpu.memory_space<vmem>> -> memref<1x80xi32, #tpu.memory_space<vmem>>
      %dma_start3A_177 = tpu.memref_squeeze %dma_start3A_176 : memref<1x80xi32, #tpu.memory_space<vmem>> -> memref<80xi32, #tpu.memory_space<vmem>>
      %dma_start3A_178 = arith.constant 0 : i32
      %dma_start3A_179 = arith.constant 0 : i32
      %dma_start3A_180 = tpu.memref_slice %arg2[%dma_start3A_178, %dma_start3A_179] : memref<10000x128xf32, #tpu.memory_space<hbm>> -> memref<10000x128xf32, #tpu.memory_space<hbm>>
      tpu.enqueue_indirect_dma source(%dma_start3A_180 : memref<10000x128xf32, #tpu.memory_space<hbm>>) target(%arg8 : memref<80x128xf32, #tpu.memory_space<vmem>>) offsets(%dma_start3A_177 : memref<80xi32, #tpu.memory_space<vmem>>) semaphore(%arg11 : memref<!tpu.dma_semaphore, #tpu.memory_space<semaphore_mem>>)
      "tpu.region"() ({
        %run_scoped3A_182 = tpu.sem_alloc : memref<!tpu.dma_semaphore, #tpu.memory_space<semaphore_mem>>
        %dma_start3A_183 = arith.constant 0 : i32
        %dma_start3A_184 = tpu.memref_slice %arg7[%add3A_154, %dma_start3A_183] : memref<64x80xi32, #tpu.memory_space<vmem>> -> memref<1x80xi32, #tpu.memory_space<vmem>>
        %dma_start3A_185 = tpu.memref_squeeze %dma_start3A_184 : memref<1x80xi32, #tpu.memory_space<vmem>> -> memref<80xi32, #tpu.memory_space<vmem>>
        %dma_start3A_186 = arith.constant 0 : i32
        %dma_start3A_187 = arith.constant 0 : i32
        %dma_start3A_188 = tpu.memref_slice %arg10[%dma_start3A_186, %dma_start3A_187] : memref<10240x128xf32, #tpu.memory_space<vmem_shared>> -> memref<10240x128xf32, #tpu.memory_space<vmem_shared>>
        tpu.enqueue_indirect_dma source(%arg9 : memref<80x128xf32, #tpu.memory_space<vmem>>) target(%dma_start3A_188 : memref<10240x128xf32, #tpu.memory_space<vmem_shared>>) offsets(%dma_start3A_185 : memref<80xi32, #tpu.memory_space<vmem>>) semaphore(%run_scoped3A_182 : memref<!tpu.dma_semaphore, #tpu.memory_space<semaphore_mem>>) {add = true}
        %dma_wait3A_189 = arith.constant 0 : i32
        %dma_wait3A_190 = tpu.memref_slice %arg7[%add3A_154, %dma_wait3A_189] : memref<64x80xi32, #tpu.memory_space<vmem>> -> memref<1x80xi32, #tpu.memory_space<vmem>>
        %dma_wait3A_191 = tpu.memref_squeeze %dma_wait3A_190 : memref<1x80xi32, #tpu.memory_space<vmem>> -> memref<80xi32, #tpu.memory_space<vmem>>
        %dma_wait3A_192 = arith.constant 0 : i32
        %dma_wait3A_193 = arith.constant 0 : i32
        %dma_wait3A_194 = tpu.memref_slice %arg10[%dma_wait3A_192, %dma_wait3A_193] : memref<10240x128xf32, #tpu.memory_space<vmem_shared>> -> memref<10240x128xf32, #tpu.memory_space<vmem_shared>>
        tpu.wait_indirect_dma semaphore(%run_scoped3A_182 : memref<!tpu.dma_semaphore, #tpu.memory_space<semaphore_mem>>) src(%arg9 : memref<80x128xf32, #tpu.memory_space<vmem>>) dst(%dma_wait3A_194 : memref<10240x128xf32, #tpu.memory_space<vmem_shared>>)
        tpu.yield
      }) : () -> ()
      %scan3A_181 = arith.constant 0 : i32
      scf.yield %scan3A_181 : i32
    }
    %scan3A_100 = arith.constant 31 : i32
    %dma_wait3A = arith.constant 62 : i32
    %dma_wait3A_101 = arith.constant 0 : i32
    %dma_wait3A_102 = tpu.memref_slice %arg6[%dma_wait3A, %dma_wait3A_101] : memref<64x80xi32, #tpu.memory_space<vmem>> -> memref<1x80xi32, #tpu.memory_space<vmem>>
    %dma_wait3A_103 = tpu.memref_squeeze %dma_wait3A_102 : memref<1x80xi32, #tpu.memory_space<vmem>> -> memref<80xi32, #tpu.memory_space<vmem>>
    %dma_wait3A_104 = arith.constant 0 : i32
    %dma_wait3A_105 = arith.constant 0 : i32
    %dma_wait3A_106 = tpu.memref_slice %arg2[%dma_wait3A_104, %dma_wait3A_105] : memref<10000x128xf32, #tpu.memory_space<hbm>> -> memref<10000x128xf32, #tpu.memory_space<hbm>>
    tpu.wait_indirect_dma semaphore(%arg11 : memref<!tpu.dma_semaphore, #tpu.memory_space<semaphore_mem>>) src(%dma_wait3A_106 : memref<10000x128xf32, #tpu.memory_space<hbm>>) dst(%arg8 : memref<80x128xf32, #tpu.memory_space<vmem>>)
    %dma_start3A_107 = arith.constant 63 : i32
    %dma_start3A_108 = arith.constant 0 : i32
    %dma_start3A_109 = tpu.memref_slice %arg6[%dma_start3A_107, %dma_start3A_108] : memref<64x80xi32, #tpu.memory_space<vmem>> -> memref<1x80xi32, #tpu.memory_space<vmem>>
    %dma_start3A_110 = tpu.memref_squeeze %dma_start3A_109 : memref<1x80xi32, #tpu.memory_space<vmem>> -> memref<80xi32, #tpu.memory_space<vmem>>
    %dma_start3A_111 = arith.constant 0 : i32
    %dma_start3A_112 = arith.constant 0 : i32
    %dma_start3A_113 = tpu.memref_slice %arg2[%dma_start3A_111, %dma_start3A_112] : memref<10000x128xf32, #tpu.memory_space<hbm>> -> memref<10000x128xf32, #tpu.memory_space<hbm>>
    tpu.enqueue_indirect_dma source(%dma_start3A_113 : memref<10000x128xf32, #tpu.memory_space<hbm>>) target(%arg9 : memref<80x128xf32, #tpu.memory_space<vmem>>) offsets(%dma_start3A_110 : memref<80xi32, #tpu.memory_space<vmem>>) semaphore(%arg12 : memref<!tpu.dma_semaphore, #tpu.memory_space<semaphore_mem>>)
    %run_scoped3A = arith.constant 62 : i32
    "tpu.region"() ({
      %run_scoped3A_149 = tpu.sem_alloc : memref<!tpu.dma_semaphore, #tpu.memory_space<semaphore_mem>>
      %dma_start3A_150 = arith.constant 0 : i32
      %dma_start3A_151 = tpu.memref_slice %arg7[%run_scoped3A, %dma_start3A_150] : memref<64x80xi32, #tpu.memory_space<vmem>> -> memref<1x80xi32, #tpu.memory_space<vmem>>
      %dma_start3A_152 = tpu.memref_squeeze %dma_start3A_151 : memref<1x80xi32, #tpu.memory_space<vmem>> -> memref<80xi32, #tpu.memory_space<vmem>>
      %dma_start3A_153 = arith.constant 0 : i32
      %dma_start3A_154 = arith.constant 0 : i32
      %dma_start3A_155 = tpu.memref_slice %arg10[%dma_start3A_153, %dma_start3A_154] : memref<10240x128xf32, #tpu.memory_space<vmem_shared>> -> memref<10240x128xf32, #tpu.memory_space<vmem_shared>>
      tpu.enqueue_indirect_dma source(%arg8 : memref<80x128xf32, #tpu.memory_space<vmem>>) target(%dma_start3A_155 : memref<10240x128xf32, #tpu.memory_space<vmem_shared>>) offsets(%dma_start3A_152 : memref<80xi32, #tpu.memory_space<vmem>>) semaphore(%run_scoped3A_149 : memref<!tpu.dma_semaphore, #tpu.memory_space<semaphore_mem>>) {add = true}
      %dma_wait3A_156 = arith.constant 0 : i32
      %dma_wait3A_157 = tpu.memref_slice %arg7[%run_scoped3A, %dma_wait3A_156] : memref<64x80xi32, #tpu.memory_space<vmem>> -> memref<1x80xi32, #tpu.memory_space<vmem>>
      %dma_wait3A_158 = tpu.memref_squeeze %dma_wait3A_157 : memref<1x80xi32, #tpu.memory_space<vmem>> -> memref<80xi32, #tpu.memory_space<vmem>>
      %dma_wait3A_159 = arith.constant 0 : i32
      %dma_wait3A_160 = arith.constant 0 : i32
      %dma_wait3A_161 = tpu.memref_slice %arg10[%dma_wait3A_159, %dma_wait3A_160] : memref<10240x128xf32, #tpu.memory_space<vmem_shared>> -> memref<10240x128xf32, #tpu.memory_space<vmem_shared>>
      tpu.wait_indirect_dma semaphore(%run_scoped3A_149 : memref<!tpu.dma_semaphore, #tpu.memory_space<semaphore_mem>>) src(%arg8 : memref<80x128xf32, #tpu.memory_space<vmem>>) dst(%dma_wait3A_161 : memref<10240x128xf32, #tpu.memory_space<vmem_shared>>)
      tpu.yield
    }) : () -> ()
    %dma_wait3A_114 = arith.constant 63 : i32
    %dma_wait3A_115 = arith.constant 0 : i32
    %dma_wait3A_116 = tpu.memref_slice %arg6[%dma_wait3A_114, %dma_wait3A_115] : memref<64x80xi32, #tpu.memory_space<vmem>> -> memref<1x80xi32, #tpu.memory_space<vmem>>
    %dma_wait3A_117 = tpu.memref_squeeze %dma_wait3A_116 : memref<1x80xi32, #tpu.memory_space<vmem>> -> memref<80xi32, #tpu.memory_space<vmem>>
    %dma_wait3A_118 = arith.constant 0 : i32
    %dma_wait3A_119 = arith.constant 0 : i32
    %dma_wait3A_120 = tpu.memref_slice %arg2[%dma_wait3A_118, %dma_wait3A_119] : memref<10000x128xf32, #tpu.memory_space<hbm>> -> memref<10000x128xf32, #tpu.memory_space<hbm>>
    tpu.wait_indirect_dma semaphore(%arg12 : memref<!tpu.dma_semaphore, #tpu.memory_space<semaphore_mem>>) src(%dma_wait3A_120 : memref<10000x128xf32, #tpu.memory_space<hbm>>) dst(%arg9 : memref<80x128xf32, #tpu.memory_space<vmem>>)
    %run_scoped3A_121 = arith.constant 63 : i32
    "tpu.region"() ({
      %run_scoped3A_149 = tpu.sem_alloc : memref<!tpu.dma_semaphore, #tpu.memory_space<semaphore_mem>>
      %dma_start3A_150 = arith.constant 0 : i32
      %dma_start3A_151 = tpu.memref_slice %arg7[%run_scoped3A_121, %dma_start3A_150] : memref<64x80xi32, #tpu.memory_space<vmem>> -> memref<1x80xi32, #tpu.memory_space<vmem>>
      %dma_start3A_152 = tpu.memref_squeeze %dma_start3A_151 : memref<1x80xi32, #tpu.memory_space<vmem>> -> memref<80xi32, #tpu.memory_space<vmem>>
      %dma_start3A_153 = arith.constant 0 : i32
      %dma_start3A_154 = arith.constant 0 : i32
      %dma_start3A_155 = tpu.memref_slice %arg10[%dma_start3A_153, %dma_start3A_154] : memref<10240x128xf32, #tpu.memory_space<vmem_shared>> -> memref<10240x128xf32, #tpu.memory_space<vmem_shared>>
      tpu.enqueue_indirect_dma source(%arg9 : memref<80x128xf32, #tpu.memory_space<vmem>>) target(%dma_start3A_155 : memref<10240x128xf32, #tpu.memory_space<vmem_shared>>) offsets(%dma_start3A_152 : memref<80xi32, #tpu.memory_space<vmem>>) semaphore(%run_scoped3A_149 : memref<!tpu.dma_semaphore, #tpu.memory_space<semaphore_mem>>) {add = true}
      %dma_wait3A_156 = arith.constant 0 : i32
      %dma_wait3A_157 = tpu.memref_slice %arg7[%run_scoped3A_121, %dma_wait3A_156] : memref<64x80xi32, #tpu.memory_space<vmem>> -> memref<1x80xi32, #tpu.memory_space<vmem>>
      %dma_wait3A_158 = tpu.memref_squeeze %dma_wait3A_157 : memref<1x80xi32, #tpu.memory_space<vmem>> -> memref<80xi32, #tpu.memory_space<vmem>>
      %dma_wait3A_159 = arith.constant 0 : i32
      %dma_wait3A_160 = arith.constant 0 : i32
      %dma_wait3A_161 = tpu.memref_slice %arg10[%dma_wait3A_159, %dma_wait3A_160] : memref<10240x128xf32, #tpu.memory_space<vmem_shared>> -> memref<10240x128xf32, #tpu.memory_space<vmem_shared>>
      tpu.wait_indirect_dma semaphore(%run_scoped3A_149 : memref<!tpu.dma_semaphore, #tpu.memory_space<semaphore_mem>>) src(%arg9 : memref<80x128xf32, #tpu.memory_space<vmem>>) dst(%dma_wait3A_161 : memref<10240x128xf32, #tpu.memory_space<vmem_shared>>)
      tpu.yield
    }) : () -> ()
    "tpu.region"() ({
      %run_scoped3A_149 = tpu.sem_alloc : memref<!tpu.dma_semaphore, #tpu.memory_space<semaphore_mem>>
      %dma_start3A_150 = arith.constant 0 : i32
      %dma_start3A_151 = arith.constant 0 : i32
      %dma_start3A_152 = tpu.memref_slice %arg6[%dma_start3A_150, %dma_start3A_151] : memref<64x80xi32, #tpu.memory_space<vmem>> -> memref<61x80xi32, #tpu.memory_space<vmem>>
      %dma_start3A_153 = arith.constant 64 : i32
      %dma_start3A_154 = arith.constant 0 : i32
      %dma_start3A_155 = tpu.memref_slice %arg3[%add3A, %dma_start3A_153, %dma_start3A_154] : memref<32x125x80xi32, #tpu.memory_space<hbm>> -> memref<1x61x80xi32, #tpu.memory_space<hbm>>
      %dma_start3A_156 = tpu.memref_squeeze %dma_start3A_155 : memref<1x61x80xi32, #tpu.memory_space<hbm>> -> memref<61x80xi32, #tpu.memory_space<hbm>>
      %dma_start3A_157 = arith.constant 0 : i32
      %dma_start3A_158 = arith.constant 0 : i32
      %dma_start3A_159 = tpu.memref_slice %arg6[%dma_start3A_157, %dma_start3A_158] : memref<64x80xi32, #tpu.memory_space<vmem>> -> memref<61x80xi32, #tpu.memory_space<vmem>>
      %dma_start3A_160 = arith.constant 64 : i32
      %dma_start3A_161 = arith.constant 0 : i32
      %dma_start3A_162 = tpu.memref_slice %arg3[%add3A, %dma_start3A_160, %dma_start3A_161] : memref<32x125x80xi32, #tpu.memory_space<hbm>> -> memref<1x61x80xi32, #tpu.memory_space<hbm>>
      %dma_start3A_163 = tpu.memref_squeeze %dma_start3A_162 : memref<1x61x80xi32, #tpu.memory_space<hbm>> -> memref<61x80xi32, #tpu.memory_space<hbm>>
      tpu.enqueue_dma source(%dma_start3A_163 : memref<61x80xi32, #tpu.memory_space<hbm>>) target(%dma_start3A_159 : memref<61x80xi32, #tpu.memory_space<vmem>>) target_semaphore(%run_scoped3A_149 : memref<!tpu.dma_semaphore, #tpu.memory_space<semaphore_mem>>)
      %dma_wait3A_164 = arith.constant 0 : i32
      %dma_wait3A_165 = arith.constant 0 : i32
      %dma_wait3A_166 = tpu.memref_slice %arg6[%dma_wait3A_164, %dma_wait3A_165] : memref<64x80xi32, #tpu.memory_space<vmem>> -> memref<61x80xi32, #tpu.memory_space<vmem>>
      %dma_wait3A_167 = arith.constant 64 : i32
      %dma_wait3A_168 = arith.constant 0 : i32
      %dma_wait3A_169 = tpu.memref_slice %arg3[%add3A, %dma_wait3A_167, %dma_wait3A_168] : memref<32x125x80xi32, #tpu.memory_space<hbm>> -> memref<1x61x80xi32, #tpu.memory_space<hbm>>
      %dma_wait3A_170 = tpu.memref_squeeze %dma_wait3A_169 : memref<1x61x80xi32, #tpu.memory_space<hbm>> -> memref<61x80xi32, #tpu.memory_space<hbm>>
      %dma_wait3A_171 = arith.constant 0 : i32
      %dma_wait3A_172 = arith.constant 0 : i32
      %dma_wait3A_173 = tpu.memref_slice %arg6[%dma_wait3A_171, %dma_wait3A_172] : memref<64x80xi32, #tpu.memory_space<vmem>> -> memref<61x80xi32, #tpu.memory_space<vmem>>
      %dma_wait3A_174 = arith.constant 64 : i32
      %dma_wait3A_175 = arith.constant 0 : i32
      %dma_wait3A_176 = tpu.memref_slice %arg3[%add3A, %dma_wait3A_174, %dma_wait3A_175] : memref<32x125x80xi32, #tpu.memory_space<hbm>> -> memref<1x61x80xi32, #tpu.memory_space<hbm>>
      %dma_wait3A_177 = tpu.memref_squeeze %dma_wait3A_176 : memref<1x61x80xi32, #tpu.memory_space<hbm>> -> memref<61x80xi32, #tpu.memory_space<hbm>>
      tpu.wait_dma2 semaphore(%run_scoped3A_149 : memref<!tpu.dma_semaphore, #tpu.memory_space<semaphore_mem>>) src(%dma_wait3A_177 : memref<61x80xi32, #tpu.memory_space<hbm>>) dst(%dma_wait3A_173 : memref<61x80xi32, #tpu.memory_space<vmem>>)
      tpu.yield
    }) : () -> ()
    "tpu.region"() ({
      %run_scoped3A_149 = tpu.sem_alloc : memref<!tpu.dma_semaphore, #tpu.memory_space<semaphore_mem>>
      %dma_start3A_150 = arith.constant 0 : i32
      %dma_start3A_151 = arith.constant 0 : i32
      %dma_start3A_152 = tpu.memref_slice %arg7[%dma_start3A_150, %dma_start3A_151] : memref<64x80xi32, #tpu.memory_space<vmem>> -> memref<61x80xi32, #tpu.memory_space<vmem>>
      %dma_start3A_153 = arith.constant 64 : i32
      %dma_start3A_154 = arith.constant 0 : i32
      %dma_start3A_155 = tpu.memref_slice %arg4[%add3A, %dma_start3A_153, %dma_start3A_154] : memref<32x125x80xi32, #tpu.memory_space<hbm>> -> memref<1x61x80xi32, #tpu.memory_space<hbm>>
      %dma_start3A_156 = tpu.memref_squeeze %dma_start3A_155 : memref<1x61x80xi32, #tpu.memory_space<hbm>> -> memref<61x80xi32, #tpu.memory_space<hbm>>
      %dma_start3A_157 = arith.constant 0 : i32
      %dma_start3A_158 = arith.constant 0 : i32
      %dma_start3A_159 = tpu.memref_slice %arg7[%dma_start3A_157, %dma_start3A_158] : memref<64x80xi32, #tpu.memory_space<vmem>> -> memref<61x80xi32, #tpu.memory_space<vmem>>
      %dma_start3A_160 = arith.constant 64 : i32
      %dma_start3A_161 = arith.constant 0 : i32
      %dma_start3A_162 = tpu.memref_slice %arg4[%add3A, %dma_start3A_160, %dma_start3A_161] : memref<32x125x80xi32, #tpu.memory_space<hbm>> -> memref<1x61x80xi32, #tpu.memory_space<hbm>>
      %dma_start3A_163 = tpu.memref_squeeze %dma_start3A_162 : memref<1x61x80xi32, #tpu.memory_space<hbm>> -> memref<61x80xi32, #tpu.memory_space<hbm>>
      tpu.enqueue_dma source(%dma_start3A_163 : memref<61x80xi32, #tpu.memory_space<hbm>>) target(%dma_start3A_159 : memref<61x80xi32, #tpu.memory_space<vmem>>) target_semaphore(%run_scoped3A_149 : memref<!tpu.dma_semaphore, #tpu.memory_space<semaphore_mem>>)
      %dma_wait3A_164 = arith.constant 0 : i32
      %dma_wait3A_165 = arith.constant 0 : i32
      %dma_wait3A_166 = tpu.memref_slice %arg7[%dma_wait3A_164, %dma_wait3A_165] : memref<64x80xi32, #tpu.memory_space<vmem>> -> memref<61x80xi32, #tpu.memory_space<vmem>>
      %dma_wait3A_167 = arith.constant 64 : i32
      %dma_wait3A_168 = arith.constant 0 : i32
      %dma_wait3A_169 = tpu.memref_slice %arg4[%add3A, %dma_wait3A_167, %dma_wait3A_168] : memref<32x125x80xi32, #tpu.memory_space<hbm>> -> memref<1x61x80xi32, #tpu.memory_space<hbm>>
      %dma_wait3A_170 = tpu.memref_squeeze %dma_wait3A_169 : memref<1x61x80xi32, #tpu.memory_space<hbm>> -> memref<61x80xi32, #tpu.memory_space<hbm>>
      %dma_wait3A_171 = arith.constant 0 : i32
      %dma_wait3A_172 = arith.constant 0 : i32
      %dma_wait3A_173 = tpu.memref_slice %arg7[%dma_wait3A_171, %dma_wait3A_172] : memref<64x80xi32, #tpu.memory_space<vmem>> -> memref<61x80xi32, #tpu.memory_space<vmem>>
      %dma_wait3A_174 = arith.constant 64 : i32
      %dma_wait3A_175 = arith.constant 0 : i32
      %dma_wait3A_176 = tpu.memref_slice %arg4[%add3A, %dma_wait3A_174, %dma_wait3A_175] : memref<32x125x80xi32, #tpu.memory_space<hbm>> -> memref<1x61x80xi32, #tpu.memory_space<hbm>>
      %dma_wait3A_177 = tpu.memref_squeeze %dma_wait3A_176 : memref<1x61x80xi32, #tpu.memory_space<hbm>> -> memref<61x80xi32, #tpu.memory_space<hbm>>
      tpu.wait_dma2 semaphore(%run_scoped3A_149 : memref<!tpu.dma_semaphore, #tpu.memory_space<semaphore_mem>>) src(%dma_wait3A_177 : memref<61x80xi32, #tpu.memory_space<hbm>>) dst(%dma_wait3A_173 : memref<61x80xi32, #tpu.memory_space<vmem>>)
      tpu.yield
    }) : () -> ()
    %dma_start3A_122 = arith.constant 0 : i32
    %dma_start3A_123 = arith.constant 0 : i32
    %dma_start3A_124 = tpu.memref_slice %arg6[%dma_start3A_122, %dma_start3A_123] : memref<64x80xi32, #tpu.memory_space<vmem>> -> memref<1x80xi32, #tpu.memory_space<vmem>>
    %dma_start3A_125 = tpu.memref_squeeze %dma_start3A_124 : memref<1x80xi32, #tpu.memory_space<vmem>> -> memref<80xi32, #tpu.memory_space<vmem>>
    %dma_start3A_126 = arith.constant 0 : i32
    %dma_start3A_127 = arith.constant 0 : i32
    %dma_start3A_128 = tpu.memref_slice %arg2[%dma_start3A_126, %dma_start3A_127] : memref<10000x128xf32, #tpu.memory_space<hbm>> -> memref<10000x128xf32, #tpu.memory_space<hbm>>
    tpu.enqueue_indirect_dma source(%dma_start3A_128 : memref<10000x128xf32, #tpu.memory_space<hbm>>) target(%arg8 : memref<80x128xf32, #tpu.memory_space<vmem>>) offsets(%dma_start3A_125 : memref<80xi32, #tpu.memory_space<vmem>>) semaphore(%arg11 : memref<!tpu.dma_semaphore, #tpu.memory_space<semaphore_mem>>)
    %scan3A_129 = arith.constant 0 : i32
    %scan3A_130 = arith.constant 0 : i32
    %scan3A_131 = arith.constant 30 : i32
    %scan3A_132 = arith.addi %scan3A_130, %scan3A_131 : i32
    %scan3A_133 = arith.constant 1 : i32
    %scan3A_134 = scf.for %scan3A_149 = %scan3A_130 to %scan3A_132 step %scan3A_133 iter_args(%scan3A_150 = %scan3A_129) -> (i32)  : i32 {
      %mul3A_151 = arith.constant 2 : i32
      %mul3A_152 = arith.muli %scan3A_149, %mul3A_151 : i32
      %add3A_153 = arith.constant 1 : i32
      %add3A_154 = arith.addi %mul3A_152, %add3A_153 : i32
      %dma_wait3A_155 = arith.constant 0 : i32
      %dma_wait3A_156 = tpu.memref_slice %arg6[%mul3A_152, %dma_wait3A_155] : memref<64x80xi32, #tpu.memory_space<vmem>> -> memref<1x80xi32, #tpu.memory_space<vmem>>
      %dma_wait3A_157 = tpu.memref_squeeze %dma_wait3A_156 : memref<1x80xi32, #tpu.memory_space<vmem>> -> memref<80xi32, #tpu.memory_space<vmem>>
      %dma_wait3A_158 = arith.constant 0 : i32
      %dma_wait3A_159 = arith.constant 0 : i32
      %dma_wait3A_160 = tpu.memref_slice %arg2[%dma_wait3A_158, %dma_wait3A_159] : memref<10000x128xf32, #tpu.memory_space<hbm>> -> memref<10000x128xf32, #tpu.memory_space<hbm>>
      tpu.wait_indirect_dma semaphore(%arg11 : memref<!tpu.dma_semaphore, #tpu.memory_space<semaphore_mem>>) src(%dma_wait3A_160 : memref<10000x128xf32, #tpu.memory_space<hbm>>) dst(%arg8 : memref<80x128xf32, #tpu.memory_space<vmem>>)
      %dma_start3A_161 = arith.constant 0 : i32
      %dma_start3A_162 = tpu.memref_slice %arg6[%add3A_154, %dma_start3A_161] : memref<64x80xi32, #tpu.memory_space<vmem>> -> memref<1x80xi32, #tpu.memory_space<vmem>>
      %dma_start3A_163 = tpu.memref_squeeze %dma_start3A_162 : memref<1x80xi32, #tpu.memory_space<vmem>> -> memref<80xi32, #tpu.memory_space<vmem>>
      %dma_start3A_164 = arith.constant 0 : i32
      %dma_start3A_165 = arith.constant 0 : i32
      %dma_start3A_166 = tpu.memref_slice %arg2[%dma_start3A_164, %dma_start3A_165] : memref<10000x128xf32, #tpu.memory_space<hbm>> -> memref<10000x128xf32, #tpu.memory_space<hbm>>
      tpu.enqueue_indirect_dma source(%dma_start3A_166 : memref<10000x128xf32, #tpu.memory_space<hbm>>) target(%arg9 : memref<80x128xf32, #tpu.memory_space<vmem>>) offsets(%dma_start3A_163 : memref<80xi32, #tpu.memory_space<vmem>>) semaphore(%arg12 : memref<!tpu.dma_semaphore, #tpu.memory_space<semaphore_mem>>)
      "tpu.region"() ({
        %run_scoped3A_182 = tpu.sem_alloc : memref<!tpu.dma_semaphore, #tpu.memory_space<semaphore_mem>>
        %dma_start3A_183 = arith.constant 0 : i32
        %dma_start3A_184 = tpu.memref_slice %arg7[%mul3A_152, %dma_start3A_183] : memref<64x80xi32, #tpu.memory_space<vmem>> -> memref<1x80xi32, #tpu.memory_space<vmem>>
        %dma_start3A_185 = tpu.memref_squeeze %dma_start3A_184 : memref<1x80xi32, #tpu.memory_space<vmem>> -> memref<80xi32, #tpu.memory_space<vmem>>
        %dma_start3A_186 = arith.constant 0 : i32
        %dma_start3A_187 = arith.constant 0 : i32
        %dma_start3A_188 = tpu.memref_slice %arg10[%dma_start3A_186, %dma_start3A_187] : memref<10240x128xf32, #tpu.memory_space<vmem_shared>> -> memref<10240x128xf32, #tpu.memory_space<vmem_shared>>
        tpu.enqueue_indirect_dma source(%arg8 : memref<80x128xf32, #tpu.memory_space<vmem>>) target(%dma_start3A_188 : memref<10240x128xf32, #tpu.memory_space<vmem_shared>>) offsets(%dma_start3A_185 : memref<80xi32, #tpu.memory_space<vmem>>) semaphore(%run_scoped3A_182 : memref<!tpu.dma_semaphore, #tpu.memory_space<semaphore_mem>>) {add = true}
        %dma_wait3A_189 = arith.constant 0 : i32
        %dma_wait3A_190 = tpu.memref_slice %arg7[%mul3A_152, %dma_wait3A_189] : memref<64x80xi32, #tpu.memory_space<vmem>> -> memref<1x80xi32, #tpu.memory_space<vmem>>
        %dma_wait3A_191 = tpu.memref_squeeze %dma_wait3A_190 : memref<1x80xi32, #tpu.memory_space<vmem>> -> memref<80xi32, #tpu.memory_space<vmem>>
        %dma_wait3A_192 = arith.constant 0 : i32
        %dma_wait3A_193 = arith.constant 0 : i32
        %dma_wait3A_194 = tpu.memref_slice %arg10[%dma_wait3A_192, %dma_wait3A_193] : memref<10240x128xf32, #tpu.memory_space<vmem_shared>> -> memref<10240x128xf32, #tpu.memory_space<vmem_shared>>
        tpu.wait_indirect_dma semaphore(%run_scoped3A_182 : memref<!tpu.dma_semaphore, #tpu.memory_space<semaphore_mem>>) src(%arg8 : memref<80x128xf32, #tpu.memory_space<vmem>>) dst(%dma_wait3A_194 : memref<10240x128xf32, #tpu.memory_space<vmem_shared>>)
        tpu.yield
      }) : () -> ()
      %dma_wait3A_167 = arith.constant 0 : i32
      %dma_wait3A_168 = tpu.memref_slice %arg6[%add3A_154, %dma_wait3A_167] : memref<64x80xi32, #tpu.memory_space<vmem>> -> memref<1x80xi32, #tpu.memory_space<vmem>>
      %dma_wait3A_169 = tpu.memref_squeeze %dma_wait3A_168 : memref<1x80xi32, #tpu.memory_space<vmem>> -> memref<80xi32, #tpu.memory_space<vmem>>
      %dma_wait3A_170 = arith.constant 0 : i32
      %dma_wait3A_171 = arith.constant 0 : i32
      %dma_wait3A_172 = tpu.memref_slice %arg2[%dma_wait3A_170, %dma_wait3A_171] : memref<10000x128xf32, #tpu.memory_space<hbm>> -> memref<10000x128xf32, #tpu.memory_space<hbm>>
      tpu.wait_indirect_dma semaphore(%arg12 : memref<!tpu.dma_semaphore, #tpu.memory_space<semaphore_mem>>) src(%dma_wait3A_172 : memref<10000x128xf32, #tpu.memory_space<hbm>>) dst(%arg9 : memref<80x128xf32, #tpu.memory_space<vmem>>)
      %add3A_173 = arith.constant 1 : i32
      %add3A_174 = arith.addi %add3A_154, %add3A_173 : i32
      %dma_start3A_175 = arith.constant 0 : i32
      %dma_start3A_176 = tpu.memref_slice %arg6[%add3A_174, %dma_start3A_175] : memref<64x80xi32, #tpu.memory_space<vmem>> -> memref<1x80xi32, #tpu.memory_space<vmem>>
      %dma_start3A_177 = tpu.memref_squeeze %dma_start3A_176 : memref<1x80xi32, #tpu.memory_space<vmem>> -> memref<80xi32, #tpu.memory_space<vmem>>
      %dma_start3A_178 = arith.constant 0 : i32
      %dma_start3A_179 = arith.constant 0 : i32
      %dma_start3A_180 = tpu.memref_slice %arg2[%dma_start3A_178, %dma_start3A_179] : memref<10000x128xf32, #tpu.memory_space<hbm>> -> memref<10000x128xf32, #tpu.memory_space<hbm>>
      tpu.enqueue_indirect_dma source(%dma_start3A_180 : memref<10000x128xf32, #tpu.memory_space<hbm>>) target(%arg8 : memref<80x128xf32, #tpu.memory_space<vmem>>) offsets(%dma_start3A_177 : memref<80xi32, #tpu.memory_space<vmem>>) semaphore(%arg11 : memref<!tpu.dma_semaphore, #tpu.memory_space<semaphore_mem>>)
      "tpu.region"() ({
        %run_scoped3A_182 = tpu.sem_alloc : memref<!tpu.dma_semaphore, #tpu.memory_space<semaphore_mem>>
        %dma_start3A_183 = arith.constant 0 : i32
        %dma_start3A_184 = tpu.memref_slice %arg7[%add3A_154, %dma_start3A_183] : memref<64x80xi32, #tpu.memory_space<vmem>> -> memref<1x80xi32, #tpu.memory_space<vmem>>
        %dma_start3A_185 = tpu.memref_squeeze %dma_start3A_184 : memref<1x80xi32, #tpu.memory_space<vmem>> -> memref<80xi32, #tpu.memory_space<vmem>>
        %dma_start3A_186 = arith.constant 0 : i32
        %dma_start3A_187 = arith.constant 0 : i32
        %dma_start3A_188 = tpu.memref_slice %arg10[%dma_start3A_186, %dma_start3A_187] : memref<10240x128xf32, #tpu.memory_space<vmem_shared>> -> memref<10240x128xf32, #tpu.memory_space<vmem_shared>>
        tpu.enqueue_indirect_dma source(%arg9 : memref<80x128xf32, #tpu.memory_space<vmem>>) target(%dma_start3A_188 : memref<10240x128xf32, #tpu.memory_space<vmem_shared>>) offsets(%dma_start3A_185 : memref<80xi32, #tpu.memory_space<vmem>>) semaphore(%run_scoped3A_182 : memref<!tpu.dma_semaphore, #tpu.memory_space<semaphore_mem>>) {add = true}
        %dma_wait3A_189 = arith.constant 0 : i32
        %dma_wait3A_190 = tpu.memref_slice %arg7[%add3A_154, %dma_wait3A_189] : memref<64x80xi32, #tpu.memory_space<vmem>> -> memref<1x80xi32, #tpu.memory_space<vmem>>
        %dma_wait3A_191 = tpu.memref_squeeze %dma_wait3A_190 : memref<1x80xi32, #tpu.memory_space<vmem>> -> memref<80xi32, #tpu.memory_space<vmem>>
        %dma_wait3A_192 = arith.constant 0 : i32
        %dma_wait3A_193 = arith.constant 0 : i32
        %dma_wait3A_194 = tpu.memref_slice %arg10[%dma_wait3A_192, %dma_wait3A_193] : memref<10240x128xf32, #tpu.memory_space<vmem_shared>> -> memref<10240x128xf32, #tpu.memory_space<vmem_shared>>
        tpu.wait_indirect_dma semaphore(%run_scoped3A_182 : memref<!tpu.dma_semaphore, #tpu.memory_space<semaphore_mem>>) src(%arg9 : memref<80x128xf32, #tpu.memory_space<vmem>>) dst(%dma_wait3A_194 : memref<10240x128xf32, #tpu.memory_space<vmem_shared>>)
        tpu.yield
      }) : () -> ()
      %scan3A_181 = arith.constant 0 : i32
      scf.yield %scan3A_181 : i32
    }
    %scan3A_135 = arith.constant 30 : i32
    %dma_wait3A_136 = arith.constant 60 : i32
    %dma_wait3A_137 = arith.constant 0 : i32
    %dma_wait3A_138 = tpu.memref_slice %arg6[%dma_wait3A_136, %dma_wait3A_137] : memref<64x80xi32, #tpu.memory_space<vmem>> -> memref<1x80xi32, #tpu.memory_space<vmem>>
    %dma_wait3A_139 = tpu.memref_squeeze %dma_wait3A_138 : memref<1x80xi32, #tpu.memory_space<vmem>> -> memref<80xi32, #tpu.memory_space<vmem>>
    %dma_wait3A_140 = arith.constant 0 : i32
    %dma_wait3A_141 = arith.constant 0 : i32
    %dma_wait3A_142 = tpu.memref_slice %arg2[%dma_wait3A_140, %dma_wait3A_141] : memref<10000x128xf32, #tpu.memory_space<hbm>> -> memref<10000x128xf32, #tpu.memory_space<hbm>>
    tpu.wait_indirect_dma semaphore(%arg11 : memref<!tpu.dma_semaphore, #tpu.memory_space<semaphore_mem>>) src(%dma_wait3A_142 : memref<10000x128xf32, #tpu.memory_space<hbm>>) dst(%arg8 : memref<80x128xf32, #tpu.memory_space<vmem>>)
    %run_scoped3A_143 = arith.constant 60 : i32
    "tpu.region"() ({
      %run_scoped3A_149 = tpu.sem_alloc : memref<!tpu.dma_semaphore, #tpu.memory_space<semaphore_mem>>
      %dma_start3A_150 = arith.constant 0 : i32
      %dma_start3A_151 = tpu.memref_slice %arg7[%run_scoped3A_143, %dma_start3A_150] : memref<64x80xi32, #tpu.memory_space<vmem>> -> memref<1x80xi32, #tpu.memory_space<vmem>>
      %dma_start3A_152 = tpu.memref_squeeze %dma_start3A_151 : memref<1x80xi32, #tpu.memory_space<vmem>> -> memref<80xi32, #tpu.memory_space<vmem>>
      %dma_start3A_153 = arith.constant 0 : i32
      %dma_start3A_154 = arith.constant 0 : i32
      %dma_start3A_155 = tpu.memref_slice %arg10[%dma_start3A_153, %dma_start3A_154] : memref<10240x128xf32, #tpu.memory_space<vmem_shared>> -> memref<10240x128xf32, #tpu.memory_space<vmem_shared>>
      tpu.enqueue_indirect_dma source(%arg8 : memref<80x128xf32, #tpu.memory_space<vmem>>) target(%dma_start3A_155 : memref<10240x128xf32, #tpu.memory_space<vmem_shared>>) offsets(%dma_start3A_152 : memref<80xi32, #tpu.memory_space<vmem>>) semaphore(%run_scoped3A_149 : memref<!tpu.dma_semaphore, #tpu.memory_space<semaphore_mem>>) {add = true}
      %dma_wait3A_156 = arith.constant 0 : i32
      %dma_wait3A_157 = tpu.memref_slice %arg7[%run_scoped3A_143, %dma_wait3A_156] : memref<64x80xi32, #tpu.memory_space<vmem>> -> memref<1x80xi32, #tpu.memory_space<vmem>>
      %dma_wait3A_158 = tpu.memref_squeeze %dma_wait3A_157 : memref<1x80xi32, #tpu.memory_space<vmem>> -> memref<80xi32, #tpu.memory_space<vmem>>
      %dma_wait3A_159 = arith.constant 0 : i32
      %dma_wait3A_160 = arith.constant 0 : i32
      %dma_wait3A_161 = tpu.memref_slice %arg10[%dma_wait3A_159, %dma_wait3A_160] : memref<10240x128xf32, #tpu.memory_space<vmem_shared>> -> memref<10240x128xf32, #tpu.memory_space<vmem_shared>>
      tpu.wait_indirect_dma semaphore(%run_scoped3A_149 : memref<!tpu.dma_semaphore, #tpu.memory_space<semaphore_mem>>) src(%arg8 : memref<80x128xf32, #tpu.memory_space<vmem>>) dst(%dma_wait3A_161 : memref<10240x128xf32, #tpu.memory_space<vmem_shared>>)
      tpu.yield
    }) : () -> ()
    %barrier3A_144 = arith.constant 0 : index
    tpu.barrier barrier_id(%barrier3A_144)
    %mul3A_145 = arith.constant 640 : i32
    %mul3A_146 = arith.muli %arg1, %mul3A_145 : i32
    %mul3A_147 = arith.constant 640 : i32
    %mul3A_148 = arith.muli %arg1, %mul3A_147 : i32
    "tpu.region"() ({
      %run_scoped3A_149 = tpu.sem_alloc : memref<!tpu.dma_semaphore, #tpu.memory_space<semaphore_mem>>
      %dma_start3A_150 = arith.constant 0 : i32
      %dma_start3A_151 = tpu.memref_slice %arg5[%arg0, %mul3A_148, %dma_start3A_150] : memref<2x10240x128xf32, #tpu.memory_space<hbm>> -> memref<1x640x128xf32, #tpu.memory_space<hbm>>
      %dma_start3A_152 = tpu.memref_squeeze %dma_start3A_151 : memref<1x640x128xf32, #tpu.memory_space<hbm>> -> memref<640x128xf32, #tpu.memory_space<hbm>>
      %dma_start3A_153 = arith.constant 0 : i32
      %dma_start3A_154 = tpu.memref_slice %arg10[%mul3A_146, %dma_start3A_153] : memref<10240x128xf32, #tpu.memory_space<vmem_shared>> -> memref<640x128xf32, #tpu.memory_space<vmem_shared>>
      tpu.enqueue_dma source(%dma_start3A_154 : memref<640x128xf32, #tpu.memory_space<vmem_shared>>) target(%dma_start3A_152 : memref<640x128xf32, #tpu.memory_space<hbm>>) target_semaphore(%run_scoped3A_149 : memref<!tpu.dma_semaphore, #tpu.memory_space<semaphore_mem>>)
      %dma_wait3A_155 = arith.constant 0 : i32
      %dma_wait3A_156 = tpu.memref_slice %arg5[%arg0, %mul3A_148, %dma_wait3A_155] : memref<2x10240x128xf32, #tpu.memory_space<hbm>> -> memref<1x640x128xf32, #tpu.memory_space<hbm>>
      %dma_wait3A_157 = tpu.memref_squeeze %dma_wait3A_156 : memref<1x640x128xf32, #tpu.memory_space<hbm>> -> memref<640x128xf32, #tpu.memory_space<hbm>>
      %dma_wait3A_158 = arith.constant 0 : i32
      %dma_wait3A_159 = tpu.memref_slice %arg10[%mul3A_146, %dma_wait3A_158] : memref<10240x128xf32, #tpu.memory_space<vmem_shared>> -> memref<640x128xf32, #tpu.memory_space<vmem_shared>>
      tpu.wait_dma2 semaphore(%run_scoped3A_149 : memref<!tpu.dma_semaphore, #tpu.memory_space<semaphore_mem>>) src(%dma_wait3A_159 : memref<640x128xf32, #tpu.memory_space<vmem_shared>>) dst(%dma_wait3A_157 : memref<640x128xf32, #tpu.memory_space<hbm>>)
      tpu.yield
    }) : () -> ()
    return
  }
}

#map = affine_map<(d0, d1) -> (0, 0)>
#map1 = affine_map<(d0, d1) -> (0, 0, 0)>
module attributes {stable_mosaic.version = 14 : i64} {
  func.func @agg(%arg0: i32, %arg1: i32, %arg2: memref<10000x128xf32, #tpu.memory_space<hbm>>, %arg3: memref<32x125x80xi32, #tpu.memory_space<hbm>>, %arg4: memref<32x125x80xi32, #tpu.memory_space<hbm>>, %arg5: memref<2x10240x128xf32, #tpu.memory_space<hbm>>, %arg6: memref<64x80xi32, #tpu.memory_space<vmem>>, %arg7: memref<64x80xi32, #tpu.memory_space<vmem>>, %arg8: memref<80x128xf32, #tpu.memory_space<vmem>>, %arg9: memref<80x128xf32, #tpu.memory_space<vmem>>, %arg10: memref<10240x128xf32, #tpu.memory_space<vmem_shared>>, %arg11: memref<!tpu.dma_semaphore, #tpu.memory_space<semaphore_mem>>, %arg12: memref<!tpu.dma_semaphore, #tpu.memory_space<semaphore_mem>>) attributes {dimension_semantics = [#tpu.dimension_semantics<core_parallel>, #tpu.dimension_semantics<subcore_parallel>], iteration_bounds = array<i64: 2, 16>, scalar_prefetch = 0 : i64, scratch_operands = 7 : i64, tpu.core_type = #tpu.core_type<sc_vector_subcore>, window_params = [{transform_indices = #map}, {transform_indices = #map1}, {transform_indices = #map1}, {transform_indices = #map1}]} {
    %mul3A = arith.constant 16 : i32
    %mul3A_0 = arith.muli %arg0, %mul3A : i32
    %add3A = arith.addi %mul3A_0, %arg1 : i32
    %broadcast_in_dim3A = arith.constant 0.000000e+00 : f32
    %broadcast_in_dim3A_1 = vector.broadcast %broadcast_in_dim3A : f32 to vector<16xf32>
    %scan3A = arith.constant 0 : i32
    %scan3A_2 = arith.constant 0 : i32
    %scan3A_3 = arith.constant 32 : i32
    %scan3A_4 = arith.addi %scan3A_2, %scan3A_3 : i32
    %scan3A_5 = arith.constant 1 : i32
    %scan3A_6 = scf.for %scan3A_149 = %scan3A_2 to %scan3A_4 step %scan3A_5 iter_args(%scan3A_150 = %scan3A) -> (i32)  : i32 {
      %scan3A_151 = arith.constant 0 : i32
      %scan3A_152 = arith.constant 0 : i32
      %scan3A_153 = arith.constant 8 : i32
      %scan3A_154 = arith.addi %scan3A_152, %scan3A_153 : i32
      %scan3A_155 = arith.constant 1 : i32
      %scan3A_156 = scf.for %scan3A_158 = %scan3A_152 to %scan3A_154 step %scan3A_155 iter_args(%scan3A_159 = %scan3A_151) -> (i32)  : i32 {
        %mul3A_160 = arith.constant 16 : i32
        %mul3A_161 = arith.muli %scan3A_158, %mul3A_160 : i32
        %swap3A = arith.index_cast %scan3A_149 : i32 to index
        %swap3A_162 = arith.index_cast %mul3A_161 : i32 to index
        %swap3A_163 = tpu.vector_load %arg8[%swap3A, %swap3A_162] {strides = array<i32>} : memref<80x128xf32, #tpu.memory_space<vmem>>, vector<1x16xf32>,
        %swap3A_164 = vector.shape_cast %swap3A_163 : vector<1x16xf32> to vector<16xf32>
        %swap3A_165 = vector.shape_cast %broadcast_in_dim3A_1 : vector<16xf32> to vector<1x16xf32>
        tpu.vector_store %arg8[%swap3A, %swap3A_162], %swap3A_165 {strides = array<i32>} : memref<80x128xf32, #tpu.memory_space<vmem>>, vector<1x16xf32>,
        %scan3A_166 = arith.constant 0 : i32
        scf.yield %scan3A_166 : i32
      }
      %scan3A_157 = arith.constant 8 : i32
      scf.yield %scan3A_156 : i32
    }
    %scan3A_7 = arith.constant 32 : i32
    %mul3A_8 = arith.constant 640 : i32
    %mul3A_9 = arith.muli %arg1, %mul3A_8 : i32
    %add3A_10 = arith.constant 0 : i32
    %add3A_11 = arith.addi %mul3A_9, %add3A_10 : i32
    "tpu.region"() ({
      %run_scoped3A_149 = tpu.sem_alloc : memref<!tpu.dma_semaphore, #tpu.memory_space<semaphore_mem>>
      %dma_start3A_150 = arith.constant 0 : i32
      %dma_start3A_151 = arith.constant 0 : i32
      %dma_start3A_152 = tpu.memref_slice %arg8[%dma_start3A_150, %dma_start3A_151] : memref<80x128xf32, #tpu.memory_space<vmem>> -> memref<32x128xf32, #tpu.memory_space<vmem>>
      %dma_start3A_153 = arith.constant 0 : i32
      %dma_start3A_154 = tpu.memref_slice %arg10[%add3A_11, %dma_start3A_153] : memref<10240x128xf32, #tpu.memory_space<vmem_shared>> -> memref<32x128xf32, #tpu.memory_space<vmem_shared>>
      %dma_start3A_155 = arith.constant 0 : i32
      %dma_start3A_156 = tpu.memref_slice %arg10[%add3A_11, %dma_start3A_155] : memref<10240x128xf32, #tpu.memory_space<vmem_shared>> -> memref<32x128xf32, #tpu.memory_space<vmem_shared>>
      %dma_start3A_157 = arith.constant 0 : i32
      %dma_start3A_158 = arith.constant 0 : i32
      %dma_start3A_159 = tpu.memref_slice %arg8[%dma_start3A_157, %dma_start3A_158] : memref<80x128xf32, #tpu.memory_space<vmem>> -> memref<32x128xf32, #tpu.memory_space<vmem>>
      tpu.enqueue_dma source(%dma_start3A_159 : memref<32x128xf32, #tpu.memory_space<vmem>>) target(%dma_start3A_156 : memref<32x128xf32, #tpu.memory_space<vmem_shared>>) target_semaphore(%run_scoped3A_149 : memref<!tpu.dma_semaphore, #tpu.memory_space<semaphore_mem>>)
      %dma_wait3A_160 = arith.constant 0 : i32
      %dma_wait3A_161 = arith.constant 0 : i32
      %dma_wait3A_162 = tpu.memref_slice %arg8[%dma_wait3A_160, %dma_wait3A_161] : memref<80x128xf32, #tpu.memory_space<vmem>> -> memref<32x128xf32, #tpu.memory_space<vmem>>
      %dma_wait3A_163 = arith.constant 0 : i32
      %dma_wait3A_164 = tpu.memref_slice %arg10[%add3A_11, %dma_wait3A_163] : memref<10240x128xf32, #tpu.memory_space<vmem_shared>> -> memref<32x128xf32, #tpu.memory_space<vmem_shared>>
      %dma_wait3A_165 = arith.constant 0 : i32
      %dma_wait3A_166 = tpu.memref_slice %arg10[%add3A_11, %dma_wait3A_165] : memref<10240x128xf32, #tpu.memory_space<vmem_shared>> -> memref<32x128xf32, #tpu.memory_space<vmem_shared>>
      %dma_wait3A_167 = arith.constant 0 : i32
      %dma_wait3A_168 = arith.constant 0 : i32
      %dma_wait3A_169 = tpu.memref_slice %arg8[%dma_wait3A_167, %dma_wait3A_168] : memref<80x128xf32, #tpu.memory_space<vmem>> -> memref<32x128xf32, #tpu.memory_space<vmem>>
      tpu.wait_dma2 semaphore(%run_scoped3A_149 : memref<!tpu.dma_semaphore, #tpu.memory_space<semaphore_mem>>) src(%dma_wait3A_169 : memref<32x128xf32, #tpu.memory_space<vmem>>) dst(%dma_wait3A_166 : memref<32x128xf32, #tpu.memory_space<vmem_shared>>)
      tpu.yield
    }) : () -> ()
    %mul3A_12 = arith.constant 640 : i32
    %mul3A_13 = arith.muli %arg1, %mul3A_12 : i32
    %add3A_14 = arith.constant 32 : i32
    %add3A_15 = arith.addi %mul3A_13, %add3A_14 : i32
    "tpu.region"() ({
      %run_scoped3A_149 = tpu.sem_alloc : memref<!tpu.dma_semaphore, #tpu.memory_space<semaphore_mem>>
      %dma_start3A_150 = arith.constant 0 : i32
      %dma_start3A_151 = arith.constant 0 : i32
      %dma_start3A_152 = tpu.memref_slice %arg8[%dma_start3A_150, %dma_start3A_151] : memref<80x128xf32, #tpu.memory_space<vmem>> -> memref<32x128xf32, #tpu.memory_space<vmem>>
      %dma_start3A_153 = arith.constant 0 : i32
      %dma_start3A_154 = tpu.memref_slice %arg10[%add3A_15, %dma_start3A_153] : memref<10240x128xf32, #tpu.memory_space<vmem_shared>> -> memref<32x128xf32, #tpu.memory_space<vmem_shared>>
      %dma_start3A_155 = arith.constant 0 : i32
      %dma_start3A_156 = tpu.memref_slice %arg10[%add3A_15, %dma_start3A_155] : memref<10240x128xf32, #tpu.memory_space<vmem_shared>> -> memref<32x128xf32, #tpu.memory_space<vmem_shared>>
      %dma_start3A_157 = arith.constant 0 : i32
      %dma_start3A_158 = arith.constant 0 : i32
      %dma_start3A_159 = tpu.memref_slice %arg8[%dma_start3A_157, %dma_start3A_158] : memref<80x128xf32, #tpu.memory_space<vmem>> -> memref<32x128xf32, #tpu.memory_space<vmem>>
      tpu.enqueue_dma source(%dma_start3A_159 : memref<32x128xf32, #tpu.memory_space<vmem>>) target(%dma_start3A_156 : memref<32x128xf32, #tpu.memory_space<vmem_shared>>) target_semaphore(%run_scoped3A_149 : memref<!tpu.dma_semaphore, #tpu.memory_space<semaphore_mem>>)
      %dma_wait3A_160 = arith.constant 0 : i32
      %dma_wait3A_161 = arith.constant 0 : i32
      %dma_wait3A_162 = tpu.memref_slice %arg8[%dma_wait3A_160, %dma_wait3A_161] : memref<80x128xf32, #tpu.memory_space<vmem>> -> memref<32x128xf32, #tpu.memory_space<vmem>>
      %dma_wait3A_163 = arith.constant 0 : i32
      %dma_wait3A_164 = tpu.memref_slice %arg10[%add3A_15, %dma_wait3A_163] : memref<10240x128xf32, #tpu.memory_space<vmem_shared>> -> memref<32x128xf32, #tpu.memory_space<vmem_shared>>
      %dma_wait3A_165 = arith.constant 0 : i32
      %dma_wait3A_166 = tpu.memref_slice %arg10[%add3A_15, %dma_wait3A_165] : memref<10240x128xf32, #tpu.memory_space<vmem_shared>> -> memref<32x128xf32, #tpu.memory_space<vmem_shared>>
      %dma_wait3A_167 = arith.constant 0 : i32
      %dma_wait3A_168 = arith.constant 0 : i32
      %dma_wait3A_169 = tpu.memref_slice %arg8[%dma_wait3A_167, %dma_wait3A_168] : memref<80x128xf32, #tpu.memory_space<vmem>> -> memref<32x128xf32, #tpu.memory_space<vmem>>
      tpu.wait_dma2 semaphore(%run_scoped3A_149 : memref<!tpu.dma_semaphore, #tpu.memory_space<semaphore_mem>>) src(%dma_wait3A_169 : memref<32x128xf32, #tpu.memory_space<vmem>>) dst(%dma_wait3A_166 : memref<32x128xf32, #tpu.memory_space<vmem_shared>>)
      tpu.yield
    }) : () -> ()
    %mul3A_16 = arith.constant 640 : i32
    %mul3A_17 = arith.muli %arg1, %mul3A_16 : i32
    %add3A_18 = arith.constant 64 : i32
    %add3A_19 = arith.addi %mul3A_17, %add3A_18 : i32
    "tpu.region"() ({
      %run_scoped3A_149 = tpu.sem_alloc : memref<!tpu.dma_semaphore, #tpu.memory_space<semaphore_mem>>
      %dma_start3A_150 = arith.constant 0 : i32
      %dma_start3A_151 = arith.constant 0 : i32
      %dma_start3A_152 = tpu.memref_slice %arg8[%dma_start3A_150, %dma_start3A_151] : memref<80x128xf32, #tpu.memory_space<vmem>> -> memref<32x128xf32, #tpu.memory_space<vmem>>
      %dma_start3A_153 = arith.constant 0 : i32
      %dma_start3A_154 = tpu.memref_slice %arg10[%add3A_19, %dma_start3A_153] : memref<10240x128xf32, #tpu.memory_space<vmem_shared>> -> memref<32x128xf32, #tpu.memory_space<vmem_shared>>
      %dma_start3A_155 = arith.constant 0 : i32
      %dma_start3A_156 = tpu.memref_slice %arg10[%add3A_19, %dma_start3A_155] : memref<10240x128xf32, #tpu.memory_space<vmem_shared>> -> memref<32x128xf32, #tpu.memory_space<vmem_shared>>
      %dma_start3A_157 = arith.constant 0 : i32
      %dma_start3A_158 = arith.constant 0 : i32
      %dma_start3A_159 = tpu.memref_slice %arg8[%dma_start3A_157, %dma_start3A_158] : memref<80x128xf32, #tpu.memory_space<vmem>> -> memref<32x128xf32, #tpu.memory_space<vmem>>
      tpu.enqueue_dma source(%dma_start3A_159 : memref<32x128xf32, #tpu.memory_space<vmem>>) target(%dma_start3A_156 : memref<32x128xf32, #tpu.memory_space<vmem_shared>>) target_semaphore(%run_scoped3A_149 : memref<!tpu.dma_semaphore, #tpu.memory_space<semaphore_mem>>)
      %dma_wait3A_160 = arith.constant 0 : i32
      %dma_wait3A_161 = arith.constant 0 : i32
      %dma_wait3A_162 = tpu.memref_slice %arg8[%dma_wait3A_160, %dma_wait3A_161] : memref<80x128xf32, #tpu.memory_space<vmem>> -> memref<32x128xf32, #tpu.memory_space<vmem>>
      %dma_wait3A_163 = arith.constant 0 : i32
      %dma_wait3A_164 = tpu.memref_slice %arg10[%add3A_19, %dma_wait3A_163] : memref<10240x128xf32, #tpu.memory_space<vmem_shared>> -> memref<32x128xf32, #tpu.memory_space<vmem_shared>>
      %dma_wait3A_165 = arith.constant 0 : i32
      %dma_wait3A_166 = tpu.memref_slice %arg10[%add3A_19, %dma_wait3A_165] : memref<10240x128xf32, #tpu.memory_space<vmem_shared>> -> memref<32x128xf32, #tpu.memory_space<vmem_shared>>
      %dma_wait3A_167 = arith.constant 0 : i32
      %dma_wait3A_168 = arith.constant 0 : i32
      %dma_wait3A_169 = tpu.memref_slice %arg8[%dma_wait3A_167, %dma_wait3A_168] : memref<80x128xf32, #tpu.memory_space<vmem>> -> memref<32x128xf32, #tpu.memory_space<vmem>>
      tpu.wait_dma2 semaphore(%run_scoped3A_149 : memref<!tpu.dma_semaphore, #tpu.memory_space<semaphore_mem>>) src(%dma_wait3A_169 : memref<32x128xf32, #tpu.memory_space<vmem>>) dst(%dma_wait3A_166 : memref<32x128xf32, #tpu.memory_space<vmem_shared>>)
      tpu.yield
    }) : () -> ()
    %mul3A_20 = arith.constant 640 : i32
    %mul3A_21 = arith.muli %arg1, %mul3A_20 : i32
    %add3A_22 = arith.constant 96 : i32
    %add3A_23 = arith.addi %mul3A_21, %add3A_22 : i32
    "tpu.region"() ({
      %run_scoped3A_149 = tpu.sem_alloc : memref<!tpu.dma_semaphore, #tpu.memory_space<semaphore_mem>>
      %dma_start3A_150 = arith.constant 0 : i32
      %dma_start3A_151 = arith.constant 0 : i32
      %dma_start3A_152 = tpu.memref_slice %arg8[%dma_start3A_150, %dma_start3A_151] : memref<80x128xf32, #tpu.memory_space<vmem>> -> memref<32x128xf32, #tpu.memory_space<vmem>>
      %dma_start3A_153 = arith.constant 0 : i32
      %dma_start3A_154 = tpu.memref_slice %arg10[%add3A_23, %dma_start3A_153] : memref<10240x128xf32, #tpu.memory_space<vmem_shared>> -> memref<32x128xf32, #tpu.memory_space<vmem_shared>>
      %dma_start3A_155 = arith.constant 0 : i32
      %dma_start3A_156 = tpu.memref_slice %arg10[%add3A_23, %dma_start3A_155] : memref<10240x128xf32, #tpu.memory_space<vmem_shared>> -> memref<32x128xf32, #tpu.memory_space<vmem_shared>>
      %dma_start3A_157 = arith.constant 0 : i32
      %dma_start3A_158 = arith.constant 0 : i32
      %dma_start3A_159 = tpu.memref_slice %arg8[%dma_start3A_157, %dma_start3A_158] : memref<80x128xf32, #tpu.memory_space<vmem>> -> memref<32x128xf32, #tpu.memory_space<vmem>>
      tpu.enqueue_dma source(%dma_start3A_159 : memref<32x128xf32, #tpu.memory_space<vmem>>) target(%dma_start3A_156 : memref<32x128xf32, #tpu.memory_space<vmem_shared>>) target_semaphore(%run_scoped3A_149 : memref<!tpu.dma_semaphore, #tpu.memory_space<semaphore_mem>>)
      %dma_wait3A_160 = arith.constant 0 : i32
      %dma_wait3A_161 = arith.constant 0 : i32
      %dma_wait3A_162 = tpu.memref_slice %arg8[%dma_wait3A_160, %dma_wait3A_161] : memref<80x128xf32, #tpu.memory_space<vmem>> -> memref<32x128xf32, #tpu.memory_space<vmem>>
      %dma_wait3A_163 = arith.constant 0 : i32
      %dma_wait3A_164 = tpu.memref_slice %arg10[%add3A_23, %dma_wait3A_163] : memref<10240x128xf32, #tpu.memory_space<vmem_shared>> -> memref<32x128xf32, #tpu.memory_space<vmem_shared>>
      %dma_wait3A_165 = arith.constant 0 : i32
      %dma_wait3A_166 = tpu.memref_slice %arg10[%add3A_23, %dma_wait3A_165] : memref<10240x128xf32, #tpu.memory_space<vmem_shared>> -> memref<32x128xf32, #tpu.memory_space<vmem_shared>>
      %dma_wait3A_167 = arith.constant 0 : i32
      %dma_wait3A_168 = arith.constant 0 : i32
      %dma_wait3A_169 = tpu.memref_slice %arg8[%dma_wait3A_167, %dma_wait3A_168] : memref<80x128xf32, #tpu.memory_space<vmem>> -> memref<32x128xf32, #tpu.memory_space<vmem>>
      tpu.wait_dma2 semaphore(%run_scoped3A_149 : memref<!tpu.dma_semaphore, #tpu.memory_space<semaphore_mem>>) src(%dma_wait3A_169 : memref<32x128xf32, #tpu.memory_space<vmem>>) dst(%dma_wait3A_166 : memref<32x128xf32, #tpu.memory_space<vmem_shared>>)
      tpu.yield
    }) : () -> ()
    %mul3A_24 = arith.constant 640 : i32
    %mul3A_25 = arith.muli %arg1, %mul3A_24 : i32
    %add3A_26 = arith.constant 128 : i32
    %add3A_27 = arith.addi %mul3A_25, %add3A_26 : i32
    "tpu.region"() ({
      %run_scoped3A_149 = tpu.sem_alloc : memref<!tpu.dma_semaphore, #tpu.memory_space<semaphore_mem>>
      %dma_start3A_150 = arith.constant 0 : i32
      %dma_start3A_151 = arith.constant 0 : i32
      %dma_start3A_152 = tpu.memref_slice %arg8[%dma_start3A_150, %dma_start3A_151] : memref<80x128xf32, #tpu.memory_space<vmem>> -> memref<32x128xf32, #tpu.memory_space<vmem>>
      %dma_start3A_153 = arith.constant 0 : i32
      %dma_start3A_154 = tpu.memref_slice %arg10[%add3A_27, %dma_start3A_153] : memref<10240x128xf32, #tpu.memory_space<vmem_shared>> -> memref<32x128xf32, #tpu.memory_space<vmem_shared>>
      %dma_start3A_155 = arith.constant 0 : i32
      %dma_start3A_156 = tpu.memref_slice %arg10[%add3A_27, %dma_start3A_155] : memref<10240x128xf32, #tpu.memory_space<vmem_shared>> -> memref<32x128xf32, #tpu.memory_space<vmem_shared>>
      %dma_start3A_157 = arith.constant 0 : i32
      %dma_start3A_158 = arith.constant 0 : i32
      %dma_start3A_159 = tpu.memref_slice %arg8[%dma_start3A_157, %dma_start3A_158] : memref<80x128xf32, #tpu.memory_space<vmem>> -> memref<32x128xf32, #tpu.memory_space<vmem>>
      tpu.enqueue_dma source(%dma_start3A_159 : memref<32x128xf32, #tpu.memory_space<vmem>>) target(%dma_start3A_156 : memref<32x128xf32, #tpu.memory_space<vmem_shared>>) target_semaphore(%run_scoped3A_149 : memref<!tpu.dma_semaphore, #tpu.memory_space<semaphore_mem>>)
      %dma_wait3A_160 = arith.constant 0 : i32
      %dma_wait3A_161 = arith.constant 0 : i32
      %dma_wait3A_162 = tpu.memref_slice %arg8[%dma_wait3A_160, %dma_wait3A_161] : memref<80x128xf32, #tpu.memory_space<vmem>> -> memref<32x128xf32, #tpu.memory_space<vmem>>
      %dma_wait3A_163 = arith.constant 0 : i32
      %dma_wait3A_164 = tpu.memref_slice %arg10[%add3A_27, %dma_wait3A_163] : memref<10240x128xf32, #tpu.memory_space<vmem_shared>> -> memref<32x128xf32, #tpu.memory_space<vmem_shared>>
      %dma_wait3A_165 = arith.constant 0 : i32
      %dma_wait3A_166 = tpu.memref_slice %arg10[%add3A_27, %dma_wait3A_165] : memref<10240x128xf32, #tpu.memory_space<vmem_shared>> -> memref<32x128xf32, #tpu.memory_space<vmem_shared>>
      %dma_wait3A_167 = arith.constant 0 : i32
      %dma_wait3A_168 = arith.constant 0 : i32
      %dma_wait3A_169 = tpu.memref_slice %arg8[%dma_wait3A_167, %dma_wait3A_168] : memref<80x128xf32, #tpu.memory_space<vmem>> -> memref<32x128xf32, #tpu.memory_space<vmem>>
      tpu.wait_dma2 semaphore(%run_scoped3A_149 : memref<!tpu.dma_semaphore, #tpu.memory_space<semaphore_mem>>) src(%dma_wait3A_169 : memref<32x128xf32, #tpu.memory_space<vmem>>) dst(%dma_wait3A_166 : memref<32x128xf32, #tpu.memory_space<vmem_shared>>)
      tpu.yield
    }) : () -> ()
    %mul3A_28 = arith.constant 640 : i32
    %mul3A_29 = arith.muli %arg1, %mul3A_28 : i32
    %add3A_30 = arith.constant 160 : i32
    %add3A_31 = arith.addi %mul3A_29, %add3A_30 : i32
    "tpu.region"() ({
      %run_scoped3A_149 = tpu.sem_alloc : memref<!tpu.dma_semaphore, #tpu.memory_space<semaphore_mem>>
      %dma_start3A_150 = arith.constant 0 : i32
      %dma_start3A_151 = arith.constant 0 : i32
      %dma_start3A_152 = tpu.memref_slice %arg8[%dma_start3A_150, %dma_start3A_151] : memref<80x128xf32, #tpu.memory_space<vmem>> -> memref<32x128xf32, #tpu.memory_space<vmem>>
      %dma_start3A_153 = arith.constant 0 : i32
      %dma_start3A_154 = tpu.memref_slice %arg10[%add3A_31, %dma_start3A_153] : memref<10240x128xf32, #tpu.memory_space<vmem_shared>> -> memref<32x128xf32, #tpu.memory_space<vmem_shared>>
      %dma_start3A_155 = arith.constant 0 : i32
      %dma_start3A_156 = tpu.memref_slice %arg10[%add3A_31, %dma_start3A_155] : memref<10240x128xf32, #tpu.memory_space<vmem_shared>> -> memref<32x128xf32, #tpu.memory_space<vmem_shared>>
      %dma_start3A_157 = arith.constant 0 : i32
      %dma_start3A_158 = arith.constant 0 : i32
      %dma_start3A_159 = tpu.memref_slice %arg8[%dma_start3A_157, %dma_start3A_158] : memref<80x128xf32, #tpu.memory_space<vmem>> -> memref<32x128xf32, #tpu.memory_space<vmem>>
      tpu.enqueue_dma source(%dma_start3A_159 : memref<32x128xf32, #tpu.memory_space<vmem>>) target(%dma_start3A_156 : memref<32x128xf32, #tpu.memory_space<vmem_shared>>) target_semaphore(%run_scoped3A_149 : memref<!tpu.dma_semaphore, #tpu.memory_space<semaphore_mem>>)
      %dma_wait3A_160 = arith.constant 0 : i32
      %dma_wait3A_161 = arith.constant 0 : i32
      %dma_wait3A_162 = tpu.memref_slice %arg8[%dma_wait3A_160, %dma_wait3A_161] : memref<80x128xf32, #tpu.memory_space<vmem>> -> memref<32x128xf32, #tpu.memory_space<vmem>>
      %dma_wait3A_163 = arith.constant 0 : i32
      %dma_wait3A_164 = tpu.memref_slice %arg10[%add3A_31, %dma_wait3A_163] : memref<10240x128xf32, #tpu.memory_space<vmem_shared>> -> memref<32x128xf32, #tpu.memory_space<vmem_shared>>
      %dma_wait3A_165 = arith.constant 0 : i32
      %dma_wait3A_166 = tpu.memref_slice %arg10[%add3A_31, %dma_wait3A_165] : memref<10240x128xf32, #tpu.memory_space<vmem_shared>> -> memref<32x128xf32, #tpu.memory_space<vmem_shared>>
      %dma_wait3A_167 = arith.constant 0 : i32
      %dma_wait3A_168 = arith.constant 0 : i32
      %dma_wait3A_169 = tpu.memref_slice %arg8[%dma_wait3A_167, %dma_wait3A_168] : memref<80x128xf32, #tpu.memory_space<vmem>> -> memref<32x128xf32, #tpu.memory_space<vmem>>
      tpu.wait_dma2 semaphore(%run_scoped3A_149 : memref<!tpu.dma_semaphore, #tpu.memory_space<semaphore_mem>>) src(%dma_wait3A_169 : memref<32x128xf32, #tpu.memory_space<vmem>>) dst(%dma_wait3A_166 : memref<32x128xf32, #tpu.memory_space<vmem_shared>>)
      tpu.yield
    }) : () -> ()
    %mul3A_32 = arith.constant 640 : i32
    %mul3A_33 = arith.muli %arg1, %mul3A_32 : i32
    %add3A_34 = arith.constant 192 : i32
    %add3A_35 = arith.addi %mul3A_33, %add3A_34 : i32
    "tpu.region"() ({
      %run_scoped3A_149 = tpu.sem_alloc : memref<!tpu.dma_semaphore, #tpu.memory_space<semaphore_mem>>
      %dma_start3A_150 = arith.constant 0 : i32
      %dma_start3A_151 = arith.constant 0 : i32
      %dma_start3A_152 = tpu.memref_slice %arg8[%dma_start3A_150, %dma_start3A_151] : memref<80x128xf32, #tpu.memory_space<vmem>> -> memref<32x128xf32, #tpu.memory_space<vmem>>
      %dma_start3A_153 = arith.constant 0 : i32
      %dma_start3A_154 = tpu.memref_slice %arg10[%add3A_35, %dma_start3A_153] : memref<10240x128xf32, #tpu.memory_space<vmem_shared>> -> memref<32x128xf32, #tpu.memory_space<vmem_shared>>
      %dma_start3A_155 = arith.constant 0 : i32
      %dma_start3A_156 = tpu.memref_slice %arg10[%add3A_35, %dma_start3A_155] : memref<10240x128xf32, #tpu.memory_space<vmem_shared>> -> memref<32x128xf32, #tpu.memory_space<vmem_shared>>
      %dma_start3A_157 = arith.constant 0 : i32
      %dma_start3A_158 = arith.constant 0 : i32
      %dma_start3A_159 = tpu.memref_slice %arg8[%dma_start3A_157, %dma_start3A_158] : memref<80x128xf32, #tpu.memory_space<vmem>> -> memref<32x128xf32, #tpu.memory_space<vmem>>
      tpu.enqueue_dma source(%dma_start3A_159 : memref<32x128xf32, #tpu.memory_space<vmem>>) target(%dma_start3A_156 : memref<32x128xf32, #tpu.memory_space<vmem_shared>>) target_semaphore(%run_scoped3A_149 : memref<!tpu.dma_semaphore, #tpu.memory_space<semaphore_mem>>)
      %dma_wait3A_160 = arith.constant 0 : i32
      %dma_wait3A_161 = arith.constant 0 : i32
      %dma_wait3A_162 = tpu.memref_slice %arg8[%dma_wait3A_160, %dma_wait3A_161] : memref<80x128xf32, #tpu.memory_space<vmem>> -> memref<32x128xf32, #tpu.memory_space<vmem>>
      %dma_wait3A_163 = arith.constant 0 : i32
      %dma_wait3A_164 = tpu.memref_slice %arg10[%add3A_35, %dma_wait3A_163] : memref<10240x128xf32, #tpu.memory_space<vmem_shared>> -> memref<32x128xf32, #tpu.memory_space<vmem_shared>>
      %dma_wait3A_165 = arith.constant 0 : i32
      %dma_wait3A_166 = tpu.memref_slice %arg10[%add3A_35, %dma_wait3A_165] : memref<10240x128xf32, #tpu.memory_space<vmem_shared>> -> memref<32x128xf32, #tpu.memory_space<vmem_shared>>
      %dma_wait3A_167 = arith.constant 0 : i32
      %dma_wait3A_168 = arith.constant 0 : i32
      %dma_wait3A_169 = tpu.memref_slice %arg8[%dma_wait3A_167, %dma_wait3A_168] : memref<80x128xf32, #tpu.memory_space<vmem>> -> memref<32x128xf32, #tpu.memory_space<vmem>>
      tpu.wait_dma2 semaphore(%run_scoped3A_149 : memref<!tpu.dma_semaphore, #tpu.memory_space<semaphore_mem>>) src(%dma_wait3A_169 : memref<32x128xf32, #tpu.memory_space<vmem>>) dst(%dma_wait3A_166 : memref<32x128xf32, #tpu.memory_space<vmem_shared>>)
      tpu.yield
    }) : () -> ()
    %mul3A_36 = arith.constant 640 : i32
    %mul3A_37 = arith.muli %arg1, %mul3A_36 : i32
    %add3A_38 = arith.constant 224 : i32
    %add3A_39 = arith.addi %mul3A_37, %add3A_38 : i32
    "tpu.region"() ({
      %run_scoped3A_149 = tpu.sem_alloc : memref<!tpu.dma_semaphore, #tpu.memory_space<semaphore_mem>>
      %dma_start3A_150 = arith.constant 0 : i32
      %dma_start3A_151 = arith.constant 0 : i32
      %dma_start3A_152 = tpu.memref_slice %arg8[%dma_start3A_150, %dma_start3A_151] : memref<80x128xf32, #tpu.memory_space<vmem>> -> memref<32x128xf32, #tpu.memory_space<vmem>>
      %dma_start3A_153 = arith.constant 0 : i32
      %dma_start3A_154 = tpu.memref_slice %arg10[%add3A_39, %dma_start3A_153] : memref<10240x128xf32, #tpu.memory_space<vmem_shared>> -> memref<32x128xf32, #tpu.memory_space<vmem_shared>>
      %dma_start3A_155 = arith.constant 0 : i32
      %dma_start3A_156 = tpu.memref_slice %arg10[%add3A_39, %dma_start3A_155] : memref<10240x128xf32, #tpu.memory_space<vmem_shared>> -> memref<32x128xf32, #tpu.memory_space<vmem_shared>>
      %dma_start3A_157 = arith.constant 0 : i32
      %dma_start3A_158 = arith.constant 0 : i32
      %dma_start3A_159 = tpu.memref_slice %arg8[%dma_start3A_157, %dma_start3A_158] : memref<80x128xf32, #tpu.memory_space<vmem>> -> memref<32x128xf32, #tpu.memory_space<vmem>>
      tpu.enqueue_dma source(%dma_start3A_159 : memref<32x128xf32, #tpu.memory_space<vmem>>) target(%dma_start3A_156 : memref<32x128xf32, #tpu.memory_space<vmem_shared>>) target_semaphore(%run_scoped3A_149 : memref<!tpu.dma_semaphore, #tpu.memory_space<semaphore_mem>>)
      %dma_wait3A_160 = arith.constant 0 : i32
      %dma_wait3A_161 = arith.constant 0 : i32
      %dma_wait3A_162 = tpu.memref_slice %arg8[%dma_wait3A_160, %dma_wait3A_161] : memref<80x128xf32, #tpu.memory_space<vmem>> -> memref<32x128xf32, #tpu.memory_space<vmem>>
      %dma_wait3A_163 = arith.constant 0 : i32
      %dma_wait3A_164 = tpu.memref_slice %arg10[%add3A_39, %dma_wait3A_163] : memref<10240x128xf32, #tpu.memory_space<vmem_shared>> -> memref<32x128xf32, #tpu.memory_space<vmem_shared>>
      %dma_wait3A_165 = arith.constant 0 : i32
      %dma_wait3A_166 = tpu.memref_slice %arg10[%add3A_39, %dma_wait3A_165] : memref<10240x128xf32, #tpu.memory_space<vmem_shared>> -> memref<32x128xf32, #tpu.memory_space<vmem_shared>>
      %dma_wait3A_167 = arith.constant 0 : i32
      %dma_wait3A_168 = arith.constant 0 : i32
      %dma_wait3A_169 = tpu.memref_slice %arg8[%dma_wait3A_167, %dma_wait3A_168] : memref<80x128xf32, #tpu.memory_space<vmem>> -> memref<32x128xf32, #tpu.memory_space<vmem>>
      tpu.wait_dma2 semaphore(%run_scoped3A_149 : memref<!tpu.dma_semaphore, #tpu.memory_space<semaphore_mem>>) src(%dma_wait3A_169 : memref<32x128xf32, #tpu.memory_space<vmem>>) dst(%dma_wait3A_166 : memref<32x128xf32, #tpu.memory_space<vmem_shared>>)
      tpu.yield
    }) : () -> ()
    %mul3A_40 = arith.constant 640 : i32
    %mul3A_41 = arith.muli %arg1, %mul3A_40 : i32
    %add3A_42 = arith.constant 256 : i32
    %add3A_43 = arith.addi %mul3A_41, %add3A_42 : i32
    "tpu.region"() ({
      %run_scoped3A_149 = tpu.sem_alloc : memref<!tpu.dma_semaphore, #tpu.memory_space<semaphore_mem>>
      %dma_start3A_150 = arith.constant 0 : i32
      %dma_start3A_151 = arith.constant 0 : i32
      %dma_start3A_152 = tpu.memref_slice %arg8[%dma_start3A_150, %dma_start3A_151] : memref<80x128xf32, #tpu.memory_space<vmem>> -> memref<32x128xf32, #tpu.memory_space<vmem>>
      %dma_start3A_153 = arith.constant 0 : i32
      %dma_start3A_154 = tpu.memref_slice %arg10[%add3A_43, %dma_start3A_153] : memref<10240x128xf32, #tpu.memory_space<vmem_shared>> -> memref<32x128xf32, #tpu.memory_space<vmem_shared>>
      %dma_start3A_155 = arith.constant 0 : i32
      %dma_start3A_156 = tpu.memref_slice %arg10[%add3A_43, %dma_start3A_155] : memref<10240x128xf32, #tpu.memory_space<vmem_shared>> -> memref<32x128xf32, #tpu.memory_space<vmem_shared>>
      %dma_start3A_157 = arith.constant 0 : i32
      %dma_start3A_158 = arith.constant 0 : i32
      %dma_start3A_159 = tpu.memref_slice %arg8[%dma_start3A_157, %dma_start3A_158] : memref<80x128xf32, #tpu.memory_space<vmem>> -> memref<32x128xf32, #tpu.memory_space<vmem>>
      tpu.enqueue_dma source(%dma_start3A_159 : memref<32x128xf32, #tpu.memory_space<vmem>>) target(%dma_start3A_156 : memref<32x128xf32, #tpu.memory_space<vmem_shared>>) target_semaphore(%run_scoped3A_149 : memref<!tpu.dma_semaphore, #tpu.memory_space<semaphore_mem>>)
      %dma_wait3A_160 = arith.constant 0 : i32
      %dma_wait3A_161 = arith.constant 0 : i32
      %dma_wait3A_162 = tpu.memref_slice %arg8[%dma_wait3A_160, %dma_wait3A_161] : memref<80x128xf32, #tpu.memory_space<vmem>> -> memref<32x128xf32, #tpu.memory_space<vmem>>
      %dma_wait3A_163 = arith.constant 0 : i32
      %dma_wait3A_164 = tpu.memref_slice %arg10[%add3A_43, %dma_wait3A_163] : memref<10240x128xf32, #tpu.memory_space<vmem_shared>> -> memref<32x128xf32, #tpu.memory_space<vmem_shared>>
      %dma_wait3A_165 = arith.constant 0 : i32
      %dma_wait3A_166 = tpu.memref_slice %arg10[%add3A_43, %dma_wait3A_165] : memref<10240x128xf32, #tpu.memory_space<vmem_shared>> -> memref<32x128xf32, #tpu.memory_space<vmem_shared>>
      %dma_wait3A_167 = arith.constant 0 : i32
      %dma_wait3A_168 = arith.constant 0 : i32
      %dma_wait3A_169 = tpu.memref_slice %arg8[%dma_wait3A_167, %dma_wait3A_168] : memref<80x128xf32, #tpu.memory_space<vmem>> -> memref<32x128xf32, #tpu.memory_space<vmem>>
      tpu.wait_dma2 semaphore(%run_scoped3A_149 : memref<!tpu.dma_semaphore, #tpu.memory_space<semaphore_mem>>) src(%dma_wait3A_169 : memref<32x128xf32, #tpu.memory_space<vmem>>) dst(%dma_wait3A_166 : memref<32x128xf32, #tpu.memory_space<vmem_shared>>)
      tpu.yield
    }) : () -> ()
    %mul3A_44 = arith.constant 640 : i32
    %mul3A_45 = arith.muli %arg1, %mul3A_44 : i32
    %add3A_46 = arith.constant 288 : i32
    %add3A_47 = arith.addi %mul3A_45, %add3A_46 : i32
    "tpu.region"() ({
      %run_scoped3A_149 = tpu.sem_alloc : memref<!tpu.dma_semaphore, #tpu.memory_space<semaphore_mem>>
      %dma_start3A_150 = arith.constant 0 : i32
      %dma_start3A_151 = arith.constant 0 : i32
      %dma_start3A_152 = tpu.memref_slice %arg8[%dma_start3A_150, %dma_start3A_151] : memref<80x128xf32, #tpu.memory_space<vmem>> -> memref<32x128xf32, #tpu.memory_space<vmem>>
      %dma_start3A_153 = arith.constant 0 : i32
      %dma_start3A_154 = tpu.memref_slice %arg10[%add3A_47, %dma_start3A_153] : memref<10240x128xf32, #tpu.memory_space<vmem_shared>> -> memref<32x128xf32, #tpu.memory_space<vmem_shared>>
      %dma_start3A_155 = arith.constant 0 : i32
      %dma_start3A_156 = tpu.memref_slice %arg10[%add3A_47, %dma_start3A_155] : memref<10240x128xf32, #tpu.memory_space<vmem_shared>> -> memref<32x128xf32, #tpu.memory_space<vmem_shared>>
      %dma_start3A_157 = arith.constant 0 : i32
      %dma_start3A_158 = arith.constant 0 : i32
      %dma_start3A_159 = tpu.memref_slice %arg8[%dma_start3A_157, %dma_start3A_158] : memref<80x128xf32, #tpu.memory_space<vmem>> -> memref<32x128xf32, #tpu.memory_space<vmem>>
      tpu.enqueue_dma source(%dma_start3A_159 : memref<32x128xf32, #tpu.memory_space<vmem>>) target(%dma_start3A_156 : memref<32x128xf32, #tpu.memory_space<vmem_shared>>) target_semaphore(%run_scoped3A_149 : memref<!tpu.dma_semaphore, #tpu.memory_space<semaphore_mem>>)
      %dma_wait3A_160 = arith.constant 0 : i32
      %dma_wait3A_161 = arith.constant 0 : i32
      %dma_wait3A_162 = tpu.memref_slice %arg8[%dma_wait3A_160, %dma_wait3A_161] : memref<80x128xf32, #tpu.memory_space<vmem>> -> memref<32x128xf32, #tpu.memory_space<vmem>>
      %dma_wait3A_163 = arith.constant 0 : i32
      %dma_wait3A_164 = tpu.memref_slice %arg10[%add3A_47, %dma_wait3A_163] : memref<10240x128xf32, #tpu.memory_space<vmem_shared>> -> memref<32x128xf32, #tpu.memory_space<vmem_shared>>
      %dma_wait3A_165 = arith.constant 0 : i32
      %dma_wait3A_166 = tpu.memref_slice %arg10[%add3A_47, %dma_wait3A_165] : memref<10240x128xf32, #tpu.memory_space<vmem_shared>> -> memref<32x128xf32, #tpu.memory_space<vmem_shared>>
      %dma_wait3A_167 = arith.constant 0 : i32
      %dma_wait3A_168 = arith.constant 0 : i32
      %dma_wait3A_169 = tpu.memref_slice %arg8[%dma_wait3A_167, %dma_wait3A_168] : memref<80x128xf32, #tpu.memory_space<vmem>> -> memref<32x128xf32, #tpu.memory_space<vmem>>
      tpu.wait_dma2 semaphore(%run_scoped3A_149 : memref<!tpu.dma_semaphore, #tpu.memory_space<semaphore_mem>>) src(%dma_wait3A_169 : memref<32x128xf32, #tpu.memory_space<vmem>>) dst(%dma_wait3A_166 : memref<32x128xf32, #tpu.memory_space<vmem_shared>>)
      tpu.yield
    }) : () -> ()
    %mul3A_48 = arith.constant 640 : i32
    %mul3A_49 = arith.muli %arg1, %mul3A_48 : i32
    %add3A_50 = arith.constant 320 : i32
    %add3A_51 = arith.addi %mul3A_49, %add3A_50 : i32
    "tpu.region"() ({
      %run_scoped3A_149 = tpu.sem_alloc : memref<!tpu.dma_semaphore, #tpu.memory_space<semaphore_mem>>
      %dma_start3A_150 = arith.constant 0 : i32
      %dma_start3A_151 = arith.constant 0 : i32
      %dma_start3A_152 = tpu.memref_slice %arg8[%dma_start3A_150, %dma_start3A_151] : memref<80x128xf32, #tpu.memory_space<vmem>> -> memref<32x128xf32, #tpu.memory_space<vmem>>
      %dma_start3A_153 = arith.constant 0 : i32
      %dma_start3A_154 = tpu.memref_slice %arg10[%add3A_51, %dma_start3A_153] : memref<10240x128xf32, #tpu.memory_space<vmem_shared>> -> memref<32x128xf32, #tpu.memory_space<vmem_shared>>
      %dma_start3A_155 = arith.constant 0 : i32
      %dma_start3A_156 = tpu.memref_slice %arg10[%add3A_51, %dma_start3A_155] : memref<10240x128xf32, #tpu.memory_space<vmem_shared>> -> memref<32x128xf32, #tpu.memory_space<vmem_shared>>
      %dma_start3A_157 = arith.constant 0 : i32
      %dma_start3A_158 = arith.constant 0 : i32
      %dma_start3A_159 = tpu.memref_slice %arg8[%dma_start3A_157, %dma_start3A_158] : memref<80x128xf32, #tpu.memory_space<vmem>> -> memref<32x128xf32, #tpu.memory_space<vmem>>
      tpu.enqueue_dma source(%dma_start3A_159 : memref<32x128xf32, #tpu.memory_space<vmem>>) target(%dma_start3A_156 : memref<32x128xf32, #tpu.memory_space<vmem_shared>>) target_semaphore(%run_scoped3A_149 : memref<!tpu.dma_semaphore, #tpu.memory_space<semaphore_mem>>)
      %dma_wait3A_160 = arith.constant 0 : i32
      %dma_wait3A_161 = arith.constant 0 : i32
      %dma_wait3A_162 = tpu.memref_slice %arg8[%dma_wait3A_160, %dma_wait3A_161] : memref<80x128xf32, #tpu.memory_space<vmem>> -> memref<32x128xf32, #tpu.memory_space<vmem>>
      %dma_wait3A_163 = arith.constant 0 : i32
      %dma_wait3A_164 = tpu.memref_slice %arg10[%add3A_51, %dma_wait3A_163] : memref<10240x128xf32, #tpu.memory_space<vmem_shared>> -> memref<32x128xf32, #tpu.memory_space<vmem_shared>>
      %dma_wait3A_165 = arith.constant 0 : i32
      %dma_wait3A_166 = tpu.memref_slice %arg10[%add3A_51, %dma_wait3A_165] : memref<10240x128xf32, #tpu.memory_space<vmem_shared>> -> memref<32x128xf32, #tpu.memory_space<vmem_shared>>
      %dma_wait3A_167 = arith.constant 0 : i32
      %dma_wait3A_168 = arith.constant 0 : i32
      %dma_wait3A_169 = tpu.memref_slice %arg8[%dma_wait3A_167, %dma_wait3A_168] : memref<80x128xf32, #tpu.memory_space<vmem>> -> memref<32x128xf32, #tpu.memory_space<vmem>>
      tpu.wait_dma2 semaphore(%run_scoped3A_149 : memref<!tpu.dma_semaphore, #tpu.memory_space<semaphore_mem>>) src(%dma_wait3A_169 : memref<32x128xf32, #tpu.memory_space<vmem>>) dst(%dma_wait3A_166 : memref<32x128xf32, #tpu.memory_space<vmem_shared>>)
      tpu.yield
    }) : () -> ()
    %mul3A_52 = arith.constant 640 : i32
    %mul3A_53 = arith.muli %arg1, %mul3A_52 : i32
    %add3A_54 = arith.constant 352 : i32
    %add3A_55 = arith.addi %mul3A_53, %add3A_54 : i32
    "tpu.region"() ({
      %run_scoped3A_149 = tpu.sem_alloc : memref<!tpu.dma_semaphore, #tpu.memory_space<semaphore_mem>>
      %dma_start3A_150 = arith.constant 0 : i32
      %dma_start3A_151 = arith.constant 0 : i32
      %dma_start3A_152 = tpu.memref_slice %arg8[%dma_start3A_150, %dma_start3A_151] : memref<80x128xf32, #tpu.memory_space<vmem>> -> memref<32x128xf32, #tpu.memory_space<vmem>>
      %dma_start3A_153 = arith.constant 0 : i32
      %dma_start3A_154 = tpu.memref_slice %arg10[%add3A_55, %dma_start3A_153] : memref<10240x128xf32, #tpu.memory_space<vmem_shared>> -> memref<32x128xf32, #tpu.memory_space<vmem_shared>>
      %dma_start3A_155 = arith.constant 0 : i32
      %dma_start3A_156 = tpu.memref_slice %arg10[%add3A_55, %dma_start3A_155] : memref<10240x128xf32, #tpu.memory_space<vmem_shared>> -> memref<32x128xf32, #tpu.memory_space<vmem_shared>>
      %dma_start3A_157 = arith.constant 0 : i32
      %dma_start3A_158 = arith.constant 0 : i32
      %dma_start3A_159 = tpu.memref_slice %arg8[%dma_start3A_157, %dma_start3A_158] : memref<80x128xf32, #tpu.memory_space<vmem>> -> memref<32x128xf32, #tpu.memory_space<vmem>>
      tpu.enqueue_dma source(%dma_start3A_159 : memref<32x128xf32, #tpu.memory_space<vmem>>) target(%dma_start3A_156 : memref<32x128xf32, #tpu.memory_space<vmem_shared>>) target_semaphore(%run_scoped3A_149 : memref<!tpu.dma_semaphore, #tpu.memory_space<semaphore_mem>>)
      %dma_wait3A_160 = arith.constant 0 : i32
      %dma_wait3A_161 = arith.constant 0 : i32
      %dma_wait3A_162 = tpu.memref_slice %arg8[%dma_wait3A_160, %dma_wait3A_161] : memref<80x128xf32, #tpu.memory_space<vmem>> -> memref<32x128xf32, #tpu.memory_space<vmem>>
      %dma_wait3A_163 = arith.constant 0 : i32
      %dma_wait3A_164 = tpu.memref_slice %arg10[%add3A_55, %dma_wait3A_163] : memref<10240x128xf32, #tpu.memory_space<vmem_shared>> -> memref<32x128xf32, #tpu.memory_space<vmem_shared>>
      %dma_wait3A_165 = arith.constant 0 : i32
      %dma_wait3A_166 = tpu.memref_slice %arg10[%add3A_55, %dma_wait3A_165] : memref<10240x128xf32, #tpu.memory_space<vmem_shared>> -> memref<32x128xf32, #tpu.memory_space<vmem_shared>>
      %dma_wait3A_167 = arith.constant 0 : i32
      %dma_wait3A_168 = arith.constant 0 : i32
      %dma_wait3A_169 = tpu.memref_slice %arg8[%dma_wait3A_167, %dma_wait3A_168] : memref<80x128xf32, #tpu.memory_space<vmem>> -> memref<32x128xf32, #tpu.memory_space<vmem>>
      tpu.wait_dma2 semaphore(%run_scoped3A_149 : memref<!tpu.dma_semaphore, #tpu.memory_space<semaphore_mem>>) src(%dma_wait3A_169 : memref<32x128xf32, #tpu.memory_space<vmem>>) dst(%dma_wait3A_166 : memref<32x128xf32, #tpu.memory_space<vmem_shared>>)
      tpu.yield
    }) : () -> ()
    %mul3A_56 = arith.constant 640 : i32
    %mul3A_57 = arith.muli %arg1, %mul3A_56 : i32
    %add3A_58 = arith.constant 384 : i32
    %add3A_59 = arith.addi %mul3A_57, %add3A_58 : i32
    "tpu.region"() ({
      %run_scoped3A_149 = tpu.sem_alloc : memref<!tpu.dma_semaphore, #tpu.memory_space<semaphore_mem>>
      %dma_start3A_150 = arith.constant 0 : i32
      %dma_start3A_151 = arith.constant 0 : i32
      %dma_start3A_152 = tpu.memref_slice %arg8[%dma_start3A_150, %dma_start3A_151] : memref<80x128xf32, #tpu.memory_space<vmem>> -> memref<32x128xf32, #tpu.memory_space<vmem>>
      %dma_start3A_153 = arith.constant 0 : i32
      %dma_start3A_154 = tpu.memref_slice %arg10[%add3A_59, %dma_start3A_153] : memref<10240x128xf32, #tpu.memory_space<vmem_shared>> -> memref<32x128xf32, #tpu.memory_space<vmem_shared>>
      %dma_start3A_155 = arith.constant 0 : i32
      %dma_start3A_156 = tpu.memref_slice %arg10[%add3A_59, %dma_start3A_155] : memref<10240x128xf32, #tpu.memory_space<vmem_shared>> -> memref<32x128xf32, #tpu.memory_space<vmem_shared>>
      %dma_start3A_157 = arith.constant 0 : i32
      %dma_start3A_158 = arith.constant 0 : i32
      %dma_start3A_159 = tpu.memref_slice %arg8[%dma_start3A_157, %dma_start3A_158] : memref<80x128xf32, #tpu.memory_space<vmem>> -> memref<32x128xf32, #tpu.memory_space<vmem>>
      tpu.enqueue_dma source(%dma_start3A_159 : memref<32x128xf32, #tpu.memory_space<vmem>>) target(%dma_start3A_156 : memref<32x128xf32, #tpu.memory_space<vmem_shared>>) target_semaphore(%run_scoped3A_149 : memref<!tpu.dma_semaphore, #tpu.memory_space<semaphore_mem>>)
      %dma_wait3A_160 = arith.constant 0 : i32
      %dma_wait3A_161 = arith.constant 0 : i32
      %dma_wait3A_162 = tpu.memref_slice %arg8[%dma_wait3A_160, %dma_wait3A_161] : memref<80x128xf32, #tpu.memory_space<vmem>> -> memref<32x128xf32, #tpu.memory_space<vmem>>
      %dma_wait3A_163 = arith.constant 0 : i32
      %dma_wait3A_164 = tpu.memref_slice %arg10[%add3A_59, %dma_wait3A_163] : memref<10240x128xf32, #tpu.memory_space<vmem_shared>> -> memref<32x128xf32, #tpu.memory_space<vmem_shared>>
      %dma_wait3A_165 = arith.constant 0 : i32
      %dma_wait3A_166 = tpu.memref_slice %arg10[%add3A_59, %dma_wait3A_165] : memref<10240x128xf32, #tpu.memory_space<vmem_shared>> -> memref<32x128xf32, #tpu.memory_space<vmem_shared>>
      %dma_wait3A_167 = arith.constant 0 : i32
      %dma_wait3A_168 = arith.constant 0 : i32
      %dma_wait3A_169 = tpu.memref_slice %arg8[%dma_wait3A_167, %dma_wait3A_168] : memref<80x128xf32, #tpu.memory_space<vmem>> -> memref<32x128xf32, #tpu.memory_space<vmem>>
      tpu.wait_dma2 semaphore(%run_scoped3A_149 : memref<!tpu.dma_semaphore, #tpu.memory_space<semaphore_mem>>) src(%dma_wait3A_169 : memref<32x128xf32, #tpu.memory_space<vmem>>) dst(%dma_wait3A_166 : memref<32x128xf32, #tpu.memory_space<vmem_shared>>)
      tpu.yield
    }) : () -> ()
    %mul3A_60 = arith.constant 640 : i32
    %mul3A_61 = arith.muli %arg1, %mul3A_60 : i32
    %add3A_62 = arith.constant 416 : i32
    %add3A_63 = arith.addi %mul3A_61, %add3A_62 : i32
    "tpu.region"() ({
      %run_scoped3A_149 = tpu.sem_alloc : memref<!tpu.dma_semaphore, #tpu.memory_space<semaphore_mem>>
      %dma_start3A_150 = arith.constant 0 : i32
      %dma_start3A_151 = arith.constant 0 : i32
      %dma_start3A_152 = tpu.memref_slice %arg8[%dma_start3A_150, %dma_start3A_151] : memref<80x128xf32, #tpu.memory_space<vmem>> -> memref<32x128xf32, #tpu.memory_space<vmem>>
      %dma_start3A_153 = arith.constant 0 : i32
      %dma_start3A_154 = tpu.memref_slice %arg10[%add3A_63, %dma_start3A_153] : memref<10240x128xf32, #tpu.memory_space<vmem_shared>> -> memref<32x128xf32, #tpu.memory_space<vmem_shared>>
      %dma_start3A_155 = arith.constant 0 : i32
      %dma_start3A_156 = tpu.memref_slice %arg10[%add3A_63, %dma_start3A_155] : memref<10240x128xf32, #tpu.memory_space<vmem_shared>> -> memref<32x128xf32, #tpu.memory_space<vmem_shared>>
      %dma_start3A_157 = arith.constant 0 : i32
      %dma_start3A_158 = arith.constant 0 : i32
      %dma_start3A_159 = tpu.memref_slice %arg8[%dma_start3A_157, %dma_start3A_158] : memref<80x128xf32, #tpu.memory_space<vmem>> -> memref<32x128xf32, #tpu.memory_space<vmem>>
      tpu.enqueue_dma source(%dma_start3A_159 : memref<32x128xf32, #tpu.memory_space<vmem>>) target(%dma_start3A_156 : memref<32x128xf32, #tpu.memory_space<vmem_shared>>) target_semaphore(%run_scoped3A_149 : memref<!tpu.dma_semaphore, #tpu.memory_space<semaphore_mem>>)
      %dma_wait3A_160 = arith.constant 0 : i32
      %dma_wait3A_161 = arith.constant 0 : i32
      %dma_wait3A_162 = tpu.memref_slice %arg8[%dma_wait3A_160, %dma_wait3A_161] : memref<80x128xf32, #tpu.memory_space<vmem>> -> memref<32x128xf32, #tpu.memory_space<vmem>>
      %dma_wait3A_163 = arith.constant 0 : i32
      %dma_wait3A_164 = tpu.memref_slice %arg10[%add3A_63, %dma_wait3A_163] : memref<10240x128xf32, #tpu.memory_space<vmem_shared>> -> memref<32x128xf32, #tpu.memory_space<vmem_shared>>
      %dma_wait3A_165 = arith.constant 0 : i32
      %dma_wait3A_166 = tpu.memref_slice %arg10[%add3A_63, %dma_wait3A_165] : memref<10240x128xf32, #tpu.memory_space<vmem_shared>> -> memref<32x128xf32, #tpu.memory_space<vmem_shared>>
      %dma_wait3A_167 = arith.constant 0 : i32
      %dma_wait3A_168 = arith.constant 0 : i32
      %dma_wait3A_169 = tpu.memref_slice %arg8[%dma_wait3A_167, %dma_wait3A_168] : memref<80x128xf32, #tpu.memory_space<vmem>> -> memref<32x128xf32, #tpu.memory_space<vmem>>
      tpu.wait_dma2 semaphore(%run_scoped3A_149 : memref<!tpu.dma_semaphore, #tpu.memory_space<semaphore_mem>>) src(%dma_wait3A_169 : memref<32x128xf32, #tpu.memory_space<vmem>>) dst(%dma_wait3A_166 : memref<32x128xf32, #tpu.memory_space<vmem_shared>>)
      tpu.yield
    }) : () -> ()
    %mul3A_64 = arith.constant 640 : i32
    %mul3A_65 = arith.muli %arg1, %mul3A_64 : i32
    %add3A_66 = arith.constant 448 : i32
    %add3A_67 = arith.addi %mul3A_65, %add3A_66 : i32
    "tpu.region"() ({
      %run_scoped3A_149 = tpu.sem_alloc : memref<!tpu.dma_semaphore, #tpu.memory_space<semaphore_mem>>
      %dma_start3A_150 = arith.constant 0 : i32
      %dma_start3A_151 = arith.constant 0 : i32
      %dma_start3A_152 = tpu.memref_slice %arg8[%dma_start3A_150, %dma_start3A_151] : memref<80x128xf32, #tpu.memory_space<vmem>> -> memref<32x128xf32, #tpu.memory_space<vmem>>
      %dma_start3A_153 = arith.constant 0 : i32
      %dma_start3A_154 = tpu.memref_slice %arg10[%add3A_67, %dma_start3A_153] : memref<10240x128xf32, #tpu.memory_space<vmem_shared>> -> memref<32x128xf32, #tpu.memory_space<vmem_shared>>
      %dma_start3A_155 = arith.constant 0 : i32
      %dma_start3A_156 = tpu.memref_slice %arg10[%add3A_67, %dma_start3A_155] : memref<10240x128xf32, #tpu.memory_space<vmem_shared>> -> memref<32x128xf32, #tpu.memory_space<vmem_shared>>
      %dma_start3A_157 = arith.constant 0 : i32
      %dma_start3A_158 = arith.constant 0 : i32
      %dma_start3A_159 = tpu.memref_slice %arg8[%dma_start3A_157, %dma_start3A_158] : memref<80x128xf32, #tpu.memory_space<vmem>> -> memref<32x128xf32, #tpu.memory_space<vmem>>
      tpu.enqueue_dma source(%dma_start3A_159 : memref<32x128xf32, #tpu.memory_space<vmem>>) target(%dma_start3A_156 : memref<32x128xf32, #tpu.memory_space<vmem_shared>>) target_semaphore(%run_scoped3A_149 : memref<!tpu.dma_semaphore, #tpu.memory_space<semaphore_mem>>)
      %dma_wait3A_160 = arith.constant 0 : i32
      %dma_wait3A_161 = arith.constant 0 : i32
      %dma_wait3A_162 = tpu.memref_slice %arg8[%dma_wait3A_160, %dma_wait3A_161] : memref<80x128xf32, #tpu.memory_space<vmem>> -> memref<32x128xf32, #tpu.memory_space<vmem>>
      %dma_wait3A_163 = arith.constant 0 : i32
      %dma_wait3A_164 = tpu.memref_slice %arg10[%add3A_67, %dma_wait3A_163] : memref<10240x128xf32, #tpu.memory_space<vmem_shared>> -> memref<32x128xf32, #tpu.memory_space<vmem_shared>>
      %dma_wait3A_165 = arith.constant 0 : i32
      %dma_wait3A_166 = tpu.memref_slice %arg10[%add3A_67, %dma_wait3A_165] : memref<10240x128xf32, #tpu.memory_space<vmem_shared>> -> memref<32x128xf32, #tpu.memory_space<vmem_shared>>
      %dma_wait3A_167 = arith.constant 0 : i32
      %dma_wait3A_168 = arith.constant 0 : i32
      %dma_wait3A_169 = tpu.memref_slice %arg8[%dma_wait3A_167, %dma_wait3A_168] : memref<80x128xf32, #tpu.memory_space<vmem>> -> memref<32x128xf32, #tpu.memory_space<vmem>>
      tpu.wait_dma2 semaphore(%run_scoped3A_149 : memref<!tpu.dma_semaphore, #tpu.memory_space<semaphore_mem>>) src(%dma_wait3A_169 : memref<32x128xf32, #tpu.memory_space<vmem>>) dst(%dma_wait3A_166 : memref<32x128xf32, #tpu.memory_space<vmem_shared>>)
      tpu.yield
    }) : () -> ()
    %mul3A_68 = arith.constant 640 : i32
    %mul3A_69 = arith.muli %arg1, %mul3A_68 : i32
    %add3A_70 = arith.constant 480 : i32
    %add3A_71 = arith.addi %mul3A_69, %add3A_70 : i32
    "tpu.region"() ({
      %run_scoped3A_149 = tpu.sem_alloc : memref<!tpu.dma_semaphore, #tpu.memory_space<semaphore_mem>>
      %dma_start3A_150 = arith.constant 0 : i32
      %dma_start3A_151 = arith.constant 0 : i32
      %dma_start3A_152 = tpu.memref_slice %arg8[%dma_start3A_150, %dma_start3A_151] : memref<80x128xf32, #tpu.memory_space<vmem>> -> memref<32x128xf32, #tpu.memory_space<vmem>>
      %dma_start3A_153 = arith.constant 0 : i32
      %dma_start3A_154 = tpu.memref_slice %arg10[%add3A_71, %dma_start3A_153] : memref<10240x128xf32, #tpu.memory_space<vmem_shared>> -> memref<32x128xf32, #tpu.memory_space<vmem_shared>>
      %dma_start3A_155 = arith.constant 0 : i32
      %dma_start3A_156 = tpu.memref_slice %arg10[%add3A_71, %dma_start3A_155] : memref<10240x128xf32, #tpu.memory_space<vmem_shared>> -> memref<32x128xf32, #tpu.memory_space<vmem_shared>>
      %dma_start3A_157 = arith.constant 0 : i32
      %dma_start3A_158 = arith.constant 0 : i32
      %dma_start3A_159 = tpu.memref_slice %arg8[%dma_start3A_157, %dma_start3A_158] : memref<80x128xf32, #tpu.memory_space<vmem>> -> memref<32x128xf32, #tpu.memory_space<vmem>>
      tpu.enqueue_dma source(%dma_start3A_159 : memref<32x128xf32, #tpu.memory_space<vmem>>) target(%dma_start3A_156 : memref<32x128xf32, #tpu.memory_space<vmem_shared>>) target_semaphore(%run_scoped3A_149 : memref<!tpu.dma_semaphore, #tpu.memory_space<semaphore_mem>>)
      %dma_wait3A_160 = arith.constant 0 : i32
      %dma_wait3A_161 = arith.constant 0 : i32
      %dma_wait3A_162 = tpu.memref_slice %arg8[%dma_wait3A_160, %dma_wait3A_161] : memref<80x128xf32, #tpu.memory_space<vmem>> -> memref<32x128xf32, #tpu.memory_space<vmem>>
      %dma_wait3A_163 = arith.constant 0 : i32
      %dma_wait3A_164 = tpu.memref_slice %arg10[%add3A_71, %dma_wait3A_163] : memref<10240x128xf32, #tpu.memory_space<vmem_shared>> -> memref<32x128xf32, #tpu.memory_space<vmem_shared>>
      %dma_wait3A_165 = arith.constant 0 : i32
      %dma_wait3A_166 = tpu.memref_slice %arg10[%add3A_71, %dma_wait3A_165] : memref<10240x128xf32, #tpu.memory_space<vmem_shared>> -> memref<32x128xf32, #tpu.memory_space<vmem_shared>>
      %dma_wait3A_167 = arith.constant 0 : i32
      %dma_wait3A_168 = arith.constant 0 : i32
      %dma_wait3A_169 = tpu.memref_slice %arg8[%dma_wait3A_167, %dma_wait3A_168] : memref<80x128xf32, #tpu.memory_space<vmem>> -> memref<32x128xf32, #tpu.memory_space<vmem>>
      tpu.wait_dma2 semaphore(%run_scoped3A_149 : memref<!tpu.dma_semaphore, #tpu.memory_space<semaphore_mem>>) src(%dma_wait3A_169 : memref<32x128xf32, #tpu.memory_space<vmem>>) dst(%dma_wait3A_166 : memref<32x128xf32, #tpu.memory_space<vmem_shared>>)
      tpu.yield
    }) : () -> ()
    %mul3A_72 = arith.constant 640 : i32
    %mul3A_73 = arith.muli %arg1, %mul3A_72 : i32
    %add3A_74 = arith.constant 512 : i32
    %add3A_75 = arith.addi %mul3A_73, %add3A_74 : i32
    "tpu.region"() ({
      %run_scoped3A_149 = tpu.sem_alloc : memref<!tpu.dma_semaphore, #tpu.memory_space<semaphore_mem>>
      %dma_start3A_150 = arith.constant 0 : i32
      %dma_start3A_151 = arith.constant 0 : i32
      %dma_start3A_152 = tpu.memref_slice %arg8[%dma_start3A_150, %dma_start3A_151] : memref<80x128xf32, #tpu.memory_space<vmem>> -> memref<32x128xf32, #tpu.memory_space<vmem>>
      %dma_start3A_153 = arith.constant 0 : i32
      %dma_start3A_154 = tpu.memref_slice %arg10[%add3A_75, %dma_start3A_153] : memref<10240x128xf32, #tpu.memory_space<vmem_shared>> -> memref<32x128xf32, #tpu.memory_space<vmem_shared>>
      %dma_start3A_155 = arith.constant 0 : i32
      %dma_start3A_156 = tpu.memref_slice %arg10[%add3A_75, %dma_start3A_155] : memref<10240x128xf32, #tpu.memory_space<vmem_shared>> -> memref<32x128xf32, #tpu.memory_space<vmem_shared>>
      %dma_start3A_157 = arith.constant 0 : i32
      %dma_start3A_158 = arith.constant 0 : i32
      %dma_start3A_159 = tpu.memref_slice %arg8[%dma_start3A_157, %dma_start3A_158] : memref<80x128xf32, #tpu.memory_space<vmem>> -> memref<32x128xf32, #tpu.memory_space<vmem>>
      tpu.enqueue_dma source(%dma_start3A_159 : memref<32x128xf32, #tpu.memory_space<vmem>>) target(%dma_start3A_156 : memref<32x128xf32, #tpu.memory_space<vmem_shared>>) target_semaphore(%run_scoped3A_149 : memref<!tpu.dma_semaphore, #tpu.memory_space<semaphore_mem>>)
      %dma_wait3A_160 = arith.constant 0 : i32
      %dma_wait3A_161 = arith.constant 0 : i32
      %dma_wait3A_162 = tpu.memref_slice %arg8[%dma_wait3A_160, %dma_wait3A_161] : memref<80x128xf32, #tpu.memory_space<vmem>> -> memref<32x128xf32, #tpu.memory_space<vmem>>
      %dma_wait3A_163 = arith.constant 0 : i32
      %dma_wait3A_164 = tpu.memref_slice %arg10[%add3A_75, %dma_wait3A_163] : memref<10240x128xf32, #tpu.memory_space<vmem_shared>> -> memref<32x128xf32, #tpu.memory_space<vmem_shared>>
      %dma_wait3A_165 = arith.constant 0 : i32
      %dma_wait3A_166 = tpu.memref_slice %arg10[%add3A_75, %dma_wait3A_165] : memref<10240x128xf32, #tpu.memory_space<vmem_shared>> -> memref<32x128xf32, #tpu.memory_space<vmem_shared>>
      %dma_wait3A_167 = arith.constant 0 : i32
      %dma_wait3A_168 = arith.constant 0 : i32
      %dma_wait3A_169 = tpu.memref_slice %arg8[%dma_wait3A_167, %dma_wait3A_168] : memref<80x128xf32, #tpu.memory_space<vmem>> -> memref<32x128xf32, #tpu.memory_space<vmem>>
      tpu.wait_dma2 semaphore(%run_scoped3A_149 : memref<!tpu.dma_semaphore, #tpu.memory_space<semaphore_mem>>) src(%dma_wait3A_169 : memref<32x128xf32, #tpu.memory_space<vmem>>) dst(%dma_wait3A_166 : memref<32x128xf32, #tpu.memory_space<vmem_shared>>)
      tpu.yield
    }) : () -> ()
    %mul3A_76 = arith.constant 640 : i32
    %mul3A_77 = arith.muli %arg1, %mul3A_76 : i32
    %add3A_78 = arith.constant 544 : i32
    %add3A_79 = arith.addi %mul3A_77, %add3A_78 : i32
    "tpu.region"() ({
      %run_scoped3A_149 = tpu.sem_alloc : memref<!tpu.dma_semaphore, #tpu.memory_space<semaphore_mem>>
      %dma_start3A_150 = arith.constant 0 : i32
      %dma_start3A_151 = arith.constant 0 : i32
      %dma_start3A_152 = tpu.memref_slice %arg8[%dma_start3A_150, %dma_start3A_151] : memref<80x128xf32, #tpu.memory_space<vmem>> -> memref<32x128xf32, #tpu.memory_space<vmem>>
      %dma_start3A_153 = arith.constant 0 : i32
      %dma_start3A_154 = tpu.memref_slice %arg10[%add3A_79, %dma_start3A_153] : memref<10240x128xf32, #tpu.memory_space<vmem_shared>> -> memref<32x128xf32, #tpu.memory_space<vmem_shared>>
      %dma_start3A_155 = arith.constant 0 : i32
      %dma_start3A_156 = tpu.memref_slice %arg10[%add3A_79, %dma_start3A_155] : memref<10240x128xf32, #tpu.memory_space<vmem_shared>> -> memref<32x128xf32, #tpu.memory_space<vmem_shared>>
      %dma_start3A_157 = arith.constant 0 : i32
      %dma_start3A_158 = arith.constant 0 : i32
      %dma_start3A_159 = tpu.memref_slice %arg8[%dma_start3A_157, %dma_start3A_158] : memref<80x128xf32, #tpu.memory_space<vmem>> -> memref<32x128xf32, #tpu.memory_space<vmem>>
      tpu.enqueue_dma source(%dma_start3A_159 : memref<32x128xf32, #tpu.memory_space<vmem>>) target(%dma_start3A_156 : memref<32x128xf32, #tpu.memory_space<vmem_shared>>) target_semaphore(%run_scoped3A_149 : memref<!tpu.dma_semaphore, #tpu.memory_space<semaphore_mem>>)
      %dma_wait3A_160 = arith.constant 0 : i32
      %dma_wait3A_161 = arith.constant 0 : i32
      %dma_wait3A_162 = tpu.memref_slice %arg8[%dma_wait3A_160, %dma_wait3A_161] : memref<80x128xf32, #tpu.memory_space<vmem>> -> memref<32x128xf32, #tpu.memory_space<vmem>>
      %dma_wait3A_163 = arith.constant 0 : i32
      %dma_wait3A_164 = tpu.memref_slice %arg10[%add3A_79, %dma_wait3A_163] : memref<10240x128xf32, #tpu.memory_space<vmem_shared>> -> memref<32x128xf32, #tpu.memory_space<vmem_shared>>
      %dma_wait3A_165 = arith.constant 0 : i32
      %dma_wait3A_166 = tpu.memref_slice %arg10[%add3A_79, %dma_wait3A_165] : memref<10240x128xf32, #tpu.memory_space<vmem_shared>> -> memref<32x128xf32, #tpu.memory_space<vmem_shared>>
      %dma_wait3A_167 = arith.constant 0 : i32
      %dma_wait3A_168 = arith.constant 0 : i32
      %dma_wait3A_169 = tpu.memref_slice %arg8[%dma_wait3A_167, %dma_wait3A_168] : memref<80x128xf32, #tpu.memory_space<vmem>> -> memref<32x128xf32, #tpu.memory_space<vmem>>
      tpu.wait_dma2 semaphore(%run_scoped3A_149 : memref<!tpu.dma_semaphore, #tpu.memory_space<semaphore_mem>>) src(%dma_wait3A_169 : memref<32x128xf32, #tpu.memory_space<vmem>>) dst(%dma_wait3A_166 : memref<32x128xf32, #tpu.memory_space<vmem_shared>>)
      tpu.yield
    }) : () -> ()
    %mul3A_80 = arith.constant 640 : i32
    %mul3A_81 = arith.muli %arg1, %mul3A_80 : i32
    %add3A_82 = arith.constant 576 : i32
    %add3A_83 = arith.addi %mul3A_81, %add3A_82 : i32
    "tpu.region"() ({
      %run_scoped3A_149 = tpu.sem_alloc : memref<!tpu.dma_semaphore, #tpu.memory_space<semaphore_mem>>
      %dma_start3A_150 = arith.constant 0 : i32
      %dma_start3A_151 = arith.constant 0 : i32
      %dma_start3A_152 = tpu.memref_slice %arg8[%dma_start3A_150, %dma_start3A_151] : memref<80x128xf32, #tpu.memory_space<vmem>> -> memref<32x128xf32, #tpu.memory_space<vmem>>
      %dma_start3A_153 = arith.constant 0 : i32
      %dma_start3A_154 = tpu.memref_slice %arg10[%add3A_83, %dma_start3A_153] : memref<10240x128xf32, #tpu.memory_space<vmem_shared>> -> memref<32x128xf32, #tpu.memory_space<vmem_shared>>
      %dma_start3A_155 = arith.constant 0 : i32
      %dma_start3A_156 = tpu.memref_slice %arg10[%add3A_83, %dma_start3A_155] : memref<10240x128xf32, #tpu.memory_space<vmem_shared>> -> memref<32x128xf32, #tpu.memory_space<vmem_shared>>
      %dma_start3A_157 = arith.constant 0 : i32
      %dma_start3A_158 = arith.constant 0 : i32
      %dma_start3A_159 = tpu.memref_slice %arg8[%dma_start3A_157, %dma_start3A_158] : memref<80x128xf32, #tpu.memory_space<vmem>> -> memref<32x128xf32, #tpu.memory_space<vmem>>
      tpu.enqueue_dma source(%dma_start3A_159 : memref<32x128xf32, #tpu.memory_space<vmem>>) target(%dma_start3A_156 : memref<32x128xf32, #tpu.memory_space<vmem_shared>>) target_semaphore(%run_scoped3A_149 : memref<!tpu.dma_semaphore, #tpu.memory_space<semaphore_mem>>)
      %dma_wait3A_160 = arith.constant 0 : i32
      %dma_wait3A_161 = arith.constant 0 : i32
      %dma_wait3A_162 = tpu.memref_slice %arg8[%dma_wait3A_160, %dma_wait3A_161] : memref<80x128xf32, #tpu.memory_space<vmem>> -> memref<32x128xf32, #tpu.memory_space<vmem>>
      %dma_wait3A_163 = arith.constant 0 : i32
      %dma_wait3A_164 = tpu.memref_slice %arg10[%add3A_83, %dma_wait3A_163] : memref<10240x128xf32, #tpu.memory_space<vmem_shared>> -> memref<32x128xf32, #tpu.memory_space<vmem_shared>>
      %dma_wait3A_165 = arith.constant 0 : i32
      %dma_wait3A_166 = tpu.memref_slice %arg10[%add3A_83, %dma_wait3A_165] : memref<10240x128xf32, #tpu.memory_space<vmem_shared>> -> memref<32x128xf32, #tpu.memory_space<vmem_shared>>
      %dma_wait3A_167 = arith.constant 0 : i32
      %dma_wait3A_168 = arith.constant 0 : i32
      %dma_wait3A_169 = tpu.memref_slice %arg8[%dma_wait3A_167, %dma_wait3A_168] : memref<80x128xf32, #tpu.memory_space<vmem>> -> memref<32x128xf32, #tpu.memory_space<vmem>>
      tpu.wait_dma2 semaphore(%run_scoped3A_149 : memref<!tpu.dma_semaphore, #tpu.memory_space<semaphore_mem>>) src(%dma_wait3A_169 : memref<32x128xf32, #tpu.memory_space<vmem>>) dst(%dma_wait3A_166 : memref<32x128xf32, #tpu.memory_space<vmem_shared>>)
      tpu.yield
    }) : () -> ()
    %mul3A_84 = arith.constant 640 : i32
    %mul3A_85 = arith.muli %arg1, %mul3A_84 : i32
    %add3A_86 = arith.constant 608 : i32
    %add3A_87 = arith.addi %mul3A_85, %add3A_86 : i32
    "tpu.region"() ({
      %run_scoped3A_149 = tpu.sem_alloc : memref<!tpu.dma_semaphore, #tpu.memory_space<semaphore_mem>>
      %dma_start3A_150 = arith.constant 0 : i32
      %dma_start3A_151 = arith.constant 0 : i32
      %dma_start3A_152 = tpu.memref_slice %arg8[%dma_start3A_150, %dma_start3A_151] : memref<80x128xf32, #tpu.memory_space<vmem>> -> memref<32x128xf32, #tpu.memory_space<vmem>>
      %dma_start3A_153 = arith.constant 0 : i32
      %dma_start3A_154 = tpu.memref_slice %arg10[%add3A_87, %dma_start3A_153] : memref<10240x128xf32, #tpu.memory_space<vmem_shared>> -> memref<32x128xf32, #tpu.memory_space<vmem_shared>>
      %dma_start3A_155 = arith.constant 0 : i32
      %dma_start3A_156 = tpu.memref_slice %arg10[%add3A_87, %dma_start3A_155] : memref<10240x128xf32, #tpu.memory_space<vmem_shared>> -> memref<32x128xf32, #tpu.memory_space<vmem_shared>>
      %dma_start3A_157 = arith.constant 0 : i32
      %dma_start3A_158 = arith.constant 0 : i32
      %dma_start3A_159 = tpu.memref_slice %arg8[%dma_start3A_157, %dma_start3A_158] : memref<80x128xf32, #tpu.memory_space<vmem>> -> memref<32x128xf32, #tpu.memory_space<vmem>>
      tpu.enqueue_dma source(%dma_start3A_159 : memref<32x128xf32, #tpu.memory_space<vmem>>) target(%dma_start3A_156 : memref<32x128xf32, #tpu.memory_space<vmem_shared>>) target_semaphore(%run_scoped3A_149 : memref<!tpu.dma_semaphore, #tpu.memory_space<semaphore_mem>>)
      %dma_wait3A_160 = arith.constant 0 : i32
      %dma_wait3A_161 = arith.constant 0 : i32
      %dma_wait3A_162 = tpu.memref_slice %arg8[%dma_wait3A_160, %dma_wait3A_161] : memref<80x128xf32, #tpu.memory_space<vmem>> -> memref<32x128xf32, #tpu.memory_space<vmem>>
      %dma_wait3A_163 = arith.constant 0 : i32
      %dma_wait3A_164 = tpu.memref_slice %arg10[%add3A_87, %dma_wait3A_163] : memref<10240x128xf32, #tpu.memory_space<vmem_shared>> -> memref<32x128xf32, #tpu.memory_space<vmem_shared>>
      %dma_wait3A_165 = arith.constant 0 : i32
      %dma_wait3A_166 = tpu.memref_slice %arg10[%add3A_87, %dma_wait3A_165] : memref<10240x128xf32, #tpu.memory_space<vmem_shared>> -> memref<32x128xf32, #tpu.memory_space<vmem_shared>>
      %dma_wait3A_167 = arith.constant 0 : i32
      %dma_wait3A_168 = arith.constant 0 : i32
      %dma_wait3A_169 = tpu.memref_slice %arg8[%dma_wait3A_167, %dma_wait3A_168] : memref<80x128xf32, #tpu.memory_space<vmem>> -> memref<32x128xf32, #tpu.memory_space<vmem>>
      tpu.wait_dma2 semaphore(%run_scoped3A_149 : memref<!tpu.dma_semaphore, #tpu.memory_space<semaphore_mem>>) src(%dma_wait3A_169 : memref<32x128xf32, #tpu.memory_space<vmem>>) dst(%dma_wait3A_166 : memref<32x128xf32, #tpu.memory_space<vmem_shared>>)
      tpu.yield
    }) : () -> ()
    %barrier3A = arith.constant 0 : index
    tpu.barrier barrier_id(%barrier3A)
    "tpu.region"() ({
      %run_scoped3A_149 = tpu.sem_alloc : memref<!tpu.dma_semaphore, #tpu.memory_space<semaphore_mem>>
      %dma_start3A_150 = arith.constant 0 : i32
      %dma_start3A_151 = arith.constant 0 : i32
      %dma_start3A_152 = tpu.memref_slice %arg6[%dma_start3A_150, %dma_start3A_151] : memref<64x80xi32, #tpu.memory_space<vmem>> -> memref<64x80xi32, #tpu.memory_space<vmem>>
      %dma_start3A_153 = arith.constant 0 : i32
      %dma_start3A_154 = arith.constant 0 : i32
      %dma_start3A_155 = tpu.memref_slice %arg3[%add3A, %dma_start3A_153, %dma_start3A_154] : memref<32x125x80xi32, #tpu.memory_space<hbm>> -> memref<1x64x80xi32, #tpu.memory_space<hbm>>
      %dma_start3A_156 = tpu.memref_squeeze %dma_start3A_155 : memref<1x64x80xi32, #tpu.memory_space<hbm>> -> memref<64x80xi32, #tpu.memory_space<hbm>>
      %dma_start3A_157 = arith.constant 0 : i32
      %dma_start3A_158 = arith.constant 0 : i32
      %dma_start3A_159 = tpu.memref_slice %arg6[%dma_start3A_157, %dma_start3A_158] : memref<64x80xi32, #tpu.memory_space<vmem>> -> memref<64x80xi32, #tpu.memory_space<vmem>>
      %dma_start3A_160 = arith.constant 0 : i32
      %dma_start3A_161 = arith.constant 0 : i32
      %dma_start3A_162 = tpu.memref_slice %arg3[%add3A, %dma_start3A_160, %dma_start3A_161] : memref<32x125x80xi32, #tpu.memory_space<hbm>> -> memref<1x64x80xi32, #tpu.memory_space<hbm>>
      %dma_start3A_163 = tpu.memref_squeeze %dma_start3A_162 : memref<1x64x80xi32, #tpu.memory_space<hbm>> -> memref<64x80xi32, #tpu.memory_space<hbm>>
      tpu.enqueue_dma source(%dma_start3A_163 : memref<64x80xi32, #tpu.memory_space<hbm>>) target(%dma_start3A_159 : memref<64x80xi32, #tpu.memory_space<vmem>>) target_semaphore(%run_scoped3A_149 : memref<!tpu.dma_semaphore, #tpu.memory_space<semaphore_mem>>)
      %dma_wait3A_164 = arith.constant 0 : i32
      %dma_wait3A_165 = arith.constant 0 : i32
      %dma_wait3A_166 = tpu.memref_slice %arg6[%dma_wait3A_164, %dma_wait3A_165] : memref<64x80xi32, #tpu.memory_space<vmem>> -> memref<64x80xi32, #tpu.memory_space<vmem>>
      %dma_wait3A_167 = arith.constant 0 : i32
      %dma_wait3A_168 = arith.constant 0 : i32
      %dma_wait3A_169 = tpu.memref_slice %arg3[%add3A, %dma_wait3A_167, %dma_wait3A_168] : memref<32x125x80xi32, #tpu.memory_space<hbm>> -> memref<1x64x80xi32, #tpu.memory_space<hbm>>
      %dma_wait3A_170 = tpu.memref_squeeze %dma_wait3A_169 : memref<1x64x80xi32, #tpu.memory_space<hbm>> -> memref<64x80xi32, #tpu.memory_space<hbm>>
      %dma_wait3A_171 = arith.constant 0 : i32
      %dma_wait3A_172 = arith.constant 0 : i32
      %dma_wait3A_173 = tpu.memref_slice %arg6[%dma_wait3A_171, %dma_wait3A_172] : memref<64x80xi32, #tpu.memory_space<vmem>> -> memref<64x80xi32, #tpu.memory_space<vmem>>
      %dma_wait3A_174 = arith.constant 0 : i32
      %dma_wait3A_175 = arith.constant 0 : i32
      %dma_wait3A_176 = tpu.memref_slice %arg3[%add3A, %dma_wait3A_174, %dma_wait3A_175] : memref<32x125x80xi32, #tpu.memory_space<hbm>> -> memref<1x64x80xi32, #tpu.memory_space<hbm>>
      %dma_wait3A_177 = tpu.memref_squeeze %dma_wait3A_176 : memref<1x64x80xi32, #tpu.memory_space<hbm>> -> memref<64x80xi32, #tpu.memory_space<hbm>>
      tpu.wait_dma2 semaphore(%run_scoped3A_149 : memref<!tpu.dma_semaphore, #tpu.memory_space<semaphore_mem>>) src(%dma_wait3A_177 : memref<64x80xi32, #tpu.memory_space<hbm>>) dst(%dma_wait3A_173 : memref<64x80xi32, #tpu.memory_space<vmem>>)
      tpu.yield
    }) : () -> ()
    "tpu.region"() ({
      %run_scoped3A_149 = tpu.sem_alloc : memref<!tpu.dma_semaphore, #tpu.memory_space<semaphore_mem>>
      %dma_start3A_150 = arith.constant 0 : i32
      %dma_start3A_151 = arith.constant 0 : i32
      %dma_start3A_152 = tpu.memref_slice %arg7[%dma_start3A_150, %dma_start3A_151] : memref<64x80xi32, #tpu.memory_space<vmem>> -> memref<64x80xi32, #tpu.memory_space<vmem>>
      %dma_start3A_153 = arith.constant 0 : i32
      %dma_start3A_154 = arith.constant 0 : i32
      %dma_start3A_155 = tpu.memref_slice %arg4[%add3A, %dma_start3A_153, %dma_start3A_154] : memref<32x125x80xi32, #tpu.memory_space<hbm>> -> memref<1x64x80xi32, #tpu.memory_space<hbm>>
      %dma_start3A_156 = tpu.memref_squeeze %dma_start3A_155 : memref<1x64x80xi32, #tpu.memory_space<hbm>> -> memref<64x80xi32, #tpu.memory_space<hbm>>
      %dma_start3A_157 = arith.constant 0 : i32
      %dma_start3A_158 = arith.constant 0 : i32
      %dma_start3A_159 = tpu.memref_slice %arg7[%dma_start3A_157, %dma_start3A_158] : memref<64x80xi32, #tpu.memory_space<vmem>> -> memref<64x80xi32, #tpu.memory_space<vmem>>
      %dma_start3A_160 = arith.constant 0 : i32
      %dma_start3A_161 = arith.constant 0 : i32
      %dma_start3A_162 = tpu.memref_slice %arg4[%add3A, %dma_start3A_160, %dma_start3A_161] : memref<32x125x80xi32, #tpu.memory_space<hbm>> -> memref<1x64x80xi32, #tpu.memory_space<hbm>>
      %dma_start3A_163 = tpu.memref_squeeze %dma_start3A_162 : memref<1x64x80xi32, #tpu.memory_space<hbm>> -> memref<64x80xi32, #tpu.memory_space<hbm>>
      tpu.enqueue_dma source(%dma_start3A_163 : memref<64x80xi32, #tpu.memory_space<hbm>>) target(%dma_start3A_159 : memref<64x80xi32, #tpu.memory_space<vmem>>) target_semaphore(%run_scoped3A_149 : memref<!tpu.dma_semaphore, #tpu.memory_space<semaphore_mem>>)
      %dma_wait3A_164 = arith.constant 0 : i32
      %dma_wait3A_165 = arith.constant 0 : i32
      %dma_wait3A_166 = tpu.memref_slice %arg7[%dma_wait3A_164, %dma_wait3A_165] : memref<64x80xi32, #tpu.memory_space<vmem>> -> memref<64x80xi32, #tpu.memory_space<vmem>>
      %dma_wait3A_167 = arith.constant 0 : i32
      %dma_wait3A_168 = arith.constant 0 : i32
      %dma_wait3A_169 = tpu.memref_slice %arg4[%add3A, %dma_wait3A_167, %dma_wait3A_168] : memref<32x125x80xi32, #tpu.memory_space<hbm>> -> memref<1x64x80xi32, #tpu.memory_space<hbm>>
      %dma_wait3A_170 = tpu.memref_squeeze %dma_wait3A_169 : memref<1x64x80xi32, #tpu.memory_space<hbm>> -> memref<64x80xi32, #tpu.memory_space<hbm>>
      %dma_wait3A_171 = arith.constant 0 : i32
      %dma_wait3A_172 = arith.constant 0 : i32
      %dma_wait3A_173 = tpu.memref_slice %arg7[%dma_wait3A_171, %dma_wait3A_172] : memref<64x80xi32, #tpu.memory_space<vmem>> -> memref<64x80xi32, #tpu.memory_space<vmem>>
      %dma_wait3A_174 = arith.constant 0 : i32
      %dma_wait3A_175 = arith.constant 0 : i32
      %dma_wait3A_176 = tpu.memref_slice %arg4[%add3A, %dma_wait3A_174, %dma_wait3A_175] : memref<32x125x80xi32, #tpu.memory_space<hbm>> -> memref<1x64x80xi32, #tpu.memory_space<hbm>>
      %dma_wait3A_177 = tpu.memref_squeeze %dma_wait3A_176 : memref<1x64x80xi32, #tpu.memory_space<hbm>> -> memref<64x80xi32, #tpu.memory_space<hbm>>
      tpu.wait_dma2 semaphore(%run_scoped3A_149 : memref<!tpu.dma_semaphore, #tpu.memory_space<semaphore_mem>>) src(%dma_wait3A_177 : memref<64x80xi32, #tpu.memory_space<hbm>>) dst(%dma_wait3A_173 : memref<64x80xi32, #tpu.memory_space<vmem>>)
      tpu.yield
    }) : () -> ()
    %dma_start3A = arith.constant 0 : i32
    %dma_start3A_88 = arith.constant 0 : i32
    %dma_start3A_89 = tpu.memref_slice %arg6[%dma_start3A, %dma_start3A_88] : memref<64x80xi32, #tpu.memory_space<vmem>> -> memref<1x80xi32, #tpu.memory_space<vmem>>
    %dma_start3A_90 = tpu.memref_squeeze %dma_start3A_89 : memref<1x80xi32, #tpu.memory_space<vmem>> -> memref<80xi32, #tpu.memory_space<vmem>>
    %dma_start3A_91 = arith.constant 0 : i32
    %dma_start3A_92 = arith.constant 0 : i32
    %dma_start3A_93 = tpu.memref_slice %arg2[%dma_start3A_91, %dma_start3A_92] : memref<10000x128xf32, #tpu.memory_space<hbm>> -> memref<10000x128xf32, #tpu.memory_space<hbm>>
    tpu.enqueue_indirect_dma source(%dma_start3A_93 : memref<10000x128xf32, #tpu.memory_space<hbm>>) target(%arg8 : memref<80x128xf32, #tpu.memory_space<vmem>>) offsets(%dma_start3A_90 : memref<80xi32, #tpu.memory_space<vmem>>) semaphore(%arg11 : memref<!tpu.dma_semaphore, #tpu.memory_space<semaphore_mem>>)
    %scan3A_94 = arith.constant 0 : i32
    %scan3A_95 = arith.constant 0 : i32
    %scan3A_96 = arith.constant 31 : i32
    %scan3A_97 = arith.addi %scan3A_95, %scan3A_96 : i32
    %scan3A_98 = arith.constant 1 : i32
    %scan3A_99 = scf.for %scan3A_149 = %scan3A_95 to %scan3A_97 step %scan3A_98 iter_args(%scan3A_150 = %scan3A_94) -> (i32)  : i32 {
      %mul3A_151 = arith.constant 2 : i32
      %mul3A_152 = arith.muli %scan3A_149, %mul3A_151 : i32
      %add3A_153 = arith.constant 1 : i32
      %add3A_154 = arith.addi %mul3A_152, %add3A_153 : i32
      %dma_wait3A_155 = arith.constant 0 : i32
      %dma_wait3A_156 = tpu.memref_slice %arg6[%mul3A_152, %dma_wait3A_155] : memref<64x80xi32, #tpu.memory_space<vmem>> -> memref<1x80xi32, #tpu.memory_space<vmem>>
      %dma_wait3A_157 = tpu.memref_squeeze %dma_wait3A_156 : memref<1x80xi32, #tpu.memory_space<vmem>> -> memref<80xi32, #tpu.memory_space<vmem>>
      %dma_wait3A_158 = arith.constant 0 : i32
      %dma_wait3A_159 = arith.constant 0 : i32
      %dma_wait3A_160 = tpu.memref_slice %arg2[%dma_wait3A_158, %dma_wait3A_159] : memref<10000x128xf32, #tpu.memory_space<hbm>> -> memref<10000x128xf32, #tpu.memory_space<hbm>>
      tpu.wait_indirect_dma semaphore(%arg11 : memref<!tpu.dma_semaphore, #tpu.memory_space<semaphore_mem>>) src(%dma_wait3A_160 : memref<10000x128xf32, #tpu.memory_space<hbm>>) dst(%arg8 : memref<80x128xf32, #tpu.memory_space<vmem>>)
      %dma_start3A_161 = arith.constant 0 : i32
      %dma_start3A_162 = tpu.memref_slice %arg6[%add3A_154, %dma_start3A_161] : memref<64x80xi32, #tpu.memory_space<vmem>> -> memref<1x80xi32, #tpu.memory_space<vmem>>
      %dma_start3A_163 = tpu.memref_squeeze %dma_start3A_162 : memref<1x80xi32, #tpu.memory_space<vmem>> -> memref<80xi32, #tpu.memory_space<vmem>>
      %dma_start3A_164 = arith.constant 0 : i32
      %dma_start3A_165 = arith.constant 0 : i32
      %dma_start3A_166 = tpu.memref_slice %arg2[%dma_start3A_164, %dma_start3A_165] : memref<10000x128xf32, #tpu.memory_space<hbm>> -> memref<10000x128xf32, #tpu.memory_space<hbm>>
      tpu.enqueue_indirect_dma source(%dma_start3A_166 : memref<10000x128xf32, #tpu.memory_space<hbm>>) target(%arg9 : memref<80x128xf32, #tpu.memory_space<vmem>>) offsets(%dma_start3A_163 : memref<80xi32, #tpu.memory_space<vmem>>) semaphore(%arg12 : memref<!tpu.dma_semaphore, #tpu.memory_space<semaphore_mem>>)
      "tpu.region"() ({
        %run_scoped3A_182 = tpu.sem_alloc : memref<!tpu.dma_semaphore, #tpu.memory_space<semaphore_mem>>
        %dma_start3A_183 = arith.constant 0 : i32
        %dma_start3A_184 = tpu.memref_slice %arg7[%mul3A_152, %dma_start3A_183] : memref<64x80xi32, #tpu.memory_space<vmem>> -> memref<1x80xi32, #tpu.memory_space<vmem>>
        %dma_start3A_185 = tpu.memref_squeeze %dma_start3A_184 : memref<1x80xi32, #tpu.memory_space<vmem>> -> memref<80xi32, #tpu.memory_space<vmem>>
        %dma_start3A_186 = arith.constant 0 : i32
        %dma_start3A_187 = arith.constant 0 : i32
        %dma_start3A_188 = tpu.memref_slice %arg10[%dma_start3A_186, %dma_start3A_187] : memref<10240x128xf32, #tpu.memory_space<vmem_shared>> -> memref<10240x128xf32, #tpu.memory_space<vmem_shared>>
        tpu.enqueue_indirect_dma source(%arg8 : memref<80x128xf32, #tpu.memory_space<vmem>>) target(%dma_start3A_188 : memref<10240x128xf32, #tpu.memory_space<vmem_shared>>) offsets(%dma_start3A_185 : memref<80xi32, #tpu.memory_space<vmem>>) semaphore(%run_scoped3A_182 : memref<!tpu.dma_semaphore, #tpu.memory_space<semaphore_mem>>) {add = true}
        %dma_wait3A_189 = arith.constant 0 : i32
        %dma_wait3A_190 = tpu.memref_slice %arg7[%mul3A_152, %dma_wait3A_189] : memref<64x80xi32, #tpu.memory_space<vmem>> -> memref<1x80xi32, #tpu.memory_space<vmem>>
        %dma_wait3A_191 = tpu.memref_squeeze %dma_wait3A_190 : memref<1x80xi32, #tpu.memory_space<vmem>> -> memref<80xi32, #tpu.memory_space<vmem>>
        %dma_wait3A_192 = arith.constant 0 : i32
        %dma_wait3A_193 = arith.constant 0 : i32
        %dma_wait3A_194 = tpu.memref_slice %arg10[%dma_wait3A_192, %dma_wait3A_193] : memref<10240x128xf32, #tpu.memory_space<vmem_shared>> -> memref<10240x128xf32, #tpu.memory_space<vmem_shared>>
        tpu.wait_indirect_dma semaphore(%run_scoped3A_182 : memref<!tpu.dma_semaphore, #tpu.memory_space<semaphore_mem>>) src(%arg8 : memref<80x128xf32, #tpu.memory_space<vmem>>) dst(%dma_wait3A_194 : memref<10240x128xf32, #tpu.memory_space<vmem_shared>>)
        tpu.yield
      }) : () -> ()
      %dma_wait3A_167 = arith.constant 0 : i32
      %dma_wait3A_168 = tpu.memref_slice %arg6[%add3A_154, %dma_wait3A_167] : memref<64x80xi32, #tpu.memory_space<vmem>> -> memref<1x80xi32, #tpu.memory_space<vmem>>
      %dma_wait3A_169 = tpu.memref_squeeze %dma_wait3A_168 : memref<1x80xi32, #tpu.memory_space<vmem>> -> memref<80xi32, #tpu.memory_space<vmem>>
      %dma_wait3A_170 = arith.constant 0 : i32
      %dma_wait3A_171 = arith.constant 0 : i32
      %dma_wait3A_172 = tpu.memref_slice %arg2[%dma_wait3A_170, %dma_wait3A_171] : memref<10000x128xf32, #tpu.memory_space<hbm>> -> memref<10000x128xf32, #tpu.memory_space<hbm>>
      tpu.wait_indirect_dma semaphore(%arg12 : memref<!tpu.dma_semaphore, #tpu.memory_space<semaphore_mem>>) src(%dma_wait3A_172 : memref<10000x128xf32, #tpu.memory_space<hbm>>) dst(%arg9 : memref<80x128xf32, #tpu.memory_space<vmem>>)
      %add3A_173 = arith.constant 1 : i32
      %add3A_174 = arith.addi %add3A_154, %add3A_173 : i32
      %dma_start3A_175 = arith.constant 0 : i32
      %dma_start3A_176 = tpu.memref_slice %arg6[%add3A_174, %dma_start3A_175] : memref<64x80xi32, #tpu.memory_space<vmem>> -> memref<1x80xi32, #tpu.memory_space<vmem>>
      %dma_start3A_177 = tpu.memref_squeeze %dma_start3A_176 : memref<1x80xi32, #tpu.memory_space<vmem>> -> memref<80xi32, #tpu.memory_space<vmem>>
      %dma_start3A_178 = arith.constant 0 : i32
      %dma_start3A_179 = arith.constant 0 : i32
      %dma_start3A_180 = tpu.memref_slice %arg2[%dma_start3A_178, %dma_start3A_179] : memref<10000x128xf32, #tpu.memory_space<hbm>> -> memref<10000x128xf32, #tpu.memory_space<hbm>>
      tpu.enqueue_indirect_dma source(%dma_start3A_180 : memref<10000x128xf32, #tpu.memory_space<hbm>>) target(%arg8 : memref<80x128xf32, #tpu.memory_space<vmem>>) offsets(%dma_start3A_177 : memref<80xi32, #tpu.memory_space<vmem>>) semaphore(%arg11 : memref<!tpu.dma_semaphore, #tpu.memory_space<semaphore_mem>>)
      "tpu.region"() ({
        %run_scoped3A_182 = tpu.sem_alloc : memref<!tpu.dma_semaphore, #tpu.memory_space<semaphore_mem>>
        %dma_start3A_183 = arith.constant 0 : i32
        %dma_start3A_184 = tpu.memref_slice %arg7[%add3A_154, %dma_start3A_183] : memref<64x80xi32, #tpu.memory_space<vmem>> -> memref<1x80xi32, #tpu.memory_space<vmem>>
        %dma_start3A_185 = tpu.memref_squeeze %dma_start3A_184 : memref<1x80xi32, #tpu.memory_space<vmem>> -> memref<80xi32, #tpu.memory_space<vmem>>
        %dma_start3A_186 = arith.constant 0 : i32
        %dma_start3A_187 = arith.constant 0 : i32
        %dma_start3A_188 = tpu.memref_slice %arg10[%dma_start3A_186, %dma_start3A_187] : memref<10240x128xf32, #tpu.memory_space<vmem_shared>> -> memref<10240x128xf32, #tpu.memory_space<vmem_shared>>
        tpu.enqueue_indirect_dma source(%arg9 : memref<80x128xf32, #tpu.memory_space<vmem>>) target(%dma_start3A_188 : memref<10240x128xf32, #tpu.memory_space<vmem_shared>>) offsets(%dma_start3A_185 : memref<80xi32, #tpu.memory_space<vmem>>) semaphore(%run_scoped3A_182 : memref<!tpu.dma_semaphore, #tpu.memory_space<semaphore_mem>>) {add = true}
        %dma_wait3A_189 = arith.constant 0 : i32
        %dma_wait3A_190 = tpu.memref_slice %arg7[%add3A_154, %dma_wait3A_189] : memref<64x80xi32, #tpu.memory_space<vmem>> -> memref<1x80xi32, #tpu.memory_space<vmem>>
        %dma_wait3A_191 = tpu.memref_squeeze %dma_wait3A_190 : memref<1x80xi32, #tpu.memory_space<vmem>> -> memref<80xi32, #tpu.memory_space<vmem>>
        %dma_wait3A_192 = arith.constant 0 : i32
        %dma_wait3A_193 = arith.constant 0 : i32
        %dma_wait3A_194 = tpu.memref_slice %arg10[%dma_wait3A_192, %dma_wait3A_193] : memref<10240x128xf32, #tpu.memory_space<vmem_shared>> -> memref<10240x128xf32, #tpu.memory_space<vmem_shared>>
        tpu.wait_indirect_dma semaphore(%run_scoped3A_182 : memref<!tpu.dma_semaphore, #tpu.memory_space<semaphore_mem>>) src(%arg9 : memref<80x128xf32, #tpu.memory_space<vmem>>) dst(%dma_wait3A_194 : memref<10240x128xf32, #tpu.memory_space<vmem_shared>>)
        tpu.yield
      }) : () -> ()
      %scan3A_181 = arith.constant 0 : i32
      scf.yield %scan3A_181 : i32
    }
    %scan3A_100 = arith.constant 31 : i32
    %dma_wait3A = arith.constant 62 : i32
    %dma_wait3A_101 = arith.constant 0 : i32
    %dma_wait3A_102 = tpu.memref_slice %arg6[%dma_wait3A, %dma_wait3A_101] : memref<64x80xi32, #tpu.memory_space<vmem>> -> memref<1x80xi32, #tpu.memory_space<vmem>>
    %dma_wait3A_103 = tpu.memref_squeeze %dma_wait3A_102 : memref<1x80xi32, #tpu.memory_space<vmem>> -> memref<80xi32, #tpu.memory_space<vmem>>
    %dma_wait3A_104 = arith.constant 0 : i32
    %dma_wait3A_105 = arith.constant 0 : i32
    %dma_wait3A_106 = tpu.memref_slice %arg2[%dma_wait3A_104, %dma_wait3A_105] : memref<10000x128xf32, #tpu.memory_space<hbm>> -> memref<10000x128xf32, #tpu.memory_space<hbm>>
    tpu.wait_indirect_dma semaphore(%arg11 : memref<!tpu.dma_semaphore, #tpu.memory_space<semaphore_mem>>) src(%dma_wait3A_106 : memref<10000x128xf32, #tpu.memory_space<hbm>>) dst(%arg8 : memref<80x128xf32, #tpu.memory_space<vmem>>)
    %dma_start3A_107 = arith.constant 63 : i32
    %dma_start3A_108 = arith.constant 0 : i32
    %dma_start3A_109 = tpu.memref_slice %arg6[%dma_start3A_107, %dma_start3A_108] : memref<64x80xi32, #tpu.memory_space<vmem>> -> memref<1x80xi32, #tpu.memory_space<vmem>>
    %dma_start3A_110 = tpu.memref_squeeze %dma_start3A_109 : memref<1x80xi32, #tpu.memory_space<vmem>> -> memref<80xi32, #tpu.memory_space<vmem>>
    %dma_start3A_111 = arith.constant 0 : i32
    %dma_start3A_112 = arith.constant 0 : i32
    %dma_start3A_113 = tpu.memref_slice %arg2[%dma_start3A_111, %dma_start3A_112] : memref<10000x128xf32, #tpu.memory_space<hbm>> -> memref<10000x128xf32, #tpu.memory_space<hbm>>
    tpu.enqueue_indirect_dma source(%dma_start3A_113 : memref<10000x128xf32, #tpu.memory_space<hbm>>) target(%arg9 : memref<80x128xf32, #tpu.memory_space<vmem>>) offsets(%dma_start3A_110 : memref<80xi32, #tpu.memory_space<vmem>>) semaphore(%arg12 : memref<!tpu.dma_semaphore, #tpu.memory_space<semaphore_mem>>)
    %run_scoped3A = arith.constant 62 : i32
    "tpu.region"() ({
      %run_scoped3A_149 = tpu.sem_alloc : memref<!tpu.dma_semaphore, #tpu.memory_space<semaphore_mem>>
      %dma_start3A_150 = arith.constant 0 : i32
      %dma_start3A_151 = tpu.memref_slice %arg7[%run_scoped3A, %dma_start3A_150] : memref<64x80xi32, #tpu.memory_space<vmem>> -> memref<1x80xi32, #tpu.memory_space<vmem>>
      %dma_start3A_152 = tpu.memref_squeeze %dma_start3A_151 : memref<1x80xi32, #tpu.memory_space<vmem>> -> memref<80xi32, #tpu.memory_space<vmem>>
      %dma_start3A_153 = arith.constant 0 : i32
      %dma_start3A_154 = arith.constant 0 : i32
      %dma_start3A_155 = tpu.memref_slice %arg10[%dma_start3A_153, %dma_start3A_154] : memref<10240x128xf32, #tpu.memory_space<vmem_shared>> -> memref<10240x128xf32, #tpu.memory_space<vmem_shared>>
      tpu.enqueue_indirect_dma source(%arg8 : memref<80x128xf32, #tpu.memory_space<vmem>>) target(%dma_start3A_155 : memref<10240x128xf32, #tpu.memory_space<vmem_shared>>) offsets(%dma_start3A_152 : memref<80xi32, #tpu.memory_space<vmem>>) semaphore(%run_scoped3A_149 : memref<!tpu.dma_semaphore, #tpu.memory_space<semaphore_mem>>) {add = true}
      %dma_wait3A_156 = arith.constant 0 : i32
      %dma_wait3A_157 = tpu.memref_slice %arg7[%run_scoped3A, %dma_wait3A_156] : memref<64x80xi32, #tpu.memory_space<vmem>> -> memref<1x80xi32, #tpu.memory_space<vmem>>
      %dma_wait3A_158 = tpu.memref_squeeze %dma_wait3A_157 : memref<1x80xi32, #tpu.memory_space<vmem>> -> memref<80xi32, #tpu.memory_space<vmem>>
      %dma_wait3A_159 = arith.constant 0 : i32
      %dma_wait3A_160 = arith.constant 0 : i32
      %dma_wait3A_161 = tpu.memref_slice %arg10[%dma_wait3A_159, %dma_wait3A_160] : memref<10240x128xf32, #tpu.memory_space<vmem_shared>> -> memref<10240x128xf32, #tpu.memory_space<vmem_shared>>
      tpu.wait_indirect_dma semaphore(%run_scoped3A_149 : memref<!tpu.dma_semaphore, #tpu.memory_space<semaphore_mem>>) src(%arg8 : memref<80x128xf32, #tpu.memory_space<vmem>>) dst(%dma_wait3A_161 : memref<10240x128xf32, #tpu.memory_space<vmem_shared>>)
      tpu.yield
    }) : () -> ()
    %dma_wait3A_114 = arith.constant 63 : i32
    %dma_wait3A_115 = arith.constant 0 : i32
    %dma_wait3A_116 = tpu.memref_slice %arg6[%dma_wait3A_114, %dma_wait3A_115] : memref<64x80xi32, #tpu.memory_space<vmem>> -> memref<1x80xi32, #tpu.memory_space<vmem>>
    %dma_wait3A_117 = tpu.memref_squeeze %dma_wait3A_116 : memref<1x80xi32, #tpu.memory_space<vmem>> -> memref<80xi32, #tpu.memory_space<vmem>>
    %dma_wait3A_118 = arith.constant 0 : i32
    %dma_wait3A_119 = arith.constant 0 : i32
    %dma_wait3A_120 = tpu.memref_slice %arg2[%dma_wait3A_118, %dma_wait3A_119] : memref<10000x128xf32, #tpu.memory_space<hbm>> -> memref<10000x128xf32, #tpu.memory_space<hbm>>
    tpu.wait_indirect_dma semaphore(%arg12 : memref<!tpu.dma_semaphore, #tpu.memory_space<semaphore_mem>>) src(%dma_wait3A_120 : memref<10000x128xf32, #tpu.memory_space<hbm>>) dst(%arg9 : memref<80x128xf32, #tpu.memory_space<vmem>>)
    %run_scoped3A_121 = arith.constant 63 : i32
    "tpu.region"() ({
      %run_scoped3A_149 = tpu.sem_alloc : memref<!tpu.dma_semaphore, #tpu.memory_space<semaphore_mem>>
      %dma_start3A_150 = arith.constant 0 : i32
      %dma_start3A_151 = tpu.memref_slice %arg7[%run_scoped3A_121, %dma_start3A_150] : memref<64x80xi32, #tpu.memory_space<vmem>> -> memref<1x80xi32, #tpu.memory_space<vmem>>
      %dma_start3A_152 = tpu.memref_squeeze %dma_start3A_151 : memref<1x80xi32, #tpu.memory_space<vmem>> -> memref<80xi32, #tpu.memory_space<vmem>>
      %dma_start3A_153 = arith.constant 0 : i32
      %dma_start3A_154 = arith.constant 0 : i32
      %dma_start3A_155 = tpu.memref_slice %arg10[%dma_start3A_153, %dma_start3A_154] : memref<10240x128xf32, #tpu.memory_space<vmem_shared>> -> memref<10240x128xf32, #tpu.memory_space<vmem_shared>>
      tpu.enqueue_indirect_dma source(%arg9 : memref<80x128xf32, #tpu.memory_space<vmem>>) target(%dma_start3A_155 : memref<10240x128xf32, #tpu.memory_space<vmem_shared>>) offsets(%dma_start3A_152 : memref<80xi32, #tpu.memory_space<vmem>>) semaphore(%run_scoped3A_149 : memref<!tpu.dma_semaphore, #tpu.memory_space<semaphore_mem>>) {add = true}
      %dma_wait3A_156 = arith.constant 0 : i32
      %dma_wait3A_157 = tpu.memref_slice %arg7[%run_scoped3A_121, %dma_wait3A_156] : memref<64x80xi32, #tpu.memory_space<vmem>> -> memref<1x80xi32, #tpu.memory_space<vmem>>
      %dma_wait3A_158 = tpu.memref_squeeze %dma_wait3A_157 : memref<1x80xi32, #tpu.memory_space<vmem>> -> memref<80xi32, #tpu.memory_space<vmem>>
      %dma_wait3A_159 = arith.constant 0 : i32
      %dma_wait3A_160 = arith.constant 0 : i32
      %dma_wait3A_161 = tpu.memref_slice %arg10[%dma_wait3A_159, %dma_wait3A_160] : memref<10240x128xf32, #tpu.memory_space<vmem_shared>> -> memref<10240x128xf32, #tpu.memory_space<vmem_shared>>
      tpu.wait_indirect_dma semaphore(%run_scoped3A_149 : memref<!tpu.dma_semaphore, #tpu.memory_space<semaphore_mem>>) src(%arg9 : memref<80x128xf32, #tpu.memory_space<vmem>>) dst(%dma_wait3A_161 : memref<10240x128xf32, #tpu.memory_space<vmem_shared>>)
      tpu.yield
    }) : () -> ()
    "tpu.region"() ({
      %run_scoped3A_149 = tpu.sem_alloc : memref<!tpu.dma_semaphore, #tpu.memory_space<semaphore_mem>>
      %dma_start3A_150 = arith.constant 0 : i32
      %dma_start3A_151 = arith.constant 0 : i32
      %dma_start3A_152 = tpu.memref_slice %arg6[%dma_start3A_150, %dma_start3A_151] : memref<64x80xi32, #tpu.memory_space<vmem>> -> memref<61x80xi32, #tpu.memory_space<vmem>>
      %dma_start3A_153 = arith.constant 64 : i32
      %dma_start3A_154 = arith.constant 0 : i32
      %dma_start3A_155 = tpu.memref_slice %arg3[%add3A, %dma_start3A_153, %dma_start3A_154] : memref<32x125x80xi32, #tpu.memory_space<hbm>> -> memref<1x61x80xi32, #tpu.memory_space<hbm>>
      %dma_start3A_156 = tpu.memref_squeeze %dma_start3A_155 : memref<1x61x80xi32, #tpu.memory_space<hbm>> -> memref<61x80xi32, #tpu.memory_space<hbm>>
      %dma_start3A_157 = arith.constant 0 : i32
      %dma_start3A_158 = arith.constant 0 : i32
      %dma_start3A_159 = tpu.memref_slice %arg6[%dma_start3A_157, %dma_start3A_158] : memref<64x80xi32, #tpu.memory_space<vmem>> -> memref<61x80xi32, #tpu.memory_space<vmem>>
      %dma_start3A_160 = arith.constant 64 : i32
      %dma_start3A_161 = arith.constant 0 : i32
      %dma_start3A_162 = tpu.memref_slice %arg3[%add3A, %dma_start3A_160, %dma_start3A_161] : memref<32x125x80xi32, #tpu.memory_space<hbm>> -> memref<1x61x80xi32, #tpu.memory_space<hbm>>
      %dma_start3A_163 = tpu.memref_squeeze %dma_start3A_162 : memref<1x61x80xi32, #tpu.memory_space<hbm>> -> memref<61x80xi32, #tpu.memory_space<hbm>>
      tpu.enqueue_dma source(%dma_start3A_163 : memref<61x80xi32, #tpu.memory_space<hbm>>) target(%dma_start3A_159 : memref<61x80xi32, #tpu.memory_space<vmem>>) target_semaphore(%run_scoped3A_149 : memref<!tpu.dma_semaphore, #tpu.memory_space<semaphore_mem>>)
      %dma_wait3A_164 = arith.constant 0 : i32
      %dma_wait3A_165 = arith.constant 0 : i32
      %dma_wait3A_166 = tpu.memref_slice %arg6[%dma_wait3A_164, %dma_wait3A_165] : memref<64x80xi32, #tpu.memory_space<vmem>> -> memref<61x80xi32, #tpu.memory_space<vmem>>
      %dma_wait3A_167 = arith.constant 64 : i32
      %dma_wait3A_168 = arith.constant 0 : i32
      %dma_wait3A_169 = tpu.memref_slice %arg3[%add3A, %dma_wait3A_167, %dma_wait3A_168] : memref<32x125x80xi32, #tpu.memory_space<hbm>> -> memref<1x61x80xi32, #tpu.memory_space<hbm>>
      %dma_wait3A_170 = tpu.memref_squeeze %dma_wait3A_169 : memref<1x61x80xi32, #tpu.memory_space<hbm>> -> memref<61x80xi32, #tpu.memory_space<hbm>>
      %dma_wait3A_171 = arith.constant 0 : i32
      %dma_wait3A_172 = arith.constant 0 : i32
      %dma_wait3A_173 = tpu.memref_slice %arg6[%dma_wait3A_171, %dma_wait3A_172] : memref<64x80xi32, #tpu.memory_space<vmem>> -> memref<61x80xi32, #tpu.memory_space<vmem>>
      %dma_wait3A_174 = arith.constant 64 : i32
      %dma_wait3A_175 = arith.constant 0 : i32
      %dma_wait3A_176 = tpu.memref_slice %arg3[%add3A, %dma_wait3A_174, %dma_wait3A_175] : memref<32x125x80xi32, #tpu.memory_space<hbm>> -> memref<1x61x80xi32, #tpu.memory_space<hbm>>
      %dma_wait3A_177 = tpu.memref_squeeze %dma_wait3A_176 : memref<1x61x80xi32, #tpu.memory_space<hbm>> -> memref<61x80xi32, #tpu.memory_space<hbm>>
      tpu.wait_dma2 semaphore(%run_scoped3A_149 : memref<!tpu.dma_semaphore, #tpu.memory_space<semaphore_mem>>) src(%dma_wait3A_177 : memref<61x80xi32, #tpu.memory_space<hbm>>) dst(%dma_wait3A_173 : memref<61x80xi32, #tpu.memory_space<vmem>>)
      tpu.yield
    }) : () -> ()
    "tpu.region"() ({
      %run_scoped3A_149 = tpu.sem_alloc : memref<!tpu.dma_semaphore, #tpu.memory_space<semaphore_mem>>
      %dma_start3A_150 = arith.constant 0 : i32
      %dma_start3A_151 = arith.constant 0 : i32
      %dma_start3A_152 = tpu.memref_slice %arg7[%dma_start3A_150, %dma_start3A_151] : memref<64x80xi32, #tpu.memory_space<vmem>> -> memref<61x80xi32, #tpu.memory_space<vmem>>
      %dma_start3A_153 = arith.constant 64 : i32
      %dma_start3A_154 = arith.constant 0 : i32
      %dma_start3A_155 = tpu.memref_slice %arg4[%add3A, %dma_start3A_153, %dma_start3A_154] : memref<32x125x80xi32, #tpu.memory_space<hbm>> -> memref<1x61x80xi32, #tpu.memory_space<hbm>>
      %dma_start3A_156 = tpu.memref_squeeze %dma_start3A_155 : memref<1x61x80xi32, #tpu.memory_space<hbm>> -> memref<61x80xi32, #tpu.memory_space<hbm>>
      %dma_start3A_157 = arith.constant 0 : i32
      %dma_start3A_158 = arith.constant 0 : i32
      %dma_start3A_159 = tpu.memref_slice %arg7[%dma_start3A_157, %dma_start3A_158] : memref<64x80xi32, #tpu.memory_space<vmem>> -> memref<61x80xi32, #tpu.memory_space<vmem>>
      %dma_start3A_160 = arith.constant 64 : i32
      %dma_start3A_161 = arith.constant 0 : i32
      %dma_start3A_162 = tpu.memref_slice %arg4[%add3A, %dma_start3A_160, %dma_start3A_161] : memref<32x125x80xi32, #tpu.memory_space<hbm>> -> memref<1x61x80xi32, #tpu.memory_space<hbm>>
      %dma_start3A_163 = tpu.memref_squeeze %dma_start3A_162 : memref<1x61x80xi32, #tpu.memory_space<hbm>> -> memref<61x80xi32, #tpu.memory_space<hbm>>
      tpu.enqueue_dma source(%dma_start3A_163 : memref<61x80xi32, #tpu.memory_space<hbm>>) target(%dma_start3A_159 : memref<61x80xi32, #tpu.memory_space<vmem>>) target_semaphore(%run_scoped3A_149 : memref<!tpu.dma_semaphore, #tpu.memory_space<semaphore_mem>>)
      %dma_wait3A_164 = arith.constant 0 : i32
      %dma_wait3A_165 = arith.constant 0 : i32
      %dma_wait3A_166 = tpu.memref_slice %arg7[%dma_wait3A_164, %dma_wait3A_165] : memref<64x80xi32, #tpu.memory_space<vmem>> -> memref<61x80xi32, #tpu.memory_space<vmem>>
      %dma_wait3A_167 = arith.constant 64 : i32
      %dma_wait3A_168 = arith.constant 0 : i32
      %dma_wait3A_169 = tpu.memref_slice %arg4[%add3A, %dma_wait3A_167, %dma_wait3A_168] : memref<32x125x80xi32, #tpu.memory_space<hbm>> -> memref<1x61x80xi32, #tpu.memory_space<hbm>>
      %dma_wait3A_170 = tpu.memref_squeeze %dma_wait3A_169 : memref<1x61x80xi32, #tpu.memory_space<hbm>> -> memref<61x80xi32, #tpu.memory_space<hbm>>
      %dma_wait3A_171 = arith.constant 0 : i32
      %dma_wait3A_172 = arith.constant 0 : i32
      %dma_wait3A_173 = tpu.memref_slice %arg7[%dma_wait3A_171, %dma_wait3A_172] : memref<64x80xi32, #tpu.memory_space<vmem>> -> memref<61x80xi32, #tpu.memory_space<vmem>>
      %dma_wait3A_174 = arith.constant 64 : i32
      %dma_wait3A_175 = arith.constant 0 : i32
      %dma_wait3A_176 = tpu.memref_slice %arg4[%add3A, %dma_wait3A_174, %dma_wait3A_175] : memref<32x125x80xi32, #tpu.memory_space<hbm>> -> memref<1x61x80xi32, #tpu.memory_space<hbm>>
      %dma_wait3A_177 = tpu.memref_squeeze %dma_wait3A_176 : memref<1x61x80xi32, #tpu.memory_space<hbm>> -> memref<61x80xi32, #tpu.memory_space<hbm>>
      tpu.wait_dma2 semaphore(%run_scoped3A_149 : memref<!tpu.dma_semaphore, #tpu.memory_space<semaphore_mem>>) src(%dma_wait3A_177 : memref<61x80xi32, #tpu.memory_space<hbm>>) dst(%dma_wait3A_173 : memref<61x80xi32, #tpu.memory_space<vmem>>)
      tpu.yield
    }) : () -> ()
    %dma_start3A_122 = arith.constant 0 : i32
    %dma_start3A_123 = arith.constant 0 : i32
    %dma_start3A_124 = tpu.memref_slice %arg6[%dma_start3A_122, %dma_start3A_123] : memref<64x80xi32, #tpu.memory_space<vmem>> -> memref<1x80xi32, #tpu.memory_space<vmem>>
    %dma_start3A_125 = tpu.memref_squeeze %dma_start3A_124 : memref<1x80xi32, #tpu.memory_space<vmem>> -> memref<80xi32, #tpu.memory_space<vmem>>
    %dma_start3A_126 = arith.constant 0 : i32
    %dma_start3A_127 = arith.constant 0 : i32
    %dma_start3A_128 = tpu.memref_slice %arg2[%dma_start3A_126, %dma_start3A_127] : memref<10000x128xf32, #tpu.memory_space<hbm>> -> memref<10000x128xf32, #tpu.memory_space<hbm>>
    tpu.enqueue_indirect_dma source(%dma_start3A_128 : memref<10000x128xf32, #tpu.memory_space<hbm>>) target(%arg8 : memref<80x128xf32, #tpu.memory_space<vmem>>) offsets(%dma_start3A_125 : memref<80xi32, #tpu.memory_space<vmem>>) semaphore(%arg11 : memref<!tpu.dma_semaphore, #tpu.memory_space<semaphore_mem>>)
    %scan3A_129 = arith.constant 0 : i32
    %scan3A_130 = arith.constant 0 : i32
    %scan3A_131 = arith.constant 30 : i32
    %scan3A_132 = arith.addi %scan3A_130, %scan3A_131 : i32
    %scan3A_133 = arith.constant 1 : i32
    %scan3A_134 = scf.for %scan3A_149 = %scan3A_130 to %scan3A_132 step %scan3A_133 iter_args(%scan3A_150 = %scan3A_129) -> (i32)  : i32 {
      %mul3A_151 = arith.constant 2 : i32
      %mul3A_152 = arith.muli %scan3A_149, %mul3A_151 : i32
      %add3A_153 = arith.constant 1 : i32
      %add3A_154 = arith.addi %mul3A_152, %add3A_153 : i32
      %dma_wait3A_155 = arith.constant 0 : i32
      %dma_wait3A_156 = tpu.memref_slice %arg6[%mul3A_152, %dma_wait3A_155] : memref<64x80xi32, #tpu.memory_space<vmem>> -> memref<1x80xi32, #tpu.memory_space<vmem>>
      %dma_wait3A_157 = tpu.memref_squeeze %dma_wait3A_156 : memref<1x80xi32, #tpu.memory_space<vmem>> -> memref<80xi32, #tpu.memory_space<vmem>>
      %dma_wait3A_158 = arith.constant 0 : i32
      %dma_wait3A_159 = arith.constant 0 : i32
      %dma_wait3A_160 = tpu.memref_slice %arg2[%dma_wait3A_158, %dma_wait3A_159] : memref<10000x128xf32, #tpu.memory_space<hbm>> -> memref<10000x128xf32, #tpu.memory_space<hbm>>
      tpu.wait_indirect_dma semaphore(%arg11 : memref<!tpu.dma_semaphore, #tpu.memory_space<semaphore_mem>>) src(%dma_wait3A_160 : memref<10000x128xf32, #tpu.memory_space<hbm>>) dst(%arg8 : memref<80x128xf32, #tpu.memory_space<vmem>>)
      %dma_start3A_161 = arith.constant 0 : i32
      %dma_start3A_162 = tpu.memref_slice %arg6[%add3A_154, %dma_start3A_161] : memref<64x80xi32, #tpu.memory_space<vmem>> -> memref<1x80xi32, #tpu.memory_space<vmem>>
      %dma_start3A_163 = tpu.memref_squeeze %dma_start3A_162 : memref<1x80xi32, #tpu.memory_space<vmem>> -> memref<80xi32, #tpu.memory_space<vmem>>
      %dma_start3A_164 = arith.constant 0 : i32
      %dma_start3A_165 = arith.constant 0 : i32
      %dma_start3A_166 = tpu.memref_slice %arg2[%dma_start3A_164, %dma_start3A_165] : memref<10000x128xf32, #tpu.memory_space<hbm>> -> memref<10000x128xf32, #tpu.memory_space<hbm>>
      tpu.enqueue_indirect_dma source(%dma_start3A_166 : memref<10000x128xf32, #tpu.memory_space<hbm>>) target(%arg9 : memref<80x128xf32, #tpu.memory_space<vmem>>) offsets(%dma_start3A_163 : memref<80xi32, #tpu.memory_space<vmem>>) semaphore(%arg12 : memref<!tpu.dma_semaphore, #tpu.memory_space<semaphore_mem>>)
      "tpu.region"() ({
        %run_scoped3A_182 = tpu.sem_alloc : memref<!tpu.dma_semaphore, #tpu.memory_space<semaphore_mem>>
        %dma_start3A_183 = arith.constant 0 : i32
        %dma_start3A_184 = tpu.memref_slice %arg7[%mul3A_152, %dma_start3A_183] : memref<64x80xi32, #tpu.memory_space<vmem>> -> memref<1x80xi32, #tpu.memory_space<vmem>>
        %dma_start3A_185 = tpu.memref_squeeze %dma_start3A_184 : memref<1x80xi32, #tpu.memory_space<vmem>> -> memref<80xi32, #tpu.memory_space<vmem>>
        %dma_start3A_186 = arith.constant 0 : i32
        %dma_start3A_187 = arith.constant 0 : i32
        %dma_start3A_188 = tpu.memref_slice %arg10[%dma_start3A_186, %dma_start3A_187] : memref<10240x128xf32, #tpu.memory_space<vmem_shared>> -> memref<10240x128xf32, #tpu.memory_space<vmem_shared>>
        tpu.enqueue_indirect_dma source(%arg8 : memref<80x128xf32, #tpu.memory_space<vmem>>) target(%dma_start3A_188 : memref<10240x128xf32, #tpu.memory_space<vmem_shared>>) offsets(%dma_start3A_185 : memref<80xi32, #tpu.memory_space<vmem>>) semaphore(%run_scoped3A_182 : memref<!tpu.dma_semaphore, #tpu.memory_space<semaphore_mem>>) {add = true}
        %dma_wait3A_189 = arith.constant 0 : i32
        %dma_wait3A_190 = tpu.memref_slice %arg7[%mul3A_152, %dma_wait3A_189] : memref<64x80xi32, #tpu.memory_space<vmem>> -> memref<1x80xi32, #tpu.memory_space<vmem>>
        %dma_wait3A_191 = tpu.memref_squeeze %dma_wait3A_190 : memref<1x80xi32, #tpu.memory_space<vmem>> -> memref<80xi32, #tpu.memory_space<vmem>>
        %dma_wait3A_192 = arith.constant 0 : i32
        %dma_wait3A_193 = arith.constant 0 : i32
        %dma_wait3A_194 = tpu.memref_slice %arg10[%dma_wait3A_192, %dma_wait3A_193] : memref<10240x128xf32, #tpu.memory_space<vmem_shared>> -> memref<10240x128xf32, #tpu.memory_space<vmem_shared>>
        tpu.wait_indirect_dma semaphore(%run_scoped3A_182 : memref<!tpu.dma_semaphore, #tpu.memory_space<semaphore_mem>>) src(%arg8 : memref<80x128xf32, #tpu.memory_space<vmem>>) dst(%dma_wait3A_194 : memref<10240x128xf32, #tpu.memory_space<vmem_shared>>)
        tpu.yield
      }) : () -> ()
      %dma_wait3A_167 = arith.constant 0 : i32
      %dma_wait3A_168 = tpu.memref_slice %arg6[%add3A_154, %dma_wait3A_167] : memref<64x80xi32, #tpu.memory_space<vmem>> -> memref<1x80xi32, #tpu.memory_space<vmem>>
      %dma_wait3A_169 = tpu.memref_squeeze %dma_wait3A_168 : memref<1x80xi32, #tpu.memory_space<vmem>> -> memref<80xi32, #tpu.memory_space<vmem>>
      %dma_wait3A_170 = arith.constant 0 : i32
      %dma_wait3A_171 = arith.constant 0 : i32
      %dma_wait3A_172 = tpu.memref_slice %arg2[%dma_wait3A_170, %dma_wait3A_171] : memref<10000x128xf32, #tpu.memory_space<hbm>> -> memref<10000x128xf32, #tpu.memory_space<hbm>>
      tpu.wait_indirect_dma semaphore(%arg12 : memref<!tpu.dma_semaphore, #tpu.memory_space<semaphore_mem>>) src(%dma_wait3A_172 : memref<10000x128xf32, #tpu.memory_space<hbm>>) dst(%arg9 : memref<80x128xf32, #tpu.memory_space<vmem>>)
      %add3A_173 = arith.constant 1 : i32
      %add3A_174 = arith.addi %add3A_154, %add3A_173 : i32
      %dma_start3A_175 = arith.constant 0 : i32
      %dma_start3A_176 = tpu.memref_slice %arg6[%add3A_174, %dma_start3A_175] : memref<64x80xi32, #tpu.memory_space<vmem>> -> memref<1x80xi32, #tpu.memory_space<vmem>>
      %dma_start3A_177 = tpu.memref_squeeze %dma_start3A_176 : memref<1x80xi32, #tpu.memory_space<vmem>> -> memref<80xi32, #tpu.memory_space<vmem>>
      %dma_start3A_178 = arith.constant 0 : i32
      %dma_start3A_179 = arith.constant 0 : i32
      %dma_start3A_180 = tpu.memref_slice %arg2[%dma_start3A_178, %dma_start3A_179] : memref<10000x128xf32, #tpu.memory_space<hbm>> -> memref<10000x128xf32, #tpu.memory_space<hbm>>
      tpu.enqueue_indirect_dma source(%dma_start3A_180 : memref<10000x128xf32, #tpu.memory_space<hbm>>) target(%arg8 : memref<80x128xf32, #tpu.memory_space<vmem>>) offsets(%dma_start3A_177 : memref<80xi32, #tpu.memory_space<vmem>>) semaphore(%arg11 : memref<!tpu.dma_semaphore, #tpu.memory_space<semaphore_mem>>)
      "tpu.region"() ({
        %run_scoped3A_182 = tpu.sem_alloc : memref<!tpu.dma_semaphore, #tpu.memory_space<semaphore_mem>>
        %dma_start3A_183 = arith.constant 0 : i32
        %dma_start3A_184 = tpu.memref_slice %arg7[%add3A_154, %dma_start3A_183] : memref<64x80xi32, #tpu.memory_space<vmem>> -> memref<1x80xi32, #tpu.memory_space<vmem>>
        %dma_start3A_185 = tpu.memref_squeeze %dma_start3A_184 : memref<1x80xi32, #tpu.memory_space<vmem>> -> memref<80xi32, #tpu.memory_space<vmem>>
        %dma_start3A_186 = arith.constant 0 : i32
        %dma_start3A_187 = arith.constant 0 : i32
        %dma_start3A_188 = tpu.memref_slice %arg10[%dma_start3A_186, %dma_start3A_187] : memref<10240x128xf32, #tpu.memory_space<vmem_shared>> -> memref<10240x128xf32, #tpu.memory_space<vmem_shared>>
        tpu.enqueue_indirect_dma source(%arg9 : memref<80x128xf32, #tpu.memory_space<vmem>>) target(%dma_start3A_188 : memref<10240x128xf32, #tpu.memory_space<vmem_shared>>) offsets(%dma_start3A_185 : memref<80xi32, #tpu.memory_space<vmem>>) semaphore(%run_scoped3A_182 : memref<!tpu.dma_semaphore, #tpu.memory_space<semaphore_mem>>) {add = true}
        %dma_wait3A_189 = arith.constant 0 : i32
        %dma_wait3A_190 = tpu.memref_slice %arg7[%add3A_154, %dma_wait3A_189] : memref<64x80xi32, #tpu.memory_space<vmem>> -> memref<1x80xi32, #tpu.memory_space<vmem>>
        %dma_wait3A_191 = tpu.memref_squeeze %dma_wait3A_190 : memref<1x80xi32, #tpu.memory_space<vmem>> -> memref<80xi32, #tpu.memory_space<vmem>>
        %dma_wait3A_192 = arith.constant 0 : i32
        %dma_wait3A_193 = arith.constant 0 : i32
        %dma_wait3A_194 = tpu.memref_slice %arg10[%dma_wait3A_192, %dma_wait3A_193] : memref<10240x128xf32, #tpu.memory_space<vmem_shared>> -> memref<10240x128xf32, #tpu.memory_space<vmem_shared>>
        tpu.wait_indirect_dma semaphore(%run_scoped3A_182 : memref<!tpu.dma_semaphore, #tpu.memory_space<semaphore_mem>>) src(%arg9 : memref<80x128xf32, #tpu.memory_space<vmem>>) dst(%dma_wait3A_194 : memref<10240x128xf32, #tpu.memory_space<vmem_shared>>)
        tpu.yield
      }) : () -> ()
      %scan3A_181 = arith.constant 0 : i32
      scf.yield %scan3A_181 : i32
    }
    %scan3A_135 = arith.constant 30 : i32
    %dma_wait3A_136 = arith.constant 60 : i32
    %dma_wait3A_137 = arith.constant 0 : i32
    %dma_wait3A_138 = tpu.memref_slice %arg6[%dma_wait3A_136, %dma_wait3A_137] : memref<64x80xi32, #tpu.memory_space<vmem>> -> memref<1x80xi32, #tpu.memory_space<vmem>>
    %dma_wait3A_139 = tpu.memref_squeeze %dma_wait3A_138 : memref<1x80xi32, #tpu.memory_space<vmem>> -> memref<80xi32, #tpu.memory_space<vmem>>
    %dma_wait3A_140 = arith.constant 0 : i32
    %dma_wait3A_141 = arith.constant 0 : i32
    %dma_wait3A_142 = tpu.memref_slice %arg2[%dma_wait3A_140, %dma_wait3A_141] : memref<10000x128xf32, #tpu.memory_space<hbm>> -> memref<10000x128xf32, #tpu.memory_space<hbm>>
    tpu.wait_indirect_dma semaphore(%arg11 : memref<!tpu.dma_semaphore, #tpu.memory_space<semaphore_mem>>) src(%dma_wait3A_142 : memref<10000x128xf32, #tpu.memory_space<hbm>>) dst(%arg8 : memref<80x128xf32, #tpu.memory_space<vmem>>)
    %run_scoped3A_143 = arith.constant 60 : i32
    "tpu.region"() ({
      %run_scoped3A_149 = tpu.sem_alloc : memref<!tpu.dma_semaphore, #tpu.memory_space<semaphore_mem>>
      %dma_start3A_150 = arith.constant 0 : i32
      %dma_start3A_151 = tpu.memref_slice %arg7[%run_scoped3A_143, %dma_start3A_150] : memref<64x80xi32, #tpu.memory_space<vmem>> -> memref<1x80xi32, #tpu.memory_space<vmem>>
      %dma_start3A_152 = tpu.memref_squeeze %dma_start3A_151 : memref<1x80xi32, #tpu.memory_space<vmem>> -> memref<80xi32, #tpu.memory_space<vmem>>
      %dma_start3A_153 = arith.constant 0 : i32
      %dma_start3A_154 = arith.constant 0 : i32
      %dma_start3A_155 = tpu.memref_slice %arg10[%dma_start3A_153, %dma_start3A_154] : memref<10240x128xf32, #tpu.memory_space<vmem_shared>> -> memref<10240x128xf32, #tpu.memory_space<vmem_shared>>
      tpu.enqueue_indirect_dma source(%arg8 : memref<80x128xf32, #tpu.memory_space<vmem>>) target(%dma_start3A_155 : memref<10240x128xf32, #tpu.memory_space<vmem_shared>>) offsets(%dma_start3A_152 : memref<80xi32, #tpu.memory_space<vmem>>) semaphore(%run_scoped3A_149 : memref<!tpu.dma_semaphore, #tpu.memory_space<semaphore_mem>>) {add = true}
      %dma_wait3A_156 = arith.constant 0 : i32
      %dma_wait3A_157 = tpu.memref_slice %arg7[%run_scoped3A_143, %dma_wait3A_156] : memref<64x80xi32, #tpu.memory_space<vmem>> -> memref<1x80xi32, #tpu.memory_space<vmem>>
      %dma_wait3A_158 = tpu.memref_squeeze %dma_wait3A_157 : memref<1x80xi32, #tpu.memory_space<vmem>> -> memref<80xi32, #tpu.memory_space<vmem>>
      %dma_wait3A_159 = arith.constant 0 : i32
      %dma_wait3A_160 = arith.constant 0 : i32
      %dma_wait3A_161 = tpu.memref_slice %arg10[%dma_wait3A_159, %dma_wait3A_160] : memref<10240x128xf32, #tpu.memory_space<vmem_shared>> -> memref<10240x128xf32, #tpu.memory_space<vmem_shared>>
      tpu.wait_indirect_dma semaphore(%run_scoped3A_149 : memref<!tpu.dma_semaphore, #tpu.memory_space<semaphore_mem>>) src(%arg8 : memref<80x128xf32, #tpu.memory_space<vmem>>) dst(%dma_wait3A_161 : memref<10240x128xf32, #tpu.memory_space<vmem_shared>>)
      tpu.yield
    }) : () -> ()
    %barrier3A_144 = arith.constant 0 : index
    tpu.barrier barrier_id(%barrier3A_144)
    %mul3A_145 = arith.constant 640 : i32
    %mul3A_146 = arith.muli %arg1, %mul3A_145 : i32
    %mul3A_147 = arith.constant 640 : i32
    %mul3A_148 = arith.muli %arg1, %mul3A_147 : i32
    "tpu.region"() ({
      %run_scoped3A_149 = tpu.sem_alloc : memref<!tpu.dma_semaphore, #tpu.memory_space<semaphore_mem>>
      %dma_start3A_150 = arith.constant 0 : i32
      %dma_start3A_151 = tpu.memref_slice %arg5[%arg0, %mul3A_148, %dma_start3A_150] : memref<2x10240x128xf32, #tpu.memory_space<hbm>> -> memref<1x640x128xf32, #tpu.memory_space<hbm>>
      %dma_start3A_152 = tpu.memref_squeeze %dma_start3A_151 : memref<1x640x128xf32, #tpu.memory_space<hbm>> -> memref<640x128xf32, #tpu.memory_space<hbm>>
      %dma_start3A_153 = arith.constant 0 : i32
      %dma_start3A_154 = tpu.memref_slice %arg10[%mul3A_146, %dma_start3A_153] : memref<10240x128xf32, #tpu.memory_space<vmem_shared>> -> memref<640x128xf32, #tpu.memory_space<vmem_shared>>
      tpu.enqueue_dma source(%dma_start3A_154 : memref<640x128xf32, #tpu.memory_space<vmem_shared>>) target(%dma_start3A_152 : memref<640x128xf32, #tpu.memory_space<hbm>>) target_semaphore(%run_scoped3A_149 : memref<!tpu.dma_semaphore, #tpu.memory_space<semaphore_mem>>)
      %dma_wait3A_155 = arith.constant 0 : i32
      %dma_wait3A_156 = tpu.memref_slice %arg5[%arg0, %mul3A_148, %dma_wait3A_155] : memref<2x10240x128xf32, #tpu.memory_space<hbm>> -> memref<1x640x128xf32, #tpu.memory_space<hbm>>
      %dma_wait3A_157 = tpu.memref_squeeze %dma_wait3A_156 : memref<1x640x128xf32, #tpu.memory_space<hbm>> -> memref<640x128xf32, #tpu.memory_space<hbm>>
      %dma_wait3A_158 = arith.constant 0 : i32
      %dma_wait3A_159 = tpu.memref_slice %arg10[%mul3A_146, %dma_wait3A_158] : memref<10240x128xf32, #tpu.memory_space<vmem_shared>> -> memref<640x128xf32, #tpu.memory_space<vmem_shared>>
      tpu.wait_dma2 semaphore(%run_scoped3A_149 : memref<!tpu.dma_semaphore, #tpu.memory_space<semaphore_mem>>) src(%dma_wait3A_159 : memref<640x128xf32, #tpu.memory_space<vmem_shared>>) dst(%dma_wait3A_157 : memref<640x128xf32, #tpu.memory_space<hbm>>)
      tpu.yield
    }) : () -> ()
    return
  }
}

module attributes {stable_mosaic.version = 14 : i64} {
  func.func @_scale_body(%arg0: i32, %arg1: memref<2000x128xf32, #tpu.memory_space<vmem>>, %arg2: memref<2x2000x16xf32, #tpu.memory_space<vmem>>, %arg3: memref<2000x128xf32, #tpu.memory_space<vmem>>) attributes {dimension_semantics = [#tpu.dimension_semantics<arbitrary>], iteration_bounds = array<i64: 5>, scalar_prefetch = 0 : i64, scratch_operands = 0 : i64, tpu.core_type = #tpu.core_type<tc>, window_params = [{transform_indices = @transform_0, window_bounds = array<i64: 2000, 128>}, {transform_indices = @transform_1, window_bounds = array<i64: 2, 2000, 16>}, {transform_indices = @transform_2, window_bounds = array<i64: 2000, 128>}]} {
    %get3A = arith.constant 0 : index
    %get3A_0 = arith.constant 0 : index
    %get3A_1 = vector.load %arg1[%get3A, %get3A_0] : memref<2000x128xf32, #tpu.memory_space<vmem>>, vector<2000x128xf32>
    %get3A_2 = arith.constant 0 : index
    %get3A_3 = arith.constant 0 : index
    %get3A_4 = arith.constant 0 : index
    %get3A_5 = vector.load %arg2[%get3A_2, %get3A_3, %get3A_4] : memref<2x2000x16xf32, #tpu.memory_space<vmem>>, vector<1x2000x1xf32>
    %get3A_6 = vector.shape_cast %get3A_5 : vector<1x2000x1xf32> to vector<2000x1xf32>
    %get3A_7 = arith.constant 1 : index
    %get3A_8 = arith.constant 0 : index
    %get3A_9 = arith.constant 0 : index
    %get3A_10 = vector.load %arg2[%get3A_7, %get3A_8, %get3A_9] : memref<2x2000x16xf32, #tpu.memory_space<vmem>>, vector<1x2000x1xf32>
    %get3A_11 = vector.shape_cast %get3A_10 : vector<1x2000x1xf32> to vector<2000x1xf32>
    %add3A = arith.addf %get3A_6, %get3A_11 : vector<2000x1xf32>
    %max3A = arith.constant 1.000000e+00 : f32
    %max3A_12 = vector.broadcast %max3A : f32 to vector<2000x1xf32>
    %max3A_13 = arith.maximumf %add3A, %max3A_12 : vector<2000x1xf32>
    %rsqrt3A = math.rsqrt %max3A_13 : vector<2000x1xf32>
    %mul3A = vector.broadcast %rsqrt3A : vector<2000x1xf32> to vector<2000x128xf32>
    %mul3A_14 = arith.mulf %get3A_1, %mul3A : vector<2000x128xf32>
    %swap3A = arith.constant 0 : index
    %swap3A_15 = arith.constant 0 : index
    %swap3A_16 = vector.load %arg3[%swap3A, %swap3A_15] : memref<2000x128xf32, #tpu.memory_space<vmem>>, vector<2000x128xf32>
    tpu.vector_store %arg3[%swap3A, %swap3A_15], %mul3A_14 {strides = array<i32>} : memref<2000x128xf32, #tpu.memory_space<vmem>>, vector<2000x128xf32>,
    return
  }
  func.func @transform_0(%arg0: i32) -> (i32, i32) {
    %c0_i32 = arith.constant 0 : i32
    %c0_i32_0 = arith.constant 0 : i32
    return %arg0, %c0_i32 : i32, i32
  }
  func.func @transform_1(%arg0: i32) -> (i32, i32, i32) {
    %c0_i32 = arith.constant 0 : i32
    %c0_i32_0 = arith.constant 0 : i32
    %c0_i32_1 = arith.constant 0 : i32
    return %c0_i32, %arg0, %c0_i32_0 : i32, i32, i32
  }
  func.func @transform_2(%arg0: i32) -> (i32, i32) {
    %c0_i32 = arith.constant 0 : i32
    %c0_i32_0 = arith.constant 0 : i32
    return %arg0, %c0_i32 : i32, i32
  }
}

module attributes {stable_mosaic.version = 14 : i64} {
  func.func @_mm_body(%arg0: i32, %arg1: memref<2x1000x128xf32, #tpu.memory_space<vmem>>, %arg2: memref<2x1000x16xf32, #tpu.memory_space<vmem>>, %arg3: memref<128x1000xf32, #tpu.memory_space<vmem>>, %arg4: memref<1x1000xf32, #tpu.memory_space<vmem>>, %arg5: memref<1000x128xf32, #tpu.memory_space<vmem>>, %arg6: memref<1000x128xf32, #tpu.memory_space<vmem>>) attributes {dimension_semantics = [#tpu.dimension_semantics<arbitrary>], iteration_bounds = array<i64: 10>, scalar_prefetch = 0 : i64, scratch_operands = 0 : i64, tpu.core_type = #tpu.core_type<tc>, window_params = [{transform_indices = @transform_0, window_bounds = array<i64: 2, 1000, 128>}, {transform_indices = @transform_1, window_bounds = array<i64: 2, 1000, 16>}, {pipeline_mode = #tpu.pipeline_mode<synchronous>, transform_indices = @transform_2, window_bounds = array<i64: 128, 1000>}, {pipeline_mode = #tpu.pipeline_mode<synchronous>, transform_indices = @transform_3, window_bounds = array<i64: 1, 1000>}, {pipeline_mode = #tpu.pipeline_mode<synchronous>, transform_indices = @transform_4, window_bounds = array<i64: 1000, 128>}, {transform_indices = @transform_5, window_bounds = array<i64: 1000, 128>}]} {
    %get3A = arith.constant 0 : index
    %get3A_0 = arith.constant 0 : index
    %get3A_1 = arith.constant 0 : index
    %get3A_2 = vector.load %arg1[%get3A, %get3A_0, %get3A_1] : memref<2x1000x128xf32, #tpu.memory_space<vmem>>, vector<1x1000x128xf32>
    %get3A_3 = vector.shape_cast %get3A_2 : vector<1x1000x128xf32> to vector<1000x128xf32>
    %get3A_4 = arith.constant 1 : index
    %get3A_5 = arith.constant 0 : index
    %get3A_6 = arith.constant 0 : index
    %get3A_7 = vector.load %arg1[%get3A_4, %get3A_5, %get3A_6] : memref<2x1000x128xf32, #tpu.memory_space<vmem>>, vector<1x1000x128xf32>
    %get3A_8 = vector.shape_cast %get3A_7 : vector<1x1000x128xf32> to vector<1000x128xf32>
    %add3A = arith.addf %get3A_3, %get3A_8 : vector<1000x128xf32>
    %get3A_9 = arith.constant 0 : index
    %get3A_10 = arith.constant 0 : index
    %get3A_11 = arith.constant 1 : index
    %get3A_12 = vector.load %arg2[%get3A_9, %get3A_10, %get3A_11] : memref<2x1000x16xf32, #tpu.memory_space<vmem>>, vector<1x1000x1xf32>
    %get3A_13 = vector.shape_cast %get3A_12 : vector<1x1000x1xf32> to vector<1000x1xf32>
    %get3A_14 = arith.constant 1 : index
    %get3A_15 = arith.constant 0 : index
    %get3A_16 = arith.constant 1 : index
    %get3A_17 = vector.load %arg2[%get3A_14, %get3A_15, %get3A_16] : memref<2x1000x16xf32, #tpu.memory_space<vmem>>, vector<1x1000x1xf32>
    %get3A_18 = vector.shape_cast %get3A_17 : vector<1x1000x1xf32> to vector<1000x1xf32>
    %add3A_19 = arith.addf %get3A_13, %get3A_18 : vector<1000x1xf32>
    %max3A = arith.constant 1.000000e+00 : f32
    %max3A_20 = vector.broadcast %max3A : f32 to vector<1000x1xf32>
    %max3A_21 = arith.maximumf %add3A_19, %max3A_20 : vector<1000x1xf32>
    %rsqrt3A = math.rsqrt %max3A_21 : vector<1000x1xf32>
    %mul3A = vector.broadcast %rsqrt3A : vector<1000x1xf32> to vector<1000x128xf32>
    %mul3A_22 = arith.mulf %add3A, %mul3A : vector<1000x128xf32>
    %get3A_23 = arith.constant 0 : index
    %get3A_24 = arith.constant 0 : index
    %get3A_25 = vector.load %arg3[%get3A_23, %get3A_24] : memref<128x1000xf32, #tpu.memory_space<vmem>>, vector<128x1000xf32>
    %dot_general3A = arith.constant dense<0.000000e+00> : vector<1000x1000xf32>
    %dot_general3A_26 = tpu.matmul %mul3A_22, %get3A_25, %dot_general3A {dimension_numbers = #tpu.dot_dimension_numbers<[1], [0], [0], [1], [0, 0, 1, 1], [], []>, transpose_lhs_hint = false} : vector<1000x128xf32>, vector<128x1000xf32>, vector<1000x1000xf32> -> vector<1000x1000xf32>
    %get3A_27 = arith.constant 0 : index
    %get3A_28 = arith.constant 0 : index
    %get3A_29 = vector.load %arg4[%get3A_27, %get3A_28] : memref<1x1000xf32, #tpu.memory_space<vmem>>, vector<1x1000xf32>
    %add3A_30 = vector.broadcast %get3A_29 : vector<1x1000xf32> to vector<1000x1000xf32>
    %add3A_31 = arith.addf %dot_general3A_26, %add3A_30 : vector<1000x1000xf32>
    %get3A_32 = arith.constant 0 : index
    %get3A_33 = arith.constant 0 : index
    %get3A_34 = arith.constant 2 : index
    %get3A_35 = vector.load %arg2[%get3A_32, %get3A_33, %get3A_34] : memref<2x1000x16xf32, #tpu.memory_space<vmem>>, vector<1x1000x1xf32>
    %get3A_36 = vector.shape_cast %get3A_35 : vector<1x1000x1xf32> to vector<1000x1xf32>
    %get3A_37 = arith.constant 1 : index
    %get3A_38 = arith.constant 0 : index
    %get3A_39 = arith.constant 2 : index
    %get3A_40 = vector.load %arg2[%get3A_37, %get3A_38, %get3A_39] : memref<2x1000x16xf32, #tpu.memory_space<vmem>>, vector<1x1000x1xf32>
    %get3A_41 = vector.shape_cast %get3A_40 : vector<1x1000x1xf32> to vector<1000x1xf32>
    %add3A_42 = arith.addf %get3A_36, %get3A_41 : vector<1000x1xf32>
    %max3A_43 = arith.constant 1.000000e+00 : f32
    %max3A_44 = vector.broadcast %max3A_43 : f32 to vector<1000x1xf32>
    %max3A_45 = arith.maximumf %add3A_42, %max3A_44 : vector<1000x1xf32>
    %rsqrt3A_46 = math.rsqrt %max3A_45 : vector<1000x1xf32>
    %mul3A_47 = vector.broadcast %rsqrt3A_46 : vector<1000x1xf32> to vector<1000x1000xf32>
    %mul3A_48 = arith.mulf %add3A_31, %mul3A_47 : vector<1000x1000xf32>
    %get3A_49 = arith.constant 0 : index
    %get3A_50 = arith.constant 0 : index
    %get3A_51 = vector.load %arg5[%get3A_49, %get3A_50] : memref<1000x128xf32, #tpu.memory_space<vmem>>, vector<1000x128xf32>
    %dot_general3A_52 = arith.constant dense<0.000000e+00> : vector<1000x128xf32>
    %dot_general3A_53 = tpu.matmul %mul3A_48, %get3A_51, %dot_general3A_52 {dimension_numbers = #tpu.dot_dimension_numbers<[1], [0], [0], [1], [0, 0, 1, 1], [], []>, transpose_lhs_hint = false} : vector<1000x1000xf32>, vector<1000x128xf32>, vector<1000x128xf32> -> vector<1000x128xf32>
    %iota3A = tpu.iota {dimensions = array<i32: 1>} : vector<1000x128xi32>
    %eq3A = arith.constant 64 : i32
    %eq3A_54 = vector.broadcast %eq3A : i32 to vector<1000x128xi32>
    %eq3A_55 = arith.cmpi eq, %iota3A, %eq3A_54 : vector<1000x128xi32>
    %convert_element_type3A = arith.extui %eq3A_55 : vector<1000x128xi1> to vector<1000x128xi32>
    %convert_element_type3A_56 = arith.sitofp %convert_element_type3A : vector<1000x128xi32> to vector<1000x128xf32>
    %add3A_57 = arith.addf %dot_general3A_53, %convert_element_type3A_56 : vector<1000x128xf32>
    %swap3A = arith.constant 0 : index
    %swap3A_58 = arith.constant 0 : index
    %swap3A_59 = vector.load %arg6[%swap3A, %swap3A_58] : memref<1000x128xf32, #tpu.memory_space<vmem>>, vector<1000x128xf32>
    tpu.vector_store %arg6[%swap3A, %swap3A_58], %add3A_57 {strides = array<i32>} : memref<1000x128xf32, #tpu.memory_space<vmem>>, vector<1000x128xf32>,
    return
  }
  func.func @transform_0(%arg0: i32) -> (i32, i32, i32) {
    %c0_i32 = arith.constant 0 : i32
    %c0_i32_0 = arith.constant 0 : i32
    %c0_i32_1 = arith.constant 0 : i32
    return %c0_i32, %arg0, %c0_i32_0 : i32, i32, i32
  }
  func.func @transform_1(%arg0: i32) -> (i32, i32, i32) {
    %c0_i32 = arith.constant 0 : i32
    %c0_i32_0 = arith.constant 0 : i32
    %c0_i32_1 = arith.constant 0 : i32
    return %c0_i32, %arg0, %c0_i32_0 : i32, i32, i32
  }
  func.func @transform_2(%arg0: i32) -> (i32, i32) {
    %c0_i32 = arith.constant 0 : i32
    %c0_i32_0 = arith.constant 0 : i32
    %c0_i32_1 = arith.constant 0 : i32
    return %c0_i32, %c0_i32_0 : i32, i32
  }
  func.func @transform_3(%arg0: i32) -> (i32, i32) {
    %c0_i32 = arith.constant 0 : i32
    %c0_i32_0 = arith.constant 0 : i32
    %c0_i32_1 = arith.constant 0 : i32
    return %c0_i32, %c0_i32_0 : i32, i32
  }
  func.func @transform_4(%arg0: i32) -> (i32, i32) {
    %c0_i32 = arith.constant 0 : i32
    %c0_i32_0 = arith.constant 0 : i32
    %c0_i32_1 = arith.constant 0 : i32
    return %c0_i32, %c0_i32_0 : i32, i32
  }
  func.func @transform_5(%arg0: i32) -> (i32, i32) {
    %c0_i32 = arith.constant 0 : i32
    %c0_i32_0 = arith.constant 0 : i32
    return %arg0, %c0_i32 : i32, i32
  }
}

module attributes {stable_mosaic.version = 14 : i64} {
  func.func @_final_body(%arg0: i32, %arg1: memref<2x2000x128xf32, #tpu.memory_space<vmem>>, %arg2: memref<1x64xf32, #tpu.memory_space<vmem>>, %arg3: memref<2000x64xf32, #tpu.memory_space<vmem>>) attributes {dimension_semantics = [#tpu.dimension_semantics<arbitrary>], iteration_bounds = array<i64: 5>, scalar_prefetch = 0 : i64, scratch_operands = 0 : i64, tpu.core_type = #tpu.core_type<tc>, window_params = [{transform_indices = @transform_0, window_bounds = array<i64: 2, 2000, 128>}, {pipeline_mode = #tpu.pipeline_mode<synchronous>, transform_indices = @transform_1, window_bounds = array<i64: 1, 64>}, {transform_indices = @transform_2, window_bounds = array<i64: 2000, 64>}]} {
    %get3A = arith.constant 0 : index
    %get3A_0 = arith.constant 0 : index
    %get3A_1 = arith.constant 64 : index
    %get3A_2 = vector.load %arg1[%get3A, %get3A_0, %get3A_1] : memref<2x2000x128xf32, #tpu.memory_space<vmem>>, vector<1x2000x1xf32>
    %get3A_3 = vector.shape_cast %get3A_2 : vector<1x2000x1xf32> to vector<2000x1xf32>
    %get3A_4 = arith.constant 1 : index
    %get3A_5 = arith.constant 0 : index
    %get3A_6 = arith.constant 64 : index
    %get3A_7 = vector.load %arg1[%get3A_4, %get3A_5, %get3A_6] : memref<2x2000x128xf32, #tpu.memory_space<vmem>>, vector<1x2000x1xf32>
    %get3A_8 = vector.shape_cast %get3A_7 : vector<1x2000x1xf32> to vector<2000x1xf32>
    %add3A = arith.addf %get3A_3, %get3A_8 : vector<2000x1xf32>
    %max3A = arith.constant 1.000000e+00 : f32
    %max3A_9 = vector.broadcast %max3A : f32 to vector<2000x1xf32>
    %max3A_10 = arith.maximumf %add3A, %max3A_9 : vector<2000x1xf32>
    %rsqrt3A = math.rsqrt %max3A_10 : vector<2000x1xf32>
    %get3A_11 = arith.constant 0 : index
    %get3A_12 = arith.constant 0 : index
    %get3A_13 = arith.constant 0 : index
    %get3A_14 = vector.load %arg1[%get3A_11, %get3A_12, %get3A_13] : memref<2x2000x128xf32, #tpu.memory_space<vmem>>, vector<1x2000x64xf32>
    %get3A_15 = vector.shape_cast %get3A_14 : vector<1x2000x64xf32> to vector<2000x64xf32>
    %get3A_16 = arith.constant 1 : index
    %get3A_17 = arith.constant 0 : index
    %get3A_18 = arith.constant 0 : index
    %get3A_19 = vector.load %arg1[%get3A_16, %get3A_17, %get3A_18] : memref<2x2000x128xf32, #tpu.memory_space<vmem>>, vector<1x2000x64xf32>
    %get3A_20 = vector.shape_cast %get3A_19 : vector<1x2000x64xf32> to vector<2000x64xf32>
    %add3A_21 = arith.addf %get3A_15, %get3A_20 : vector<2000x64xf32>
    %mul3A = vector.broadcast %rsqrt3A : vector<2000x1xf32> to vector<2000x64xf32>
    %mul3A_22 = arith.mulf %add3A_21, %mul3A : vector<2000x64xf32>
    %get3A_23 = arith.constant 0 : index
    %get3A_24 = arith.constant 0 : index
    %get3A_25 = vector.load %arg2[%get3A_23, %get3A_24] : memref<1x64xf32, #tpu.memory_space<vmem>>, vector<1x64xf32>
    %add3A_26 = vector.broadcast %get3A_25 : vector<1x64xf32> to vector<2000x64xf32>
    %add3A_27 = arith.addf %mul3A_22, %add3A_26 : vector<2000x64xf32>
    %logistic3A = arith.negf %add3A_27 : vector<2000x64xf32>
    %logistic3A_28 = math.exp %logistic3A : vector<2000x64xf32>
    %logistic3A_29 = arith.constant 1.000000e+00 : f32
    %logistic3A_30 = vector.broadcast %logistic3A_29 : f32 to vector<2000x64xf32>
    %logistic3A_31 = arith.addf %logistic3A_30, %logistic3A_28 : vector<2000x64xf32>
    %logistic3A_32 = arith.divf %logistic3A_30, %logistic3A_31 : vector<2000x64xf32>
    %swap3A = arith.constant 0 : index
    %swap3A_33 = arith.constant 0 : index
    %swap3A_34 = vector.load %arg3[%swap3A, %swap3A_33] : memref<2000x64xf32, #tpu.memory_space<vmem>>, vector<2000x64xf32>
    tpu.vector_store %arg3[%swap3A, %swap3A_33], %logistic3A_32 {strides = array<i32>} : memref<2000x64xf32, #tpu.memory_space<vmem>>, vector<2000x64xf32>,
    return
  }
  func.func @transform_0(%arg0: i32) -> (i32, i32, i32) {
    %c0_i32 = arith.constant 0 : i32
    %c0_i32_0 = arith.constant 0 : i32
    %c0_i32_1 = arith.constant 0 : i32
    return %c0_i32, %arg0, %c0_i32_0 : i32, i32, i32
  }
  func.func @transform_1(%arg0: i32) -> (i32, i32) {
    %c0_i32 = arith.constant 0 : i32
    %c0_i32_0 = arith.constant 0 : i32
    %c0_i32_1 = arith.constant 0 : i32
    return %c0_i32, %c0_i32_0 : i32, i32
  }
  func.func @transform_2(%arg0: i32) -> (i32, i32) {
    %c0_i32 = arith.constant 0 : i32
    %c0_i32_0 = arith.constant 0 : i32
    return %arg0, %c0_i32 : i32, i32
  }
}

</mosaic_0001>

<sc_bundles>
// kernel: kernel.11.cloned.1.call-start
scs
__scs_entry_jumppad:
0x0: {  	(pc) =	sbr.rel $0x88, $3  }
0x1: {  	(tag) =	ssettag $0x0;
	lr =	simm.s32 $0x1  }
0x2: {  	[smem:$0x3F9A] =	sst lr;
	_ =	strace $0xD0000000  }
0x3: {  	_ = 	snop  }
0x4: {  	_ = 	snop  }
0x5: {  	_ = 	snop  }
0x6: {  	_ = 	snop  }
0x7: {  	_ = 	snop  }
__scs_overlays_trampoline_lowered:
0x8: {  	[smem:$0x3FA9] =	sst s0  }
0x9: {  	[smem:$0x3FAA] =	sst s1  }
0xa: {  	[smem:$0x3FAB] =	sst s2  }
0xb: {  	[smem:$0x3FAC] =	sst s3  }
0xc: {  	[smem:$0x3FAD] =	sst s4  }
0xd: {  	[smem:$0x3FAE] =	sst s5  }
0xe: {  	[smem:$0x3FAF] =	sst s6  }
0xf: {  	[smem:$0x3FB0] =	sst s7  }
0x10: {  	[smem:$0x3FB1] =	sst s8  }
0x11: {  	[smem:$0x3FB2] =	sst s9;
	s0 =	simm.s32 @!p0 $0x0  }
0x12: {  	s1 =	sld [smem:$0x3F98];
	s0 =	simm.s32 @p0 $0x1  }
0x13: {  	[smem:$0x3FB3] =	sst s0;
	s0 =	simm.s32 @!p1 $0x0  }
0x14: {  	s2 =	sld [smem:$0x3F97];
	s0 =	simm.s32 @p1 $0x1  }
0x15: {  	[smem:$0x3FB4] =	sst s0;
	s0 =	simm.s32 @!p2 $0x0  }
0x16: {  	s3 =	sld [smem:$0x3FDB];
	s0 =	simm.s32 @p2 $0x1  }
0x17: {  	s4 =	simm.s32 $0x1BF5;
	[smem:$0x3FB6] =	sst s0  }
0x18: {  	s0 =	sld [smem:$0x3F99];
	_ =	swait.ge [sflag:s4], $0x0  }
0x19: {  	s7 =	sld [smem:$0x3F9A]  }
0x1a: {  	s8 =	sadd.s32 $0xFFFFE003, lr  }
0x1b: {  	s9 =	sadd.s32 $0xFFFFFEF7, lr;
	s5 =	simm.s32 $0xFFFFFFFF;
	p2 =	slt.u32 s8, $0xFFFFF086  }
0x1c: {  	p1 =	slt.u32 s9, $0xF7A;
	s5 =	simm.s32 @!p2 $0x0  }
0x1d: {  	s5 =	simm.s32 @p1 $0x1;
	p0 =	seq.s32 s7, s2  }
0x1e: {  	s7 =	smul.u32 @!p0 $0xF7A, s2;
	p2 =	seq.s32 @!p0 s5, $0x0  }
0x1f: {  	s9 =	smul.u32 $0xF7A, s1;
	s8 =	simm.s32 @!p0 $0x1BF5;
	p2 =	por !p2, p0  }
0x20: {  	[sflag:s8] =	ssyncset.s32 @!p0 $0xFFFFF086;
	s6 =	sadd.s32 @!p0 s3, s7;
	s7 =	simm.s32 @!p0 $0x108  }
0x21: {  	s3 =	sadd.s32 s3, s9;
	s6 =	sadd.s32 @!p0 $0x88, s6;
	s7 =	simm.s32 @p2 $0x1082  }
0x22: {  	[simem:s7], [sflag:s8] =	dma.local @!p0 [hbm:s6], $0xF7A  }
0x23: {  	s9 =	sor.u32 $0xD0000000, s2;
	s6 =	simm.s32 $0x108;
	_ =	swait.ge @!p0 [sflag:s8], $0x0  }
0x24: {  	s3 =	sadd.s32 $0x88, s3;
	s6 =	simm.s32 @!p1 $0x1082;
	[sflag:s4] =	ssyncset.s32 $0xFFFFF086  }
0x25: {  	[simem:s6], [sflag:s4] =	dma.local [hbm:s3], $0xF7A  }
0x26: {  	[smem:$0x3F9A] =	sst s1;
	(tag) =	ssettag s2;
	_ =	strace s9  }
0x27: {  	s1 =	sld [smem:$0x3FAA]  }
0x28: {  	s2 =	sld [smem:$0x3FAB]  }
0x29: {  	s4 =	sld [smem:$0x3FAD]  }
0x2a: {  	p0 =	seq.s32 s5, $0x0;
	s5 =	sld [smem:$0x3FAE]  }
0x2b: {  	s6 =	sld [smem:$0x3FAF]  }
0x2c: {  	s7 =	sld [smem:$0x3FB0]  }
0x2d: {  	s3 =	simm.s32 $0x108;
	s8 =	sld [smem:$0x3FB1]  }
0x2e: {  	s3 =	simm.s32 @!p0 $0x1082;
	s9 =	sld [smem:$0x3FB2]  }
0x2f: {  	lr =	sadd.s32 s0, s3;
	s0 =	sld [smem:$0x3FA9]  }
0x30: {  	s3 =	sld [smem:$0x3FAC]  }
0x31: {  	[smem:$0x3FB5] =	sst s10  }
0x32: {  	s10 =	sld [smem:$0x3FB3];
	_ =	sdelay $0x3  }
0x33: {  	p0 =	seq.s32 s10, $0x1;
	s10 =	sld [smem:$0x3FB5];
	_ =	sdelay $0x3  }
0x34: {  	[smem:$0x3FB5] =	sst s10  }
0x35: {  	s10 =	sld [smem:$0x3FB4];
	_ =	sdelay $0x3  }
0x36: {  	p1 =	seq.s32 s10, $0x1;
	s10 =	sld [smem:$0x3FB5];
	_ =	sdelay $0x3  }
0x37: {  	[smem:$0x3FB5] =	sst s10  }
0x38: {  	s10 =	sld [smem:$0x3FB6]  }
0x39: {  	_ = 	snop;
	(pc) =	sbr.ind lr, $3  }
0x3a: {  	_ = 	snop  }
0x3b: {  	_ = 	snop  }
0x3c: {  	p2 =	seq.s32 s10, $0x1;
	s10 =	sld [smem:$0x3FB5]  }
0x3d: {  	_ =	shalt  }
0x3e: {  	_ =	shalt  }
0x3f: {  	_ =	shalt  }
0x40: {  	_ =	shalt  }
0x41: {  	_ =	shalt  }
0x42: {  	_ =	shalt  }
0x43: {  	_ =	shalt  }
0x44: {  	_ =	shalt  }
0x45: {  	_ =	shalt  }
0x46: {  	_ =	shalt  }
0x47: {  	_ =	shalt  }
0x48: {  	_ =	shalt  }
0x49: {  	_ =	shalt  }
0x4a: {  	_ =	shalt  }
0x4b: {  	_ =	shalt  }
0x4c: {  	_ =	shalt  }
0x4d: {  	_ =	shalt  }
0x4e: {  	_ =	shalt  }
0x4f: {  	_ =	shalt  }
0x50: {  	_ =	shalt  }
0x51: {  	_ =	shalt  }
0x52: {  	_ =	shalt  }
0x53: {  	_ =	shalt  }
0x54: {  	_ =	shalt  }
0x55: {  	_ =	shalt  }
0x56: {  	_ =	shalt  }
0x57: {  	_ =	shalt  }
0x58: {  	_ =	shalt  }
0x59: {  	_ =	shalt  }
0x5a: {  	_ =	shalt  }
0x5b: {  	_ =	shalt  }
0x5c: {  	_ =	shalt  }
0x5d: {  	_ =	shalt  }
0x5e: {  	_ =	shalt  }
0x5f: {  	_ =	shalt  }
0x60: {  	_ =	shalt  }
0x61: {  	_ =	shalt  }
0x62: {  	_ =	shalt  }
0x63: {  	_ =	shalt  }
0x64: {  	_ =	shalt  }
0x65: {  	_ =	shalt  }
0x66: {  	_ =	shalt  }
0x67: {  	_ =	shalt  }
0x68: {  	_ =	shalt  }
0x69: {  	_ =	shalt  }
0x6a: {  	_ =	shalt  }
0x6b: {  	_ =	shalt  }
0x6c: {  	_ =	shalt  }
0x6d: {  	_ =	shalt  }
0x6e: {  	_ =	shalt  }
0x6f: {  	_ =	shalt  }
0x70: {  	_ =	shalt  }
0x71: {  	_ =	shalt  }
0x72: {  	_ =	shalt  }
0x73: {  	_ =	shalt  }
0x74: {  	_ =	shalt  }
0x75: {  	_ =	shalt  }
0x76: {  	_ =	shalt  }
0x77: {  	_ =	shalt  }
0x78: {  	_ =	shalt  }
0x79: {  	_ =	shalt  }
0x7a: {  	_ =	shalt  }
0x7b: {  	_ =	shalt  }
0x7c: {  	_ =	shalt  }
0x7d: {  	_ =	shalt  }
0x7e: {  	_ =	shalt  }
0x7f: {  	_ =	shalt  }
0x80: {  	_ =	shalt  }
0x81: {  	_ =	shalt  }
0x82: {  	_ =	shalt  }
0x83: {  	_ =	shalt  }
0x84: {  	_ =	shalt  }
0x85: {  	_ =	shalt  }
0x86: {  	_ =	shalt  }
0x87: {  	_ =	shalt  }
.Lfunc_end0:
.L_simem_size_0:
called_computation.1_lowered:
.L_overlay_start_0:
0x88: {  	s2 =	sld [smem:$0x3FD9]  }
0x89: {  	s3 =	sld [smem:$0x3FFE];
	_ =	sdelay $0x1  }
0x8a: {  	s1 =	srdreg.scid  }
0x8b: {  	s0 =	sand.u32 $0x1, s1  }
0x8c: {  	s17 =	sshll.u32 s0, $0xA;
	s2 =	sadd.s32 s3, s2  }
0x8d: {  	s2 =	sadd.s32 s2, s17  }
0x8e: {  	[smem:$0x3FC1] =	sst s2  }
0x8f: {  	_ = 	snop  }
0x90: {  	s2 =	sld [smem:$0x3FD0];
	(tm) =	ssettm $0x1  }
0x91: {  	s18 =	sld [smem:$0x3FFB];
	_ =	sdelay $0x3  }
0x92: {  	_ =	strace s18  }
0x93: {  	s3 =	sld [smem:$0x3FFC];
	_ =	sdelay $0x3  }
0x94: {  	_ =	strace s3  }
0x95: {  	s3 =	sld [smem:$0x3FFD];
	_ =	sdelay $0x3  }
0x96: {  	_ =	strace s3  }
0x97: {  	_ =	strace $0x8FFFFFFF  }
0x98: {  	s19 =	sld [smem:$0x3FDB];
	_ =	sdelay $0x1  }
0x99: {  	s4 =	simm.s32 $_scs_section_size  }
0x9a: {  	s5 =	simm.s32 $_size__tile_overlayer_lowered;
	s6 =	simm.s32 $_tile_overlayer_lowered  }
0x9b: {  	s22 =	simm.s32 $0x1BFF;
	s21 =	sshll.u32 s6, $0x1;
	s3 =	sadd.s32 s4, s19  }
0x9c: {  	s7 =	simm.s32 $0x0;
	s20 =	sshll.u32 s5, $0x1;
	s5 =	sadd.s32 s21, s3  }
0x9d: {  	[timem:s7], [sflag:s22] =	dma.local [hbm:s5], s20  }
0x9e: {  	_ =	swait.ge [sflag:s22], s20  }
0x9f: {  	s4 =	ssub.s32 $0x0, s20;
	[sflag:s22] =	ssyncset.done $0x0  }
0xa0: {  	[sflag:s22] =	ssyncadd.s32 s4;
	_ =	sdelay $0x1  }
0xa1: {  	s23 =	simm.s32 $0x1B8B  }
0xa2: {  	_ =	swait.ge [sflag:s23], $0x1  }
0xa3: {  	[sflag:s23] =	ssyncset.done $0x0  }
0xa4: {  	s25 =	simm.s32 $0x1B8E;
	s24 =	sld [smem:$0x3FFE];
	[sflag:s23] =	ssyncadd.s32 $0xFFFFFFFF  }
0xa5: {  	s26 =	simm.s32 $execute0_lowered;
	[smem:$0x3FD2] =	sst s25  }
0xa6: {  	s5 =	sshll.u32 s26, $0x1;
	_ =	strace $0x80000049;
	[dreg:$0x1] =	wrdreg $0xFFFFFFFF  }
0xa7: {  	s28 =	simm.s32 $_size_execute0_lowered;
	s3 =	sadd.s32 s3, s5;
	[dreg:$0x0] =	wrdreg $0x0  }
0xa8: {  	s5 =	sshll.u32 s28, $0x1;
	[dreg:$0x2] =	wrdreg s3  }
0xa9: {  	[dreg:$0x3] =	wrdreg s5  }
0xaa: {  	[dreg:$0x4] =	wrdreg $0xC0  }
0xab: {  	_ =	task [dreg:s7], $0x5FFFF  }
0xac: {  	[dreg:$0x1] =	wrdreg $0xFFFFFFFF  }
0xad: {  	[dreg:$0x0] =	wrdreg $0x60  }
0xae: {  	[dreg:$0x2] =	wrdreg s24  }
0xaf: {  	[dreg:$0x3] =	wrdreg s2  }
0xb0: {  	[dreg:$0x4] =	wrdreg $0x90000  }
0xb1: {  	[dreg:$0x5] =	wrdreg $0x9  }
0xb2: {  	_ =	task.clear_ibuf [dreg:s7], $0x6FFFF;
	_ =	strace $0x90000049  }
0xb3: {  	s29 =	simm.s32 $0x9;
	_ =	strace $0x8000004B  }
0xb4: {  	_ =	swait.ge [sflag:s29], $0x1  }
0xb5: {  	[sflag:s29] =	ssyncadd.s32 $0xFFFFFFFF  }
0xb6: {  	_ =	strace $0x9000004B  }
0xb7: {  	_ =	sfence  }
0xb8: {  	s30 =	sld [smem:$0x0];
	_ =	sdelay $0x2  }
0xb9: {  	s31 =	sshll.u32 s1, $0xD;
	s1 =	sshrl.u32 s1, $0x2  }
0xba: {  	s3 =	sand.u32 $0x4000, s31;
	s1 =	sadd.s32 s1, s30  }
0xbb: {  	s0 =	sor.u32 s3, s0;
	s1 =	sshll.u32 s1, $0x11  }
0xbc: {  	s0 =	sor.u32 s1, s0  }
0xbd: {  	s0 =	sadd.s32 $0x8F2B, s0  }
0xbe: {  	[sflag:s0] =	ssyncadd.remote.s32 $0x1  }
0xbf: {  	_ =	sfence.sel $0xFFFF  }
0xc0: {  	[dreg:$0x0] =	wrdreg $0xFFFFFFFF;
	(pc) =	sbr.abs _section_cstart, $3  }
0xc1: {  	[dreg:$0x1] =	wrdreg $0xFFFFFFFF  }
0xc2: {  	_ =	task.clear_ibuf [dreg:s7], $0x2FFFF;
	_ =	strace $0x9FFFFFFF  }
0xc3: {  	(tm) =	ssettm $0x7FFFFFFF  }
tec
execute0_lowered:
.L_overlay_start_1:
0x0: {  	(tag) =	ssettag $0x1  }
0x1: {  	s0 =	rddreg [dreg:$0x0]  }
0x2: {  	s1 =	rddreg [dreg:$0x1]  }
0x3: {  	s3 =	srdreg.scid;
	s12 =	stileid.u32  }
0x4: {  	s2 =	rddreg [dreg:$0x2];
	s7 =	smul.u32 $0x14000, s12  }
0x5: {  	s6 =	sand.u32 $0x1, s3;
	s3 =	simm.s32 $0x0;
	s8 =	smul.u32 $0x50000, s12  }
0x6: {  	s4 =	sadd.s32 $0x1600, s0;
	s9 =	sadd.s32 $0x8E600, s0;
	s26 =	sshll.u32 s12, $0xB  }
0x7: {  	s5 =	smul.u32 $0x140000, s6;
	[smem:$0x7FF] =	sst s3;
	s18 =	ssub.s32 $0x2, s6  }
0x8: {  	s6 =	sshll.u32 s6, $0xF;
	_ =	strace $0x8000004A;
	s8 =	sshrl.u32 s8, $0x2  }
0x9: {  	s11 =	sshrl.u32 s18, $0x1;
	s6 =	sor.u32 s26, s6;
	s5 =	sadd.s32 s7, s5  }
0xa: {  	s7 =	ssub.s32 s18, s11;
	s10 =	sshrl.u32 s5, $0x3;
	s5 =	sadd.s32 s8, s2  }
0xb: {  	s0 =	sadd.s32 s10, s0;
	s8 =	sadd.s32 $0x1000, s5;
	s19 =	sadd.s32 $0x2000, s5  }
0xc: {  	s20 =	sadd.s32 $0x3000, s5;
	s21 =	sadd.s32 $0x4000, s5;
	s22 =	sadd.s32 $0x5000, s5  }
0xd: {  	s23 =	sadd.s32 $0x6000, s5;
	s24 =	sadd.s32 $0x7000, s5;
	[dreg:$0x4] =	wrdreg s8  }
0xe: {  	s25 =	sadd.s32 $0x8000, s5;
	s14 =	sadd.s32 $0x9000, s5;
	[dreg:$0x5] =	wrdreg s19  }
0xf: {  	s15 =	sadd.s32 $0xA000, s5;
	s16 =	sadd.s32 $0xB000, s5;
	[dreg:$0x6] =	wrdreg s20  }
0x10: {  	s17 =	sadd.s32 $0xC000, s5;
	s18 =	sadd.s32 $0xD000, s5;
	[dreg:$0x7] =	wrdreg s21  }
0x11: {  	s26 =	sadd.s32 $0xF000, s5;
	s28 =	sadd.s32 $0x10000, s5;
	[dreg:$0x8] =	wrdreg s22  }
0x12: {  	s29 =	sadd.s32 $0x11000, s5;
	s30 =	sadd.s32 $0x12000, s5;
	[dreg:$0x9] =	wrdreg s23  }
0x13: {  	s31 =	sadd.s32 $0x13000, s5;
	s10 =	simm.s32 $0x2;
	[dreg:$0xa] =	wrdreg s24  }
0x14: {  	[dreg:$0xb] =	wrdreg s25;
	s19 =	sadd.s32 s1, s6;
	s20 =	sadd.s32 s9, s6  }
0x15: {  	s6 =	sor.u32 $0x400, s6;
	s23 =	sadd.s32 $0xE000, s5;
	s24 =	sadd.s32 $0x9E600, s0  }
0x16: {  	s25 =	smax.u32 s7, $0x1;
	s0 =	simm.s32 $0x4000;
	s7 =	simm.s32 $0x50  }
0x17: {  	s8 =	simm.s32 $0x1;
	s21 =	sadd.s32 s1, s6;
	s22 =	sadd.s32 s9, s6  }
0x18: {  	v0 =	vimm.f32 $0.0e+00;
	s1 =	simm.s32 $0x3;
	s6 =	simm.s32 $0x2000;
	s9 =	simm.s32 $0x6800  }
.LBB2_1:
0x19: {  	s11 =	simm.s32 $0x0;
	s12 =	simm.s32 $0x200  }
.LBB2_2:
0x1a: {  	p0 =	sne.s32 s12, $0x3E00;
	[tilespmem:s11+$0x4070] =	vst v0  }
0x1b: {  	[tilespmem:s11+$0x4000] =	vst v0  }
0x1c: {  	[tilespmem:s11+$0x4010] =	vst v0  }
.Ltmp0:
0x1d: {  	[tilespmem:s11+$0x4020] =	vst v0;
	(pc) =	sbr.rel @p0 .LBB2_2-.Ltmp0, $4  }
0x1e: {  	[tilespmem:s11+$0x4030] =	vst v0  }
0x1f: {  	[tilespmem:s11+$0x4040] =	vst v0  }
0x20: {  	[tilespmem:s11+$0x4050] =	vst v0  }
0x21: {  	[tilespmem:s11+$0x4060] =	vst v0;
	s11 =	sshra.s32 s12, $0x2;
	s12 =	sadd.s32 $0x200, s12  }
0x22: {  	[tilespmem:s11+$0x4070] =	vst v0  }
0x23: {  	[tilespmem:s11+$0x4000] =	vst v0  }
0x24: {  	[tilespmem:s11+$0x4010] =	vst v0  }
0x25: {  	[tilespmem:s11+$0x4020] =	vst v0  }
0x26: {  	[tilespmem:s11+$0x4030] =	vst v0  }
0x27: {  	[tilespmem:s11+$0x4040] =	vst v0  }
0x28: {  	[tilespmem:s11+$0x4050] =	vst v0  }
0x29: {  	[tilespmem:s11+$0x4060] =	vst v0  }
0x2a: {  	[spmem:s5] =	stream.linear.scatter [tilespmem:s0], [sflag:$0x3], $0x1000, $0x38;
	[tilespmem:$0x1D000] =	vst v63  }
0x2b: {  	_ =	swait.ge [sflag:s1], $0x1000  }
0x2c: {  	[sflag:s1] =	ssyncset.done $0x0  }
0x2d: {  	s13 =	rddreg [dreg:$0x4];
	[sflag:s1] =	ssyncadd.s32 $0xFFFFF000  }
0x2e: {  	[spmem:s13] =	stream.linear.scatter [tilespmem:s0], [sflag:$0x3], $0x1000, $0x38;
	[tilespmem:$0x1D000] =	vst v63  }
0x2f: {  	_ =	swait.ge [sflag:s1], $0x1000  }
0x30: {  	[sflag:s1] =	ssyncset.done $0x0  }
0x31: {  	s12 =	rddreg [dreg:$0x5];
	[sflag:s1] =	ssyncadd.s32 $0xFFFFF000  }
0x32: {  	[spmem:s12] =	stream.linear.scatter [tilespmem:s0], [sflag:$0x3], $0x1000, $0x38;
	[tilespmem:$0x1D000] =	vst v63  }
0x33: {  	_ =	swait.ge [sflag:s1], $0x1000  }
0x34: {  	[sflag:s1] =	ssyncset.done $0x0  }
0x35: {  	s13 =	rddreg [dreg:$0x6];
	[sflag:s1] =	ssyncadd.s32 $0xFFFFF000  }
0x36: {  	[spmem:s13] =	stream.linear.scatter [tilespmem:s0], [sflag:$0x3], $0x1000, $0x38;
	[tilespmem:$0x1D000] =	vst v63  }
0x37: {  	_ =	swait.ge [sflag:s1], $0x1000  }
0x38: {  	[sflag:s1] =	ssyncset.done $0x0  }
0x39: {  	s12 =	rddreg [dreg:$0x7];
	[sflag:s1] =	ssyncadd.s32 $0xFFFFF000  }
0x3a: {  	[spmem:s12] =	stream.linear.scatter [tilespmem:s0], [sflag:$0x3], $0x1000, $0x38;
	[tilespmem:$0x1D000] =	vst v63  }
0x3b: {  	_ =	swait.ge [sflag:s1], $0x1000  }
0x3c: {  	[sflag:s1] =	ssyncset.done $0x0  }
0x3d: {  	s13 =	rddreg [dreg:$0x8];
	[sflag:s1] =	ssyncadd.s32 $0xFFFFF000  }
0x3e: {  	[spmem:s13] =	stream.linear.scatter [tilespmem:s0], [sflag:$0x3], $0x1000, $0x38;
	[tilespmem:$0x1D000] =	vst v63  }
0x3f: {  	_ =	swait.ge [sflag:s1], $0x1000  }
0x40: {  	[sflag:s1] =	ssyncset.done $0x0  }
0x41: {  	s12 =	rddreg [dreg:$0x9];
	[sflag:s1] =	ssyncadd.s32 $0xFFFFF000  }
0x42: {  	[spmem:s12] =	stream.linear.scatter [tilespmem:s0], [sflag:$0x3], $0x1000, $0x38;
	[tilespmem:$0x1D000] =	vst v63  }
0x43: {  	_ =	swait.ge [sflag:s1], $0x1000  }
0x44: {  	[sflag:s1] =	ssyncset.done $0x0  }
0x45: {  	s13 =	rddreg [dreg:$0xa];
	[sflag:s1] =	ssyncadd.s32 $0xFFFFF000  }
0x46: {  	[spmem:s13] =	stream.linear.scatter [tilespmem:s0], [sflag:$0x3], $0x1000, $0x38;
	[tilespmem:$0x1D000] =	vst v63  }
0x47: {  	_ =	swait.ge [sflag:s1], $0x1000  }
0x48: {  	[sflag:s1] =	ssyncset.done $0x0  }
0x49: {  	s12 =	rddreg [dreg:$0xb];
	[sflag:s1] =	ssyncadd.s32 $0xFFFFF000  }
0x4a: {  	[spmem:s12] =	stream.linear.scatter [tilespmem:s0], [sflag:$0x3], $0x1000, $0x38;
	[tilespmem:$0x1D000] =	vst v63  }
0x4b: {  	_ =	swait.ge [sflag:s1], $0x1000  }
0x4c: {  	[sflag:s1] =	ssyncset.done $0x0  }
0x4d: {  	[sflag:s1] =	ssyncadd.s32 $0xFFFFF000  }
0x4e: {  	[spmem:s14] =	stream.linear.scatter [tilespmem:s0], [sflag:$0x3], $0x1000, $0x38;
	[tilespmem:$0x1D000] =	vst v63  }
0x4f: {  	_ =	swait.ge [sflag:s1], $0x1000  }
0x50: {  	[sflag:s1] =	ssyncset.done $0x0  }
0x51: {  	[sflag:s1] =	ssyncadd.s32 $0xFFFFF000  }
0x52: {  	[spmem:s15] =	stream.linear.scatter [tilespmem:s0], [sflag:$0x3], $0x1000, $0x38;
	[tilespmem:$0x1D000] =	vst v63  }
0x53: {  	_ =	swait.ge [sflag:s1], $0x1000  }
0x54: {  	[sflag:s1] =	ssyncset.done $0x0  }
0x55: {  	[sflag:s1] =	ssyncadd.s32 $0xFFFFF000  }
0x56: {  	[spmem:s16] =	stream.linear.scatter [tilespmem:s0], [sflag:$0x3], $0x1000, $0x38;
	[tilespmem:$0x1D000] =	vst v63  }
0x57: {  	_ =	swait.ge [sflag:s1], $0x1000  }
0x58: {  	[sflag:s1] =	ssyncset.done $0x0  }
0x59: {  	[sflag:s1] =	ssyncadd.s32 $0xFFFFF000  }
0x5a: {  	[spmem:s17] =	stream.linear.scatter [tilespmem:s0], [sflag:$0x3], $0x1000, $0x38;
	[tilespmem:$0x1D000] =	vst v63  }
0x5b: {  	_ =	swait.ge [sflag:s1], $0x1000  }
0x5c: {  	[sflag:s1] =	ssyncset.done $0x0  }
0x5d: {  	[sflag:s1] =	ssyncadd.s32 $0xFFFFF000  }
0x5e: {  	[spmem:s18] =	stream.linear.scatter [tilespmem:s0], [sflag:$0x3], $0x1000, $0x38;
	[tilespmem:$0x1D000] =	vst v63  }
0x5f: {  	_ =	swait.ge [sflag:s1], $0x1000  }
0x60: {  	[sflag:s1] =	ssyncset.done $0x0  }
0x61: {  	[sflag:s1] =	ssyncadd.s32 $0xFFFFF000  }
0x62: {  	[spmem:s23] =	stream.linear.scatter [tilespmem:s0], [sflag:$0x3], $0x1000, $0x38;
	[tilespmem:$0x1D000] =	vst v63  }
0x63: {  	_ =	swait.ge [sflag:s1], $0x1000  }
0x64: {  	[sflag:s1] =	ssyncset.done $0x0  }
0x65: {  	[sflag:s1] =	ssyncadd.s32 $0xFFFFF000  }
0x66: {  	[spmem:s26] =	stream.linear.scatter [tilespmem:s0], [sflag:$0x3], $0x1000, $0x38;
	[tilespmem:$0x1D000] =	vst v63  }
0x67: {  	_ =	swait.ge [sflag:s1], $0x1000  }
0x68: {  	[sflag:s1] =	ssyncset.done $0x0  }
0x69: {  	[sflag:s1] =	ssyncadd.s32 $0xFFFFF000  }
0x6a: {  	[spmem:s28] =	stream.linear.scatter [tilespmem:s0], [sflag:$0x3], $0x1000, $0x38;
	[tilespmem:$0x1D000] =	vst v63  }
0x6b: {  	_ =	swait.ge [sflag:s1], $0x1000  }
0x6c: {  	[sflag:s1] =	ssyncset.done $0x0  }
0x6d: {  	[sflag:s1] =	ssyncadd.s32 $0xFFFFF000  }
0x6e: {  	[spmem:s29] =	stream.linear.scatter [tilespmem:s0], [sflag:$0x3], $0x1000, $0x38;
	[tilespmem:$0x1D000] =	vst v63  }
0x6f: {  	_ =	swait.ge [sflag:s1], $0x1000  }
0x70: {  	[sflag:s1] =	ssyncset.done $0x0  }
0x71: {  	[sflag:s1] =	ssyncadd.s32 $0xFFFFF000  }
0x72: {  	[spmem:s30] =	stream.linear.scatter [tilespmem:s0], [sflag:$0x3], $0x1000, $0x38;
	[tilespmem:$0x1D000] =	vst v63  }
0x73: {  	_ =	swait.ge [sflag:s1], $0x1000  }
0x74: {  	[sflag:s1] =	ssyncset.done $0x0  }
0x75: {  	[sflag:s1] =	ssyncadd.s32 $0xFFFFF000  }
0x76: {  	[spmem:s31] =	stream.linear.scatter [tilespmem:s0], [sflag:$0x3], $0x1000, $0x38;
	[tilespmem:$0x1D000] =	vst v63  }
0x77: {  	_ =	swait.ge [sflag:s1], $0x1000  }
0x78: {  	[sflag:s1] =	ssyncset.done $0x0  }
0x79: {  	[sflag:s1] =	ssyncadd.s32 $0xFFFFF000  }
0x7a: {  	s13 =	simm.s32 $0x0;
	[bflag:$0x0] =	sbarrier.arrive $0xFFFF  }
0x7b: {  	[tilespmem:s13], [sflag:$0x3] =	stream.linear.gather [hbm4b:s19+s13], $0x2000, $0x38;
	[tilespmem:$0x1D000] =	vst v63  }
0x7c: {  	_ =	swait.ge [sflag:s1], $0x2000  }
0x7d: {  	[sflag:s1] =	ssyncset.done $0x0  }
0x7e: {  	[sflag:s1] =	ssyncadd.s32 $0xFFFFE000  }
0x7f: {  	[tilespmem:s6], [sflag:$0x3] =	stream.linear.gather [hbm4b:s20+s13], $0x2000, $0x38;
	[tilespmem:$0x1D000] =	vst v63  }
0x80: {  	_ =	swait.ge [sflag:s1], $0x2000  }
0x81: {  	[sflag:s1] =	ssyncset.done $0x0  }
0x82: {  	[sflag:s1] =	ssyncadd.s32 $0xFFFFE000  }
0x83: {  	[tilespmem:s0], [sflag:$0x1] =	stream.indirect.gather [hbm4b:s4+s7], $0x80, s13, s7, $0xb8;
	[tilespmem:$0x1D000] =	vst v63  }
0x84: {  	_ =	swait.ge [sflag:s8], $0x2800  }
0x85: {  	[sflag:s8] =	ssyncset.done $0x0  }
0x86: {  	s12 =	simm.s32 $0x80;
	[sflag:s8] =	ssyncadd.s32 $0xFFFFD800  }
0x87: {  	[tilespmem:s9], [sflag:$0x2] =	stream.indirect.gather [hbm4b:s4+s7], $0x80, s12, s7, $0xb8;
	[tilespmem:$0x1D000] =	vst v63  }
0x88: {  	s13 =	simm.s32 $0x2000  }
0x89: {  	[spmem:s2] =	stream.indirect.scatter.add.f32 [tilespmem:s0], [sflag:$0x3], $0x80, s13, s7, $0xb8;
	[tilespmem:$0x1D000] =	vst v63  }
0x8a: {  	_ =	swait.ge [sflag:s1], $0x2800  }
0x8b: {  	[sflag:s1] =	ssyncset.done $0x0  }
0x8c: {  	[sflag:s1] =	ssyncadd.s32 $0xFFFFD800  }
0x8d: {  	_ =	swait.ge [sflag:s10], $0x2800  }
0x8e: {  	[sflag:s10] =	ssyncset.done $0x0  }
0x8f: {  	s12 =	simm.s32 $0x100;
	[sflag:s10] =	ssyncadd.s32 $0xFFFFD800  }
0x90: {  	[tilespmem:s0], [sflag:$0x1] =	stream.indirect.gather [hbm4b:s4+s7], $0x80, s12, s7, $0xb8;
	[tilespmem:$0x1D000] =	vst v63  }
0x91: {  	s13 =	simm.s32 $0x2080  }
0x92: {  	[spmem:s2] =	stream.indirect.scatter.add.f32 [tilespmem:s9], [sflag:$0x3], $0x80, s13, s7, $0xb8;
	[tilespmem:$0x1D000] =	vst v63  }
0x93: {  	_ =	swait.ge [sflag:s1], $0x2800  }
0x94: {  	s11 =	simm.s32 $0x400;
	[sflag:s1] =	ssyncset.done $0x0  }
.LBB2_4:
0x95: {  	p0 =	sne.s32 s11, $0x7800  }
0x96: {  	[sflag:s1] =	ssyncadd.s32 $0xFFFFD800;
	s12 =	smov.u32 s11;
	s11 =	sadd.s32 $0x400, s11  }
0x97: {  	_ = 	snop  }
0x98: {  	_ =	swait.ge [sflag:s8], $0x2800  }
0x99: {  	s12 =	sshra.s32 s12, $0x2;
	[sflag:s8] =	ssyncset.done $0x0  }
0x9a: {  	s13 =	sadd.s32 $0x80, s12;
	[sflag:s8] =	ssyncadd.s32 $0xFFFFD800  }
0x9b: {  	[tilespmem:s9], [sflag:$0x2] =	stream.indirect.gather [hbm4b:s4+s7], $0x80, s13, s7, $0xb8;
	[tilespmem:$0x1D000] =	vst v63  }
0x9c: {  	s13 =	sadd.s32 $0x2000, s12  }
0x9d: {  	[spmem:s2] =	stream.indirect.scatter.add.f32 [tilespmem:s0], [sflag:$0x3], $0x80, s13, s7, $0xb8;
	[tilespmem:$0x1D000] =	vst v63  }
0x9e: {  	_ =	swait.ge [sflag:s1], $0x2800  }
0x9f: {  	[sflag:s1] =	ssyncset.done $0x0  }
0xa0: {  	[sflag:s1] =	ssyncadd.s32 $0xFFFFD800  }
0xa1: {  	_ =	swait.ge [sflag:s10], $0x2800  }
0xa2: {  	[sflag:s10] =	ssyncset.done $0x0  }
0xa3: {  	s13 =	sadd.s32 $0x100, s12;
	[sflag:s10] =	ssyncadd.s32 $0xFFFFD800  }
0xa4: {  	[tilespmem:s0], [sflag:$0x1] =	stream.indirect.gather [hbm4b:s4+s7], $0x80, s13, s7, $0xb8;
	[tilespmem:$0x1D000] =	vst v63  }
.Ltmp1:
0xa5: {  	_ = 	snop;
	(pc) =	sbr.rel @p0 .LBB2_4-.Ltmp1, $4  }
0xa6: {  	s12 =	sadd.s32 $0x2080, s12  }
0xa7: {  	[spmem:s2] =	stream.indirect.scatter.add.f32 [tilespmem:s9], [sflag:$0x3], $0x80, s12, s7, $0xb8;
	[tilespmem:$0x1D000] =	vst v63  }
0xa8: {  	_ =	swait.ge [sflag:s1], $0x2800  }
0xa9: {  	[sflag:s1] =	ssyncset.done $0x0  }
0xaa: {  	[sflag:s1] =	ssyncadd.s32 $0xFFFFD800  }
0xab: {  	_ =	swait.ge [sflag:s8], $0x2800  }
0xac: {  	[sflag:s8] =	ssyncset.done $0x0  }
0xad: {  	s11 =	simm.s32 $0x1F80;
	[sflag:s8] =	ssyncadd.s32 $0xFFFFD800  }
0xae: {  	[tilespmem:s9], [sflag:$0x2] =	stream.indirect.gather [hbm4b:s4+s7], $0x80, s11, s7, $0xb8;
	[tilespmem:$0x1D000] =	vst v63  }
0xaf: {  	s13 =	simm.s32 $0x3F00  }
0xb0: {  	[spmem:s2] =	stream.indirect.scatter.add.f32 [tilespmem:s0], [sflag:$0x3], $0x80, s13, s7, $0xb8;
	[tilespmem:$0x1D000] =	vst v63  }
0xb1: {  	_ =	swait.ge [sflag:s1], $0x2800  }
0xb2: {  	[sflag:s1] =	ssyncset.done $0x0  }
0xb3: {  	[sflag:s1] =	ssyncadd.s32 $0xFFFFD800  }
0xb4: {  	_ =	swait.ge [sflag:s10], $0x2800  }
0xb5: {  	[sflag:s10] =	ssyncset.done $0x0  }
0xb6: {  	s12 =	simm.s32 $0x3F80;
	[sflag:s10] =	ssyncadd.s32 $0xFFFFD800  }
0xb7: {  	[spmem:s2] =	stream.indirect.scatter.add.f32 [tilespmem:s9], [sflag:$0x3], $0x80, s12, s7, $0xb8;
	[tilespmem:$0x1D000] =	vst v63  }
0xb8: {  	_ =	swait.ge [sflag:s1], $0x2800  }
0xb9: {  	[sflag:s1] =	ssyncset.done $0x0  }
0xba: {  	s13 =	simm.s32 $0x0;
	[sflag:s1] =	ssyncadd.s32 $0xFFFFD800  }
0xbb: {  	[tilespmem:s13], [sflag:$0x3] =	stream.linear.gather [hbm4b:s21+s13], $0x1E80, $0x38;
	[tilespmem:$0x1D000] =	vst v63  }
0xbc: {  	_ =	swait.ge [sflag:s1], $0x1E80  }
0xbd: {  	[sflag:s1] =	ssyncset.done $0x0  }
0xbe: {  	[sflag:s1] =	ssyncadd.s32 $0xFFFFE180  }
0xbf: {  	[tilespmem:s6], [sflag:$0x3] =	stream.linear.gather [hbm4b:s22+s13], $0x1E80, $0x38;
	[tilespmem:$0x1D000] =	vst v63  }
0xc0: {  	_ =	swait.ge [sflag:s1], $0x1E80  }
0xc1: {  	[sflag:s1] =	ssyncset.done $0x0  }
0xc2: {  	[sflag:s1] =	ssyncadd.s32 $0xFFFFE180  }
0xc3: {  	[tilespmem:s0], [sflag:$0x1] =	stream.indirect.gather [hbm4b:s4+s7], $0x80, s13, s7, $0xb8;
	[tilespmem:$0x1D000] =	vst v63  }
0xc4: {  	_ =	swait.ge [sflag:s8], $0x2800  }
0xc5: {  	[sflag:s8] =	ssyncset.done $0x0  }
0xc6: {  	s12 =	simm.s32 $0x80;
	[sflag:s8] =	ssyncadd.s32 $0xFFFFD800  }
0xc7: {  	[tilespmem:s9], [sflag:$0x2] =	stream.indirect.gather [hbm4b:s4+s7], $0x80, s12, s7, $0xb8;
	[tilespmem:$0x1D000] =	vst v63  }
0xc8: {  	s13 =	simm.s32 $0x2000  }
0xc9: {  	[spmem:s2] =	stream.indirect.scatter.add.f32 [tilespmem:s0], [sflag:$0x3], $0x80, s13, s7, $0xb8;
	[tilespmem:$0x1D000] =	vst v63  }
0xca: {  	_ =	swait.ge [sflag:s1], $0x2800  }
0xcb: {  	[sflag:s1] =	ssyncset.done $0x0  }
0xcc: {  	[sflag:s1] =	ssyncadd.s32 $0xFFFFD800  }
0xcd: {  	_ =	swait.ge [sflag:s10], $0x2800  }
0xce: {  	[sflag:s10] =	ssyncset.done $0x0  }
0xcf: {  	s12 =	simm.s32 $0x100;
	[sflag:s10] =	ssyncadd.s32 $0xFFFFD800  }
0xd0: {  	[tilespmem:s0], [sflag:$0x1] =	stream.indirect.gather [hbm4b:s4+s7], $0x80, s12, s7, $0xb8;
	[tilespmem:$0x1D000] =	vst v63  }
0xd1: {  	s13 =	simm.s32 $0x2080  }
0xd2: {  	[spmem:s2] =	stream.indirect.scatter.add.f32 [tilespmem:s9], [sflag:$0x3], $0x80, s13, s7, $0xb8;
	[tilespmem:$0x1D000] =	vst v63  }
0xd3: {  	_ =	swait.ge [sflag:s1], $0x2800  }
0xd4: {  	s11 =	simm.s32 $0x400;
	[sflag:s1] =	ssyncset.done $0x0  }
.LBB2_6:
0xd5: {  	p0 =	sne.s32 s11, $0x7400  }
0xd6: {  	[sflag:s1] =	ssyncadd.s32 $0xFFFFD800;
	s12 =	smov.u32 s11;
	s11 =	sadd.s32 $0x400, s11  }
0xd7: {  	_ = 	snop  }
0xd8: {  	_ =	swait.ge [sflag:s8], $0x2800  }
0xd9: {  	s12 =	sshra.s32 s12, $0x2;
	[sflag:s8] =	ssyncset.done $0x0  }
0xda: {  	s13 =	sadd.s32 $0x80, s12;
	[sflag:s8] =	ssyncadd.s32 $0xFFFFD800  }
0xdb: {  	[tilespmem:s9], [sflag:$0x2] =	stream.indirect.gather [hbm4b:s4+s7], $0x80, s13, s7, $0xb8;
	[tilespmem:$0x1D000] =	vst v63  }
0xdc: {  	s13 =	sadd.s32 $0x2000, s12  }
0xdd: {  	[spmem:s2] =	stream.indirect.scatter.add.f32 [tilespmem:s0], [sflag:$0x3], $0x80, s13, s7, $0xb8;
	[tilespmem:$0x1D000] =	vst v63  }
0xde: {  	_ =	swait.ge [sflag:s1], $0x2800  }
0xdf: {  	[sflag:s1] =	ssyncset.done $0x0  }
0xe0: {  	[sflag:s1] =	ssyncadd.s32 $0xFFFFD800  }
0xe1: {  	_ =	swait.ge [sflag:s10], $0x2800  }
0xe2: {  	[sflag:s10] =	ssyncset.done $0x0  }
0xe3: {  	s13 =	sadd.s32 $0x100, s12;
	[sflag:s10] =	ssyncadd.s32 $0xFFFFD800  }
0xe4: {  	[tilespmem:s0], [sflag:$0x1] =	stream.indirect.gather [hbm4b:s4+s7], $0x80, s13, s7, $0xb8;
	[tilespmem:$0x1D000] =	vst v63  }
.Ltmp2:
0xe5: {  	_ = 	snop;
	(pc) =	sbr.rel @p0 .LBB2_6-.Ltmp2, $4  }
0xe6: {  	s12 =	sadd.s32 $0x2080, s12  }
0xe7: {  	[spmem:s2] =	stream.indirect.scatter.add.f32 [tilespmem:s9], [sflag:$0x3], $0x80, s12, s7, $0xb8;
	[tilespmem:$0x1D000] =	vst v63  }
0xe8: {  	_ =	swait.ge [sflag:s1], $0x2800  }
0xe9: {  	[sflag:s1] =	ssyncset.done $0x0  }
0xea: {  	[sflag:s1] =	ssyncadd.s32 $0xFFFFD800  }
0xeb: {  	_ =	swait.ge [sflag:s8], $0x2800  }
0xec: {  	[sflag:s8] =	ssyncset.done $0x0  }
0xed: {  	s11 =	simm.s32 $0x3E00;
	[sflag:s8] =	ssyncadd.s32 $0xFFFFD800  }
0xee: {  	[spmem:s2] =	stream.indirect.scatter.add.f32 [tilespmem:s0], [sflag:$0x3], $0x80, s11, s7, $0xb8;
	[tilespmem:$0x1D000] =	vst v63  }
0xef: {  	s13 =	stileid.u32;
	_ =	swait.ge [sflag:s1], $0x2800  }
0xf0: {  	s12 =	sshrl.u32 s5, $0x3;
	s3 =	sadd.s32 $0x1, s3;
	[sflag:s1] =	ssyncset.done $0x0  }
0xf1: {  	p0 =	sne.s32 s3, s25;
	s11 =	sshll.u32 s13, $0x6;
	[sflag:s1] =	ssyncadd.s32 $0xFFFFD800  }
.Ltmp3:
0xf2: {  	s11 =	sor.u32 $0x1C03, s11;
	[bflag:$0x0] =	sbarrier.arrive $0xFFFF;
	(pc) =	sbr.rel @p0 .LBB2_1-.Ltmp3, $4  }
0xf3: {  	[hbm:s24], [sflag:s11] =	dma.local [spmem:s12], $0x2800  }
0xf4: {  	_ =	swait.ge [sflag:s1], $0x2800  }
0xf5: {  	[sflag:s1] =	ssyncset.done $0x0  }
0xf6: {  	[sflag:s1] =	ssyncadd.s32 $0xFFFFD800  }
0xf7: {  	_ =	sfence.sel $0x180000  }
0xf8: {  	[bflag:$0x0] =	sbarrier.arrive $0xFFFF  }
0xf9: {  	_ =	strace $0x9000004A  }
0xfa: {  	s0 =	stileid.u32;
	[bflag:$0x2] =	sbarrier.arrive $0xFFFF  }
0xfb: {  	p0 =	sne.s32 s0, $0x0;
	s0 =	rddreg [dreg:$0x3]  }
0xfc: {  	s0 =	sadd.s32 @!p0 $0x100000, s0  }
0xfd: {  	[sflag:s0] =	ssyncadd.tile.s32 @!p0 $0x1;
	_ =	shalt  }
.Lfunc_end2:
_tile_overlayer_lowered:
.L_overlay_start_2:
0xfe: {  	(tag) =	ssettag $0x2  }
0xff: {  	s0 =	rddreg [dreg:$0x0];
	s2 =	stileid.u32  }
0x100: {  	s1 =	rddreg [dreg:$0x1];
	p0 =	sne.s32 s2, $0x0  }
0x101: {  	s3 =	rddreg [dreg:$0x2];
	[bflag:$0x3] =	sbarrier.arrive $0xFFFF;
	s2 =	simm.s32 @!p0 $0x1C03  }
0x102: {  	[timem:s3], [sflag:s2] =	dma.local @!p0 [hbm:s0], s1  }
0x103: {  	s0 =	simm.s32 @!p0 $0x3  }
0x104: {  	_ =	swait.ge @!p0 [sflag:s0], s1  }
0x105: {  	s1 =	ssub.s32 @!p0 $0x0, s1;
	[sflag:s0] =	ssyncset.done @!p0 $0x0  }
0x106: {  	[sflag:s0] =	ssyncadd.s32 @!p0 s1  }
0x107: {  	[bflag:$0x3] =	sbarrier.arrive $0xFFFF  }
0x108: {  	_ =	shalt  }

// kernel: kernel.14.cloned.1.call-start
scs
__scs_entry_jumppad:
0x0: {  	(pc) =	sbr.rel $0x88, $3  }
0x1: {  	(tag) =	ssettag $0x0;
	lr =	simm.s32 $0x1  }
0x2: {  	[smem:$0x3F9A] =	sst lr;
	_ =	strace $0xD0000000  }
0x3: {  	_ = 	snop  }
0x4: {  	_ = 	snop  }
0x5: {  	_ = 	snop  }
0x6: {  	_ = 	snop  }
0x7: {  	_ = 	snop  }
__scs_overlays_trampoline_lowered:
0x8: {  	[smem:$0x3FA9] =	sst s0  }
0x9: {  	[smem:$0x3FAA] =	sst s1  }
0xa: {  	[smem:$0x3FAB] =	sst s2  }
0xb: {  	[smem:$0x3FAC] =	sst s3  }
0xc: {  	[smem:$0x3FAD] =	sst s4  }
0xd: {  	[smem:$0x3FAE] =	sst s5  }
0xe: {  	[smem:$0x3FAF] =	sst s6  }
0xf: {  	[smem:$0x3FB0] =	sst s7  }
0x10: {  	[smem:$0x3FB1] =	sst s8  }
0x11: {  	[smem:$0x3FB2] =	sst s9;
	s0 =	simm.s32 @!p0 $0x0  }
0x12: {  	s1 =	sld [smem:$0x3F98];
	s0 =	simm.s32 @p0 $0x1  }
0x13: {  	[smem:$0x3FB3] =	sst s0;
	s0 =	simm.s32 @!p1 $0x0  }
0x14: {  	s2 =	sld [smem:$0x3F97];
	s0 =	simm.s32 @p1 $0x1  }
0x15: {  	[smem:$0x3FB4] =	sst s0;
	s0 =	simm.s32 @!p2 $0x0  }
0x16: {  	s3 =	sld [smem:$0x3FDB];
	s0 =	simm.s32 @p2 $0x1  }
0x17: {  	s4 =	simm.s32 $0x1BF5;
	[smem:$0x3FB6] =	sst s0  }
0x18: {  	s0 =	sld [smem:$0x3F99];
	_ =	swait.ge [sflag:s4], $0x0  }
0x19: {  	s7 =	sld [smem:$0x3F9A]  }
0x1a: {  	s8 =	sadd.s32 $0xFFFFE003, lr  }
0x1b: {  	s9 =	sadd.s32 $0xFFFFFEF7, lr;
	s5 =	simm.s32 $0xFFFFFFFF;
	p2 =	slt.u32 s8, $0xFFFFF086  }
0x1c: {  	p1 =	slt.u32 s9, $0xF7A;
	s5 =	simm.s32 @!p2 $0x0  }
0x1d: {  	s5 =	simm.s32 @p1 $0x1;
	p0 =	seq.s32 s7, s2  }
0x1e: {  	s7 =	smul.u32 @!p0 $0xF7A, s2;
	p2 =	seq.s32 @!p0 s5, $0x0  }
0x1f: {  	s9 =	smul.u32 $0xF7A, s1;
	s8 =	simm.s32 @!p0 $0x1BF5;
	p2 =	por !p2, p0  }
0x20: {  	[sflag:s8] =	ssyncset.s32 @!p0 $0xFFFFF086;
	s6 =	sadd.s32 @!p0 s3, s7;
	s7 =	simm.s32 @!p0 $0x108  }
0x21: {  	s3 =	sadd.s32 s3, s9;
	s6 =	sadd.s32 @!p0 $0x88, s6;
	s7 =	simm.s32 @p2 $0x1082  }
0x22: {  	[simem:s7], [sflag:s8] =	dma.local @!p0 [hbm:s6], $0xF7A  }
0x23: {  	s9 =	sor.u32 $0xD0000000, s2;
	s6 =	simm.s32 $0x108;
	_ =	swait.ge @!p0 [sflag:s8], $0x0  }
0x24: {  	s3 =	sadd.s32 $0x88, s3;
	s6 =	simm.s32 @!p1 $0x1082;
	[sflag:s4] =	ssyncset.s32 $0xFFFFF086  }
0x25: {  	[simem:s6], [sflag:s4] =	dma.local [hbm:s3], $0xF7A  }
0x26: {  	[smem:$0x3F9A] =	sst s1;
	(tag) =	ssettag s2;
	_ =	strace s9  }
0x27: {  	s1 =	sld [smem:$0x3FAA]  }
0x28: {  	s2 =	sld [smem:$0x3FAB]  }
0x29: {  	s4 =	sld [smem:$0x3FAD]  }
0x2a: {  	p0 =	seq.s32 s5, $0x0;
	s5 =	sld [smem:$0x3FAE]  }
0x2b: {  	s6 =	sld [smem:$0x3FAF]  }
0x2c: {  	s7 =	sld [smem:$0x3FB0]  }
0x2d: {  	s3 =	simm.s32 $0x108;
	s8 =	sld [smem:$0x3FB1]  }
0x2e: {  	s3 =	simm.s32 @!p0 $0x1082;
	s9 =	sld [smem:$0x3FB2]  }
0x2f: {  	lr =	sadd.s32 s0, s3;
	s0 =	sld [smem:$0x3FA9]  }
0x30: {  	s3 =	sld [smem:$0x3FAC]  }
0x31: {  	[smem:$0x3FB5] =	sst s10  }
0x32: {  	s10 =	sld [smem:$0x3FB3];
	_ =	sdelay $0x3  }
0x33: {  	p0 =	seq.s32 s10, $0x1;
	s10 =	sld [smem:$0x3FB5];
	_ =	sdelay $0x3  }
0x34: {  	[smem:$0x3FB5] =	sst s10  }
0x35: {  	s10 =	sld [smem:$0x3FB4];
	_ =	sdelay $0x3  }
0x36: {  	p1 =	seq.s32 s10, $0x1;
	s10 =	sld [smem:$0x3FB5];
	_ =	sdelay $0x3  }
0x37: {  	[smem:$0x3FB5] =	sst s10  }
0x38: {  	s10 =	sld [smem:$0x3FB6]  }
0x39: {  	_ = 	snop;
	(pc) =	sbr.ind lr, $3  }
0x3a: {  	_ = 	snop  }
0x3b: {  	_ = 	snop  }
0x3c: {  	p2 =	seq.s32 s10, $0x1;
	s10 =	sld [smem:$0x3FB5]  }
0x3d: {  	_ =	shalt  }
0x3e: {  	_ =	shalt  }
0x3f: {  	_ =	shalt  }
0x40: {  	_ =	shalt  }
0x41: {  	_ =	shalt  }
0x42: {  	_ =	shalt  }
0x43: {  	_ =	shalt  }
0x44: {  	_ =	shalt  }
0x45: {  	_ =	shalt  }
0x46: {  	_ =	shalt  }
0x47: {  	_ =	shalt  }
0x48: {  	_ =	shalt  }
0x49: {  	_ =	shalt  }
0x4a: {  	_ =	shalt  }
0x4b: {  	_ =	shalt  }
0x4c: {  	_ =	shalt  }
0x4d: {  	_ =	shalt  }
0x4e: {  	_ =	shalt  }
0x4f: {  	_ =	shalt  }
0x50: {  	_ =	shalt  }
0x51: {  	_ =	shalt  }
0x52: {  	_ =	shalt  }
0x53: {  	_ =	shalt  }
0x54: {  	_ =	shalt  }
0x55: {  	_ =	shalt  }
0x56: {  	_ =	shalt  }
0x57: {  	_ =	shalt  }
0x58: {  	_ =	shalt  }
0x59: {  	_ =	shalt  }
0x5a: {  	_ =	shalt  }
0x5b: {  	_ =	shalt  }
0x5c: {  	_ =	shalt  }
0x5d: {  	_ =	shalt  }
0x5e: {  	_ =	shalt  }
0x5f: {  	_ =	shalt  }
0x60: {  	_ =	shalt  }
0x61: {  	_ =	shalt  }
0x62: {  	_ =	shalt  }
0x63: {  	_ =	shalt  }
0x64: {  	_ =	shalt  }
0x65: {  	_ =	shalt  }
0x66: {  	_ =	shalt  }
0x67: {  	_ =	shalt  }
0x68: {  	_ =	shalt  }
0x69: {  	_ =	shalt  }
0x6a: {  	_ =	shalt  }
0x6b: {  	_ =	shalt  }
0x6c: {  	_ =	shalt  }
0x6d: {  	_ =	shalt  }
0x6e: {  	_ =	shalt  }
0x6f: {  	_ =	shalt  }
0x70: {  	_ =	shalt  }
0x71: {  	_ =	shalt  }
0x72: {  	_ =	shalt  }
0x73: {  	_ =	shalt  }
0x74: {  	_ =	shalt  }
0x75: {  	_ =	shalt  }
0x76: {  	_ =	shalt  }
0x77: {  	_ =	shalt  }
0x78: {  	_ =	shalt  }
0x79: {  	_ =	shalt  }
0x7a: {  	_ =	shalt  }
0x7b: {  	_ =	shalt  }
0x7c: {  	_ =	shalt  }
0x7d: {  	_ =	shalt  }
0x7e: {  	_ =	shalt  }
0x7f: {  	_ =	shalt  }
0x80: {  	_ =	shalt  }
0x81: {  	_ =	shalt  }
0x82: {  	_ =	shalt  }
0x83: {  	_ =	shalt  }
0x84: {  	_ =	shalt  }
0x85: {  	_ =	shalt  }
0x86: {  	_ =	shalt  }
0x87: {  	_ =	shalt  }
.Lfunc_end0:
.L_simem_size_0:
called_computation.2_lowered:
.L_overlay_start_0:
0x88: {  	s2 =	sld [smem:$0x3FD9]  }
0x89: {  	s3 =	sld [smem:$0x3FFE];
	_ =	sdelay $0x1  }
0x8a: {  	s1 =	srdreg.scid  }
0x8b: {  	s0 =	sand.u32 $0x1, s1  }
0x8c: {  	s16 =	sshll.u32 s0, $0xA;
	s2 =	sadd.s32 s3, s2  }
0x8d: {  	s2 =	sadd.s32 s2, s16  }
0x8e: {  	[smem:$0x3FC1] =	sst s2  }
0x8f: {  	_ = 	snop  }
0x90: {  	(tm) =	ssettm $0x1  }
0x91: {  	s17 =	sld [smem:$0x3FFB];
	_ =	sdelay $0x3  }
0x92: {  	_ =	strace s17  }
0x93: {  	s2 =	sld [smem:$0x3FFC];
	_ =	sdelay $0x3  }
0x94: {  	_ =	strace s2  }
0x95: {  	s2 =	sld [smem:$0x3FFD];
	_ =	sdelay $0x3  }
0x96: {  	_ =	strace s2  }
0x97: {  	_ =	strace $0x8FFFFFFF  }
0x98: {  	s18 =	sld [smem:$0x3FDB];
	_ =	sdelay $0x1  }
0x99: {  	s19 =	simm.s32 $_scs_section_size  }
0x9a: {  	s4 =	simm.s32 $_size__tile_overlayer_lowered;
	s5 =	simm.s32 $_tile_overlayer_lowered  }
0x9b: {  	s22 =	simm.s32 $0x1BFF;
	s21 =	sshll.u32 s5, $0x1;
	s2 =	sadd.s32 s19, s18  }
0x9c: {  	s6 =	simm.s32 $0x0;
	s20 =	sshll.u32 s4, $0x1;
	s4 =	sadd.s32 s21, s2  }
0x9d: {  	[timem:s6], [sflag:s22] =	dma.local [hbm:s4], s20  }
0x9e: {  	_ =	swait.ge [sflag:s22], s20  }
0x9f: {  	s3 =	ssub.s32 $0x0, s20;
	[sflag:s22] =	ssyncset.done $0x0  }
0xa0: {  	[sflag:s22] =	ssyncadd.s32 s3;
	_ =	sdelay $0x1  }
0xa1: {  	s23 =	simm.s32 $0x1B8B  }
0xa2: {  	_ =	swait.ge [sflag:s23], $0x1  }
0xa3: {  	[sflag:s23] =	ssyncset.done $0x0  }
0xa4: {  	s25 =	simm.s32 $0x1B8E;
	s24 =	sld [smem:$0x3FFE];
	[sflag:s23] =	ssyncadd.s32 $0xFFFFFFFF  }
0xa5: {  	s26 =	simm.s32 $execute0_lowered;
	[smem:$0x3FD2] =	sst s25  }
0xa6: {  	s4 =	sshll.u32 s26, $0x1;
	_ =	strace $0x8000004C;
	[dreg:$0x1] =	wrdreg $0xFFFFFFFF  }
0xa7: {  	s28 =	simm.s32 $_size_execute0_lowered;
	s2 =	sadd.s32 s2, s4;
	[dreg:$0x0] =	wrdreg $0x0  }
0xa8: {  	s4 =	sshll.u32 s28, $0x1;
	[dreg:$0x2] =	wrdreg s2  }
0xa9: {  	[dreg:$0x3] =	wrdreg s4  }
0xaa: {  	[dreg:$0x4] =	wrdreg $0xC0  }
0xab: {  	_ =	task [dreg:s6], $0x5FFFF  }
0xac: {  	[dreg:$0x1] =	wrdreg $0xFFFFFFFF  }
0xad: {  	[dreg:$0x0] =	wrdreg $0x60  }
0xae: {  	[dreg:$0x2] =	wrdreg s24  }
0xaf: {  	[dreg:$0x3] =	wrdreg $0x90000  }
0xb0: {  	[dreg:$0x4] =	wrdreg $0x9  }
0xb1: {  	_ =	task.clear_ibuf [dreg:s6], $0x5FFFF;
	_ =	strace $0x9000004C  }
0xb2: {  	s29 =	simm.s32 $0x9;
	_ =	strace $0x8000004E  }
0xb3: {  	_ =	swait.ge [sflag:s29], $0x1  }
0xb4: {  	[sflag:s29] =	ssyncadd.s32 $0xFFFFFFFF  }
0xb5: {  	_ =	strace $0x9000004E  }
0xb6: {  	_ =	sfence  }
0xb7: {  	s30 =	sld [smem:$0x0];
	_ =	sdelay $0x2  }
0xb8: {  	s31 =	sshll.u32 s1, $0xD;
	s1 =	sshrl.u32 s1, $0x2  }
0xb9: {  	s3 =	sand.u32 $0x4000, s31;
	s1 =	sadd.s32 s1, s30  }
0xba: {  	s0 =	sor.u32 s3, s0;
	s1 =	sshll.u32 s1, $0x11  }
0xbb: {  	s0 =	sor.u32 s1, s0  }
0xbc: {  	s0 =	sadd.s32 $0x8F2B, s0  }
0xbd: {  	[sflag:s0] =	ssyncadd.remote.s32 $0x1  }
0xbe: {  	_ =	sfence.sel $0xFFFF  }
0xbf: {  	[dreg:$0x0] =	wrdreg $0xFFFFFFFF;
	(pc) =	sbr.abs _section_cstart, $3  }
0xc0: {  	[dreg:$0x1] =	wrdreg $0xFFFFFFFF  }
0xc1: {  	_ =	task.clear_ibuf [dreg:s6], $0x2FFFF;
	_ =	strace $0x9FFFFFFF  }
0xc2: {  	(tm) =	ssettm $0x7FFFFFFF  }
0xc3: {  	_ =	shalt  }
tec
execute0_lowered:
.L_overlay_start_1:
0x0: {  	(tag) =	ssettag $0x1  }
0x1: {  	s0 =	rddreg [dreg:$0x0]  }
0x2: {  	s1 =	rddreg [dreg:$0x1];
	s12 =	stileid.u32  }
0x3: {  	s2 =	srdreg.scid;
	s3 =	simm.s32 $0x0;
	s6 =	smul.u32 $0x14000, s12  }
0x4: {  	s2 =	sand.u32 $0x1, s2;
	[smem:$0x7FF] =	sst s3;
	s7 =	smul.u32 $0x50000, s12  }
0x5: {  	s4 =	sadd.s32 $0x1600, s0;
	s8 =	sadd.s32 $0x28800, s0;
	s9 =	sadd.s32 $0xEE600, s0  }
0x6: {  	s26 =	sshll.u32 s12, $0xB;
	s5 =	smul.u32 $0x140000, s2;
	_ =	strace $0x8000004D  }
0x7: {  	s18 =	ssub.s32 $0x2, s2;
	s2 =	sshll.u32 s2, $0xF;
	s7 =	sshrl.u32 s7, $0x2  }
0x8: {  	s11 =	sshrl.u32 s18, $0x1;
	s2 =	sor.u32 s26, s2;
	s5 =	sadd.s32 s6, s5  }
0x9: {  	s6 =	ssub.s32 s18, s11;
	s10 =	sshrl.u32 s5, $0x3;
	s5 =	sadd.s32 s7, s1  }
0xa: {  	s0 =	sadd.s32 s10, s0;
	s7 =	sadd.s32 $0x1000, s5;
	s19 =	sadd.s32 $0x2000, s5  }
0xb: {  	s20 =	sadd.s32 $0x3000, s5;
	s21 =	sadd.s32 $0x4000, s5;
	s22 =	sadd.s32 $0x5000, s5  }
0xc: {  	s23 =	sadd.s32 $0x6000, s5;
	s24 =	sadd.s32 $0x7000, s5;
	[dreg:$0x3] =	wrdreg s7  }
0xd: {  	s25 =	sadd.s32 $0x8000, s5;
	s14 =	sadd.s32 $0x9000, s5;
	[dreg:$0x4] =	wrdreg s19  }
0xe: {  	s15 =	sadd.s32 $0xA000, s5;
	s16 =	sadd.s32 $0xB000, s5;
	[dreg:$0x5] =	wrdreg s20  }
0xf: {  	s17 =	sadd.s32 $0xC000, s5;
	s18 =	sadd.s32 $0xD000, s5;
	[dreg:$0x6] =	wrdreg s21  }
0x10: {  	s26 =	sadd.s32 $0xF000, s5;
	s28 =	sadd.s32 $0x10000, s5;
	[dreg:$0x7] =	wrdreg s22  }
0x11: {  	s29 =	sadd.s32 $0x11000, s5;
	s30 =	sadd.s32 $0x12000, s5;
	[dreg:$0x8] =	wrdreg s23  }
0x12: {  	s31 =	sadd.s32 $0x13000, s5;
	s10 =	simm.s32 $0x2;
	[dreg:$0x9] =	wrdreg s24  }
0x13: {  	[dreg:$0xa] =	wrdreg s25;
	s19 =	sadd.s32 s8, s2;
	s20 =	sadd.s32 s9, s2  }
0x14: {  	s2 =	sor.u32 $0x400, s2;
	s23 =	sadd.s32 $0xE000, s5;
	s24 =	sadd.s32 $0x38800, s0  }
0x15: {  	s25 =	smax.u32 s6, $0x1;
	s0 =	simm.s32 $0x4000;
	s6 =	simm.s32 $0x2000  }
0x16: {  	s7 =	simm.s32 $0x50;
	s21 =	sadd.s32 s8, s2;
	s22 =	sadd.s32 s9, s2  }
0x17: {  	v0 =	vimm.f32 $0.0e+00;
	s2 =	simm.s32 $0x3;
	s8 =	simm.s32 $0x1;
	s9 =	simm.s32 $0x6800  }
.LBB2_1:
0x18: {  	s11 =	simm.s32 $0x0;
	s12 =	simm.s32 $0x200  }
.LBB2_2:
0x19: {  	p0 =	sne.s32 s12, $0x3E00;
	[tilespmem:s11+$0x4070] =	vst v0  }
0x1a: {  	[tilespmem:s11+$0x4000] =	vst v0  }
0x1b: {  	[tilespmem:s11+$0x4010] =	vst v0  }
.Ltmp0:
0x1c: {  	[tilespmem:s11+$0x4020] =	vst v0;
	(pc) =	sbr.rel @p0 .LBB2_2-.Ltmp0, $4  }
0x1d: {  	[tilespmem:s11+$0x4030] =	vst v0  }
0x1e: {  	[tilespmem:s11+$0x4040] =	vst v0  }
0x1f: {  	[tilespmem:s11+$0x4050] =	vst v0  }
0x20: {  	[tilespmem:s11+$0x4060] =	vst v0;
	s11 =	sshra.s32 s12, $0x2;
	s12 =	sadd.s32 $0x200, s12  }
0x21: {  	[tilespmem:s11+$0x4070] =	vst v0  }
0x22: {  	[tilespmem:s11+$0x4000] =	vst v0  }
0x23: {  	[tilespmem:s11+$0x4010] =	vst v0  }
0x24: {  	[tilespmem:s11+$0x4020] =	vst v0  }
0x25: {  	[tilespmem:s11+$0x4030] =	vst v0  }
0x26: {  	[tilespmem:s11+$0x4040] =	vst v0  }
0x27: {  	[tilespmem:s11+$0x4050] =	vst v0  }
0x28: {  	[tilespmem:s11+$0x4060] =	vst v0  }
0x29: {  	[spmem:s5] =	stream.linear.scatter [tilespmem:s0], [sflag:$0x3], $0x1000, $0x38;
	[tilespmem:$0x1D000] =	vst v63  }
0x2a: {  	_ =	swait.ge [sflag:s2], $0x1000  }
0x2b: {  	[sflag:s2] =	ssyncset.done $0x0  }
0x2c: {  	s13 =	rddreg [dreg:$0x3];
	[sflag:s2] =	ssyncadd.s32 $0xFFFFF000  }
0x2d: {  	[spmem:s13] =	stream.linear.scatter [tilespmem:s0], [sflag:$0x3], $0x1000, $0x38;
	[tilespmem:$0x1D000] =	vst v63  }
0x2e: {  	_ =	swait.ge [sflag:s2], $0x1000  }
0x2f: {  	[sflag:s2] =	ssyncset.done $0x0  }
0x30: {  	s12 =	rddreg [dreg:$0x4];
	[sflag:s2] =	ssyncadd.s32 $0xFFFFF000  }
0x31: {  	[spmem:s12] =	stream.linear.scatter [tilespmem:s0], [sflag:$0x3], $0x1000, $0x38;
	[tilespmem:$0x1D000] =	vst v63  }
0x32: {  	_ =	swait.ge [sflag:s2], $0x1000  }
0x33: {  	[sflag:s2] =	ssyncset.done $0x0  }
0x34: {  	s13 =	rddreg [dreg:$0x5];
	[sflag:s2] =	ssyncadd.s32 $0xFFFFF000  }
0x35: {  	[spmem:s13] =	stream.linear.scatter [tilespmem:s0], [sflag:$0x3], $0x1000, $0x38;
	[tilespmem:$0x1D000] =	vst v63  }
0x36: {  	_ =	swait.ge [sflag:s2], $0x1000  }
0x37: {  	[sflag:s2] =	ssyncset.done $0x0  }
0x38: {  	s12 =	rddreg [dreg:$0x6];
	[sflag:s2] =	ssyncadd.s32 $0xFFFFF000  }
0x39: {  	[spmem:s12] =	stream.linear.scatter [tilespmem:s0], [sflag:$0x3], $0x1000, $0x38;
	[tilespmem:$0x1D000] =	vst v63  }
0x3a: {  	_ =	swait.ge [sflag:s2], $0x1000  }
0x3b: {  	[sflag:s2] =	ssyncset.done $0x0  }
0x3c: {  	s13 =	rddreg [dreg:$0x7];
	[sflag:s2] =	ssyncadd.s32 $0xFFFFF000  }
0x3d: {  	[spmem:s13] =	stream.linear.scatter [tilespmem:s0], [sflag:$0x3], $0x1000, $0x38;
	[tilespmem:$0x1D000] =	vst v63  }
0x3e: {  	_ =	swait.ge [sflag:s2], $0x1000  }
0x3f: {  	[sflag:s2] =	ssyncset.done $0x0  }
0x40: {  	s12 =	rddreg [dreg:$0x8];
	[sflag:s2] =	ssyncadd.s32 $0xFFFFF000  }
0x41: {  	[spmem:s12] =	stream.linear.scatter [tilespmem:s0], [sflag:$0x3], $0x1000, $0x38;
	[tilespmem:$0x1D000] =	vst v63  }
0x42: {  	_ =	swait.ge [sflag:s2], $0x1000  }
0x43: {  	[sflag:s2] =	ssyncset.done $0x0  }
0x44: {  	s13 =	rddreg [dreg:$0x9];
	[sflag:s2] =	ssyncadd.s32 $0xFFFFF000  }
0x45: {  	[spmem:s13] =	stream.linear.scatter [tilespmem:s0], [sflag:$0x3], $0x1000, $0x38;
	[tilespmem:$0x1D000] =	vst v63  }
0x46: {  	_ =	swait.ge [sflag:s2], $0x1000  }
0x47: {  	[sflag:s2] =	ssyncset.done $0x0  }
0x48: {  	s12 =	rddreg [dreg:$0xa];
	[sflag:s2] =	ssyncadd.s32 $0xFFFFF000  }
0x49: {  	[spmem:s12] =	stream.linear.scatter [tilespmem:s0], [sflag:$0x3], $0x1000, $0x38;
	[tilespmem:$0x1D000] =	vst v63  }
0x4a: {  	_ =	swait.ge [sflag:s2], $0x1000  }
0x4b: {  	[sflag:s2] =	ssyncset.done $0x0  }
0x4c: {  	[sflag:s2] =	ssyncadd.s32 $0xFFFFF000  }
0x4d: {  	[spmem:s14] =	stream.linear.scatter [tilespmem:s0], [sflag:$0x3], $0x1000, $0x38;
	[tilespmem:$0x1D000] =	vst v63  }
0x4e: {  	_ =	swait.ge [sflag:s2], $0x1000  }
0x4f: {  	[sflag:s2] =	ssyncset.done $0x0  }
0x50: {  	[sflag:s2] =	ssyncadd.s32 $0xFFFFF000  }
0x51: {  	[spmem:s15] =	stream.linear.scatter [tilespmem:s0], [sflag:$0x3], $0x1000, $0x38;
	[tilespmem:$0x1D000] =	vst v63  }
0x52: {  	_ =	swait.ge [sflag:s2], $0x1000  }
0x53: {  	[sflag:s2] =	ssyncset.done $0x0  }
0x54: {  	[sflag:s2] =	ssyncadd.s32 $0xFFFFF000  }
0x55: {  	[spmem:s16] =	stream.linear.scatter [tilespmem:s0], [sflag:$0x3], $0x1000, $0x38;
	[tilespmem:$0x1D000] =	vst v63  }
0x56: {  	_ =	swait.ge [sflag:s2], $0x1000  }
0x57: {  	[sflag:s2] =	ssyncset.done $0x0  }
0x58: {  	[sflag:s2] =	ssyncadd.s32 $0xFFFFF000  }
0x59: {  	[spmem:s17] =	stream.linear.scatter [tilespmem:s0], [sflag:$0x3], $0x1000, $0x38;
	[tilespmem:$0x1D000] =	vst v63  }
0x5a: {  	_ =	swait.ge [sflag:s2], $0x1000  }
0x5b: {  	[sflag:s2] =	ssyncset.done $0x0  }
0x5c: {  	[sflag:s2] =	ssyncadd.s32 $0xFFFFF000  }
0x5d: {  	[spmem:s18] =	stream.linear.scatter [tilespmem:s0], [sflag:$0x3], $0x1000, $0x38;
	[tilespmem:$0x1D000] =	vst v63  }
0x5e: {  	_ =	swait.ge [sflag:s2], $0x1000  }
0x5f: {  	[sflag:s2] =	ssyncset.done $0x0  }
0x60: {  	[sflag:s2] =	ssyncadd.s32 $0xFFFFF000  }
0x61: {  	[spmem:s23] =	stream.linear.scatter [tilespmem:s0], [sflag:$0x3], $0x1000, $0x38;
	[tilespmem:$0x1D000] =	vst v63  }
0x62: {  	_ =	swait.ge [sflag:s2], $0x1000  }
0x63: {  	[sflag:s2] =	ssyncset.done $0x0  }
0x64: {  	[sflag:s2] =	ssyncadd.s32 $0xFFFFF000  }
0x65: {  	[spmem:s26] =	stream.linear.scatter [tilespmem:s0], [sflag:$0x3], $0x1000, $0x38;
	[tilespmem:$0x1D000] =	vst v63  }
0x66: {  	_ =	swait.ge [sflag:s2], $0x1000  }
0x67: {  	[sflag:s2] =	ssyncset.done $0x0  }
0x68: {  	[sflag:s2] =	ssyncadd.s32 $0xFFFFF000  }
0x69: {  	[spmem:s28] =	stream.linear.scatter [tilespmem:s0], [sflag:$0x3], $0x1000, $0x38;
	[tilespmem:$0x1D000] =	vst v63  }
0x6a: {  	_ =	swait.ge [sflag:s2], $0x1000  }
0x6b: {  	[sflag:s2] =	ssyncset.done $0x0  }
0x6c: {  	[sflag:s2] =	ssyncadd.s32 $0xFFFFF000  }
0x6d: {  	[spmem:s29] =	stream.linear.scatter [tilespmem:s0], [sflag:$0x3], $0x1000, $0x38;
	[tilespmem:$0x1D000] =	vst v63  }
0x6e: {  	_ =	swait.ge [sflag:s2], $0x1000  }
0x6f: {  	[sflag:s2] =	ssyncset.done $0x0  }
0x70: {  	[sflag:s2] =	ssyncadd.s32 $0xFFFFF000  }
0x71: {  	[spmem:s30] =	stream.linear.scatter [tilespmem:s0], [sflag:$0x3], $0x1000, $0x38;
	[tilespmem:$0x1D000] =	vst v63  }
0x72: {  	_ =	swait.ge [sflag:s2], $0x1000  }
0x73: {  	[sflag:s2] =	ssyncset.done $0x0  }
0x74: {  	[sflag:s2] =	ssyncadd.s32 $0xFFFFF000  }
0x75: {  	[spmem:s31] =	stream.linear.scatter [tilespmem:s0], [sflag:$0x3], $0x1000, $0x38;
	[tilespmem:$0x1D000] =	vst v63  }
0x76: {  	_ =	swait.ge [sflag:s2], $0x1000  }
0x77: {  	[sflag:s2] =	ssyncset.done $0x0  }
0x78: {  	[sflag:s2] =	ssyncadd.s32 $0xFFFFF000  }
0x79: {  	s13 =	simm.s32 $0x0;
	[bflag:$0x0] =	sbarrier.arrive $0xFFFF  }
0x7a: {  	[tilespmem:s13], [sflag:$0x3] =	stream.linear.gather [hbm4b:s19+s13], $0x2000, $0x38;
	[tilespmem:$0x1D000] =	vst v63  }
0x7b: {  	_ =	swait.ge [sflag:s2], $0x2000  }
0x7c: {  	[sflag:s2] =	ssyncset.done $0x0  }
0x7d: {  	[sflag:s2] =	ssyncadd.s32 $0xFFFFE000  }
0x7e: {  	[tilespmem:s6], [sflag:$0x3] =	stream.linear.gather [hbm4b:s20+s13], $0x2000, $0x38;
	[tilespmem:$0x1D000] =	vst v63  }
0x7f: {  	_ =	swait.ge [sflag:s2], $0x2000  }
0x80: {  	[sflag:s2] =	ssyncset.done $0x0  }
0x81: {  	[sflag:s2] =	ssyncadd.s32 $0xFFFFE000  }
0x82: {  	[tilespmem:s0], [sflag:$0x1] =	stream.indirect.gather [hbm4b:s4+s7], $0x80, s13, s7, $0xb8;
	[tilespmem:$0x1D000] =	vst v63  }
0x83: {  	_ =	swait.ge [sflag:s8], $0x2800  }
0x84: {  	[sflag:s8] =	ssyncset.done $0x0  }
0x85: {  	s12 =	simm.s32 $0x80;
	[sflag:s8] =	ssyncadd.s32 $0xFFFFD800  }
0x86: {  	[tilespmem:s9], [sflag:$0x2] =	stream.indirect.gather [hbm4b:s4+s7], $0x80, s12, s7, $0xb8;
	[tilespmem:$0x1D000] =	vst v63  }
0x87: {  	s13 =	simm.s32 $0x2000  }
0x88: {  	[spmem:s1] =	stream.indirect.scatter.add.f32 [tilespmem:s0], [sflag:$0x3], $0x80, s13, s7, $0xb8;
	[tilespmem:$0x1D000] =	vst v63  }
0x89: {  	_ =	swait.ge [sflag:s2], $0x2800  }
0x8a: {  	[sflag:s2] =	ssyncset.done $0x0  }
0x8b: {  	[sflag:s2] =	ssyncadd.s32 $0xFFFFD800  }
0x8c: {  	_ =	swait.ge [sflag:s10], $0x2800  }
0x8d: {  	[sflag:s10] =	ssyncset.done $0x0  }
0x8e: {  	s12 =	simm.s32 $0x100;
	[sflag:s10] =	ssyncadd.s32 $0xFFFFD800  }
0x8f: {  	[tilespmem:s0], [sflag:$0x1] =	stream.indirect.gather [hbm4b:s4+s7], $0x80, s12, s7, $0xb8;
	[tilespmem:$0x1D000] =	vst v63  }
0x90: {  	s13 =	simm.s32 $0x2080  }
0x91: {  	[spmem:s1] =	stream.indirect.scatter.add.f32 [tilespmem:s9], [sflag:$0x3], $0x80, s13, s7, $0xb8;
	[tilespmem:$0x1D000] =	vst v63  }
0x92: {  	_ =	swait.ge [sflag:s2], $0x2800  }
0x93: {  	s11 =	simm.s32 $0x400;
	[sflag:s2] =	ssyncset.done $0x0  }
.LBB2_4:
0x94: {  	p0 =	sne.s32 s11, $0x7800  }
0x95: {  	[sflag:s2] =	ssyncadd.s32 $0xFFFFD800;
	s12 =	smov.u32 s11;
	s11 =	sadd.s32 $0x400, s11  }
0x96: {  	_ = 	snop  }
0x97: {  	_ =	swait.ge [sflag:s8], $0x2800  }
0x98: {  	s12 =	sshra.s32 s12, $0x2;
	[sflag:s8] =	ssyncset.done $0x0  }
0x99: {  	s13 =	sadd.s32 $0x80, s12;
	[sflag:s8] =	ssyncadd.s32 $0xFFFFD800  }
0x9a: {  	[tilespmem:s9], [sflag:$0x2] =	stream.indirect.gather [hbm4b:s4+s7], $0x80, s13, s7, $0xb8;
	[tilespmem:$0x1D000] =	vst v63  }
0x9b: {  	s13 =	sadd.s32 $0x2000, s12  }
0x9c: {  	[spmem:s1] =	stream.indirect.scatter.add.f32 [tilespmem:s0], [sflag:$0x3], $0x80, s13, s7, $0xb8;
	[tilespmem:$0x1D000] =	vst v63  }
0x9d: {  	_ =	swait.ge [sflag:s2], $0x2800  }
0x9e: {  	[sflag:s2] =	ssyncset.done $0x0  }
0x9f: {  	[sflag:s2] =	ssyncadd.s32 $0xFFFFD800  }
0xa0: {  	_ =	swait.ge [sflag:s10], $0x2800  }
0xa1: {  	[sflag:s10] =	ssyncset.done $0x0  }
0xa2: {  	s13 =	sadd.s32 $0x100, s12;
	[sflag:s10] =	ssyncadd.s32 $0xFFFFD800  }
0xa3: {  	[tilespmem:s0], [sflag:$0x1] =	stream.indirect.gather [hbm4b:s4+s7], $0x80, s13, s7, $0xb8;
	[tilespmem:$0x1D000] =	vst v63  }
.Ltmp1:
0xa4: {  	_ = 	snop;
	(pc) =	sbr.rel @p0 .LBB2_4-.Ltmp1, $4  }
0xa5: {  	s12 =	sadd.s32 $0x2080, s12  }
0xa6: {  	[spmem:s1] =	stream.indirect.scatter.add.f32 [tilespmem:s9], [sflag:$0x3], $0x80, s12, s7, $0xb8;
	[tilespmem:$0x1D000] =	vst v63  }
0xa7: {  	_ =	swait.ge [sflag:s2], $0x2800  }
0xa8: {  	[sflag:s2] =	ssyncset.done $0x0  }
0xa9: {  	[sflag:s2] =	ssyncadd.s32 $0xFFFFD800  }
0xaa: {  	_ =	swait.ge [sflag:s8], $0x2800  }
0xab: {  	[sflag:s8] =	ssyncset.done $0x0  }
0xac: {  	s11 =	simm.s32 $0x1F80;
	[sflag:s8] =	ssyncadd.s32 $0xFFFFD800  }
0xad: {  	[tilespmem:s9], [sflag:$0x2] =	stream.indirect.gather [hbm4b:s4+s7], $0x80, s11, s7, $0xb8;
	[tilespmem:$0x1D000] =	vst v63  }
0xae: {  	s13 =	simm.s32 $0x3F00  }
0xaf: {  	[spmem:s1] =	stream.indirect.scatter.add.f32 [tilespmem:s0], [sflag:$0x3], $0x80, s13, s7, $0xb8;
	[tilespmem:$0x1D000] =	vst v63  }
0xb0: {  	_ =	swait.ge [sflag:s2], $0x2800  }
0xb1: {  	[sflag:s2] =	ssyncset.done $0x0  }
0xb2: {  	[sflag:s2] =	ssyncadd.s32 $0xFFFFD800  }
0xb3: {  	_ =	swait.ge [sflag:s10], $0x2800  }
0xb4: {  	[sflag:s10] =	ssyncset.done $0x0  }
0xb5: {  	s12 =	simm.s32 $0x3F80;
	[sflag:s10] =	ssyncadd.s32 $0xFFFFD800  }
0xb6: {  	[spmem:s1] =	stream.indirect.scatter.add.f32 [tilespmem:s9], [sflag:$0x3], $0x80, s12, s7, $0xb8;
	[tilespmem:$0x1D000] =	vst v63  }
0xb7: {  	_ =	swait.ge [sflag:s2], $0x2800  }
0xb8: {  	[sflag:s2] =	ssyncset.done $0x0  }
0xb9: {  	s13 =	simm.s32 $0x0;
	[sflag:s2] =	ssyncadd.s32 $0xFFFFD800  }
0xba: {  	[tilespmem:s13], [sflag:$0x3] =	stream.linear.gather [hbm4b:s21+s13], $0x1E80, $0x38;
	[tilespmem:$0x1D000] =	vst v63  }
0xbb: {  	_ =	swait.ge [sflag:s2], $0x1E80  }
0xbc: {  	[sflag:s2] =	ssyncset.done $0x0  }
0xbd: {  	[sflag:s2] =	ssyncadd.s32 $0xFFFFE180  }
0xbe: {  	[tilespmem:s6], [sflag:$0x3] =	stream.linear.gather [hbm4b:s22+s13], $0x1E80, $0x38;
	[tilespmem:$0x1D000] =	vst v63  }
0xbf: {  	_ =	swait.ge [sflag:s2], $0x1E80  }
0xc0: {  	[sflag:s2] =	ssyncset.done $0x0  }
0xc1: {  	[sflag:s2] =	ssyncadd.s32 $0xFFFFE180  }
0xc2: {  	[tilespmem:s0], [sflag:$0x1] =	stream.indirect.gather [hbm4b:s4+s7], $0x80, s13, s7, $0xb8;
	[tilespmem:$0x1D000] =	vst v63  }
0xc3: {  	_ =	swait.ge [sflag:s8], $0x2800  }
0xc4: {  	[sflag:s8] =	ssyncset.done $0x0  }
0xc5: {  	s12 =	simm.s32 $0x80;
	[sflag:s8] =	ssyncadd.s32 $0xFFFFD800  }
0xc6: {  	[tilespmem:s9], [sflag:$0x2] =	stream.indirect.gather [hbm4b:s4+s7], $0x80, s12, s7, $0xb8;
	[tilespmem:$0x1D000] =	vst v63  }
0xc7: {  	s13 =	simm.s32 $0x2000  }
0xc8: {  	[spmem:s1] =	stream.indirect.scatter.add.f32 [tilespmem:s0], [sflag:$0x3], $0x80, s13, s7, $0xb8;
	[tilespmem:$0x1D000] =	vst v63  }
0xc9: {  	_ =	swait.ge [sflag:s2], $0x2800  }
0xca: {  	[sflag:s2] =	ssyncset.done $0x0  }
0xcb: {  	[sflag:s2] =	ssyncadd.s32 $0xFFFFD800  }
0xcc: {  	_ =	swait.ge [sflag:s10], $0x2800  }
0xcd: {  	[sflag:s10] =	ssyncset.done $0x0  }
0xce: {  	s12 =	simm.s32 $0x100;
	[sflag:s10] =	ssyncadd.s32 $0xFFFFD800  }
0xcf: {  	[tilespmem:s0], [sflag:$0x1] =	stream.indirect.gather [hbm4b:s4+s7], $0x80, s12, s7, $0xb8;
	[tilespmem:$0x1D000] =	vst v63  }
0xd0: {  	s13 =	simm.s32 $0x2080  }
0xd1: {  	[spmem:s1] =	stream.indirect.scatter.add.f32 [tilespmem:s9], [sflag:$0x3], $0x80, s13, s7, $0xb8;
	[tilespmem:$0x1D000] =	vst v63  }
0xd2: {  	_ =	swait.ge [sflag:s2], $0x2800  }
0xd3: {  	s11 =	simm.s32 $0x400;
	[sflag:s2] =	ssyncset.done $0x0  }
.LBB2_6:
0xd4: {  	p0 =	sne.s32 s11, $0x7400  }
0xd5: {  	[sflag:s2] =	ssyncadd.s32 $0xFFFFD800;
	s12 =	smov.u32 s11;
	s11 =	sadd.s32 $0x400, s11  }
0xd6: {  	_ = 	snop  }
0xd7: {  	_ =	swait.ge [sflag:s8], $0x2800  }
0xd8: {  	s12 =	sshra.s32 s12, $0x2;
	[sflag:s8] =	ssyncset.done $0x0  }
0xd9: {  	s13 =	sadd.s32 $0x80, s12;
	[sflag:s8] =	ssyncadd.s32 $0xFFFFD800  }
0xda: {  	[tilespmem:s9], [sflag:$0x2] =	stream.indirect.gather [hbm4b:s4+s7], $0x80, s13, s7, $0xb8;
	[tilespmem:$0x1D000] =	vst v63  }
0xdb: {  	s13 =	sadd.s32 $0x2000, s12  }
0xdc: {  	[spmem:s1] =	stream.indirect.scatter.add.f32 [tilespmem:s0], [sflag:$0x3], $0x80, s13, s7, $0xb8;
	[tilespmem:$0x1D000] =	vst v63  }
0xdd: {  	_ =	swait.ge [sflag:s2], $0x2800  }
0xde: {  	[sflag:s2] =	ssyncset.done $0x0  }
0xdf: {  	[sflag:s2] =	ssyncadd.s32 $0xFFFFD800  }
0xe0: {  	_ =	swait.ge [sflag:s10], $0x2800  }
0xe1: {  	[sflag:s10] =	ssyncset.done $0x0  }
0xe2: {  	s13 =	sadd.s32 $0x100, s12;
	[sflag:s10] =	ssyncadd.s32 $0xFFFFD800  }
0xe3: {  	[tilespmem:s0], [sflag:$0x1] =	stream.indirect.gather [hbm4b:s4+s7], $0x80, s13, s7, $0xb8;
	[tilespmem:$0x1D000] =	vst v63  }
.Ltmp2:
0xe4: {  	_ = 	snop;
	(pc) =	sbr.rel @p0 .LBB2_6-.Ltmp2, $4  }
0xe5: {  	s12 =	sadd.s32 $0x2080, s12  }
0xe6: {  	[spmem:s1] =	stream.indirect.scatter.add.f32 [tilespmem:s9], [sflag:$0x3], $0x80, s12, s7, $0xb8;
	[tilespmem:$0x1D000] =	vst v63  }
0xe7: {  	_ =	swait.ge [sflag:s2], $0x2800  }
0xe8: {  	[sflag:s2] =	ssyncset.done $0x0  }
0xe9: {  	[sflag:s2] =	ssyncadd.s32 $0xFFFFD800  }
0xea: {  	_ =	swait.ge [sflag:s8], $0x2800  }
0xeb: {  	[sflag:s8] =	ssyncset.done $0x0  }
0xec: {  	s11 =	simm.s32 $0x3E00;
	[sflag:s8] =	ssyncadd.s32 $0xFFFFD800  }
0xed: {  	[spmem:s1] =	stream.indirect.scatter.add.f32 [tilespmem:s0], [sflag:$0x3], $0x80, s11, s7, $0xb8;
	[tilespmem:$0x1D000] =	vst v63  }
0xee: {  	s13 =	stileid.u32;
	_ =	swait.ge [sflag:s2], $0x2800  }
0xef: {  	s12 =	sshrl.u32 s5, $0x3;
	s3 =	sadd.s32 $0x1, s3;
	[sflag:s2] =	ssyncset.done $0x0  }
0xf0: {  	p0 =	sne.s32 s3, s25;
	s11 =	sshll.u32 s13, $0x6;
	[sflag:s2] =	ssyncadd.s32 $0xFFFFD800  }
.Ltmp3:
0xf1: {  	s11 =	sor.u32 $0x1C03, s11;
	[bflag:$0x0] =	sbarrier.arrive $0xFFFF;
	(pc) =	sbr.rel @p0 .LBB2_1-.Ltmp3, $4  }
0xf2: {  	[hbm:s24], [sflag:s11] =	dma.local [spmem:s12], $0x2800  }
0xf3: {  	_ =	swait.ge [sflag:s2], $0x2800  }
0xf4: {  	[sflag:s2] =	ssyncset.done $0x0  }
0xf5: {  	[sflag:s2] =	ssyncadd.s32 $0xFFFFD800  }
0xf6: {  	_ =	sfence.sel $0x180000  }
0xf7: {  	[bflag:$0x0] =	sbarrier.arrive $0xFFFF  }
0xf8: {  	_ =	strace $0x9000004D  }
0xf9: {  	s0 =	stileid.u32;
	[bflag:$0x2] =	sbarrier.arrive $0xFFFF  }
0xfa: {  	p0 =	sne.s32 s0, $0x0;
	s0 =	rddreg [dreg:$0x2]  }
0xfb: {  	s0 =	sadd.s32 @!p0 $0x100000, s0  }
0xfc: {  	[sflag:s0] =	ssyncadd.tile.s32 @!p0 $0x1;
	_ =	shalt  }
.Lfunc_end2:
_tile_overlayer_lowered:
.L_overlay_start_2:
0xfd: {  	(tag) =	ssettag $0x2  }
0xfe: {  	s0 =	rddreg [dreg:$0x0];
	s2 =	stileid.u32  }
0xff: {  	s1 =	rddreg [dreg:$0x1];
	p0 =	sne.s32 s2, $0x0  }
0x100: {  	s3 =	rddreg [dreg:$0x2];
	[bflag:$0x3] =	sbarrier.arrive $0xFFFF;
	s2 =	simm.s32 @!p0 $0x1C03  }
0x101: {  	[timem:s3], [sflag:s2] =	dma.local @!p0 [hbm:s0], s1  }
0x102: {  	s0 =	simm.s32 @!p0 $0x3  }
0x103: {  	_ =	swait.ge @!p0 [sflag:s0], s1  }
0x104: {  	s1 =	ssub.s32 @!p0 $0x0, s1;
	[sflag:s0] =	ssyncset.done @!p0 $0x0  }
0x105: {  	[sflag:s0] =	ssyncadd.s32 @!p0 s1  }
0x106: {  	[bflag:$0x3] =	sbarrier.arrive $0xFFFF  }
0x107: {  	_ =	shalt  }

// kernel: kernel.8.cloned.1.call-start
scs
__scs_entry_jumppad:
0x0: {  	(pc) =	sbr.rel $0x88, $3  }
0x1: {  	(tag) =	ssettag $0x0;
	lr =	simm.s32 $0x1  }
0x2: {  	[smem:$0x3F9A] =	sst lr;
	_ =	strace $0xD0000000  }
0x3: {  	_ = 	snop  }
0x4: {  	_ = 	snop  }
0x5: {  	_ = 	snop  }
0x6: {  	_ = 	snop  }
0x7: {  	_ = 	snop  }
__scs_overlays_trampoline_lowered:
0x8: {  	[smem:$0x3FA9] =	sst s0  }
0x9: {  	[smem:$0x3FAA] =	sst s1  }
0xa: {  	[smem:$0x3FAB] =	sst s2  }
0xb: {  	[smem:$0x3FAC] =	sst s3  }
0xc: {  	[smem:$0x3FAD] =	sst s4  }
0xd: {  	[smem:$0x3FAE] =	sst s5  }
0xe: {  	[smem:$0x3FAF] =	sst s6  }
0xf: {  	[smem:$0x3FB0] =	sst s7  }
0x10: {  	[smem:$0x3FB1] =	sst s8  }
0x11: {  	[smem:$0x3FB2] =	sst s9;
	s0 =	simm.s32 @!p0 $0x0  }
0x12: {  	s1 =	sld [smem:$0x3F98];
	s0 =	simm.s32 @p0 $0x1  }
0x13: {  	[smem:$0x3FB3] =	sst s0;
	s0 =	simm.s32 @!p1 $0x0  }
0x14: {  	s2 =	sld [smem:$0x3F97];
	s0 =	simm.s32 @p1 $0x1  }
0x15: {  	[smem:$0x3FB4] =	sst s0;
	s0 =	simm.s32 @!p2 $0x0  }
0x16: {  	s3 =	sld [smem:$0x3FDB];
	s0 =	simm.s32 @p2 $0x1  }
0x17: {  	s4 =	simm.s32 $0x1BF5;
	[smem:$0x3FB6] =	sst s0  }
0x18: {  	s0 =	sld [smem:$0x3F99];
	_ =	swait.ge [sflag:s4], $0x0  }
0x19: {  	s7 =	sld [smem:$0x3F9A]  }
0x1a: {  	s8 =	sadd.s32 $0xFFFFE003, lr  }
0x1b: {  	s9 =	sadd.s32 $0xFFFFFEF7, lr;
	s5 =	simm.s32 $0xFFFFFFFF;
	p2 =	slt.u32 s8, $0xFFFFF086  }
0x1c: {  	p1 =	slt.u32 s9, $0xF7A;
	s5 =	simm.s32 @!p2 $0x0  }
0x1d: {  	s5 =	simm.s32 @p1 $0x1;
	p0 =	seq.s32 s7, s2  }
0x1e: {  	s7 =	smul.u32 @!p0 $0xF7A, s2;
	p2 =	seq.s32 @!p0 s5, $0x0  }
0x1f: {  	s9 =	smul.u32 $0xF7A, s1;
	s8 =	simm.s32 @!p0 $0x1BF5;
	p2 =	por !p2, p0  }
0x20: {  	[sflag:s8] =	ssyncset.s32 @!p0 $0xFFFFF086;
	s6 =	sadd.s32 @!p0 s3, s7;
	s7 =	simm.s32 @!p0 $0x108  }
0x21: {  	s3 =	sadd.s32 s3, s9;
	s6 =	sadd.s32 @!p0 $0x88, s6;
	s7 =	simm.s32 @p2 $0x1082  }
0x22: {  	[simem:s7], [sflag:s8] =	dma.local @!p0 [hbm:s6], $0xF7A  }
0x23: {  	s9 =	sor.u32 $0xD0000000, s2;
	s6 =	simm.s32 $0x108;
	_ =	swait.ge @!p0 [sflag:s8], $0x0  }
0x24: {  	s3 =	sadd.s32 $0x88, s3;
	s6 =	simm.s32 @!p1 $0x1082;
	[sflag:s4] =	ssyncset.s32 $0xFFFFF086  }
0x25: {  	[simem:s6], [sflag:s4] =	dma.local [hbm:s3], $0xF7A  }
0x26: {  	[smem:$0x3F9A] =	sst s1;
	(tag) =	ssettag s2;
	_ =	strace s9  }
0x27: {  	s1 =	sld [smem:$0x3FAA]  }
0x28: {  	s2 =	sld [smem:$0x3FAB]  }
0x29: {  	s4 =	sld [smem:$0x3FAD]  }
0x2a: {  	p0 =	seq.s32 s5, $0x0;
	s5 =	sld [smem:$0x3FAE]  }
0x2b: {  	s6 =	sld [smem:$0x3FAF]  }
0x2c: {  	s7 =	sld [smem:$0x3FB0]  }
0x2d: {  	s3 =	simm.s32 $0x108;
	s8 =	sld [smem:$0x3FB1]  }
0x2e: {  	s3 =	simm.s32 @!p0 $0x1082;
	s9 =	sld [smem:$0x3FB2]  }
0x2f: {  	lr =	sadd.s32 s0, s3;
	s0 =	sld [smem:$0x3FA9]  }
0x30: {  	s3 =	sld [smem:$0x3FAC]  }
0x31: {  	[smem:$0x3FB5] =	sst s10  }
0x32: {  	s10 =	sld [smem:$0x3FB3];
	_ =	sdelay $0x3  }
0x33: {  	p0 =	seq.s32 s10, $0x1;
	s10 =	sld [smem:$0x3FB5];
	_ =	sdelay $0x3  }
0x34: {  	[smem:$0x3FB5] =	sst s10  }
0x35: {  	s10 =	sld [smem:$0x3FB4];
	_ =	sdelay $0x3  }
0x36: {  	p1 =	seq.s32 s10, $0x1;
	s10 =	sld [smem:$0x3FB5];
	_ =	sdelay $0x3  }
0x37: {  	[smem:$0x3FB5] =	sst s10  }
0x38: {  	s10 =	sld [smem:$0x3FB6]  }
0x39: {  	_ = 	snop;
	(pc) =	sbr.ind lr, $3  }
0x3a: {  	_ = 	snop  }
0x3b: {  	_ = 	snop  }
0x3c: {  	p2 =	seq.s32 s10, $0x1;
	s10 =	sld [smem:$0x3FB5]  }
0x3d: {  	_ =	shalt  }
0x3e: {  	_ =	shalt  }
0x3f: {  	_ =	shalt  }
0x40: {  	_ =	shalt  }
0x41: {  	_ =	shalt  }
0x42: {  	_ =	shalt  }
0x43: {  	_ =	shalt  }
0x44: {  	_ =	shalt  }
0x45: {  	_ =	shalt  }
0x46: {  	_ =	shalt  }
0x47: {  	_ =	shalt  }
0x48: {  	_ =	shalt  }
0x49: {  	_ =	shalt  }
0x4a: {  	_ =	shalt  }
0x4b: {  	_ =	shalt  }
0x4c: {  	_ =	shalt  }
0x4d: {  	_ =	shalt  }
0x4e: {  	_ =	shalt  }
0x4f: {  	_ =	shalt  }
0x50: {  	_ =	shalt  }
0x51: {  	_ =	shalt  }
0x52: {  	_ =	shalt  }
0x53: {  	_ =	shalt  }
0x54: {  	_ =	shalt  }
0x55: {  	_ =	shalt  }
0x56: {  	_ =	shalt  }
0x57: {  	_ =	shalt  }
0x58: {  	_ =	shalt  }
0x59: {  	_ =	shalt  }
0x5a: {  	_ =	shalt  }
0x5b: {  	_ =	shalt  }
0x5c: {  	_ =	shalt  }
0x5d: {  	_ =	shalt  }
0x5e: {  	_ =	shalt  }
0x5f: {  	_ =	shalt  }
0x60: {  	_ =	shalt  }
0x61: {  	_ =	shalt  }
0x62: {  	_ =	shalt  }
0x63: {  	_ =	shalt  }
0x64: {  	_ =	shalt  }
0x65: {  	_ =	shalt  }
0x66: {  	_ =	shalt  }
0x67: {  	_ =	shalt  }
0x68: {  	_ =	shalt  }
0x69: {  	_ =	shalt  }
0x6a: {  	_ =	shalt  }
0x6b: {  	_ =	shalt  }
0x6c: {  	_ =	shalt  }
0x6d: {  	_ =	shalt  }
0x6e: {  	_ =	shalt  }
0x6f: {  	_ =	shalt  }
0x70: {  	_ =	shalt  }
0x71: {  	_ =	shalt  }
0x72: {  	_ =	shalt  }
0x73: {  	_ =	shalt  }
0x74: {  	_ =	shalt  }
0x75: {  	_ =	shalt  }
0x76: {  	_ =	shalt  }
0x77: {  	_ =	shalt  }
0x78: {  	_ =	shalt  }
0x79: {  	_ =	shalt  }
0x7a: {  	_ =	shalt  }
0x7b: {  	_ =	shalt  }
0x7c: {  	_ =	shalt  }
0x7d: {  	_ =	shalt  }
0x7e: {  	_ =	shalt  }
0x7f: {  	_ =	shalt  }
0x80: {  	_ =	shalt  }
0x81: {  	_ =	shalt  }
0x82: {  	_ =	shalt  }
0x83: {  	_ =	shalt  }
0x84: {  	_ =	shalt  }
0x85: {  	_ =	shalt  }
0x86: {  	_ =	shalt  }
0x87: {  	_ =	shalt  }
.Lfunc_end0:
.L_simem_size_0:
called_computation_lowered:
.L_overlay_start_0:
0x88: {  	s2 =	sld [smem:$0x3FD9]  }
0x89: {  	s3 =	sld [smem:$0x3FFE];
	_ =	sdelay $0x1  }
0x8a: {  	s1 =	srdreg.scid  }
0x8b: {  	s0 =	sand.u32 $0x1, s1  }
0x8c: {  	s16 =	sshll.u32 s0, $0xA;
	s2 =	sadd.s32 s3, s2  }
0x8d: {  	s2 =	sadd.s32 s2, s16  }
0x8e: {  	[smem:$0x3FC1] =	sst s2  }
0x8f: {  	_ = 	snop  }
0x90: {  	(tm) =	ssettm $0x1  }
0x91: {  	s17 =	sld [smem:$0x3FFB];
	_ =	sdelay $0x3  }
0x92: {  	_ =	strace s17  }
0x93: {  	s2 =	sld [smem:$0x3FFC];
	_ =	sdelay $0x3  }
0x94: {  	_ =	strace s2  }
0x95: {  	s2 =	sld [smem:$0x3FFD];
	_ =	sdelay $0x3  }
0x96: {  	_ =	strace s2  }
0x97: {  	_ =	strace $0x8FFFFFFF  }
0x98: {  	s18 =	sld [smem:$0x3FDB];
	_ =	sdelay $0x1  }
0x99: {  	s19 =	simm.s32 $_scs_section_size  }
0x9a: {  	s4 =	simm.s32 $_size__tile_overlayer_lowered;
	s5 =	simm.s32 $_tile_overlayer_lowered  }
0x9b: {  	s22 =	simm.s32 $0x1BFF;
	s21 =	sshll.u32 s5, $0x1;
	s2 =	sadd.s32 s19, s18  }
0x9c: {  	s6 =	simm.s32 $0x0;
	s20 =	sshll.u32 s4, $0x1;
	s4 =	sadd.s32 s21, s2  }
0x9d: {  	[timem:s6], [sflag:s22] =	dma.local [hbm:s4], s20  }
0x9e: {  	_ =	swait.ge [sflag:s22], s20  }
0x9f: {  	s3 =	ssub.s32 $0x0, s20;
	[sflag:s22] =	ssyncset.done $0x0  }
0xa0: {  	[sflag:s22] =	ssyncadd.s32 s3;
	_ =	sdelay $0x1  }
0xa1: {  	s23 =	simm.s32 $0x1B8B  }
0xa2: {  	_ =	swait.ge [sflag:s23], $0x1  }
0xa3: {  	[sflag:s23] =	ssyncset.done $0x0  }
0xa4: {  	s25 =	simm.s32 $0x1B8E;
	s24 =	sld [smem:$0x3FFE];
	[sflag:s23] =	ssyncadd.s32 $0xFFFFFFFF  }
0xa5: {  	s26 =	simm.s32 $execute0_lowered;
	[smem:$0x3FD2] =	sst s25  }
0xa6: {  	s4 =	sshll.u32 s26, $0x1;
	_ =	strace $0x80000046;
	[dreg:$0x1] =	wrdreg $0xFFFFFFFF  }
0xa7: {  	s28 =	simm.s32 $_size_execute0_lowered;
	s2 =	sadd.s32 s2, s4;
	[dreg:$0x0] =	wrdreg $0x0  }
0xa8: {  	s4 =	sshll.u32 s28, $0x1;
	[dreg:$0x2] =	wrdreg s2  }
0xa9: {  	[dreg:$0x3] =	wrdreg s4  }
0xaa: {  	[dreg:$0x4] =	wrdreg $0xC0  }
0xab: {  	_ =	task [dreg:s6], $0x5FFFF  }
0xac: {  	[dreg:$0x1] =	wrdreg $0xFFFFFFFF  }
0xad: {  	[dreg:$0x0] =	wrdreg $0x60  }
0xae: {  	[dreg:$0x2] =	wrdreg s24  }
0xaf: {  	[dreg:$0x3] =	wrdreg $0x48000  }
0xb0: {  	[dreg:$0x4] =	wrdreg $0x9  }
0xb1: {  	_ =	task.clear_ibuf [dreg:s6], $0x5FFFF;
	_ =	strace $0x90000046  }
0xb2: {  	s29 =	simm.s32 $0x9;
	_ =	strace $0x80000048  }
0xb3: {  	_ =	swait.ge [sflag:s29], $0x1  }
0xb4: {  	[sflag:s29] =	ssyncadd.s32 $0xFFFFFFFF  }
0xb5: {  	_ =	strace $0x90000048  }
0xb6: {  	_ =	sfence  }
0xb7: {  	s30 =	sld [smem:$0x0];
	_ =	sdelay $0x2  }
0xb8: {  	s31 =	sshll.u32 s1, $0xD;
	s1 =	sshrl.u32 s1, $0x2  }
0xb9: {  	s3 =	sand.u32 $0x4000, s31;
	s1 =	sadd.s32 s1, s30  }
0xba: {  	s0 =	sor.u32 s3, s0;
	s1 =	sshll.u32 s1, $0x11  }
0xbb: {  	s0 =	sor.u32 s1, s0  }
0xbc: {  	s0 =	sadd.s32 $0x8F2B, s0  }
0xbd: {  	[sflag:s0] =	ssyncadd.remote.s32 $0x1  }
0xbe: {  	_ =	sfence.sel $0xFFFF  }
0xbf: {  	[dreg:$0x0] =	wrdreg $0xFFFFFFFF;
	(pc) =	sbr.abs _section_cstart, $3  }
0xc0: {  	[dreg:$0x1] =	wrdreg $0xFFFFFFFF  }
0xc1: {  	_ =	task.clear_ibuf [dreg:s6], $0x2FFFF;
	_ =	strace $0x9FFFFFFF  }
0xc2: {  	(tm) =	ssettm $0x7FFFFFFF  }
0xc3: {  	_ =	shalt  }
tec
execute0_lowered:
.L_overlay_start_1:
0x0: {  	(tag) =	ssettag $0x1  }
0x1: {  	s0 =	srdreg.scid;
	s1 =	rddreg [dreg:$0x0]  }
0x2: {  	s7 =	stileid.u32;
	s2 =	rddreg [dreg:$0x1]  }
0x3: {  	s0 =	sand.u32 $0x1, s0;
	s6 =	smul.u32 $0x14000, s7;
	s8 =	sadd.s32 $0x3D600, s1  }
0x4: {  	s13 =	sadd.s32 $0x3DB00, s1;
	s3 =	sshll.u32 s0, $0x4;
	s5 =	smul.u32 $0x140000, s0  }
0x5: {  	s0 =	ssub.s32 $0x2, s0;
	s4 =	sor.u32 s7, s3;
	s7 =	smul.u32 $0x50000, s7  }
0x6: {  	s3 =	simm.s32 $0x0;
	s10 =	sshrl.u32 s0, $0x1;
	s4 =	smul.u32 $0xF000, s4  }
0x7: {  	[smem:$0x7FF] =	sst s3;
	s5 =	sadd.s32 s6, s5;
	s0 =	ssub.s32 s0, s10  }
0x8: {  	_ =	strace $0x80000047;
	[dreg:$0x3] =	wrdreg s8;
	s5 =	sshrl.u32 s5, $0x3  }
0x9: {  	s7 =	sshrl.u32 s7, $0x2;
	[dreg:$0x5] =	wrdreg s13;
	s0 =	smax.u32 s0, $0x1  }
0xa: {  	s4 =	sshrl.u32 s4, $0x3;
	s11 =	sadd.s32 s5, s1;
	s5 =	sadd.s32 s7, s2  }
0xb: {  	[dreg:$0x8] =	wrdreg s0;
	s4 =	sadd.s32 s4, s1;
	s12 =	sadd.s32 $0x1000, s5  }
0xc: {  	s1 =	sadd.s32 $0x3E000, s1;
	s14 =	sadd.s32 $0x3E600, s11;
	[dreg:$0x4] =	wrdreg s12  }
0xd: {  	s28 =	sadd.s32 $0x3000, s5;
	s29 =	sadd.s32 $0x4000, s5;
	[dreg:$0x6] =	wrdreg s1  }
0xe: {  	s30 =	sadd.s32 $0x5000, s5;
	[dreg:$0x7] =	wrdreg s14;
	s15 =	sadd.s32 $0x1600, s4  }
0xf: {  	s31 =	sadd.s32 $0x6000, s5;
	s16 =	sadd.s32 $0x1800, s4;
	[dreg:$0x9] =	wrdreg s15  }
0x10: {  	s0 =	sadd.s32 $0x8000, s5;
	s17 =	sadd.s32 $0x1A00, s4;
	[dreg:$0xa] =	wrdreg s16  }
0x11: {  	s6 =	sadd.s32 $0xA000, s5;
	s18 =	sadd.s32 $0x1C00, s4;
	[dreg:$0xb] =	wrdreg s17  }
0x12: {  	s7 =	sadd.s32 $0xB000, s5;
	s19 =	sadd.s32 $0x1E00, s4;
	[dreg:$0xc] =	wrdreg s18  }
0x13: {  	s8 =	sadd.s32 $0xC000, s5;
	s20 =	sadd.s32 $0x2000, s4;
	[dreg:$0xd] =	wrdreg s19  }
0x14: {  	s9 =	sadd.s32 $0xD000, s5;
	s21 =	sadd.s32 $0x2200, s4;
	[dreg:$0xe] =	wrdreg s20  }
0x15: {  	s10 =	sadd.s32 $0xE000, s5;
	s22 =	sadd.s32 $0x2400, s4;
	[dreg:$0xf] =	wrdreg s21  }
0x16: {  	s11 =	sadd.s32 $0xF000, s5;
	s23 =	sadd.s32 $0x2600, s4;
	[dreg:$0x10] =	wrdreg s22  }
0x17: {  	s13 =	sadd.s32 $0x11000, s5;
	s24 =	sadd.s32 $0x2800, s4;
	[dreg:$0x11] =	wrdreg s23  }
0x18: {  	s25 =	sadd.s32 $0x2A00, s4;
	s26 =	sadd.s32 $0x2C00, s4;
	[dreg:$0x12] =	wrdreg s24  }
0x19: {  	s1 =	sadd.s32 $0x7000, s5;
	s12 =	sadd.s32 $0x10000, s5;
	[dreg:$0x13] =	wrdreg s25  }
0x1a: {  	s14 =	sadd.s32 $0x12000, s5;
	[dreg:$0x14] =	wrdreg s26;
	s23 =	sadd.s32 $0x2E00, s4  }
0x1b: {  	s24 =	sadd.s32 $0x3000, s4;
	s25 =	sadd.s32 $0x3200, s4;
	s26 =	sadd.s32 $0x2000, s5  }
0x1c: {  	s4 =	sadd.s32 $0x9000, s5;
	s15 =	sadd.s32 $0x13000, s5;
	s16 =	simm.s32 $0x3800  }
0x1d: {  	v0 =	vimm.f32 $0.0e+00;
	s17 =	simm.s32 $0x1;
	s18 =	simm.s32 $0x1000;
	s19 =	simm.s32 $0x50  }
.LBB2_1:
0x1e: {  	s20 =	simm.s32 $0x0;
	s21 =	simm.s32 $0x200  }
.LBB2_2:
0x1f: {  	p0 =	sne.s32 s21, $0x3E00;
	[tilespmem:s20+$0x3870] =	vst v0  }
0x20: {  	[tilespmem:s20+$0x3800] =	vst v0  }
0x21: {  	[tilespmem:s20+$0x3810] =	vst v0  }
.Ltmp0:
0x22: {  	[tilespmem:s20+$0x3820] =	vst v0;
	(pc) =	sbr.rel @p0 .LBB2_2-.Ltmp0, $4  }
0x23: {  	[tilespmem:s20+$0x3830] =	vst v0  }
0x24: {  	[tilespmem:s20+$0x3840] =	vst v0  }
0x25: {  	[tilespmem:s20+$0x3850] =	vst v0  }
0x26: {  	[tilespmem:s20+$0x3860] =	vst v0;
	s20 =	sshra.s32 s21, $0x2;
	s21 =	sadd.s32 $0x200, s21  }
0x27: {  	[tilespmem:s20+$0x3870] =	vst v0  }
0x28: {  	[tilespmem:s20+$0x3800] =	vst v0  }
0x29: {  	[tilespmem:s20+$0x3810] =	vst v0  }
0x2a: {  	[tilespmem:s20+$0x3820] =	vst v0  }
0x2b: {  	[tilespmem:s20+$0x3830] =	vst v0  }
0x2c: {  	[tilespmem:s20+$0x3840] =	vst v0  }
0x2d: {  	[tilespmem:s20+$0x3850] =	vst v0  }
0x2e: {  	[tilespmem:s20+$0x3860] =	vst v0  }
0x2f: {  	[spmem:s5] =	stream.linear.scatter [tilespmem:s16], [sflag:$0x1], $0x1000, $0x38;
	[tilespmem:$0x18800] =	vst v63  }
0x30: {  	_ =	swait.ge [sflag:s17], $0x1000  }
0x31: {  	[sflag:s17] =	ssyncset.done $0x0  }
0x32: {  	s21 =	rddreg [dreg:$0x4];
	[sflag:s17] =	ssyncadd.s32 $0xFFFFF000  }
0x33: {  	[spmem:s21] =	stream.linear.scatter [tilespmem:s16], [sflag:$0x1], $0x1000, $0x38;
	[tilespmem:$0x18800] =	vst v63  }
0x34: {  	_ =	swait.ge [sflag:s17], $0x1000  }
0x35: {  	[sflag:s17] =	ssyncset.done $0x0  }
0x36: {  	[sflag:s17] =	ssyncadd.s32 $0xFFFFF000  }
0x37: {  	[spmem:s26] =	stream.linear.scatter [tilespmem:s16], [sflag:$0x1], $0x1000, $0x38;
	[tilespmem:$0x18800] =	vst v63  }
0x38: {  	_ =	swait.ge [sflag:s17], $0x1000  }
0x39: {  	[sflag:s17] =	ssyncset.done $0x0  }
0x3a: {  	[sflag:s17] =	ssyncadd.s32 $0xFFFFF000  }
0x3b: {  	[spmem:s28] =	stream.linear.scatter [tilespmem:s16], [sflag:$0x1], $0x1000, $0x38;
	[tilespmem:$0x18800] =	vst v63  }
0x3c: {  	_ =	swait.ge [sflag:s17], $0x1000  }
0x3d: {  	[sflag:s17] =	ssyncset.done $0x0  }
0x3e: {  	[sflag:s17] =	ssyncadd.s32 $0xFFFFF000  }
0x3f: {  	[spmem:s29] =	stream.linear.scatter [tilespmem:s16], [sflag:$0x1], $0x1000, $0x38;
	[tilespmem:$0x18800] =	vst v63  }
0x40: {  	_ =	swait.ge [sflag:s17], $0x1000  }
0x41: {  	[sflag:s17] =	ssyncset.done $0x0  }
0x42: {  	[sflag:s17] =	ssyncadd.s32 $0xFFFFF000  }
0x43: {  	[spmem:s30] =	stream.linear.scatter [tilespmem:s16], [sflag:$0x1], $0x1000, $0x38;
	[tilespmem:$0x18800] =	vst v63  }
0x44: {  	_ =	swait.ge [sflag:s17], $0x1000  }
0x45: {  	[sflag:s17] =	ssyncset.done $0x0  }
0x46: {  	[sflag:s17] =	ssyncadd.s32 $0xFFFFF000  }
0x47: {  	[spmem:s31] =	stream.linear.scatter [tilespmem:s16], [sflag:$0x1], $0x1000, $0x38;
	[tilespmem:$0x18800] =	vst v63  }
0x48: {  	_ =	swait.ge [sflag:s17], $0x1000  }
0x49: {  	[sflag:s17] =	ssyncset.done $0x0  }
0x4a: {  	[sflag:s17] =	ssyncadd.s32 $0xFFFFF000  }
0x4b: {  	[spmem:s1] =	stream.linear.scatter [tilespmem:s16], [sflag:$0x1], $0x1000, $0x38;
	[tilespmem:$0x18800] =	vst v63  }
0x4c: {  	_ =	swait.ge [sflag:s17], $0x1000  }
0x4d: {  	[sflag:s17] =	ssyncset.done $0x0  }
0x4e: {  	[sflag:s17] =	ssyncadd.s32 $0xFFFFF000  }
0x4f: {  	[spmem:s0] =	stream.linear.scatter [tilespmem:s16], [sflag:$0x1], $0x1000, $0x38;
	[tilespmem:$0x18800] =	vst v63  }
0x50: {  	_ =	swait.ge [sflag:s17], $0x1000  }
0x51: {  	[sflag:s17] =	ssyncset.done $0x0  }
0x52: {  	[sflag:s17] =	ssyncadd.s32 $0xFFFFF000  }
0x53: {  	[spmem:s4] =	stream.linear.scatter [tilespmem:s16], [sflag:$0x1], $0x1000, $0x38;
	[tilespmem:$0x18800] =	vst v63  }
0x54: {  	_ =	swait.ge [sflag:s17], $0x1000  }
0x55: {  	[sflag:s17] =	ssyncset.done $0x0  }
0x56: {  	[sflag:s17] =	ssyncadd.s32 $0xFFFFF000  }
0x57: {  	[spmem:s6] =	stream.linear.scatter [tilespmem:s16], [sflag:$0x1], $0x1000, $0x38;
	[tilespmem:$0x18800] =	vst v63  }
0x58: {  	_ =	swait.ge [sflag:s17], $0x1000  }
0x59: {  	[sflag:s17] =	ssyncset.done $0x0  }
0x5a: {  	[sflag:s17] =	ssyncadd.s32 $0xFFFFF000  }
0x5b: {  	[spmem:s7] =	stream.linear.scatter [tilespmem:s16], [sflag:$0x1], $0x1000, $0x38;
	[tilespmem:$0x18800] =	vst v63  }
0x5c: {  	_ =	swait.ge [sflag:s17], $0x1000  }
0x5d: {  	[sflag:s17] =	ssyncset.done $0x0  }
0x5e: {  	[sflag:s17] =	ssyncadd.s32 $0xFFFFF000  }
0x5f: {  	[spmem:s8] =	stream.linear.scatter [tilespmem:s16], [sflag:$0x1], $0x1000, $0x38;
	[tilespmem:$0x18800] =	vst v63  }
0x60: {  	_ =	swait.ge [sflag:s17], $0x1000  }
0x61: {  	[sflag:s17] =	ssyncset.done $0x0  }
0x62: {  	[sflag:s17] =	ssyncadd.s32 $0xFFFFF000  }
0x63: {  	[spmem:s9] =	stream.linear.scatter [tilespmem:s16], [sflag:$0x1], $0x1000, $0x38;
	[tilespmem:$0x18800] =	vst v63  }
0x64: {  	_ =	swait.ge [sflag:s17], $0x1000  }
0x65: {  	[sflag:s17] =	ssyncset.done $0x0  }
0x66: {  	[sflag:s17] =	ssyncadd.s32 $0xFFFFF000  }
0x67: {  	[spmem:s10] =	stream.linear.scatter [tilespmem:s16], [sflag:$0x1], $0x1000, $0x38;
	[tilespmem:$0x18800] =	vst v63  }
0x68: {  	_ =	swait.ge [sflag:s17], $0x1000  }
0x69: {  	[sflag:s17] =	ssyncset.done $0x0  }
0x6a: {  	[sflag:s17] =	ssyncadd.s32 $0xFFFFF000  }
0x6b: {  	[spmem:s11] =	stream.linear.scatter [tilespmem:s16], [sflag:$0x1], $0x1000, $0x38;
	[tilespmem:$0x18800] =	vst v63  }
0x6c: {  	_ =	swait.ge [sflag:s17], $0x1000  }
0x6d: {  	[sflag:s17] =	ssyncset.done $0x0  }
0x6e: {  	[sflag:s17] =	ssyncadd.s32 $0xFFFFF000  }
0x6f: {  	[spmem:s12] =	stream.linear.scatter [tilespmem:s16], [sflag:$0x1], $0x1000, $0x38;
	[tilespmem:$0x18800] =	vst v63  }
0x70: {  	_ =	swait.ge [sflag:s17], $0x1000  }
0x71: {  	[sflag:s17] =	ssyncset.done $0x0  }
0x72: {  	[sflag:s17] =	ssyncadd.s32 $0xFFFFF000  }
0x73: {  	[spmem:s13] =	stream.linear.scatter [tilespmem:s16], [sflag:$0x1], $0x1000, $0x38;
	[tilespmem:$0x18800] =	vst v63  }
0x74: {  	_ =	swait.ge [sflag:s17], $0x1000  }
0x75: {  	[sflag:s17] =	ssyncset.done $0x0  }
0x76: {  	[sflag:s17] =	ssyncadd.s32 $0xFFFFF000  }
0x77: {  	[spmem:s14] =	stream.linear.scatter [tilespmem:s16], [sflag:$0x1], $0x1000, $0x38;
	[tilespmem:$0x18800] =	vst v63  }
0x78: {  	_ =	swait.ge [sflag:s17], $0x1000  }
0x79: {  	[sflag:s17] =	ssyncset.done $0x0  }
0x7a: {  	[sflag:s17] =	ssyncadd.s32 $0xFFFFF000  }
0x7b: {  	[spmem:s15] =	stream.linear.scatter [tilespmem:s16], [sflag:$0x1], $0x1000, $0x38;
	[tilespmem:$0x18800] =	vst v63  }
0x7c: {  	_ =	swait.ge [sflag:s17], $0x1000  }
0x7d: {  	[sflag:s17] =	ssyncset.done $0x0  }
0x7e: {  	[sflag:s17] =	ssyncadd.s32 $0xFFFFF000  }
0x7f: {  	[bflag:$0x0] =	sbarrier.arrive $0xFFFF  }
0x80: {  	s20 =	simm.s32 $0x0;
	s21 =	rddreg [dreg:$0x3]  }
0x81: {  	[tilespmem:s18], [sflag:$0x1] =	stream.linear.gather [hbm4b:s21+s20], $0x2800, $0x38;
	[tilespmem:$0x18800] =	vst v63  }
0x82: {  	_ =	swait.ge [sflag:s17], $0x2800  }
0x83: {  	[sflag:s17] =	ssyncset.done $0x0  }
0x84: {  	s22 =	rddreg [dreg:$0x9];
	[sflag:s17] =	ssyncadd.s32 $0xFFFFD800  }
0x85: {  	[tilespmem:s20], [sflag:$0x1] =	stream.linear.gather [hbm4b:s22+s20], $0xC80, $0x38;
	[tilespmem:$0x18800] =	vst v63  }
0x86: {  	_ =	swait.ge [sflag:s17], $0xC80  }
0x87: {  	[sflag:s17] =	ssyncset.done $0x0  }
0x88: {  	s22 =	simm.s32 $0x0;
	[sflag:s17] =	ssyncadd.s32 $0xFFFFF380  }
0x89: {  	[spmem:s2] =	stream.indirect.scatter.add.f32 [tilespmem:s18], [sflag:$0x1], $0x80, s22, s19, $0xb8;
	[tilespmem:$0x18800] =	vst v63  }
0x8a: {  	_ =	swait.ge [sflag:s17], $0x2800  }
0x8b: {  	s20 =	simm.s32 $0x200;
	[sflag:s17] =	ssyncset.done $0x0  }
.LBB2_4:
0x8c: {  	s21 =	sshra.s32 s20, $0x2;
	[sflag:s17] =	ssyncadd.s32 $0xFFFFD800;
	p0 =	sne.s32 s20, $0x3000  }
0x8d: {  	[spmem:s2] =	stream.indirect.scatter.add.f32 [tilespmem:s18], [sflag:$0x1], $0x80, s21, s19, $0xb8;
	[tilespmem:$0x18800] =	vst v63  }
.Ltmp1:
0x8e: {  	_ = 	snop;
	(pc) =	sbr.rel @p0 .LBB2_4-.Ltmp1, $4  }
0x8f: {  	_ = 	snop  }
0x90: {  	s20 =	sadd.s32 $0x200, s20  }
0x91: {  	_ =	swait.ge [sflag:s17], $0x2800  }
0x92: {  	[sflag:s17] =	ssyncset.done $0x0  }
0x93: {  	[sflag:s17] =	ssyncadd.s32 $0xFFFFD800;
	s20 =	simm.s32 $0x0;
	s21 =	rddreg [dreg:$0xa]  }
0x94: {  	[tilespmem:s20], [sflag:$0x1] =	stream.linear.gather [hbm4b:s21+s20], $0xC80, $0x38;
	[tilespmem:$0x18800] =	vst v63  }
0x95: {  	_ =	swait.ge [sflag:s17], $0xC80  }
0x96: {  	[sflag:s17] =	ssyncset.done $0x0  }
0x97: {  	s22 =	simm.s32 $0x0;
	[sflag:s17] =	ssyncadd.s32 $0xFFFFF380  }
0x98: {  	[spmem:s2] =	stream.indirect.scatter.add.f32 [tilespmem:s18], [sflag:$0x1], $0x80, s22, s19, $0xb8;
	[tilespmem:$0x18800] =	vst v63  }
0x99: {  	_ =	swait.ge [sflag:s17], $0x2800  }
0x9a: {  	s20 =	simm.s32 $0x200;
	[sflag:s17] =	ssyncset.done $0x0  }
.LBB2_6:
0x9b: {  	s21 =	sshra.s32 s20, $0x2;
	[sflag:s17] =	ssyncadd.s32 $0xFFFFD800;
	p0 =	sne.s32 s20, $0x3000  }
0x9c: {  	[spmem:s2] =	stream.indirect.scatter.add.f32 [tilespmem:s18], [sflag:$0x1], $0x80, s21, s19, $0xb8;
	[tilespmem:$0x18800] =	vst v63  }
.Ltmp2:
0x9d: {  	_ = 	snop;
	(pc) =	sbr.rel @p0 .LBB2_6-.Ltmp2, $4  }
0x9e: {  	_ = 	snop  }
0x9f: {  	s20 =	sadd.s32 $0x200, s20  }
0xa0: {  	_ =	swait.ge [sflag:s17], $0x2800  }
0xa1: {  	[sflag:s17] =	ssyncset.done $0x0  }
0xa2: {  	[sflag:s17] =	ssyncadd.s32 $0xFFFFD800;
	s20 =	simm.s32 $0x0;
	s21 =	rddreg [dreg:$0xb]  }
0xa3: {  	[tilespmem:s20], [sflag:$0x1] =	stream.linear.gather [hbm4b:s21+s20], $0xC80, $0x38;
	[tilespmem:$0x18800] =	vst v63  }
0xa4: {  	_ =	swait.ge [sflag:s17], $0xC80  }
0xa5: {  	[sflag:s17] =	ssyncset.done $0x0  }
0xa6: {  	s22 =	simm.s32 $0x0;
	[sflag:s17] =	ssyncadd.s32 $0xFFFFF380  }
0xa7: {  	[spmem:s2] =	stream.indirect.scatter.add.f32 [tilespmem:s18], [sflag:$0x1], $0x80, s22, s19, $0xb8;
	[tilespmem:$0x18800] =	vst v63  }
0xa8: {  	_ =	swait.ge [sflag:s17], $0x2800  }
0xa9: {  	s20 =	simm.s32 $0x200;
	[sflag:s17] =	ssyncset.done $0x0  }
.LBB2_8:
0xaa: {  	s21 =	sshra.s32 s20, $0x2;
	[sflag:s17] =	ssyncadd.s32 $0xFFFFD800;
	p0 =	sne.s32 s20, $0x3000  }
0xab: {  	[spmem:s2] =	stream.indirect.scatter.add.f32 [tilespmem:s18], [sflag:$0x1], $0x80, s21, s19, $0xb8;
	[tilespmem:$0x18800] =	vst v63  }
.Ltmp3:
0xac: {  	_ = 	snop;
	(pc) =	sbr.rel @p0 .LBB2_8-.Ltmp3, $4  }
0xad: {  	_ = 	snop  }
0xae: {  	s20 =	sadd.s32 $0x200, s20  }
0xaf: {  	_ =	swait.ge [sflag:s17], $0x2800  }
0xb0: {  	[sflag:s17] =	ssyncset.done $0x0  }
0xb1: {  	[sflag:s17] =	ssyncadd.s32 $0xFFFFD800;
	s20 =	simm.s32 $0x0;
	s21 =	rddreg [dreg:$0xc]  }
0xb2: {  	[tilespmem:s20], [sflag:$0x1] =	stream.linear.gather [hbm4b:s21+s20], $0xC80, $0x38;
	[tilespmem:$0x18800] =	vst v63  }
0xb3: {  	_ =	swait.ge [sflag:s17], $0xC80  }
0xb4: {  	[sflag:s17] =	ssyncset.done $0x0  }
0xb5: {  	s22 =	simm.s32 $0x0;
	[sflag:s17] =	ssyncadd.s32 $0xFFFFF380  }
0xb6: {  	[spmem:s2] =	stream.indirect.scatter.add.f32 [tilespmem:s18], [sflag:$0x1], $0x80, s22, s19, $0xb8;
	[tilespmem:$0x18800] =	vst v63  }
0xb7: {  	_ =	swait.ge [sflag:s17], $0x2800  }
0xb8: {  	s20 =	simm.s32 $0x200;
	[sflag:s17] =	ssyncset.done $0x0  }
.LBB2_10:
0xb9: {  	s21 =	sshra.s32 s20, $0x2;
	[sflag:s17] =	ssyncadd.s32 $0xFFFFD800;
	p0 =	sne.s32 s20, $0x3000  }
0xba: {  	[spmem:s2] =	stream.indirect.scatter.add.f32 [tilespmem:s18], [sflag:$0x1], $0x80, s21, s19, $0xb8;
	[tilespmem:$0x18800] =	vst v63  }
.Ltmp4:
0xbb: {  	_ = 	snop;
	(pc) =	sbr.rel @p0 .LBB2_10-.Ltmp4, $4  }
0xbc: {  	_ = 	snop  }
0xbd: {  	s20 =	sadd.s32 $0x200, s20  }
0xbe: {  	_ =	swait.ge [sflag:s17], $0x2800  }
0xbf: {  	[sflag:s17] =	ssyncset.done $0x0  }
0xc0: {  	[sflag:s17] =	ssyncadd.s32 $0xFFFFD800;
	s20 =	simm.s32 $0x0;
	s21 =	rddreg [dreg:$0xd]  }
0xc1: {  	[tilespmem:s20], [sflag:$0x1] =	stream.linear.gather [hbm4b:s21+s20], $0xC80, $0x38;
	[tilespmem:$0x18800] =	vst v63  }
0xc2: {  	_ =	swait.ge [sflag:s17], $0xC80  }
0xc3: {  	[sflag:s17] =	ssyncset.done $0x0  }
0xc4: {  	s22 =	simm.s32 $0x0;
	[sflag:s17] =	ssyncadd.s32 $0xFFFFF380  }
0xc5: {  	[spmem:s2] =	stream.indirect.scatter.add.f32 [tilespmem:s18], [sflag:$0x1], $0x80, s22, s19, $0xb8;
	[tilespmem:$0x18800] =	vst v63  }
0xc6: {  	_ =	swait.ge [sflag:s17], $0x2800  }
0xc7: {  	s20 =	simm.s32 $0x200;
	[sflag:s17] =	ssyncset.done $0x0  }
.LBB2_12:
0xc8: {  	s21 =	sshra.s32 s20, $0x2;
	[sflag:s17] =	ssyncadd.s32 $0xFFFFD800;
	p0 =	sne.s32 s20, $0x3000  }
0xc9: {  	[spmem:s2] =	stream.indirect.scatter.add.f32 [tilespmem:s18], [sflag:$0x1], $0x80, s21, s19, $0xb8;
	[tilespmem:$0x18800] =	vst v63  }
.Ltmp5:
0xca: {  	_ = 	snop;
	(pc) =	sbr.rel @p0 .LBB2_12-.Ltmp5, $4  }
0xcb: {  	_ = 	snop  }
0xcc: {  	s20 =	sadd.s32 $0x200, s20  }
0xcd: {  	_ =	swait.ge [sflag:s17], $0x2800  }
0xce: {  	[sflag:s17] =	ssyncset.done $0x0  }
0xcf: {  	[sflag:s17] =	ssyncadd.s32 $0xFFFFD800;
	s20 =	simm.s32 $0x0;
	s21 =	rddreg [dreg:$0x5]  }
0xd0: {  	[tilespmem:s18], [sflag:$0x1] =	stream.linear.gather [hbm4b:s21+s20], $0x2800, $0x38;
	[tilespmem:$0x18800] =	vst v63  }
0xd1: {  	_ =	swait.ge [sflag:s17], $0x2800  }
0xd2: {  	[sflag:s17] =	ssyncset.done $0x0  }
0xd3: {  	s22 =	rddreg [dreg:$0xe];
	[sflag:s17] =	ssyncadd.s32 $0xFFFFD800  }
0xd4: {  	[tilespmem:s20], [sflag:$0x1] =	stream.linear.gather [hbm4b:s22+s20], $0xC80, $0x38;
	[tilespmem:$0x18800] =	vst v63  }
0xd5: {  	_ =	swait.ge [sflag:s17], $0xC80  }
0xd6: {  	[sflag:s17] =	ssyncset.done $0x0  }
0xd7: {  	s22 =	simm.s32 $0x0;
	[sflag:s17] =	ssyncadd.s32 $0xFFFFF380  }
0xd8: {  	[spmem:s2] =	stream.indirect.scatter.add.f32 [tilespmem:s18], [sflag:$0x1], $0x80, s22, s19, $0xb8;
	[tilespmem:$0x18800] =	vst v63  }
0xd9: {  	_ =	swait.ge [sflag:s17], $0x2800  }
0xda: {  	s20 =	simm.s32 $0x200;
	[sflag:s17] =	ssyncset.done $0x0  }
.LBB2_14:
0xdb: {  	s21 =	sshra.s32 s20, $0x2;
	[sflag:s17] =	ssyncadd.s32 $0xFFFFD800;
	p0 =	sne.s32 s20, $0x3000  }
0xdc: {  	[spmem:s2] =	stream.indirect.scatter.add.f32 [tilespmem:s18], [sflag:$0x1], $0x80, s21, s19, $0xb8;
	[tilespmem:$0x18800] =	vst v63  }
.Ltmp6:
0xdd: {  	_ = 	snop;
	(pc) =	sbr.rel @p0 .LBB2_14-.Ltmp6, $4  }
0xde: {  	_ = 	snop  }
0xdf: {  	s20 =	sadd.s32 $0x200, s20  }
0xe0: {  	_ =	swait.ge [sflag:s17], $0x2800  }
0xe1: {  	[sflag:s17] =	ssyncset.done $0x0  }
0xe2: {  	[sflag:s17] =	ssyncadd.s32 $0xFFFFD800;
	s20 =	simm.s32 $0x0;
	s21 =	rddreg [dreg:$0xf]  }
0xe3: {  	[tilespmem:s20], [sflag:$0x1] =	stream.linear.gather [hbm4b:s21+s20], $0xC80, $0x38;
	[tilespmem:$0x18800] =	vst v63  }
0xe4: {  	_ =	swait.ge [sflag:s17], $0xC80  }
0xe5: {  	[sflag:s17] =	ssyncset.done $0x0  }
0xe6: {  	s22 =	simm.s32 $0x0;
	[sflag:s17] =	ssyncadd.s32 $0xFFFFF380  }
0xe7: {  	[spmem:s2] =	stream.indirect.scatter.add.f32 [tilespmem:s18], [sflag:$0x1], $0x80, s22, s19, $0xb8;
	[tilespmem:$0x18800] =	vst v63  }
0xe8: {  	_ =	swait.ge [sflag:s17], $0x2800  }
0xe9: {  	s20 =	simm.s32 $0x200;
	[sflag:s17] =	ssyncset.done $0x0  }
.LBB2_16:
0xea: {  	s21 =	sshra.s32 s20, $0x2;
	[sflag:s17] =	ssyncadd.s32 $0xFFFFD800;
	p0 =	sne.s32 s20, $0x3000  }
0xeb: {  	[spmem:s2] =	stream.indirect.scatter.add.f32 [tilespmem:s18], [sflag:$0x1], $0x80, s21, s19, $0xb8;
	[tilespmem:$0x18800] =	vst v63  }
.Ltmp7:
0xec: {  	_ = 	snop;
	(pc) =	sbr.rel @p0 .LBB2_16-.Ltmp7, $4  }
0xed: {  	_ = 	snop  }
0xee: {  	s20 =	sadd.s32 $0x200, s20  }
0xef: {  	_ =	swait.ge [sflag:s17], $0x2800  }
0xf0: {  	[sflag:s17] =	ssyncset.done $0x0  }
0xf1: {  	[sflag:s17] =	ssyncadd.s32 $0xFFFFD800;
	s20 =	simm.s32 $0x0;
	s21 =	rddreg [dreg:$0x10]  }
0xf2: {  	[tilespmem:s20], [sflag:$0x1] =	stream.linear.gather [hbm4b:s21+s20], $0xC80, $0x38;
	[tilespmem:$0x18800] =	vst v63  }
0xf3: {  	_ =	swait.ge [sflag:s17], $0xC80  }
0xf4: {  	[sflag:s17] =	ssyncset.done $0x0  }
0xf5: {  	s22 =	simm.s32 $0x0;
	[sflag:s17] =	ssyncadd.s32 $0xFFFFF380  }
0xf6: {  	[spmem:s2] =	stream.indirect.scatter.add.f32 [tilespmem:s18], [sflag:$0x1], $0x80, s22, s19, $0xb8;
	[tilespmem:$0x18800] =	vst v63  }
0xf7: {  	_ =	swait.ge [sflag:s17], $0x2800  }
0xf8: {  	s20 =	simm.s32 $0x200;
	[sflag:s17] =	ssyncset.done $0x0  }
.LBB2_18:
0xf9: {  	s21 =	sshra.s32 s20, $0x2;
	[sflag:s17] =	ssyncadd.s32 $0xFFFFD800;
	p0 =	sne.s32 s20, $0x3000  }
0xfa: {  	[spmem:s2] =	stream.indirect.scatter.add.f32 [tilespmem:s18], [sflag:$0x1], $0x80, s21, s19, $0xb8;
	[tilespmem:$0x18800] =	vst v63  }
.Ltmp8:
0xfb: {  	_ = 	snop;
	(pc) =	sbr.rel @p0 .LBB2_18-.Ltmp8, $4  }
0xfc: {  	_ = 	snop  }
0xfd: {  	s20 =	sadd.s32 $0x200, s20  }
0xfe: {  	_ =	swait.ge [sflag:s17], $0x2800  }
0xff: {  	[sflag:s17] =	ssyncset.done $0x0  }
0x100: {  	[sflag:s17] =	ssyncadd.s32 $0xFFFFD800;
	s20 =	simm.s32 $0x0;
	s21 =	rddreg [dreg:$0x11]  }
0x101: {  	[tilespmem:s20], [sflag:$0x1] =	stream.linear.gather [hbm4b:s21+s20], $0xC80, $0x38;
	[tilespmem:$0x18800] =	vst v63  }
0x102: {  	_ =	swait.ge [sflag:s17], $0xC80  }
0x103: {  	[sflag:s17] =	ssyncset.done $0x0  }
0x104: {  	s22 =	simm.s32 $0x0;
	[sflag:s17] =	ssyncadd.s32 $0xFFFFF380  }
0x105: {  	[spmem:s2] =	stream.indirect.scatter.add.f32 [tilespmem:s18], [sflag:$0x1], $0x80, s22, s19, $0xb8;
	[tilespmem:$0x18800] =	vst v63  }
0x106: {  	_ =	swait.ge [sflag:s17], $0x2800  }
0x107: {  	s20 =	simm.s32 $0x200;
	[sflag:s17] =	ssyncset.done $0x0  }
.LBB2_20:
0x108: {  	s21 =	sshra.s32 s20, $0x2;
	[sflag:s17] =	ssyncadd.s32 $0xFFFFD800;
	p0 =	sne.s32 s20, $0x3000  }
0x109: {  	[spmem:s2] =	stream.indirect.scatter.add.f32 [tilespmem:s18], [sflag:$0x1], $0x80, s21, s19, $0xb8;
	[tilespmem:$0x18800] =	vst v63  }
.Ltmp9:
0x10a: {  	_ = 	snop;
	(pc) =	sbr.rel @p0 .LBB2_20-.Ltmp9, $4  }
0x10b: {  	_ = 	snop  }
0x10c: {  	s20 =	sadd.s32 $0x200, s20  }
0x10d: {  	_ =	swait.ge [sflag:s17], $0x2800  }
0x10e: {  	[sflag:s17] =	ssyncset.done $0x0  }
0x10f: {  	[sflag:s17] =	ssyncadd.s32 $0xFFFFD800;
	s20 =	simm.s32 $0x0;
	s21 =	rddreg [dreg:$0x12]  }
0x110: {  	[tilespmem:s20], [sflag:$0x1] =	stream.linear.gather [hbm4b:s21+s20], $0xC80, $0x38;
	[tilespmem:$0x18800] =	vst v63  }
0x111: {  	_ =	swait.ge [sflag:s17], $0xC80  }
0x112: {  	[sflag:s17] =	ssyncset.done $0x0  }
0x113: {  	s22 =	simm.s32 $0x0;
	[sflag:s17] =	ssyncadd.s32 $0xFFFFF380  }
0x114: {  	[spmem:s2] =	stream.indirect.scatter.add.f32 [tilespmem:s18], [sflag:$0x1], $0x80, s22, s19, $0xb8;
	[tilespmem:$0x18800] =	vst v63  }
0x115: {  	_ =	swait.ge [sflag:s17], $0x2800  }
0x116: {  	s20 =	simm.s32 $0x200;
	[sflag:s17] =	ssyncset.done $0x0  }
.LBB2_22:
0x117: {  	s21 =	sshra.s32 s20, $0x2;
	[sflag:s17] =	ssyncadd.s32 $0xFFFFD800;
	p0 =	sne.s32 s20, $0x3000  }
0x118: {  	[spmem:s2] =	stream.indirect.scatter.add.f32 [tilespmem:s18], [sflag:$0x1], $0x80, s21, s19, $0xb8;
	[tilespmem:$0x18800] =	vst v63  }
.Ltmp10:
0x119: {  	_ = 	snop;
	(pc) =	sbr.rel @p0 .LBB2_22-.Ltmp10, $4  }
0x11a: {  	_ = 	snop  }
0x11b: {  	s20 =	sadd.s32 $0x200, s20  }
0x11c: {  	_ =	swait.ge [sflag:s17], $0x2800  }
0x11d: {  	[sflag:s17] =	ssyncset.done $0x0  }
0x11e: {  	[sflag:s17] =	ssyncadd.s32 $0xFFFFD800;
	s20 =	simm.s32 $0x0;
	s21 =	rddreg [dreg:$0x6]  }
0x11f: {  	[tilespmem:s18], [sflag:$0x1] =	stream.linear.gather [hbm4b:s21+s20], $0x2800, $0x38;
	[tilespmem:$0x18800] =	vst v63  }
0x120: {  	_ =	swait.ge [sflag:s17], $0x2800  }
0x121: {  	[sflag:s17] =	ssyncset.done $0x0  }
0x122: {  	s22 =	rddreg [dreg:$0x13];
	[sflag:s17] =	ssyncadd.s32 $0xFFFFD800  }
0x123: {  	[tilespmem:s20], [sflag:$0x1] =	stream.linear.gather [hbm4b:s22+s20], $0xC80, $0x38;
	[tilespmem:$0x18800] =	vst v63  }
0x124: {  	_ =	swait.ge [sflag:s17], $0xC80  }
0x125: {  	[sflag:s17] =	ssyncset.done $0x0  }
0x126: {  	s22 =	simm.s32 $0x0;
	[sflag:s17] =	ssyncadd.s32 $0xFFFFF380  }
0x127: {  	[spmem:s2] =	stream.indirect.scatter.add.f32 [tilespmem:s18], [sflag:$0x1], $0x80, s22, s19, $0xb8;
	[tilespmem:$0x18800] =	vst v63  }
0x128: {  	_ =	swait.ge [sflag:s17], $0x2800  }
0x129: {  	s20 =	simm.s32 $0x200;
	[sflag:s17] =	ssyncset.done $0x0  }
.LBB2_24:
0x12a: {  	s21 =	sshra.s32 s20, $0x2;
	[sflag:s17] =	ssyncadd.s32 $0xFFFFD800;
	p0 =	sne.s32 s20, $0x3000  }
0x12b: {  	[spmem:s2] =	stream.indirect.scatter.add.f32 [tilespmem:s18], [sflag:$0x1], $0x80, s21, s19, $0xb8;
	[tilespmem:$0x18800] =	vst v63  }
.Ltmp11:
0x12c: {  	_ = 	snop;
	(pc) =	sbr.rel @p0 .LBB2_24-.Ltmp11, $4  }
0x12d: {  	_ = 	snop  }
0x12e: {  	s20 =	sadd.s32 $0x200, s20  }
0x12f: {  	_ =	swait.ge [sflag:s17], $0x2800  }
0x130: {  	[sflag:s17] =	ssyncset.done $0x0  }
0x131: {  	[sflag:s17] =	ssyncadd.s32 $0xFFFFD800;
	s20 =	simm.s32 $0x0;
	s21 =	rddreg [dreg:$0x14]  }
0x132: {  	[tilespmem:s20], [sflag:$0x1] =	stream.linear.gather [hbm4b:s21+s20], $0xC80, $0x38;
	[tilespmem:$0x18800] =	vst v63  }
0x133: {  	_ =	swait.ge [sflag:s17], $0xC80  }
0x134: {  	[sflag:s17] =	ssyncset.done $0x0  }
0x135: {  	s22 =	simm.s32 $0x0;
	[sflag:s17] =	ssyncadd.s32 $0xFFFFF380  }
0x136: {  	[spmem:s2] =	stream.indirect.scatter.add.f32 [tilespmem:s18], [sflag:$0x1], $0x80, s22, s19, $0xb8;
	[tilespmem:$0x18800] =	vst v63  }
0x137: {  	_ =	swait.ge [sflag:s17], $0x2800  }
0x138: {  	s20 =	simm.s32 $0x200;
	[sflag:s17] =	ssyncset.done $0x0  }
.LBB2_26:
0x139: {  	s21 =	sshra.s32 s20, $0x2;
	[sflag:s17] =	ssyncadd.s32 $0xFFFFD800;
	p0 =	sne.s32 s20, $0x3000  }
0x13a: {  	[spmem:s2] =	stream.indirect.scatter.add.f32 [tilespmem:s18], [sflag:$0x1], $0x80, s21, s19, $0xb8;
	[tilespmem:$0x18800] =	vst v63  }
.Ltmp12:
0x13b: {  	_ = 	snop;
	(pc) =	sbr.rel @p0 .LBB2_26-.Ltmp12, $4  }
0x13c: {  	_ = 	snop  }
0x13d: {  	s20 =	sadd.s32 $0x200, s20  }
0x13e: {  	_ =	swait.ge [sflag:s17], $0x2800  }
0x13f: {  	[sflag:s17] =	ssyncset.done $0x0  }
0x140: {  	[sflag:s17] =	ssyncadd.s32 $0xFFFFD800;
	s20 =	simm.s32 $0x0  }
0x141: {  	[tilespmem:s20], [sflag:$0x1] =	stream.linear.gather [hbm4b:s23+s20], $0xC80, $0x38;
	[tilespmem:$0x18800] =	vst v63  }
0x142: {  	_ =	swait.ge [sflag:s17], $0xC80  }
0x143: {  	[sflag:s17] =	ssyncset.done $0x0  }
0x144: {  	s22 =	simm.s32 $0x0;
	[sflag:s17] =	ssyncadd.s32 $0xFFFFF380  }
0x145: {  	[spmem:s2] =	stream.indirect.scatter.add.f32 [tilespmem:s18], [sflag:$0x1], $0x80, s22, s19, $0xb8;
	[tilespmem:$0x18800] =	vst v63  }
0x146: {  	_ =	swait.ge [sflag:s17], $0x2800  }
0x147: {  	s20 =	simm.s32 $0x200;
	[sflag:s17] =	ssyncset.done $0x0  }
.LBB2_28:
0x148: {  	s21 =	sshra.s32 s20, $0x2;
	[sflag:s17] =	ssyncadd.s32 $0xFFFFD800;
	p0 =	sne.s32 s20, $0x3000  }
0x149: {  	[spmem:s2] =	stream.indirect.scatter.add.f32 [tilespmem:s18], [sflag:$0x1], $0x80, s21, s19, $0xb8;
	[tilespmem:$0x18800] =	vst v63  }
.Ltmp13:
0x14a: {  	_ = 	snop;
	(pc) =	sbr.rel @p0 .LBB2_28-.Ltmp13, $4  }
0x14b: {  	_ = 	snop  }
0x14c: {  	s20 =	sadd.s32 $0x200, s20  }
0x14d: {  	_ =	swait.ge [sflag:s17], $0x2800  }
0x14e: {  	[sflag:s17] =	ssyncset.done $0x0  }
0x14f: {  	[sflag:s17] =	ssyncadd.s32 $0xFFFFD800;
	s20 =	simm.s32 $0x0  }
0x150: {  	[tilespmem:s20], [sflag:$0x1] =	stream.linear.gather [hbm4b:s24+s20], $0xC80, $0x38;
	[tilespmem:$0x18800] =	vst v63  }
0x151: {  	_ =	swait.ge [sflag:s17], $0xC80  }
0x152: {  	[sflag:s17] =	ssyncset.done $0x0  }
0x153: {  	s22 =	simm.s32 $0x0;
	[sflag:s17] =	ssyncadd.s32 $0xFFFFF380  }
0x154: {  	[spmem:s2] =	stream.indirect.scatter.add.f32 [tilespmem:s18], [sflag:$0x1], $0x80, s22, s19, $0xb8;
	[tilespmem:$0x18800] =	vst v63  }
0x155: {  	_ =	swait.ge [sflag:s17], $0x2800  }
0x156: {  	s20 =	simm.s32 $0x200;
	[sflag:s17] =	ssyncset.done $0x0  }
.LBB2_30:
0x157: {  	s21 =	sshra.s32 s20, $0x2;
	[sflag:s17] =	ssyncadd.s32 $0xFFFFD800;
	p0 =	sne.s32 s20, $0x3000  }
0x158: {  	[spmem:s2] =	stream.indirect.scatter.add.f32 [tilespmem:s18], [sflag:$0x1], $0x80, s21, s19, $0xb8;
	[tilespmem:$0x18800] =	vst v63  }
.Ltmp14:
0x159: {  	_ = 	snop;
	(pc) =	sbr.rel @p0 .LBB2_30-.Ltmp14, $4  }
0x15a: {  	_ = 	snop  }
0x15b: {  	s20 =	sadd.s32 $0x200, s20  }
0x15c: {  	_ =	swait.ge [sflag:s17], $0x2800  }
0x15d: {  	[sflag:s17] =	ssyncset.done $0x0  }
0x15e: {  	[sflag:s17] =	ssyncadd.s32 $0xFFFFD800;
	s20 =	simm.s32 $0x0  }
0x15f: {  	[tilespmem:s20], [sflag:$0x1] =	stream.linear.gather [hbm4b:s25+s20], $0xC80, $0x38;
	[tilespmem:$0x18800] =	vst v63  }
0x160: {  	_ =	swait.ge [sflag:s17], $0xC80  }
0x161: {  	[sflag:s17] =	ssyncset.done $0x0  }
0x162: {  	s22 =	simm.s32 $0x0;
	[sflag:s17] =	ssyncadd.s32 $0xFFFFF380  }
0x163: {  	[spmem:s2] =	stream.indirect.scatter.add.f32 [tilespmem:s18], [sflag:$0x1], $0x80, s22, s19, $0xb8;
	[tilespmem:$0x18800] =	vst v63  }
0x164: {  	_ =	swait.ge [sflag:s17], $0x2800  }
0x165: {  	s20 =	simm.s32 $0x200;
	[sflag:s17] =	ssyncset.done $0x0  }
.LBB2_32:
0x166: {  	s21 =	sshra.s32 s20, $0x2;
	[sflag:s17] =	ssyncadd.s32 $0xFFFFD800;
	p0 =	sne.s32 s20, $0x3000  }
0x167: {  	[spmem:s2] =	stream.indirect.scatter.add.f32 [tilespmem:s18], [sflag:$0x1], $0x80, s21, s19, $0xb8;
	[tilespmem:$0x18800] =	vst v63  }
.Ltmp15:
0x168: {  	_ = 	snop;
	(pc) =	sbr.rel @p0 .LBB2_32-.Ltmp15, $4  }
0x169: {  	_ = 	snop  }
0x16a: {  	s20 =	sadd.s32 $0x200, s20  }
0x16b: {  	_ =	swait.ge [sflag:s17], $0x2800  }
0x16c: {  	[sflag:s17] =	ssyncset.done $0x0  }
0x16d: {  	[sflag:s17] =	ssyncadd.s32 $0xFFFFD800;
	s20 =	stileid.u32  }
0x16e: {  	s20 =	sshll.u32 s20, $0x6;
	[bflag:$0x0] =	sbarrier.arrive $0xFFFF  }
0x16f: {  	s21 =	sshrl.u32 s5, $0x3;
	s20 =	sor.u32 $0x1C01, s20;
	s22 =	rddreg [dreg:$0x7]  }
0x170: {  	[hbm:s22], [sflag:s20] =	dma.local [spmem:s21], $0x2800  }
0x171: {  	_ =	swait.ge [sflag:s17], $0x2800  }
0x172: {  	s3 =	sadd.s32 $0x1, s3;
	s22 =	rddreg [dreg:$0x8]  }
0x173: {  	p0 =	sne.s32 s3, s22  }
.Ltmp16:
0x174: {  	_ = 	snop;
	(pc) =	sbr.rel @p0 .LBB2_1-.Ltmp16, $3  }
0x175: {  	_ =	sdelay $0x1  }
0x176: {  	[sflag:s17] =	ssyncset.done $0x0  }
0x177: {  	[sflag:s17] =	ssyncadd.s32 $0xFFFFD800  }
0x178: {  	_ =	sfence.sel $0x180000  }
0x179: {  	[bflag:$0x0] =	sbarrier.arrive $0xFFFF  }
0x17a: {  	_ =	strace $0x90000047  }
0x17b: {  	s0 =	stileid.u32;
	[bflag:$0x2] =	sbarrier.arrive $0xFFFF  }
0x17c: {  	p0 =	sne.s32 s0, $0x0;
	s0 =	rddreg [dreg:$0x2]  }
0x17d: {  	s0 =	sadd.s32 @!p0 $0x100000, s0  }
0x17e: {  	[sflag:s0] =	ssyncadd.tile.s32 @!p0 $0x1;
	_ =	shalt  }
.Lfunc_end2:
_tile_overlayer_lowered:
.L_overlay_start_2:
0x17f: {  	(tag) =	ssettag $0x2  }
0x180: {  	s0 =	rddreg [dreg:$0x0];
	s2 =	stileid.u32  }
0x181: {  	s1 =	rddreg [dreg:$0x1];
	p0 =	sne.s32 s2, $0x0  }
0x182: {  	s3 =	rddreg [dreg:$0x2];
	[bflag:$0x3] =	sbarrier.arrive $0xFFFF;
	s2 =	simm.s32 @!p0 $0x1C01  }
0x183: {  	[timem:s3], [sflag:s2] =	dma.local @!p0 [hbm:s0], s1  }
0x184: {  	s0 =	simm.s32 @!p0 $0x1  }
0x185: {  	_ =	swait.ge @!p0 [sflag:s0], s1  }
0x186: {  	s1 =	ssub.s32 @!p0 $0x0, s1;
	[sflag:s0] =	ssyncset.done @!p0 $0x0  }
0x187: {  	[sflag:s0] =	ssyncadd.s32 @!p0 s1  }
0x188: {  	[bflag:$0x3] =	sbarrier.arrive $0xFFFF  }
0x189: {  	_ =	shalt  }

</sc_bundles>
